<compile_context>
chip_gen: v7x
topology: tpu7x:2x2x1
jax: 0.10.2.dev20260603
libtpu: 0.0.44.dev20260713+nightly
codegen_flags: <defaults>
</compile_context>

<pallas_src>
import functools

import jax
import jax.numpy as jnp
from jax import lax
from jax.experimental import pallas as pl
from jax.experimental.pallas import tpu as pltpu
from jax.experimental.pallas import tpu_sc as plsc

N = 100000
E = 6400000
NC = 2
NS = 16
NW = NC * NS
NP = 101888
SUB = NP // NS
EW = E // NW
CH = 8000
ITERS = EW // CH
MCH = 2000
MITERS = EW // MCH
QS = SUB // 4
VCH = ((0, 1984), (1984, 1984), (3968, 1984), (5952, 416))


def _mesh():
    return plsc.VectorSubcoreMesh(core_axis_name="c", subcore_axis_name="s")


def _rsqrt16(x):
    i = plsc.bitcast(x, jnp.int32)
    y = plsc.bitcast(jnp.int32(0x5F3759DF) - lax.shift_right_logical(i, 1),
                     jnp.float32)
    for _ in range(3):
        y = y * (1.5 - 0.5 * x * y * y)
    return y


def _pack16(g0, g1):
    b0 = plsc.bitcast(g0, jnp.int32)
    b1 = plsc.bitcast(g1, jnp.int32)
    r0 = lax.shift_right_logical(
        b0 + 0x7FFF + jnp.bitwise_and(lax.shift_right_logical(b0, 16), 1), 16)
    r1 = lax.shift_right_logical(
        b1 + 0x7FFF + jnp.bitwise_and(lax.shift_right_logical(b1, 16), 1), 16)
    return jnp.bitwise_or(lax.shift_left(r1, 16), r0)


def _hist(dst, zeros1, ones1):
    @functools.partial(
        pl.kernel,
        out_type=jax.ShapeDtypeStruct((NC, NP), jnp.float32),
        mesh=_mesh(),
        compiler_params=pltpu.CompilerParams(use_tc_tiling_on_sc=False),
        scratch_types=[
            pltpu.VMEM((CH,), jnp.int32),
            pltpu.VMEM((CH,), jnp.int32),
            pltpu.VMEM((CH,), jnp.float32),
            pltpu.VMEM((SUB,), jnp.float32),
            pltpu.VMEM_SHARED((NP,), jnp.float32),
            pltpu.SemaphoreType.DMA,
            pltpu.SemaphoreType.DMA,
        ],
    )
    def k(dst_hbm, z_hbm, ones_hbm, out_hbm, idx_v, idx2_v, ones_v, buf_v,
          acc_sh, sem_i, sem_a):
        cid = lax.axis_index("c")
        sid = lax.axis_index("s")
        wid = cid * NS + sid
        pltpu.sync_copy(ones_hbm, ones_v)
        pltpu.sync_copy(z_hbm.at[pl.ds(sid * SUB, SUB)], buf_v)
        pltpu.sync_copy(buf_v, acc_sh.at[pl.ds(sid * SUB, SUB)])
        plsc.subcore_barrier()

        base0 = wid * EW
        pltpu.async_copy(dst_hbm.at[pl.ds(base0, CH)], idx_v, sem_i).wait()

        def body(i, _):
            base = wid * EW + i * CH

            @pl.when(i % 2 == 0)
            def _():
                a = pltpu.async_copy(ones_v, acc_sh.at[idx_v], sem_a,
                                     add=True)
                ld = pltpu.async_copy(dst_hbm.at[pl.ds(base + CH, CH)],
                                      idx2_v, sem_i)
                a.wait()
                ld.wait()

            @pl.when(i % 2 == 1)
            def _():
                a = pltpu.async_copy(ones_v, acc_sh.at[idx2_v], sem_a,
                                     add=True)
                ld = pltpu.async_copy(dst_hbm.at[pl.ds(base + CH, CH)],
                                      idx_v, sem_i)
                a.wait()
                ld.wait()

            return 0

        lax.fori_loop(0, ITERS - 1, body, 0)
        last_idx = idx_v if (ITERS - 1) % 2 == 0 else idx2_v
        pltpu.async_copy(ones_v, acc_sh.at[last_idx], sem_a, add=True).wait()
        plsc.subcore_barrier()
        pltpu.sync_copy(acc_sh.at[pl.ds(sid * SUB, SUB)], buf_v)
        pltpu.sync_copy(buf_v, out_hbm.at[cid, pl.ds(sid * SUB, SUB)])

    return k(dst, zeros1, ones1)


def _msg_body(src_hbm, dst_hbm, z_hbm, out_hbm,
              is0, is1, id0, id1, m00, m01, m10, m11, tab_v, a0_sh, a1_sh,
              sem_i, sem_s, cid, sid, wid):
    idx_s = (is0, is1)
    idx_d = (id0, id1)
    m0 = (m00, m01)
    m1 = (m10, m11)
    for c in range(4):
        qsl = pl.ds(sid * SUB + c * QS, QS)
        pltpu.sync_copy(z_hbm.at[pl.ds(c * QS, QS)], m00.at[pl.ds(0, QS)])
        pltpu.sync_copy(m00.at[pl.ds(0, QS)], a0_sh.at[qsl])
        pltpu.sync_copy(m00.at[pl.ds(0, QS)], a1_sh.at[qsl])
    plsc.subcore_barrier()

    mask_hi = jnp.full((16,), -65536, dtype=jnp.int32)

    def make_unpack(b):
        def unpack_body(j, _):
            for u in range(5):
                off = j * 80 + u * 16
                idx = idx_s[b][pl.ds(off, 16)]
                w = plsc.bitcast(plsc.load_gather(tab_v, [idx]), jnp.int32)
                m0[b][pl.ds(off, 16)] = plsc.bitcast(
                    lax.shift_left(w, 16), jnp.float32)
                m1[b][pl.ds(off, 16)] = plsc.bitcast(
                    jnp.bitwise_and(w, mask_hi), jnp.float32)
            return 0
        return unpack_body

    def step(jj, i, b):
        base = wid * EW + i * MCH
        @pl.when(jj > 0)
        def _():
            pltpu.make_async_copy(m0[b], a0_sh.at[idx_d[b]], sem_s[b]).wait()
            pltpu.make_async_copy(m1[b], a1_sh.at[idx_d[b]], sem_s[b]).wait()
        li = pltpu.async_copy(src_hbm.at[pl.ds(base, MCH)], idx_s[b],
                              sem_i[b])
        lj = pltpu.async_copy(dst_hbm.at[pl.ds(base, MCH)], idx_d[b],
                              sem_i[b])
        li.wait()
        lj.wait()
        lax.fori_loop(0, MCH // 80, make_unpack(b), 0)
        pltpu.async_copy(m0[b], a0_sh.at[idx_d[b]], sem_s[b], add=True)
        pltpu.async_copy(m1[b], a1_sh.at[idx_d[b]], sem_s[b], add=True)

    def body(jj, _):
        step(jj, 2 * jj, 0)
        step(jj, 2 * jj + 1, 1)
        return 0

    lax.fori_loop(0, MITERS // 2, body, 0)
    for b in range(2):
        pltpu.make_async_copy(m0[b], a0_sh.at[idx_d[b]], sem_s[b]).wait()
        pltpu.make_async_copy(m1[b], a1_sh.at[idx_d[b]], sem_s[b]).wait()
    plsc.subcore_barrier()
    for c in range(4):
        qsl = pl.ds(sid * SUB + c * QS, QS)
        pltpu.sync_copy(a0_sh.at[qsl], m00.at[pl.ds(0, QS)])
        pltpu.sync_copy(m00.at[pl.ds(0, QS)], out_hbm.at[cid, 0, qsl])
        pltpu.sync_copy(a1_sh.at[qsl], m10.at[pl.ds(0, QS)])
        pltpu.sync_copy(m10.at[pl.ds(0, QS)], out_hbm.at[cid, 1, qsl])
    plsc.subcore_barrier()


_MSG_SCRATCH = [
    pltpu.VMEM((MCH,), jnp.int32),
    pltpu.VMEM((MCH,), jnp.int32),
    pltpu.VMEM((MCH,), jnp.int32),
    pltpu.VMEM((MCH,), jnp.int32),
    pltpu.VMEM((MCH,), jnp.float32),
    pltpu.VMEM((MCH,), jnp.float32),
    pltpu.VMEM((MCH,), jnp.float32),
    pltpu.VMEM((MCH,), jnp.float32),
    pltpu.VMEM((NP,), jnp.float32),
    pltpu.VMEM_SHARED((NP,), jnp.float32),
    pltpu.VMEM_SHARED((NP,), jnp.float32),
    pltpu.SemaphoreType.DMA,
    pltpu.SemaphoreType.DMA,
    pltpu.SemaphoreType.DMA,
    pltpu.SemaphoreType.DMA,
]


def _msg_layer1(src, dst, degp, x0p, x1p, wb1, zeros1):

    @functools.partial(
        pl.kernel,
        out_type=[
            jax.ShapeDtypeStruct((NC, 2, NP), jnp.float32),
            jax.ShapeDtypeStruct((NP,), jnp.float32),
        ],
        mesh=_mesh(),
        compiler_params=pltpu.CompilerParams(
            use_tc_tiling_on_sc=False, needs_layout_passes=False),
        scratch_types=_MSG_SCRATCH + [pltpu.VMEM((64,), jnp.float32)],
    )
    def k(src_hbm, dst_hbm, degp_hbm, x0_hbm, x1_hbm, wb_hbm, z_hbm,
          out_hbm, tpk_hbm,
          is0, is1, id0, id1, m00, m01, m10, m11, tab_v, a0_sh, a1_sh,
          sem_i0, sem_i1, sem_s0, sem_s1, wb_v):
        cid = lax.axis_index("c")
        sid = lax.axis_index("s")
        wid = cid * NS + sid
        pltpu.sync_copy(wb_hbm, wb_v)
        w00 = wb_v[pl.ds(0, 16)]
        w10 = wb_v[pl.ds(16, 16)]
        w01 = wb_v[pl.ds(32, 16)]
        w11 = wb_v[pl.ds(48, 16)]
        for off, ln in VCH:
            nsl = pl.ds(sid * SUB + off, ln)
            lsl = pl.ds(0, ln)
            pltpu.sync_copy(degp_hbm.at[0, nsl], m00.at[lsl])
            pltpu.sync_copy(degp_hbm.at[1, nsl], m01.at[lsl])
            pltpu.sync_copy(x0_hbm.at[nsl], m10.at[lsl])
            pltpu.sync_copy(x1_hbm.at[nsl], m11.at[lsl])

            def vbody(j, _):
                ds16 = pl.ds(j * 16, 16)
                deg = m00[ds16] + m01[ds16] + 1.0
                y = _rsqrt16(deg)
                x0 = m10[ds16]
                x1 = m11[ds16]
                g0 = y * (x0 * w00 + x1 * w10)
                g1 = y * (x0 * w01 + x1 * w11)
                m00[ds16] = plsc.bitcast(_pack16(g0, g1), jnp.float32)
                return 0

            lax.fori_loop(0, ln // 16, vbody, 0)
            pltpu.sync_copy(m00.at[lsl], a0_sh.at[nsl])
        plsc.subcore_barrier()
        pltpu.sync_copy(a0_sh, tab_v)

        @pl.when(cid == 0)
        def _():
            sl = pl.ds(sid * SUB, SUB)
            pltpu.sync_copy(tab_v.at[sl], tpk_hbm.at[sl])

        plsc.subcore_barrier()
        _msg_body(src_hbm, dst_hbm, z_hbm, out_hbm,
                  is0, is1, id0, id1, m00, m01, m10, m11, tab_v,
                  a0_sh, a1_sh, (sem_i0, sem_i1), (sem_s0, sem_s1),
                  cid, sid, wid)

    return k(src, dst, degp, x0p, x1p, wb1, zeros1)


def _msg_layer2(src, dst, tpk, zeros1):

    @functools.partial(
        pl.kernel,
        out_type=jax.ShapeDtypeStruct((NC, 2, NP), jnp.float32),
        mesh=_mesh(),
        compiler_params=pltpu.CompilerParams(
            use_tc_tiling_on_sc=False, needs_layout_passes=False),
        scratch_types=_MSG_SCRATCH,
    )
    def k(src_hbm, dst_hbm, tpk_hbm, z_hbm, out_hbm,
          is0, is1, id0, id1, m00, m01, m10, m11, tab_v, a0_sh, a1_sh,
          sem_i0, sem_i1, sem_s0, sem_s1):
        cid = lax.axis_index("c")
        sid = lax.axis_index("s")
        wid = cid * NS + sid
        pltpu.sync_copy(tpk_hbm, tab_v)
        _msg_body(src_hbm, dst_hbm, z_hbm, out_hbm,
                  is0, is1, id0, id1, m00, m01, m10, m11, tab_v,
                  a0_sh, a1_sh, (sem_i0, sem_i1), (sem_s0, sem_s1),
                  cid, sid, wid)

    return k(src, dst, tpk, zeros1)


def _tc_unpack(pk):
    w = lax.bitcast_convert_type(pk, jnp.int32)
    g0 = lax.bitcast_convert_type(lax.shift_left(w, 16), jnp.float32)
    g1 = lax.bitcast_convert_type(
        jnp.bitwise_and(w, jnp.int32(-65536)), jnp.float32)
    return g0, g1


def _tc_pack(g0, g1):
    b0 = lax.bitcast_convert_type(g0.astype(jnp.bfloat16), jnp.uint16)
    b1 = lax.bitcast_convert_type(g1.astype(jnp.bfloat16), jnp.uint16)
    w = (b1.astype(jnp.uint32) << 16) | b0.astype(jnp.uint32)
    return lax.bitcast_convert_type(w, jnp.float32)


def _tc_mid(degp, tpk1, Sa, Sb, W2, b1):
    def body(degp_ref, pk_ref, sa_ref, sb_ref, w_ref, b_ref, pk2_ref):
        deg = degp_ref[0:1, :] + degp_ref[1:2, :] + 1.0
        dinv = lax.rsqrt(deg)
        g0, g1 = _tc_unpack(pk_ref[...])
        o0 = dinv * (sa_ref[0:1, :] + sb_ref[0:1, :] + g0) + b_ref[0:1, :]
        o1 = dinv * (sa_ref[1:2, :] + sb_ref[1:2, :] + g1) + b_ref[1:2, :]
        g20 = dinv * (o0 * w_ref[0:1, 0:1] + o1 * w_ref[1:2, 0:1])
        g21 = dinv * (o0 * w_ref[0:1, 1:2] + o1 * w_ref[1:2, 1:2])
        pk2_ref[...] = _tc_pack(g20, g21)

    return pl.pallas_call(
        body,
        out_shape=jax.ShapeDtypeStruct((1, NP), jnp.float32),
    )(degp, tpk1, Sa, Sb, W2, b1)


def _tc_post(degp, tpk2, Sa, Sb, b2):
    def body(degp_ref, pk_ref, sa_ref, sb_ref, b_ref, out_ref):
        deg = degp_ref[0:1, :] + degp_ref[1:2, :] + 1.0
        dinv = lax.rsqrt(deg)
        g0, g1 = _tc_unpack(pk_ref[...])
        o0 = dinv * (sa_ref[0:1, :] + sb_ref[0:1, :] + g0) + b_ref[0:1, :]
        o1 = dinv * (sa_ref[1:2, :] + sb_ref[1:2, :] + g1) + b_ref[1:2, :]
        out_ref[...] = jnp.concatenate([o0, o1], axis=0)

    return pl.pallas_call(
        body,
        out_shape=jax.ShapeDtypeStruct((2, NP), jnp.float32),
    )(degp, tpk2, Sa, Sb, b2)


def kernel(x, edge_index, W1, b1, W2, b2):
    assert x.shape == (N, 2) and edge_index.shape == (2, E)
    src = edge_index[0]
    dst = edge_index[1]
    xT = jnp.pad(x, ((0, NP - N), (0, 0))).T
    b1c = jnp.broadcast_to(b1.reshape(2, 1), (2, NP))
    b2c = jnp.broadcast_to(b2.reshape(2, 1), (2, NP))
    zeros1 = jnp.zeros((NP,), jnp.float32)
    ones1 = jnp.ones((CH,), jnp.float32)
    wb1 = jnp.repeat(
        jnp.stack([W1[0, 0], W1[1, 0], W1[0, 1], W1[1, 1]]), 16)

    degp = _hist(dst, zeros1, ones1)
    S1p, tpk1 = _msg_layer1(src, dst, degp, xT[0], xT[1], wb1, zeros1)
    tpk2 = _tc_mid(degp, tpk1.reshape(1, NP), S1p[0], S1p[1], W2, b1c)
    S2p = _msg_layer2(src, dst, tpk2.reshape(NP), zeros1)
    out2T = _tc_post(degp, tpk2.reshape(1, NP), S2p[0], S2p[1], b2c)

    return out2T.T[:N]

# --- scband reference (transcript-rebuilt; emitter-appended) ---
"""Pipeline reference for scband-net-22746146799726 (READ-ONLY COPY).

The authoritative reference and input builder live on the scoring server;
editing this copy changes nothing except your own understanding.
"""

import jax, jax.numpy as jnp
import numpy as np

N = 100000
E = 6400000
D_IN = 2
D_HID = 2
D_OUT = 2


def glorot(key, shape):
    fan_in, fan_out = shape[0], shape[1]
    limit = (6.0 / (fan_in + fan_out)) ** 0.5
    return jax.random.uniform(key, shape, dtype=jnp.float32, minval=-limit, maxval=limit)


def setup_inputs(seed: int = 0):
    key = jax.random.key(seed)
    k1, k2, k3, k4 = jax.random.split(key, 4)
    x = jax.random.normal(k1, (N, D_IN), dtype=jnp.float32)
    edge_index = jax.random.randint(k2, (2, E), 0, N, dtype=jnp.int32)
    W1 = glorot(k3, (D_IN, D_HID))
    b1 = jnp.zeros((D_HID,), dtype=jnp.float32)
    W2 = glorot(k4, (D_HID, D_OUT))
    b2 = jnp.zeros((D_OUT,), dtype=jnp.float32)
    return {"x": x, "edge_index": edge_index, "W1": W1, "b1": b1, "W2": W2, "b2": b2}


def gcn_layer(x, edge_index, W, b):
    # Faithful PyG GCNConv: x' = D^{-1/2} (A + I) D^{-1/2} (X W) + b
    n = x.shape[0]
    src = edge_index[0]
    dst = edge_index[1]
    loop = jnp.arange(n, dtype=edge_index.dtype)
    src = jnp.concatenate([src, loop])
    dst = jnp.concatenate([dst, loop])
    deg = jnp.zeros((n,), dtype=x.dtype).at[dst].add(1.0)
    dinv = jnp.where(deg > 0, jax.lax.rsqrt(deg), 0.0)
    norm = dinv[src] * dinv[dst]
    h = x @ W
    msg = h[src] * norm[:, None]
    out = jnp.zeros((n, W.shape[1]), dtype=x.dtype).at[dst].add(msg)
    return out + b


def reference(x, edge_index, W1, b1, W2, b2):
    h = gcn_layer(x, edge_index, W1, b1)
    out = gcn_layer(h, edge_index, W2, b2)
    return out

if __name__ == "__main__":
    import jax
    _d = setup_inputs()
    print(jax.jit(kernel)(*tuple(_d.values())))

</pallas_src>

<mosaic_0001>
#map = affine_map<(d0, d1) -> (0)>
#map1 = affine_map<(d0, d1) -> (0, 0, 0)>
module attributes {stable_mosaic.version = 14 : i64} {
  func.func @k(%arg0: i32, %arg1: i32, %arg2: memref<6400000xi32, #tpu.memory_space<hbm>>, %arg3: memref<6400000xi32, #tpu.memory_space<hbm>>, %arg4: memref<101888xf32, #tpu.memory_space<hbm>>, %arg5: memref<101888xf32, #tpu.memory_space<hbm>>, %arg6: memref<2x2x101888xf32, #tpu.memory_space<hbm>>, %arg7: memref<2000xi32, #tpu.memory_space<vmem>>, %arg8: memref<2000xi32, #tpu.memory_space<vmem>>, %arg9: memref<2000xi32, #tpu.memory_space<vmem>>, %arg10: memref<2000xi32, #tpu.memory_space<vmem>>, %arg11: memref<2000xf32, #tpu.memory_space<vmem>>, %arg12: memref<2000xf32, #tpu.memory_space<vmem>>, %arg13: memref<2000xf32, #tpu.memory_space<vmem>>, %arg14: memref<2000xf32, #tpu.memory_space<vmem>>, %arg15: memref<101888xf32, #tpu.memory_space<vmem>>, %arg16: memref<101888xf32, #tpu.memory_space<vmem_shared>>, %arg17: memref<101888xf32, #tpu.memory_space<vmem_shared>>, %arg18: memref<!tpu.dma_semaphore, #tpu.memory_space<semaphore_mem>>, %arg19: memref<!tpu.dma_semaphore, #tpu.memory_space<semaphore_mem>>, %arg20: memref<!tpu.dma_semaphore, #tpu.memory_space<semaphore_mem>>, %arg21: memref<!tpu.dma_semaphore, #tpu.memory_space<semaphore_mem>>) attributes {dimension_semantics = [#tpu.dimension_semantics<core_parallel>, #tpu.dimension_semantics<subcore_parallel>], iteration_bounds = array<i64: 2, 16>, scalar_prefetch = 0 : i64, scratch_operands = 15 : i64, tpu.core_type = #tpu.core_type<sc_vector_subcore>, window_params = [{transform_indices = #map}, {transform_indices = #map}, {transform_indices = #map}, {transform_indices = #map}, {transform_indices = #map1}]} {
    %mul3A = arith.constant 16 : i32
    %mul3A_0 = arith.muli %arg0, %mul3A : i32
    %add3A = arith.addi %mul3A_0, %arg1 : i32
    "tpu.region"() ({
      %run_scoped3A_56 = tpu.sem_alloc : memref<!tpu.dma_semaphore, #tpu.memory_space<semaphore_mem>>
      tpu.enqueue_dma source(%arg4 : memref<101888xf32, #tpu.memory_space<hbm>>) target(%arg15 : memref<101888xf32, #tpu.memory_space<vmem>>) target_semaphore(%run_scoped3A_56 : memref<!tpu.dma_semaphore, #tpu.memory_space<semaphore_mem>>)
      tpu.wait_dma2 semaphore(%run_scoped3A_56 : memref<!tpu.dma_semaphore, #tpu.memory_space<semaphore_mem>>) src(%arg4 : memref<101888xf32, #tpu.memory_space<hbm>>) dst(%arg15 : memref<101888xf32, #tpu.memory_space<vmem>>)
      tpu.yield
    }) : () -> ()
    %mul3A_1 = arith.constant 6368 : i32
    %mul3A_2 = arith.muli %arg1, %mul3A_1 : i32
    %add3A_3 = arith.constant 0 : i32
    %add3A_4 = arith.addi %mul3A_2, %add3A_3 : i32
    "tpu.region"() ({
      %run_scoped3A_56 = tpu.sem_alloc : memref<!tpu.dma_semaphore, #tpu.memory_space<semaphore_mem>>
      %dma_start3A = arith.constant 0 : i32
      %dma_start3A_57 = tpu.memref_slice %arg11[%dma_start3A] : memref<2000xf32, #tpu.memory_space<vmem>> -> memref<1592xf32, #tpu.memory_space<vmem>>
      %dma_start3A_58 = arith.constant 0 : i32
      %dma_start3A_59 = tpu.memref_slice %arg5[%dma_start3A_58] : memref<101888xf32, #tpu.memory_space<hbm>> -> memref<1592xf32, #tpu.memory_space<hbm>>
      %dma_start3A_60 = arith.constant 0 : i32
      %dma_start3A_61 = tpu.memref_slice %arg11[%dma_start3A_60] : memref<2000xf32, #tpu.memory_space<vmem>> -> memref<1592xf32, #tpu.memory_space<vmem>>
      %dma_start3A_62 = arith.constant 0 : i32
      %dma_start3A_63 = tpu.memref_slice %arg5[%dma_start3A_62] : memref<101888xf32, #tpu.memory_space<hbm>> -> memref<1592xf32, #tpu.memory_space<hbm>>
      tpu.enqueue_dma source(%dma_start3A_63 : memref<1592xf32, #tpu.memory_space<hbm>>) target(%dma_start3A_61 : memref<1592xf32, #tpu.memory_space<vmem>>) target_semaphore(%run_scoped3A_56 : memref<!tpu.dma_semaphore, #tpu.memory_space<semaphore_mem>>)
      %dma_wait3A_64 = arith.constant 0 : i32
      %dma_wait3A_65 = tpu.memref_slice %arg11[%dma_wait3A_64] : memref<2000xf32, #tpu.memory_space<vmem>> -> memref<1592xf32, #tpu.memory_space<vmem>>
      %dma_wait3A_66 = arith.constant 0 : i32
      %dma_wait3A_67 = tpu.memref_slice %arg5[%dma_wait3A_66] : memref<101888xf32, #tpu.memory_space<hbm>> -> memref<1592xf32, #tpu.memory_space<hbm>>
      %dma_wait3A_68 = arith.constant 0 : i32
      %dma_wait3A_69 = tpu.memref_slice %arg11[%dma_wait3A_68] : memref<2000xf32, #tpu.memory_space<vmem>> -> memref<1592xf32, #tpu.memory_space<vmem>>
      %dma_wait3A_70 = arith.constant 0 : i32
      %dma_wait3A_71 = tpu.memref_slice %arg5[%dma_wait3A_70] : memref<101888xf32, #tpu.memory_space<hbm>> -> memref<1592xf32, #tpu.memory_space<hbm>>
      tpu.wait_dma2 semaphore(%run_scoped3A_56 : memref<!tpu.dma_semaphore, #tpu.memory_space<semaphore_mem>>) src(%dma_wait3A_71 : memref<1592xf32, #tpu.memory_space<hbm>>) dst(%dma_wait3A_69 : memref<1592xf32, #tpu.memory_space<vmem>>)
      tpu.yield
    }) : () -> ()
    "tpu.region"() ({
      %run_scoped3A_56 = tpu.sem_alloc : memref<!tpu.dma_semaphore, #tpu.memory_space<semaphore_mem>>
      %dma_start3A = arith.constant 0 : i32
      %dma_start3A_57 = tpu.memref_slice %arg11[%dma_start3A] : memref<2000xf32, #tpu.memory_space<vmem>> -> memref<1592xf32, #tpu.memory_space<vmem>>
      %dma_start3A_58 = tpu.memref_slice %arg16[%add3A_4] : memref<101888xf32, #tpu.memory_space<vmem_shared>> -> memref<1592xf32, #tpu.memory_space<vmem_shared>>
      %dma_start3A_59 = tpu.memref_slice %arg16[%add3A_4] : memref<101888xf32, #tpu.memory_space<vmem_shared>> -> memref<1592xf32, #tpu.memory_space<vmem_shared>>
      %dma_start3A_60 = arith.constant 0 : i32
      %dma_start3A_61 = tpu.memref_slice %arg11[%dma_start3A_60] : memref<2000xf32, #tpu.memory_space<vmem>> -> memref<1592xf32, #tpu.memory_space<vmem>>
      tpu.enqueue_dma source(%dma_start3A_61 : memref<1592xf32, #tpu.memory_space<vmem>>) target(%dma_start3A_59 : memref<1592xf32, #tpu.memory_space<vmem_shared>>) target_semaphore(%run_scoped3A_56 : memref<!tpu.dma_semaphore, #tpu.memory_space<semaphore_mem>>)
      %dma_wait3A_62 = arith.constant 0 : i32
      %dma_wait3A_63 = tpu.memref_slice %arg11[%dma_wait3A_62] : memref<2000xf32, #tpu.memory_space<vmem>> -> memref<1592xf32, #tpu.memory_space<vmem>>
      %dma_wait3A_64 = tpu.memref_slice %arg16[%add3A_4] : memref<101888xf32, #tpu.memory_space<vmem_shared>> -> memref<1592xf32, #tpu.memory_space<vmem_shared>>
      %dma_wait3A_65 = tpu.memref_slice %arg16[%add3A_4] : memref<101888xf32, #tpu.memory_space<vmem_shared>> -> memref<1592xf32, #tpu.memory_space<vmem_shared>>
      %dma_wait3A_66 = arith.constant 0 : i32
      %dma_wait3A_67 = tpu.memref_slice %arg11[%dma_wait3A_66] : memref<2000xf32, #tpu.memory_space<vmem>> -> memref<1592xf32, #tpu.memory_space<vmem>>
      tpu.wait_dma2 semaphore(%run_scoped3A_56 : memref<!tpu.dma_semaphore, #tpu.memory_space<semaphore_mem>>) src(%dma_wait3A_67 : memref<1592xf32, #tpu.memory_space<vmem>>) dst(%dma_wait3A_65 : memref<1592xf32, #tpu.memory_space<vmem_shared>>)
      tpu.yield
    }) : () -> ()
    "tpu.region"() ({
      %run_scoped3A_56 = tpu.sem_alloc : memref<!tpu.dma_semaphore, #tpu.memory_space<semaphore_mem>>
      %dma_start3A = arith.constant 0 : i32
      %dma_start3A_57 = tpu.memref_slice %arg11[%dma_start3A] : memref<2000xf32, #tpu.memory_space<vmem>> -> memref<1592xf32, #tpu.memory_space<vmem>>
      %dma_start3A_58 = tpu.memref_slice %arg17[%add3A_4] : memref<101888xf32, #tpu.memory_space<vmem_shared>> -> memref<1592xf32, #tpu.memory_space<vmem_shared>>
      %dma_start3A_59 = tpu.memref_slice %arg17[%add3A_4] : memref<101888xf32, #tpu.memory_space<vmem_shared>> -> memref<1592xf32, #tpu.memory_space<vmem_shared>>
      %dma_start3A_60 = arith.constant 0 : i32
      %dma_start3A_61 = tpu.memref_slice %arg11[%dma_start3A_60] : memref<2000xf32, #tpu.memory_space<vmem>> -> memref<1592xf32, #tpu.memory_space<vmem>>
      tpu.enqueue_dma source(%dma_start3A_61 : memref<1592xf32, #tpu.memory_space<vmem>>) target(%dma_start3A_59 : memref<1592xf32, #tpu.memory_space<vmem_shared>>) target_semaphore(%run_scoped3A_56 : memref<!tpu.dma_semaphore, #tpu.memory_space<semaphore_mem>>)
      %dma_wait3A_62 = arith.constant 0 : i32
      %dma_wait3A_63 = tpu.memref_slice %arg11[%dma_wait3A_62] : memref<2000xf32, #tpu.memory_space<vmem>> -> memref<1592xf32, #tpu.memory_space<vmem>>
      %dma_wait3A_64 = tpu.memref_slice %arg17[%add3A_4] : memref<101888xf32, #tpu.memory_space<vmem_shared>> -> memref<1592xf32, #tpu.memory_space<vmem_shared>>
      %dma_wait3A_65 = tpu.memref_slice %arg17[%add3A_4] : memref<101888xf32, #tpu.memory_space<vmem_shared>> -> memref<1592xf32, #tpu.memory_space<vmem_shared>>
      %dma_wait3A_66 = arith.constant 0 : i32
      %dma_wait3A_67 = tpu.memref_slice %arg11[%dma_wait3A_66] : memref<2000xf32, #tpu.memory_space<vmem>> -> memref<1592xf32, #tpu.memory_space<vmem>>
      tpu.wait_dma2 semaphore(%run_scoped3A_56 : memref<!tpu.dma_semaphore, #tpu.memory_space<semaphore_mem>>) src(%dma_wait3A_67 : memref<1592xf32, #tpu.memory_space<vmem>>) dst(%dma_wait3A_65 : memref<1592xf32, #tpu.memory_space<vmem_shared>>)
      tpu.yield
    }) : () -> ()
    %mul3A_5 = arith.constant 6368 : i32
    %mul3A_6 = arith.muli %arg1, %mul3A_5 : i32
    %add3A_7 = arith.constant 1592 : i32
    %add3A_8 = arith.addi %mul3A_6, %add3A_7 : i32
    "tpu.region"() ({
      %run_scoped3A_56 = tpu.sem_alloc : memref<!tpu.dma_semaphore, #tpu.memory_space<semaphore_mem>>
      %dma_start3A = arith.constant 0 : i32
      %dma_start3A_57 = tpu.memref_slice %arg11[%dma_start3A] : memref<2000xf32, #tpu.memory_space<vmem>> -> memref<1592xf32, #tpu.memory_space<vmem>>
      %dma_start3A_58 = arith.constant 1592 : i32
      %dma_start3A_59 = tpu.memref_slice %arg5[%dma_start3A_58] : memref<101888xf32, #tpu.memory_space<hbm>> -> memref<1592xf32, #tpu.memory_space<hbm>>
      %dma_start3A_60 = arith.constant 0 : i32
      %dma_start3A_61 = tpu.memref_slice %arg11[%dma_start3A_60] : memref<2000xf32, #tpu.memory_space<vmem>> -> memref<1592xf32, #tpu.memory_space<vmem>>
      %dma_start3A_62 = arith.constant 1592 : i32
      %dma_start3A_63 = tpu.memref_slice %arg5[%dma_start3A_62] : memref<101888xf32, #tpu.memory_space<hbm>> -> memref<1592xf32, #tpu.memory_space<hbm>>
      tpu.enqueue_dma source(%dma_start3A_63 : memref<1592xf32, #tpu.memory_space<hbm>>) target(%dma_start3A_61 : memref<1592xf32, #tpu.memory_space<vmem>>) target_semaphore(%run_scoped3A_56 : memref<!tpu.dma_semaphore, #tpu.memory_space<semaphore_mem>>)
      %dma_wait3A_64 = arith.constant 0 : i32
      %dma_wait3A_65 = tpu.memref_slice %arg11[%dma_wait3A_64] : memref<2000xf32, #tpu.memory_space<vmem>> -> memref<1592xf32, #tpu.memory_space<vmem>>
      %dma_wait3A_66 = arith.constant 1592 : i32
      %dma_wait3A_67 = tpu.memref_slice %arg5[%dma_wait3A_66] : memref<101888xf32, #tpu.memory_space<hbm>> -> memref<1592xf32, #tpu.memory_space<hbm>>
      %dma_wait3A_68 = arith.constant 0 : i32
      %dma_wait3A_69 = tpu.memref_slice %arg11[%dma_wait3A_68] : memref<2000xf32, #tpu.memory_space<vmem>> -> memref<1592xf32, #tpu.memory_space<vmem>>
      %dma_wait3A_70 = arith.constant 1592 : i32
      %dma_wait3A_71 = tpu.memref_slice %arg5[%dma_wait3A_70] : memref<101888xf32, #tpu.memory_space<hbm>> -> memref<1592xf32, #tpu.memory_space<hbm>>
      tpu.wait_dma2 semaphore(%run_scoped3A_56 : memref<!tpu.dma_semaphore, #tpu.memory_space<semaphore_mem>>) src(%dma_wait3A_71 : memref<1592xf32, #tpu.memory_space<hbm>>) dst(%dma_wait3A_69 : memref<1592xf32, #tpu.memory_space<vmem>>)
      tpu.yield
    }) : () -> ()
    "tpu.region"() ({
      %run_scoped3A_56 = tpu.sem_alloc : memref<!tpu.dma_semaphore, #tpu.memory_space<semaphore_mem>>
      %dma_start3A = arith.constant 0 : i32
      %dma_start3A_57 = tpu.memref_slice %arg11[%dma_start3A] : memref<2000xf32, #tpu.memory_space<vmem>> -> memref<1592xf32, #tpu.memory_space<vmem>>
      %dma_start3A_58 = tpu.memref_slice %arg16[%add3A_8] : memref<101888xf32, #tpu.memory_space<vmem_shared>> -> memref<1592xf32, #tpu.memory_space<vmem_shared>>
      %dma_start3A_59 = tpu.memref_slice %arg16[%add3A_8] : memref<101888xf32, #tpu.memory_space<vmem_shared>> -> memref<1592xf32, #tpu.memory_space<vmem_shared>>
      %dma_start3A_60 = arith.constant 0 : i32
      %dma_start3A_61 = tpu.memref_slice %arg11[%dma_start3A_60] : memref<2000xf32, #tpu.memory_space<vmem>> -> memref<1592xf32, #tpu.memory_space<vmem>>
      tpu.enqueue_dma source(%dma_start3A_61 : memref<1592xf32, #tpu.memory_space<vmem>>) target(%dma_start3A_59 : memref<1592xf32, #tpu.memory_space<vmem_shared>>) target_semaphore(%run_scoped3A_56 : memref<!tpu.dma_semaphore, #tpu.memory_space<semaphore_mem>>)
      %dma_wait3A_62 = arith.constant 0 : i32
      %dma_wait3A_63 = tpu.memref_slice %arg11[%dma_wait3A_62] : memref<2000xf32, #tpu.memory_space<vmem>> -> memref<1592xf32, #tpu.memory_space<vmem>>
      %dma_wait3A_64 = tpu.memref_slice %arg16[%add3A_8] : memref<101888xf32, #tpu.memory_space<vmem_shared>> -> memref<1592xf32, #tpu.memory_space<vmem_shared>>
      %dma_wait3A_65 = tpu.memref_slice %arg16[%add3A_8] : memref<101888xf32, #tpu.memory_space<vmem_shared>> -> memref<1592xf32, #tpu.memory_space<vmem_shared>>
      %dma_wait3A_66 = arith.constant 0 : i32
      %dma_wait3A_67 = tpu.memref_slice %arg11[%dma_wait3A_66] : memref<2000xf32, #tpu.memory_space<vmem>> -> memref<1592xf32, #tpu.memory_space<vmem>>
      tpu.wait_dma2 semaphore(%run_scoped3A_56 : memref<!tpu.dma_semaphore, #tpu.memory_space<semaphore_mem>>) src(%dma_wait3A_67 : memref<1592xf32, #tpu.memory_space<vmem>>) dst(%dma_wait3A_65 : memref<1592xf32, #tpu.memory_space<vmem_shared>>)
      tpu.yield
    }) : () -> ()
    "tpu.region"() ({
      %run_scoped3A_56 = tpu.sem_alloc : memref<!tpu.dma_semaphore, #tpu.memory_space<semaphore_mem>>
      %dma_start3A = arith.constant 0 : i32
      %dma_start3A_57 = tpu.memref_slice %arg11[%dma_start3A] : memref<2000xf32, #tpu.memory_space<vmem>> -> memref<1592xf32, #tpu.memory_space<vmem>>
      %dma_start3A_58 = tpu.memref_slice %arg17[%add3A_8] : memref<101888xf32, #tpu.memory_space<vmem_shared>> -> memref<1592xf32, #tpu.memory_space<vmem_shared>>
      %dma_start3A_59 = tpu.memref_slice %arg17[%add3A_8] : memref<101888xf32, #tpu.memory_space<vmem_shared>> -> memref<1592xf32, #tpu.memory_space<vmem_shared>>
      %dma_start3A_60 = arith.constant 0 : i32
      %dma_start3A_61 = tpu.memref_slice %arg11[%dma_start3A_60] : memref<2000xf32, #tpu.memory_space<vmem>> -> memref<1592xf32, #tpu.memory_space<vmem>>
      tpu.enqueue_dma source(%dma_start3A_61 : memref<1592xf32, #tpu.memory_space<vmem>>) target(%dma_start3A_59 : memref<1592xf32, #tpu.memory_space<vmem_shared>>) target_semaphore(%run_scoped3A_56 : memref<!tpu.dma_semaphore, #tpu.memory_space<semaphore_mem>>)
      %dma_wait3A_62 = arith.constant 0 : i32
      %dma_wait3A_63 = tpu.memref_slice %arg11[%dma_wait3A_62] : memref<2000xf32, #tpu.memory_space<vmem>> -> memref<1592xf32, #tpu.memory_space<vmem>>
      %dma_wait3A_64 = tpu.memref_slice %arg17[%add3A_8] : memref<101888xf32, #tpu.memory_space<vmem_shared>> -> memref<1592xf32, #tpu.memory_space<vmem_shared>>
      %dma_wait3A_65 = tpu.memref_slice %arg17[%add3A_8] : memref<101888xf32, #tpu.memory_space<vmem_shared>> -> memref<1592xf32, #tpu.memory_space<vmem_shared>>
      %dma_wait3A_66 = arith.constant 0 : i32
      %dma_wait3A_67 = tpu.memref_slice %arg11[%dma_wait3A_66] : memref<2000xf32, #tpu.memory_space<vmem>> -> memref<1592xf32, #tpu.memory_space<vmem>>
      tpu.wait_dma2 semaphore(%run_scoped3A_56 : memref<!tpu.dma_semaphore, #tpu.memory_space<semaphore_mem>>) src(%dma_wait3A_67 : memref<1592xf32, #tpu.memory_space<vmem>>) dst(%dma_wait3A_65 : memref<1592xf32, #tpu.memory_space<vmem_shared>>)
      tpu.yield
    }) : () -> ()
    %mul3A_9 = arith.constant 6368 : i32
    %mul3A_10 = arith.muli %arg1, %mul3A_9 : i32
    %add3A_11 = arith.constant 3184 : i32
    %add3A_12 = arith.addi %mul3A_10, %add3A_11 : i32
    "tpu.region"() ({
      %run_scoped3A_56 = tpu.sem_alloc : memref<!tpu.dma_semaphore, #tpu.memory_space<semaphore_mem>>
      %dma_start3A = arith.constant 0 : i32
      %dma_start3A_57 = tpu.memref_slice %arg11[%dma_start3A] : memref<2000xf32, #tpu.memory_space<vmem>> -> memref<1592xf32, #tpu.memory_space<vmem>>
      %dma_start3A_58 = arith.constant 3184 : i32
      %dma_start3A_59 = tpu.memref_slice %arg5[%dma_start3A_58] : memref<101888xf32, #tpu.memory_space<hbm>> -> memref<1592xf32, #tpu.memory_space<hbm>>
      %dma_start3A_60 = arith.constant 0 : i32
      %dma_start3A_61 = tpu.memref_slice %arg11[%dma_start3A_60] : memref<2000xf32, #tpu.memory_space<vmem>> -> memref<1592xf32, #tpu.memory_space<vmem>>
      %dma_start3A_62 = arith.constant 3184 : i32
      %dma_start3A_63 = tpu.memref_slice %arg5[%dma_start3A_62] : memref<101888xf32, #tpu.memory_space<hbm>> -> memref<1592xf32, #tpu.memory_space<hbm>>
      tpu.enqueue_dma source(%dma_start3A_63 : memref<1592xf32, #tpu.memory_space<hbm>>) target(%dma_start3A_61 : memref<1592xf32, #tpu.memory_space<vmem>>) target_semaphore(%run_scoped3A_56 : memref<!tpu.dma_semaphore, #tpu.memory_space<semaphore_mem>>)
      %dma_wait3A_64 = arith.constant 0 : i32
      %dma_wait3A_65 = tpu.memref_slice %arg11[%dma_wait3A_64] : memref<2000xf32, #tpu.memory_space<vmem>> -> memref<1592xf32, #tpu.memory_space<vmem>>
      %dma_wait3A_66 = arith.constant 3184 : i32
      %dma_wait3A_67 = tpu.memref_slice %arg5[%dma_wait3A_66] : memref<101888xf32, #tpu.memory_space<hbm>> -> memref<1592xf32, #tpu.memory_space<hbm>>
      %dma_wait3A_68 = arith.constant 0 : i32
      %dma_wait3A_69 = tpu.memref_slice %arg11[%dma_wait3A_68] : memref<2000xf32, #tpu.memory_space<vmem>> -> memref<1592xf32, #tpu.memory_space<vmem>>
      %dma_wait3A_70 = arith.constant 3184 : i32
      %dma_wait3A_71 = tpu.memref_slice %arg5[%dma_wait3A_70] : memref<101888xf32, #tpu.memory_space<hbm>> -> memref<1592xf32, #tpu.memory_space<hbm>>
      tpu.wait_dma2 semaphore(%run_scoped3A_56 : memref<!tpu.dma_semaphore, #tpu.memory_space<semaphore_mem>>) src(%dma_wait3A_71 : memref<1592xf32, #tpu.memory_space<hbm>>) dst(%dma_wait3A_69 : memref<1592xf32, #tpu.memory_space<vmem>>)
      tpu.yield
    }) : () -> ()
    "tpu.region"() ({
      %run_scoped3A_56 = tpu.sem_alloc : memref<!tpu.dma_semaphore, #tpu.memory_space<semaphore_mem>>
      %dma_start3A = arith.constant 0 : i32
      %dma_start3A_57 = tpu.memref_slice %arg11[%dma_start3A] : memref<2000xf32, #tpu.memory_space<vmem>> -> memref<1592xf32, #tpu.memory_space<vmem>>
      %dma_start3A_58 = tpu.memref_slice %arg16[%add3A_12] : memref<101888xf32, #tpu.memory_space<vmem_shared>> -> memref<1592xf32, #tpu.memory_space<vmem_shared>>
      %dma_start3A_59 = tpu.memref_slice %arg16[%add3A_12] : memref<101888xf32, #tpu.memory_space<vmem_shared>> -> memref<1592xf32, #tpu.memory_space<vmem_shared>>
      %dma_start3A_60 = arith.constant 0 : i32
      %dma_start3A_61 = tpu.memref_slice %arg11[%dma_start3A_60] : memref<2000xf32, #tpu.memory_space<vmem>> -> memref<1592xf32, #tpu.memory_space<vmem>>
      tpu.enqueue_dma source(%dma_start3A_61 : memref<1592xf32, #tpu.memory_space<vmem>>) target(%dma_start3A_59 : memref<1592xf32, #tpu.memory_space<vmem_shared>>) target_semaphore(%run_scoped3A_56 : memref<!tpu.dma_semaphore, #tpu.memory_space<semaphore_mem>>)
      %dma_wait3A_62 = arith.constant 0 : i32
      %dma_wait3A_63 = tpu.memref_slice %arg11[%dma_wait3A_62] : memref<2000xf32, #tpu.memory_space<vmem>> -> memref<1592xf32, #tpu.memory_space<vmem>>
      %dma_wait3A_64 = tpu.memref_slice %arg16[%add3A_12] : memref<101888xf32, #tpu.memory_space<vmem_shared>> -> memref<1592xf32, #tpu.memory_space<vmem_shared>>
      %dma_wait3A_65 = tpu.memref_slice %arg16[%add3A_12] : memref<101888xf32, #tpu.memory_space<vmem_shared>> -> memref<1592xf32, #tpu.memory_space<vmem_shared>>
      %dma_wait3A_66 = arith.constant 0 : i32
      %dma_wait3A_67 = tpu.memref_slice %arg11[%dma_wait3A_66] : memref<2000xf32, #tpu.memory_space<vmem>> -> memref<1592xf32, #tpu.memory_space<vmem>>
      tpu.wait_dma2 semaphore(%run_scoped3A_56 : memref<!tpu.dma_semaphore, #tpu.memory_space<semaphore_mem>>) src(%dma_wait3A_67 : memref<1592xf32, #tpu.memory_space<vmem>>) dst(%dma_wait3A_65 : memref<1592xf32, #tpu.memory_space<vmem_shared>>)
      tpu.yield
    }) : () -> ()
    "tpu.region"() ({
      %run_scoped3A_56 = tpu.sem_alloc : memref<!tpu.dma_semaphore, #tpu.memory_space<semaphore_mem>>
      %dma_start3A = arith.constant 0 : i32
      %dma_start3A_57 = tpu.memref_slice %arg11[%dma_start3A] : memref<2000xf32, #tpu.memory_space<vmem>> -> memref<1592xf32, #tpu.memory_space<vmem>>
      %dma_start3A_58 = tpu.memref_slice %arg17[%add3A_12] : memref<101888xf32, #tpu.memory_space<vmem_shared>> -> memref<1592xf32, #tpu.memory_space<vmem_shared>>
      %dma_start3A_59 = tpu.memref_slice %arg17[%add3A_12] : memref<101888xf32, #tpu.memory_space<vmem_shared>> -> memref<1592xf32, #tpu.memory_space<vmem_shared>>
      %dma_start3A_60 = arith.constant 0 : i32
      %dma_start3A_61 = tpu.memref_slice %arg11[%dma_start3A_60] : memref<2000xf32, #tpu.memory_space<vmem>> -> memref<1592xf32, #tpu.memory_space<vmem>>
      tpu.enqueue_dma source(%dma_start3A_61 : memref<1592xf32, #tpu.memory_space<vmem>>) target(%dma_start3A_59 : memref<1592xf32, #tpu.memory_space<vmem_shared>>) target_semaphore(%run_scoped3A_56 : memref<!tpu.dma_semaphore, #tpu.memory_space<semaphore_mem>>)
      %dma_wait3A_62 = arith.constant 0 : i32
      %dma_wait3A_63 = tpu.memref_slice %arg11[%dma_wait3A_62] : memref<2000xf32, #tpu.memory_space<vmem>> -> memref<1592xf32, #tpu.memory_space<vmem>>
      %dma_wait3A_64 = tpu.memref_slice %arg17[%add3A_12] : memref<101888xf32, #tpu.memory_space<vmem_shared>> -> memref<1592xf32, #tpu.memory_space<vmem_shared>>
      %dma_wait3A_65 = tpu.memref_slice %arg17[%add3A_12] : memref<101888xf32, #tpu.memory_space<vmem_shared>> -> memref<1592xf32, #tpu.memory_space<vmem_shared>>
      %dma_wait3A_66 = arith.constant 0 : i32
      %dma_wait3A_67 = tpu.memref_slice %arg11[%dma_wait3A_66] : memref<2000xf32, #tpu.memory_space<vmem>> -> memref<1592xf32, #tpu.memory_space<vmem>>
      tpu.wait_dma2 semaphore(%run_scoped3A_56 : memref<!tpu.dma_semaphore, #tpu.memory_space<semaphore_mem>>) src(%dma_wait3A_67 : memref<1592xf32, #tpu.memory_space<vmem>>) dst(%dma_wait3A_65 : memref<1592xf32, #tpu.memory_space<vmem_shared>>)
      tpu.yield
    }) : () -> ()
    %mul3A_13 = arith.constant 6368 : i32
    %mul3A_14 = arith.muli %arg1, %mul3A_13 : i32
    %add3A_15 = arith.constant 4776 : i32
    %add3A_16 = arith.addi %mul3A_14, %add3A_15 : i32
    "tpu.region"() ({
      %run_scoped3A_56 = tpu.sem_alloc : memref<!tpu.dma_semaphore, #tpu.memory_space<semaphore_mem>>
      %dma_start3A = arith.constant 0 : i32
      %dma_start3A_57 = tpu.memref_slice %arg11[%dma_start3A] : memref<2000xf32, #tpu.memory_space<vmem>> -> memref<1592xf32, #tpu.memory_space<vmem>>
      %dma_start3A_58 = arith.constant 4776 : i32
      %dma_start3A_59 = tpu.memref_slice %arg5[%dma_start3A_58] : memref<101888xf32, #tpu.memory_space<hbm>> -> memref<1592xf32, #tpu.memory_space<hbm>>
      %dma_start3A_60 = arith.constant 0 : i32
      %dma_start3A_61 = tpu.memref_slice %arg11[%dma_start3A_60] : memref<2000xf32, #tpu.memory_space<vmem>> -> memref<1592xf32, #tpu.memory_space<vmem>>
      %dma_start3A_62 = arith.constant 4776 : i32
      %dma_start3A_63 = tpu.memref_slice %arg5[%dma_start3A_62] : memref<101888xf32, #tpu.memory_space<hbm>> -> memref<1592xf32, #tpu.memory_space<hbm>>
      tpu.enqueue_dma source(%dma_start3A_63 : memref<1592xf32, #tpu.memory_space<hbm>>) target(%dma_start3A_61 : memref<1592xf32, #tpu.memory_space<vmem>>) target_semaphore(%run_scoped3A_56 : memref<!tpu.dma_semaphore, #tpu.memory_space<semaphore_mem>>)
      %dma_wait3A_64 = arith.constant 0 : i32
      %dma_wait3A_65 = tpu.memref_slice %arg11[%dma_wait3A_64] : memref<2000xf32, #tpu.memory_space<vmem>> -> memref<1592xf32, #tpu.memory_space<vmem>>
      %dma_wait3A_66 = arith.constant 4776 : i32
      %dma_wait3A_67 = tpu.memref_slice %arg5[%dma_wait3A_66] : memref<101888xf32, #tpu.memory_space<hbm>> -> memref<1592xf32, #tpu.memory_space<hbm>>
      %dma_wait3A_68 = arith.constant 0 : i32
      %dma_wait3A_69 = tpu.memref_slice %arg11[%dma_wait3A_68] : memref<2000xf32, #tpu.memory_space<vmem>> -> memref<1592xf32, #tpu.memory_space<vmem>>
      %dma_wait3A_70 = arith.constant 4776 : i32
      %dma_wait3A_71 = tpu.memref_slice %arg5[%dma_wait3A_70] : memref<101888xf32, #tpu.memory_space<hbm>> -> memref<1592xf32, #tpu.memory_space<hbm>>
      tpu.wait_dma2 semaphore(%run_scoped3A_56 : memref<!tpu.dma_semaphore, #tpu.memory_space<semaphore_mem>>) src(%dma_wait3A_71 : memref<1592xf32, #tpu.memory_space<hbm>>) dst(%dma_wait3A_69 : memref<1592xf32, #tpu.memory_space<vmem>>)
      tpu.yield
    }) : () -> ()
    "tpu.region"() ({
      %run_scoped3A_56 = tpu.sem_alloc : memref<!tpu.dma_semaphore, #tpu.memory_space<semaphore_mem>>
      %dma_start3A = arith.constant 0 : i32
      %dma_start3A_57 = tpu.memref_slice %arg11[%dma_start3A] : memref<2000xf32, #tpu.memory_space<vmem>> -> memref<1592xf32, #tpu.memory_space<vmem>>
      %dma_start3A_58 = tpu.memref_slice %arg16[%add3A_16] : memref<101888xf32, #tpu.memory_space<vmem_shared>> -> memref<1592xf32, #tpu.memory_space<vmem_shared>>
      %dma_start3A_59 = tpu.memref_slice %arg16[%add3A_16] : memref<101888xf32, #tpu.memory_space<vmem_shared>> -> memref<1592xf32, #tpu.memory_space<vmem_shared>>
      %dma_start3A_60 = arith.constant 0 : i32
      %dma_start3A_61 = tpu.memref_slice %arg11[%dma_start3A_60] : memref<2000xf32, #tpu.memory_space<vmem>> -> memref<1592xf32, #tpu.memory_space<vmem>>
      tpu.enqueue_dma source(%dma_start3A_61 : memref<1592xf32, #tpu.memory_space<vmem>>) target(%dma_start3A_59 : memref<1592xf32, #tpu.memory_space<vmem_shared>>) target_semaphore(%run_scoped3A_56 : memref<!tpu.dma_semaphore, #tpu.memory_space<semaphore_mem>>)
      %dma_wait3A_62 = arith.constant 0 : i32
      %dma_wait3A_63 = tpu.memref_slice %arg11[%dma_wait3A_62] : memref<2000xf32, #tpu.memory_space<vmem>> -> memref<1592xf32, #tpu.memory_space<vmem>>
      %dma_wait3A_64 = tpu.memref_slice %arg16[%add3A_16] : memref<101888xf32, #tpu.memory_space<vmem_shared>> -> memref<1592xf32, #tpu.memory_space<vmem_shared>>
      %dma_wait3A_65 = tpu.memref_slice %arg16[%add3A_16] : memref<101888xf32, #tpu.memory_space<vmem_shared>> -> memref<1592xf32, #tpu.memory_space<vmem_shared>>
      %dma_wait3A_66 = arith.constant 0 : i32
      %dma_wait3A_67 = tpu.memref_slice %arg11[%dma_wait3A_66] : memref<2000xf32, #tpu.memory_space<vmem>> -> memref<1592xf32, #tpu.memory_space<vmem>>
      tpu.wait_dma2 semaphore(%run_scoped3A_56 : memref<!tpu.dma_semaphore, #tpu.memory_space<semaphore_mem>>) src(%dma_wait3A_67 : memref<1592xf32, #tpu.memory_space<vmem>>) dst(%dma_wait3A_65 : memref<1592xf32, #tpu.memory_space<vmem_shared>>)
      tpu.yield
    }) : () -> ()
    "tpu.region"() ({
      %run_scoped3A_56 = tpu.sem_alloc : memref<!tpu.dma_semaphore, #tpu.memory_space<semaphore_mem>>
      %dma_start3A = arith.constant 0 : i32
      %dma_start3A_57 = tpu.memref_slice %arg11[%dma_start3A] : memref<2000xf32, #tpu.memory_space<vmem>> -> memref<1592xf32, #tpu.memory_space<vmem>>
      %dma_start3A_58 = tpu.memref_slice %arg17[%add3A_16] : memref<101888xf32, #tpu.memory_space<vmem_shared>> -> memref<1592xf32, #tpu.memory_space<vmem_shared>>
      %dma_start3A_59 = tpu.memref_slice %arg17[%add3A_16] : memref<101888xf32, #tpu.memory_space<vmem_shared>> -> memref<1592xf32, #tpu.memory_space<vmem_shared>>
      %dma_start3A_60 = arith.constant 0 : i32
      %dma_start3A_61 = tpu.memref_slice %arg11[%dma_start3A_60] : memref<2000xf32, #tpu.memory_space<vmem>> -> memref<1592xf32, #tpu.memory_space<vmem>>
      tpu.enqueue_dma source(%dma_start3A_61 : memref<1592xf32, #tpu.memory_space<vmem>>) target(%dma_start3A_59 : memref<1592xf32, #tpu.memory_space<vmem_shared>>) target_semaphore(%run_scoped3A_56 : memref<!tpu.dma_semaphore, #tpu.memory_space<semaphore_mem>>)
      %dma_wait3A_62 = arith.constant 0 : i32
      %dma_wait3A_63 = tpu.memref_slice %arg11[%dma_wait3A_62] : memref<2000xf32, #tpu.memory_space<vmem>> -> memref<1592xf32, #tpu.memory_space<vmem>>
      %dma_wait3A_64 = tpu.memref_slice %arg17[%add3A_16] : memref<101888xf32, #tpu.memory_space<vmem_shared>> -> memref<1592xf32, #tpu.memory_space<vmem_shared>>
      %dma_wait3A_65 = tpu.memref_slice %arg17[%add3A_16] : memref<101888xf32, #tpu.memory_space<vmem_shared>> -> memref<1592xf32, #tpu.memory_space<vmem_shared>>
      %dma_wait3A_66 = arith.constant 0 : i32
      %dma_wait3A_67 = tpu.memref_slice %arg11[%dma_wait3A_66] : memref<2000xf32, #tpu.memory_space<vmem>> -> memref<1592xf32, #tpu.memory_space<vmem>>
      tpu.wait_dma2 semaphore(%run_scoped3A_56 : memref<!tpu.dma_semaphore, #tpu.memory_space<semaphore_mem>>) src(%dma_wait3A_67 : memref<1592xf32, #tpu.memory_space<vmem>>) dst(%dma_wait3A_65 : memref<1592xf32, #tpu.memory_space<vmem_shared>>)
      tpu.yield
    }) : () -> ()
    %barrier3A = arith.constant 0 : index
    tpu.barrier barrier_id(%barrier3A)
    %broadcast_in_dim3A = arith.constant -65536 : i32
    %broadcast_in_dim3A_17 = vector.broadcast %broadcast_in_dim3A : i32 to vector<16xi32>
    %scan3A = arith.constant 0 : i32
    %scan3A_18 = arith.constant 0 : i32
    %scan3A_19 = arith.constant 50 : i32
    %scan3A_20 = arith.addi %scan3A_18, %scan3A_19 : i32
    %scan3A_21 = arith.constant 1 : i32
    %scan3A_22 = scf.for %scan3A_56 = %scan3A_18 to %scan3A_20 step %scan3A_21 iter_args(%scan3A_57 = %scan3A) -> (i32)  : i32 {
      %mul3A_58 = arith.constant 2 : i32
      %mul3A_59 = arith.muli %mul3A_58, %scan3A_56 : i32
      %mul3A_60 = arith.constant 200000 : i32
      %mul3A_61 = arith.muli %add3A, %mul3A_60 : i32
      %mul3A_62 = arith.constant 2000 : i32
      %mul3A_63 = arith.muli %mul3A_59, %mul3A_62 : i32
      %add3A_64 = arith.addi %mul3A_61, %mul3A_63 : i32
      %gt3A = arith.constant 0 : i32
      %gt3A_65 = arith.cmpi sgt, %scan3A_56, %gt3A : i32
      %convert_element_type3A = arith.extui %gt3A_65 : i1 to i32
      %cond3A = arith.constant 0 : i32
      %cond3A_66 = arith.cmpi ne, %convert_element_type3A, %cond3A : i32
      scf.if %cond3A_66 {
        %dma_wait3A_119 = arith.constant 0 : i32
        %dma_wait3A_120 = tpu.memref_slice %arg16[%dma_wait3A_119] : memref<101888xf32, #tpu.memory_space<vmem_shared>> -> memref<101888xf32, #tpu.memory_space<vmem_shared>>
        tpu.wait_indirect_dma semaphore(%arg20 : memref<!tpu.dma_semaphore, #tpu.memory_space<semaphore_mem>>) src(%arg11 : memref<2000xf32, #tpu.memory_space<vmem>>) dst(%dma_wait3A_120 : memref<101888xf32, #tpu.memory_space<vmem_shared>>)
        %dma_wait3A_121 = arith.constant 0 : i32
        %dma_wait3A_122 = tpu.memref_slice %arg17[%dma_wait3A_121] : memref<101888xf32, #tpu.memory_space<vmem_shared>> -> memref<101888xf32, #tpu.memory_space<vmem_shared>>
        tpu.wait_indirect_dma semaphore(%arg20 : memref<!tpu.dma_semaphore, #tpu.memory_space<semaphore_mem>>) src(%arg13 : memref<2000xf32, #tpu.memory_space<vmem>>) dst(%dma_wait3A_122 : memref<101888xf32, #tpu.memory_space<vmem_shared>>)
      } else {
      }
      %dma_start3A = tpu.memref_slice %arg2[%add3A_64] : memref<6400000xi32, #tpu.memory_space<hbm>> -> memref<2000xi32, #tpu.memory_space<hbm>>
      %dma_start3A_67 = tpu.memref_slice %arg2[%add3A_64] : memref<6400000xi32, #tpu.memory_space<hbm>> -> memref<2000xi32, #tpu.memory_space<hbm>>
      tpu.enqueue_dma source(%dma_start3A_67 : memref<2000xi32, #tpu.memory_space<hbm>>) target(%arg7 : memref<2000xi32, #tpu.memory_space<vmem>>) target_semaphore(%arg18 : memref<!tpu.dma_semaphore, #tpu.memory_space<semaphore_mem>>)
      %dma_start3A_68 = tpu.memref_slice %arg3[%add3A_64] : memref<6400000xi32, #tpu.memory_space<hbm>> -> memref<2000xi32, #tpu.memory_space<hbm>>
      %dma_start3A_69 = tpu.memref_slice %arg3[%add3A_64] : memref<6400000xi32, #tpu.memory_space<hbm>> -> memref<2000xi32, #tpu.memory_space<hbm>>
      tpu.enqueue_dma source(%dma_start3A_69 : memref<2000xi32, #tpu.memory_space<hbm>>) target(%arg9 : memref<2000xi32, #tpu.memory_space<vmem>>) target_semaphore(%arg18 : memref<!tpu.dma_semaphore, #tpu.memory_space<semaphore_mem>>)
      %dma_wait3A_70 = tpu.memref_slice %arg2[%add3A_64] : memref<6400000xi32, #tpu.memory_space<hbm>> -> memref<2000xi32, #tpu.memory_space<hbm>>
      %dma_wait3A_71 = tpu.memref_slice %arg2[%add3A_64] : memref<6400000xi32, #tpu.memory_space<hbm>> -> memref<2000xi32, #tpu.memory_space<hbm>>
      tpu.wait_dma2 semaphore(%arg18 : memref<!tpu.dma_semaphore, #tpu.memory_space<semaphore_mem>>) src(%dma_wait3A_71 : memref<2000xi32, #tpu.memory_space<hbm>>) dst(%arg7 : memref<2000xi32, #tpu.memory_space<vmem>>)
      %dma_wait3A_72 = tpu.memref_slice %arg3[%add3A_64] : memref<6400000xi32, #tpu.memory_space<hbm>> -> memref<2000xi32, #tpu.memory_space<hbm>>
      %dma_wait3A_73 = tpu.memref_slice %arg3[%add3A_64] : memref<6400000xi32, #tpu.memory_space<hbm>> -> memref<2000xi32, #tpu.memory_space<hbm>>
      tpu.wait_dma2 semaphore(%arg18 : memref<!tpu.dma_semaphore, #tpu.memory_space<semaphore_mem>>) src(%dma_wait3A_73 : memref<2000xi32, #tpu.memory_space<hbm>>) dst(%arg9 : memref<2000xi32, #tpu.memory_space<vmem>>)
      %scan3A_74 = arith.constant 0 : i32
      %scan3A_75 = arith.constant 0 : i32
      %scan3A_76 = arith.constant 25 : i32
      %scan3A_77 = arith.addi %scan3A_75, %scan3A_76 : i32
      %scan3A_78 = arith.constant 1 : i32
      %scan3A_79 = scf.for %scan3A_119 = %scan3A_75 to %scan3A_77 step %scan3A_78 iter_args(%scan3A_120 = %scan3A_74) -> (i32)  : i32 {
        %mul3A_121 = arith.constant 80 : i32
        %mul3A_122 = arith.muli %scan3A_119, %mul3A_121 : i32
        %add3A_123 = arith.constant 0 : i32
        %add3A_124 = arith.addi %mul3A_122, %add3A_123 : i32
        %get3A = arith.index_cast %add3A_124 : i32 to index
        %get3A_125 = tpu.vector_load %arg7[%get3A] {strides = array<i32>} : memref<2000xi32, #tpu.memory_space<vmem>>, vector<16xi32>,
        %gather3A = tpu.vector_load_idx %arg15[%get3A_125] : memref<101888xf32, #tpu.memory_space<vmem>>[vector<16xi32>], vector<16xf32>,
        %bitcast3A = vector.bitcast %gather3A : vector<16xf32> to vector<16xi32>
        %shift_left3A = arith.constant 16 : i32
        %shift_left3A_126 = vector.broadcast %shift_left3A : i32 to vector<16xi32>
        %shift_left3A_127 = arith.shli %bitcast3A, %shift_left3A_126 : vector<16xi32>
        %bitcast3A_128 = vector.bitcast %shift_left3A_127 : vector<16xi32> to vector<16xf32>
        %swap3A = arith.index_cast %add3A_124 : i32 to index
        %swap3A_129 = tpu.vector_load %arg11[%swap3A] {strides = array<i32>} : memref<2000xf32, #tpu.memory_space<vmem>>, vector<16xf32>,
        tpu.vector_store %arg11[%swap3A], %bitcast3A_128 {strides = array<i32>} : memref<2000xf32, #tpu.memory_space<vmem>>, vector<16xf32>,
        %and3A = arith.andi %bitcast3A, %broadcast_in_dim3A_17 : vector<16xi32>
        %bitcast3A_130 = vector.bitcast %and3A : vector<16xi32> to vector<16xf32>
        %swap3A_131 = arith.index_cast %add3A_124 : i32 to index
        %swap3A_132 = tpu.vector_load %arg13[%swap3A_131] {strides = array<i32>} : memref<2000xf32, #tpu.memory_space<vmem>>, vector<16xf32>,
        tpu.vector_store %arg13[%swap3A_131], %bitcast3A_130 {strides = array<i32>} : memref<2000xf32, #tpu.memory_space<vmem>>, vector<16xf32>,
        %mul3A_133 = arith.constant 80 : i32
        %mul3A_134 = arith.muli %scan3A_119, %mul3A_133 : i32
        %add3A_135 = arith.constant 16 : i32
        %add3A_136 = arith.addi %mul3A_134, %add3A_135 : i32
        %get3A_137 = arith.index_cast %add3A_136 : i32 to index
        %get3A_138 = tpu.vector_load %arg7[%get3A_137] {strides = array<i32>} : memref<2000xi32, #tpu.memory_space<vmem>>, vector<16xi32>,
        %gather3A_139 = tpu.vector_load_idx %arg15[%get3A_138] : memref<101888xf32, #tpu.memory_space<vmem>>[vector<16xi32>], vector<16xf32>,
        %bitcast3A_140 = vector.bitcast %gather3A_139 : vector<16xf32> to vector<16xi32>
        %shift_left3A_141 = arith.constant 16 : i32
        %shift_left3A_142 = vector.broadcast %shift_left3A_141 : i32 to vector<16xi32>
        %shift_left3A_143 = arith.shli %bitcast3A_140, %shift_left3A_142 : vector<16xi32>
        %bitcast3A_144 = vector.bitcast %shift_left3A_143 : vector<16xi32> to vector<16xf32>
        %swap3A_145 = arith.index_cast %add3A_136 : i32 to index
        %swap3A_146 = tpu.vector_load %arg11[%swap3A_145] {strides = array<i32>} : memref<2000xf32, #tpu.memory_space<vmem>>, vector<16xf32>,
        tpu.vector_store %arg11[%swap3A_145], %bitcast3A_144 {strides = array<i32>} : memref<2000xf32, #tpu.memory_space<vmem>>, vector<16xf32>,
        %and3A_147 = arith.andi %bitcast3A_140, %broadcast_in_dim3A_17 : vector<16xi32>
        %bitcast3A_148 = vector.bitcast %and3A_147 : vector<16xi32> to vector<16xf32>
        %swap3A_149 = arith.index_cast %add3A_136 : i32 to index
        %swap3A_150 = tpu.vector_load %arg13[%swap3A_149] {strides = array<i32>} : memref<2000xf32, #tpu.memory_space<vmem>>, vector<16xf32>,
        tpu.vector_store %arg13[%swap3A_149], %bitcast3A_148 {strides = array<i32>} : memref<2000xf32, #tpu.memory_space<vmem>>, vector<16xf32>,
        %mul3A_151 = arith.constant 80 : i32
        %mul3A_152 = arith.muli %scan3A_119, %mul3A_151 : i32
        %add3A_153 = arith.constant 32 : i32
        %add3A_154 = arith.addi %mul3A_152, %add3A_153 : i32
        %get3A_155 = arith.index_cast %add3A_154 : i32 to index
        %get3A_156 = tpu.vector_load %arg7[%get3A_155] {strides = array<i32>} : memref<2000xi32, #tpu.memory_space<vmem>>, vector<16xi32>,
        %gather3A_157 = tpu.vector_load_idx %arg15[%get3A_156] : memref<101888xf32, #tpu.memory_space<vmem>>[vector<16xi32>], vector<16xf32>,
        %bitcast3A_158 = vector.bitcast %gather3A_157 : vector<16xf32> to vector<16xi32>
        %shift_left3A_159 = arith.constant 16 : i32
        %shift_left3A_160 = vector.broadcast %shift_left3A_159 : i32 to vector<16xi32>
        %shift_left3A_161 = arith.shli %bitcast3A_158, %shift_left3A_160 : vector<16xi32>
        %bitcast3A_162 = vector.bitcast %shift_left3A_161 : vector<16xi32> to vector<16xf32>
        %swap3A_163 = arith.index_cast %add3A_154 : i32 to index
        %swap3A_164 = tpu.vector_load %arg11[%swap3A_163] {strides = array<i32>} : memref<2000xf32, #tpu.memory_space<vmem>>, vector<16xf32>,
        tpu.vector_store %arg11[%swap3A_163], %bitcast3A_162 {strides = array<i32>} : memref<2000xf32, #tpu.memory_space<vmem>>, vector<16xf32>,
        %and3A_165 = arith.andi %bitcast3A_158, %broadcast_in_dim3A_17 : vector<16xi32>
        %bitcast3A_166 = vector.bitcast %and3A_165 : vector<16xi32> to vector<16xf32>
        %swap3A_167 = arith.index_cast %add3A_154 : i32 to index
        %swap3A_168 = tpu.vector_load %arg13[%swap3A_167] {strides = array<i32>} : memref<2000xf32, #tpu.memory_space<vmem>>, vector<16xf32>,
        tpu.vector_store %arg13[%swap3A_167], %bitcast3A_166 {strides = array<i32>} : memref<2000xf32, #tpu.memory_space<vmem>>, vector<16xf32>,
        %mul3A_169 = arith.constant 80 : i32
        %mul3A_170 = arith.muli %scan3A_119, %mul3A_169 : i32
        %add3A_171 = arith.constant 48 : i32
        %add3A_172 = arith.addi %mul3A_170, %add3A_171 : i32
        %get3A_173 = arith.index_cast %add3A_172 : i32 to index
        %get3A_174 = tpu.vector_load %arg7[%get3A_173] {strides = array<i32>} : memref<2000xi32, #tpu.memory_space<vmem>>, vector<16xi32>,
        %gather3A_175 = tpu.vector_load_idx %arg15[%get3A_174] : memref<101888xf32, #tpu.memory_space<vmem>>[vector<16xi32>], vector<16xf32>,
        %bitcast3A_176 = vector.bitcast %gather3A_175 : vector<16xf32> to vector<16xi32>
        %shift_left3A_177 = arith.constant 16 : i32
        %shift_left3A_178 = vector.broadcast %shift_left3A_177 : i32 to vector<16xi32>
        %shift_left3A_179 = arith.shli %bitcast3A_176, %shift_left3A_178 : vector<16xi32>
        %bitcast3A_180 = vector.bitcast %shift_left3A_179 : vector<16xi32> to vector<16xf32>
        %swap3A_181 = arith.index_cast %add3A_172 : i32 to index
        %swap3A_182 = tpu.vector_load %arg11[%swap3A_181] {strides = array<i32>} : memref<2000xf32, #tpu.memory_space<vmem>>, vector<16xf32>,
        tpu.vector_store %arg11[%swap3A_181], %bitcast3A_180 {strides = array<i32>} : memref<2000xf32, #tpu.memory_space<vmem>>, vector<16xf32>,
        %and3A_183 = arith.andi %bitcast3A_176, %broadcast_in_dim3A_17 : vector<16xi32>
        %bitcast3A_184 = vector.bitcast %and3A_183 : vector<16xi32> to vector<16xf32>
        %swap3A_185 = arith.index_cast %add3A_172 : i32 to index
        %swap3A_186 = tpu.vector_load %arg13[%swap3A_185] {strides = array<i32>} : memref<2000xf32, #tpu.memory_space<vmem>>, vector<16xf32>,
        tpu.vector_store %arg13[%swap3A_185], %bitcast3A_184 {strides = array<i32>} : memref<2000xf32, #tpu.memory_space<vmem>>, vector<16xf32>,
        %mul3A_187 = arith.constant 80 : i32
        %mul3A_188 = arith.muli %scan3A_119, %mul3A_187 : i32
        %add3A_189 = arith.constant 64 : i32
        %add3A_190 = arith.addi %mul3A_188, %add3A_189 : i32
        %get3A_191 = arith.index_cast %add3A_190 : i32 to index
        %get3A_192 = tpu.vector_load %arg7[%get3A_191] {strides = array<i32>} : memref<2000xi32, #tpu.memory_space<vmem>>, vector<16xi32>,
        %gather3A_193 = tpu.vector_load_idx %arg15[%get3A_192] : memref<101888xf32, #tpu.memory_space<vmem>>[vector<16xi32>], vector<16xf32>,
        %bitcast3A_194 = vector.bitcast %gather3A_193 : vector<16xf32> to vector<16xi32>
        %shift_left3A_195 = arith.constant 16 : i32
        %shift_left3A_196 = vector.broadcast %shift_left3A_195 : i32 to vector<16xi32>
        %shift_left3A_197 = arith.shli %bitcast3A_194, %shift_left3A_196 : vector<16xi32>
        %bitcast3A_198 = vector.bitcast %shift_left3A_197 : vector<16xi32> to vector<16xf32>
        %swap3A_199 = arith.index_cast %add3A_190 : i32 to index
        %swap3A_200 = tpu.vector_load %arg11[%swap3A_199] {strides = array<i32>} : memref<2000xf32, #tpu.memory_space<vmem>>, vector<16xf32>,
        tpu.vector_store %arg11[%swap3A_199], %bitcast3A_198 {strides = array<i32>} : memref<2000xf32, #tpu.memory_space<vmem>>, vector<16xf32>,
        %and3A_201 = arith.andi %bitcast3A_194, %broadcast_in_dim3A_17 : vector<16xi32>
        %bitcast3A_202 = vector.bitcast %and3A_201 : vector<16xi32> to vector<16xf32>
        %swap3A_203 = arith.index_cast %add3A_190 : i32 to index
        %swap3A_204 = tpu.vector_load %arg13[%swap3A_203] {strides = array<i32>} : memref<2000xf32, #tpu.memory_space<vmem>>, vector<16xf32>,
        tpu.vector_store %arg13[%swap3A_203], %bitcast3A_202 {strides = array<i32>} : memref<2000xf32, #tpu.memory_space<vmem>>, vector<16xf32>,
        %scan3A_205 = arith.constant 0 : i32
        scf.yield %scan3A_205 : i32
      }
      %scan3A_80 = arith.constant 25 : i32
      %dma_start3A_81 = arith.constant 0 : i32
      %dma_start3A_82 = tpu.memref_slice %arg16[%dma_start3A_81] : memref<101888xf32, #tpu.memory_space<vmem_shared>> -> memref<101888xf32, #tpu.memory_space<vmem_shared>>
      tpu.enqueue_indirect_dma source(%arg11 : memref<2000xf32, #tpu.memory_space<vmem>>) target(%dma_start3A_82 : memref<101888xf32, #tpu.memory_space<vmem_shared>>) offsets(%arg9 : memref<2000xi32, #tpu.memory_space<vmem>>) semaphore(%arg20 : memref<!tpu.dma_semaphore, #tpu.memory_space<semaphore_mem>>) {add = true}
      %dma_start3A_83 = arith.constant 0 : i32
      %dma_start3A_84 = tpu.memref_slice %arg17[%dma_start3A_83] : memref<101888xf32, #tpu.memory_space<vmem_shared>> -> memref<101888xf32, #tpu.memory_space<vmem_shared>>
      tpu.enqueue_indirect_dma source(%arg13 : memref<2000xf32, #tpu.memory_space<vmem>>) target(%dma_start3A_84 : memref<101888xf32, #tpu.memory_space<vmem_shared>>) offsets(%arg9 : memref<2000xi32, #tpu.memory_space<vmem>>) semaphore(%arg20 : memref<!tpu.dma_semaphore, #tpu.memory_space<semaphore_mem>>) {add = true}
      %mul3A_85 = arith.constant 2 : i32
      %mul3A_86 = arith.muli %mul3A_85, %scan3A_56 : i32
      %add3A_87 = arith.constant 1 : i32
      %add3A_88 = arith.addi %mul3A_86, %add3A_87 : i32
      %mul3A_89 = arith.constant 200000 : i32
      %mul3A_90 = arith.muli %add3A, %mul3A_89 : i32
      %mul3A_91 = arith.constant 2000 : i32
      %mul3A_92 = arith.muli %add3A_88, %mul3A_91 : i32
      %add3A_93 = arith.addi %mul3A_90, %mul3A_92 : i32
      %gt3A_94 = arith.constant 0 : i32
      %gt3A_95 = arith.cmpi sgt, %scan3A_56, %gt3A_94 : i32
      %convert_element_type3A_96 = arith.extui %gt3A_95 : i1 to i32
      %cond3A_97 = arith.constant 0 : i32
      %cond3A_98 = arith.cmpi ne, %convert_element_type3A_96, %cond3A_97 : i32
      scf.if %cond3A_98 {
        %dma_wait3A_119 = arith.constant 0 : i32
        %dma_wait3A_120 = tpu.memref_slice %arg16[%dma_wait3A_119] : memref<101888xf32, #tpu.memory_space<vmem_shared>> -> memref<101888xf32, #tpu.memory_space<vmem_shared>>
        tpu.wait_indirect_dma semaphore(%arg21 : memref<!tpu.dma_semaphore, #tpu.memory_space<semaphore_mem>>) src(%arg12 : memref<2000xf32, #tpu.memory_space<vmem>>) dst(%dma_wait3A_120 : memref<101888xf32, #tpu.memory_space<vmem_shared>>)
        %dma_wait3A_121 = arith.constant 0 : i32
        %dma_wait3A_122 = tpu.memref_slice %arg17[%dma_wait3A_121] : memref<101888xf32, #tpu.memory_space<vmem_shared>> -> memref<101888xf32, #tpu.memory_space<vmem_shared>>
        tpu.wait_indirect_dma semaphore(%arg21 : memref<!tpu.dma_semaphore, #tpu.memory_space<semaphore_mem>>) src(%arg14 : memref<2000xf32, #tpu.memory_space<vmem>>) dst(%dma_wait3A_122 : memref<101888xf32, #tpu.memory_space<vmem_shared>>)
      } else {
      }
      %dma_start3A_99 = tpu.memref_slice %arg2[%add3A_93] : memref<6400000xi32, #tpu.memory_space<hbm>> -> memref<2000xi32, #tpu.memory_space<hbm>>
      %dma_start3A_100 = tpu.memref_slice %arg2[%add3A_93] : memref<6400000xi32, #tpu.memory_space<hbm>> -> memref<2000xi32, #tpu.memory_space<hbm>>
      tpu.enqueue_dma source(%dma_start3A_100 : memref<2000xi32, #tpu.memory_space<hbm>>) target(%arg8 : memref<2000xi32, #tpu.memory_space<vmem>>) target_semaphore(%arg19 : memref<!tpu.dma_semaphore, #tpu.memory_space<semaphore_mem>>)
      %dma_start3A_101 = tpu.memref_slice %arg3[%add3A_93] : memref<6400000xi32, #tpu.memory_space<hbm>> -> memref<2000xi32, #tpu.memory_space<hbm>>
      %dma_start3A_102 = tpu.memref_slice %arg3[%add3A_93] : memref<6400000xi32, #tpu.memory_space<hbm>> -> memref<2000xi32, #tpu.memory_space<hbm>>
      tpu.enqueue_dma source(%dma_start3A_102 : memref<2000xi32, #tpu.memory_space<hbm>>) target(%arg10 : memref<2000xi32, #tpu.memory_space<vmem>>) target_semaphore(%arg19 : memref<!tpu.dma_semaphore, #tpu.memory_space<semaphore_mem>>)
      %dma_wait3A_103 = tpu.memref_slice %arg2[%add3A_93] : memref<6400000xi32, #tpu.memory_space<hbm>> -> memref<2000xi32, #tpu.memory_space<hbm>>
      %dma_wait3A_104 = tpu.memref_slice %arg2[%add3A_93] : memref<6400000xi32, #tpu.memory_space<hbm>> -> memref<2000xi32, #tpu.memory_space<hbm>>
      tpu.wait_dma2 semaphore(%arg19 : memref<!tpu.dma_semaphore, #tpu.memory_space<semaphore_mem>>) src(%dma_wait3A_104 : memref<2000xi32, #tpu.memory_space<hbm>>) dst(%arg8 : memref<2000xi32, #tpu.memory_space<vmem>>)
      %dma_wait3A_105 = tpu.memref_slice %arg3[%add3A_93] : memref<6400000xi32, #tpu.memory_space<hbm>> -> memref<2000xi32, #tpu.memory_space<hbm>>
      %dma_wait3A_106 = tpu.memref_slice %arg3[%add3A_93] : memref<6400000xi32, #tpu.memory_space<hbm>> -> memref<2000xi32, #tpu.memory_space<hbm>>
      tpu.wait_dma2 semaphore(%arg19 : memref<!tpu.dma_semaphore, #tpu.memory_space<semaphore_mem>>) src(%dma_wait3A_106 : memref<2000xi32, #tpu.memory_space<hbm>>) dst(%arg10 : memref<2000xi32, #tpu.memory_space<vmem>>)
      %scan3A_107 = arith.constant 0 : i32
      %scan3A_108 = arith.constant 0 : i32
      %scan3A_109 = arith.constant 25 : i32
      %scan3A_110 = arith.addi %scan3A_108, %scan3A_109 : i32
      %scan3A_111 = arith.constant 1 : i32
      %scan3A_112 = scf.for %scan3A_119 = %scan3A_108 to %scan3A_110 step %scan3A_111 iter_args(%scan3A_120 = %scan3A_107) -> (i32)  : i32 {
        %mul3A_121 = arith.constant 80 : i32
        %mul3A_122 = arith.muli %scan3A_119, %mul3A_121 : i32
        %add3A_123 = arith.constant 0 : i32
        %add3A_124 = arith.addi %mul3A_122, %add3A_123 : i32
        %get3A = arith.index_cast %add3A_124 : i32 to index
        %get3A_125 = tpu.vector_load %arg8[%get3A] {strides = array<i32>} : memref<2000xi32, #tpu.memory_space<vmem>>, vector<16xi32>,
        %gather3A = tpu.vector_load_idx %arg15[%get3A_125] : memref<101888xf32, #tpu.memory_space<vmem>>[vector<16xi32>], vector<16xf32>,
        %bitcast3A = vector.bitcast %gather3A : vector<16xf32> to vector<16xi32>
        %shift_left3A = arith.constant 16 : i32
        %shift_left3A_126 = vector.broadcast %shift_left3A : i32 to vector<16xi32>
        %shift_left3A_127 = arith.shli %bitcast3A, %shift_left3A_126 : vector<16xi32>
        %bitcast3A_128 = vector.bitcast %shift_left3A_127 : vector<16xi32> to vector<16xf32>
        %swap3A = arith.index_cast %add3A_124 : i32 to index
        %swap3A_129 = tpu.vector_load %arg12[%swap3A] {strides = array<i32>} : memref<2000xf32, #tpu.memory_space<vmem>>, vector<16xf32>,
        tpu.vector_store %arg12[%swap3A], %bitcast3A_128 {strides = array<i32>} : memref<2000xf32, #tpu.memory_space<vmem>>, vector<16xf32>,
        %and3A = arith.andi %bitcast3A, %broadcast_in_dim3A_17 : vector<16xi32>
        %bitcast3A_130 = vector.bitcast %and3A : vector<16xi32> to vector<16xf32>
        %swap3A_131 = arith.index_cast %add3A_124 : i32 to index
        %swap3A_132 = tpu.vector_load %arg14[%swap3A_131] {strides = array<i32>} : memref<2000xf32, #tpu.memory_space<vmem>>, vector<16xf32>,
        tpu.vector_store %arg14[%swap3A_131], %bitcast3A_130 {strides = array<i32>} : memref<2000xf32, #tpu.memory_space<vmem>>, vector<16xf32>,
        %mul3A_133 = arith.constant 80 : i32
        %mul3A_134 = arith.muli %scan3A_119, %mul3A_133 : i32
        %add3A_135 = arith.constant 16 : i32
        %add3A_136 = arith.addi %mul3A_134, %add3A_135 : i32
        %get3A_137 = arith.index_cast %add3A_136 : i32 to index
        %get3A_138 = tpu.vector_load %arg8[%get3A_137] {strides = array<i32>} : memref<2000xi32, #tpu.memory_space<vmem>>, vector<16xi32>,
        %gather3A_139 = tpu.vector_load_idx %arg15[%get3A_138] : memref<101888xf32, #tpu.memory_space<vmem>>[vector<16xi32>], vector<16xf32>,
        %bitcast3A_140 = vector.bitcast %gather3A_139 : vector<16xf32> to vector<16xi32>
        %shift_left3A_141 = arith.constant 16 : i32
        %shift_left3A_142 = vector.broadcast %shift_left3A_141 : i32 to vector<16xi32>
        %shift_left3A_143 = arith.shli %bitcast3A_140, %shift_left3A_142 : vector<16xi32>
        %bitcast3A_144 = vector.bitcast %shift_left3A_143 : vector<16xi32> to vector<16xf32>
        %swap3A_145 = arith.index_cast %add3A_136 : i32 to index
        %swap3A_146 = tpu.vector_load %arg12[%swap3A_145] {strides = array<i32>} : memref<2000xf32, #tpu.memory_space<vmem>>, vector<16xf32>,
        tpu.vector_store %arg12[%swap3A_145], %bitcast3A_144 {strides = array<i32>} : memref<2000xf32, #tpu.memory_space<vmem>>, vector<16xf32>,
        %and3A_147 = arith.andi %bitcast3A_140, %broadcast_in_dim3A_17 : vector<16xi32>
        %bitcast3A_148 = vector.bitcast %and3A_147 : vector<16xi32> to vector<16xf32>
        %swap3A_149 = arith.index_cast %add3A_136 : i32 to index
        %swap3A_150 = tpu.vector_load %arg14[%swap3A_149] {strides = array<i32>} : memref<2000xf32, #tpu.memory_space<vmem>>, vector<16xf32>,
        tpu.vector_store %arg14[%swap3A_149], %bitcast3A_148 {strides = array<i32>} : memref<2000xf32, #tpu.memory_space<vmem>>, vector<16xf32>,
        %mul3A_151 = arith.constant 80 : i32
        %mul3A_152 = arith.muli %scan3A_119, %mul3A_151 : i32
        %add3A_153 = arith.constant 32 : i32
        %add3A_154 = arith.addi %mul3A_152, %add3A_153 : i32
        %get3A_155 = arith.index_cast %add3A_154 : i32 to index
        %get3A_156 = tpu.vector_load %arg8[%get3A_155] {strides = array<i32>} : memref<2000xi32, #tpu.memory_space<vmem>>, vector<16xi32>,
        %gather3A_157 = tpu.vector_load_idx %arg15[%get3A_156] : memref<101888xf32, #tpu.memory_space<vmem>>[vector<16xi32>], vector<16xf32>,
        %bitcast3A_158 = vector.bitcast %gather3A_157 : vector<16xf32> to vector<16xi32>
        %shift_left3A_159 = arith.constant 16 : i32
        %shift_left3A_160 = vector.broadcast %shift_left3A_159 : i32 to vector<16xi32>
        %shift_left3A_161 = arith.shli %bitcast3A_158, %shift_left3A_160 : vector<16xi32>
        %bitcast3A_162 = vector.bitcast %shift_left3A_161 : vector<16xi32> to vector<16xf32>
        %swap3A_163 = arith.index_cast %add3A_154 : i32 to index
        %swap3A_164 = tpu.vector_load %arg12[%swap3A_163] {strides = array<i32>} : memref<2000xf32, #tpu.memory_space<vmem>>, vector<16xf32>,
        tpu.vector_store %arg12[%swap3A_163], %bitcast3A_162 {strides = array<i32>} : memref<2000xf32, #tpu.memory_space<vmem>>, vector<16xf32>,
        %and3A_165 = arith.andi %bitcast3A_158, %broadcast_in_dim3A_17 : vector<16xi32>
        %bitcast3A_166 = vector.bitcast %and3A_165 : vector<16xi32> to vector<16xf32>
        %swap3A_167 = arith.index_cast %add3A_154 : i32 to index
        %swap3A_168 = tpu.vector_load %arg14[%swap3A_167] {strides = array<i32>} : memref<2000xf32, #tpu.memory_space<vmem>>, vector<16xf32>,
        tpu.vector_store %arg14[%swap3A_167], %bitcast3A_166 {strides = array<i32>} : memref<2000xf32, #tpu.memory_space<vmem>>, vector<16xf32>,
        %mul3A_169 = arith.constant 80 : i32
        %mul3A_170 = arith.muli %scan3A_119, %mul3A_169 : i32
        %add3A_171 = arith.constant 48 : i32
        %add3A_172 = arith.addi %mul3A_170, %add3A_171 : i32
        %get3A_173 = arith.index_cast %add3A_172 : i32 to index
        %get3A_174 = tpu.vector_load %arg8[%get3A_173] {strides = array<i32>} : memref<2000xi32, #tpu.memory_space<vmem>>, vector<16xi32>,
        %gather3A_175 = tpu.vector_load_idx %arg15[%get3A_174] : memref<101888xf32, #tpu.memory_space<vmem>>[vector<16xi32>], vector<16xf32>,
        %bitcast3A_176 = vector.bitcast %gather3A_175 : vector<16xf32> to vector<16xi32>
        %shift_left3A_177 = arith.constant 16 : i32
        %shift_left3A_178 = vector.broadcast %shift_left3A_177 : i32 to vector<16xi32>
        %shift_left3A_179 = arith.shli %bitcast3A_176, %shift_left3A_178 : vector<16xi32>
        %bitcast3A_180 = vector.bitcast %shift_left3A_179 : vector<16xi32> to vector<16xf32>
        %swap3A_181 = arith.index_cast %add3A_172 : i32 to index
        %swap3A_182 = tpu.vector_load %arg12[%swap3A_181] {strides = array<i32>} : memref<2000xf32, #tpu.memory_space<vmem>>, vector<16xf32>,
        tpu.vector_store %arg12[%swap3A_181], %bitcast3A_180 {strides = array<i32>} : memref<2000xf32, #tpu.memory_space<vmem>>, vector<16xf32>,
        %and3A_183 = arith.andi %bitcast3A_176, %broadcast_in_dim3A_17 : vector<16xi32>
        %bitcast3A_184 = vector.bitcast %and3A_183 : vector<16xi32> to vector<16xf32>
        %swap3A_185 = arith.index_cast %add3A_172 : i32 to index
        %swap3A_186 = tpu.vector_load %arg14[%swap3A_185] {strides = array<i32>} : memref<2000xf32, #tpu.memory_space<vmem>>, vector<16xf32>,
        tpu.vector_store %arg14[%swap3A_185], %bitcast3A_184 {strides = array<i32>} : memref<2000xf32, #tpu.memory_space<vmem>>, vector<16xf32>,
        %mul3A_187 = arith.constant 80 : i32
        %mul3A_188 = arith.muli %scan3A_119, %mul3A_187 : i32
        %add3A_189 = arith.constant 64 : i32
        %add3A_190 = arith.addi %mul3A_188, %add3A_189 : i32
        %get3A_191 = arith.index_cast %add3A_190 : i32 to index
        %get3A_192 = tpu.vector_load %arg8[%get3A_191] {strides = array<i32>} : memref<2000xi32, #tpu.memory_space<vmem>>, vector<16xi32>,
        %gather3A_193 = tpu.vector_load_idx %arg15[%get3A_192] : memref<101888xf32, #tpu.memory_space<vmem>>[vector<16xi32>], vector<16xf32>,
        %bitcast3A_194 = vector.bitcast %gather3A_193 : vector<16xf32> to vector<16xi32>
        %shift_left3A_195 = arith.constant 16 : i32
        %shift_left3A_196 = vector.broadcast %shift_left3A_195 : i32 to vector<16xi32>
        %shift_left3A_197 = arith.shli %bitcast3A_194, %shift_left3A_196 : vector<16xi32>
        %bitcast3A_198 = vector.bitcast %shift_left3A_197 : vector<16xi32> to vector<16xf32>
        %swap3A_199 = arith.index_cast %add3A_190 : i32 to index
        %swap3A_200 = tpu.vector_load %arg12[%swap3A_199] {strides = array<i32>} : memref<2000xf32, #tpu.memory_space<vmem>>, vector<16xf32>,
        tpu.vector_store %arg12[%swap3A_199], %bitcast3A_198 {strides = array<i32>} : memref<2000xf32, #tpu.memory_space<vmem>>, vector<16xf32>,
        %and3A_201 = arith.andi %bitcast3A_194, %broadcast_in_dim3A_17 : vector<16xi32>
        %bitcast3A_202 = vector.bitcast %and3A_201 : vector<16xi32> to vector<16xf32>
        %swap3A_203 = arith.index_cast %add3A_190 : i32 to index
        %swap3A_204 = tpu.vector_load %arg14[%swap3A_203] {strides = array<i32>} : memref<2000xf32, #tpu.memory_space<vmem>>, vector<16xf32>,
        tpu.vector_store %arg14[%swap3A_203], %bitcast3A_202 {strides = array<i32>} : memref<2000xf32, #tpu.memory_space<vmem>>, vector<16xf32>,
        %scan3A_205 = arith.constant 0 : i32
        scf.yield %scan3A_205 : i32
      }
      %scan3A_113 = arith.constant 25 : i32
      %dma_start3A_114 = arith.constant 0 : i32
      %dma_start3A_115 = tpu.memref_slice %arg16[%dma_start3A_114] : memref<101888xf32, #tpu.memory_space<vmem_shared>> -> memref<101888xf32, #tpu.memory_space<vmem_shared>>
      tpu.enqueue_indirect_dma source(%arg12 : memref<2000xf32, #tpu.memory_space<vmem>>) target(%dma_start3A_115 : memref<101888xf32, #tpu.memory_space<vmem_shared>>) offsets(%arg10 : memref<2000xi32, #tpu.memory_space<vmem>>) semaphore(%arg21 : memref<!tpu.dma_semaphore, #tpu.memory_space<semaphore_mem>>) {add = true}
      %dma_start3A_116 = arith.constant 0 : i32
      %dma_start3A_117 = tpu.memref_slice %arg17[%dma_start3A_116] : memref<101888xf32, #tpu.memory_space<vmem_shared>> -> memref<101888xf32, #tpu.memory_space<vmem_shared>>
      tpu.enqueue_indirect_dma source(%arg14 : memref<2000xf32, #tpu.memory_space<vmem>>) target(%dma_start3A_117 : memref<101888xf32, #tpu.memory_space<vmem_shared>>) offsets(%arg10 : memref<2000xi32, #tpu.memory_space<vmem>>) semaphore(%arg21 : memref<!tpu.dma_semaphore, #tpu.memory_space<semaphore_mem>>) {add = true}
      %scan3A_118 = arith.constant 0 : i32
      scf.yield %scan3A_118 : i32
    }
    %scan3A_23 = arith.constant 50 : i32
    %dma_wait3A = arith.constant 0 : i32
    %dma_wait3A_24 = tpu.memref_slice %arg16[%dma_wait3A] : memref<101888xf32, #tpu.memory_space<vmem_shared>> -> memref<101888xf32, #tpu.memory_space<vmem_shared>>
    tpu.wait_indirect_dma semaphore(%arg20 : memref<!tpu.dma_semaphore, #tpu.memory_space<semaphore_mem>>) src(%arg11 : memref<2000xf32, #tpu.memory_space<vmem>>) dst(%dma_wait3A_24 : memref<101888xf32, #tpu.memory_space<vmem_shared>>)
    %dma_wait3A_25 = arith.constant 0 : i32
    %dma_wait3A_26 = tpu.memref_slice %arg17[%dma_wait3A_25] : memref<101888xf32, #tpu.memory_space<vmem_shared>> -> memref<101888xf32, #tpu.memory_space<vmem_shared>>
    tpu.wait_indirect_dma semaphore(%arg20 : memref<!tpu.dma_semaphore, #tpu.memory_space<semaphore_mem>>) src(%arg13 : memref<2000xf32, #tpu.memory_space<vmem>>) dst(%dma_wait3A_26 : memref<101888xf32, #tpu.memory_space<vmem_shared>>)
    %dma_wait3A_27 = arith.constant 0 : i32
    %dma_wait3A_28 = tpu.memref_slice %arg16[%dma_wait3A_27] : memref<101888xf32, #tpu.memory_space<vmem_shared>> -> memref<101888xf32, #tpu.memory_space<vmem_shared>>
    tpu.wait_indirect_dma semaphore(%arg21 : memref<!tpu.dma_semaphore, #tpu.memory_space<semaphore_mem>>) src(%arg12 : memref<2000xf32, #tpu.memory_space<vmem>>) dst(%dma_wait3A_28 : memref<101888xf32, #tpu.memory_space<vmem_shared>>)
    %dma_wait3A_29 = arith.constant 0 : i32
    %dma_wait3A_30 = tpu.memref_slice %arg17[%dma_wait3A_29] : memref<101888xf32, #tpu.memory_space<vmem_shared>> -> memref<101888xf32, #tpu.memory_space<vmem_shared>>
    tpu.wait_indirect_dma semaphore(%arg21 : memref<!tpu.dma_semaphore, #tpu.memory_space<semaphore_mem>>) src(%arg14 : memref<2000xf32, #tpu.memory_space<vmem>>) dst(%dma_wait3A_30 : memref<101888xf32, #tpu.memory_space<vmem_shared>>)
    %barrier3A_31 = arith.constant 0 : index
    tpu.barrier barrier_id(%barrier3A_31)
    %mul3A_32 = arith.constant 6368 : i32
    %mul3A_33 = arith.muli %arg1, %mul3A_32 : i32
    %add3A_34 = arith.constant 0 : i32
    %add3A_35 = arith.addi %mul3A_33, %add3A_34 : i32
    "tpu.region"() ({
      %run_scoped3A_56 = tpu.sem_alloc : memref<!tpu.dma_semaphore, #tpu.memory_space<semaphore_mem>>
      %dma_start3A = arith.constant 0 : i32
      %dma_start3A_57 = tpu.memref_slice %arg11[%dma_start3A] : memref<2000xf32, #tpu.memory_space<vmem>> -> memref<1592xf32, #tpu.memory_space<vmem>>
      %dma_start3A_58 = tpu.memref_slice %arg16[%add3A_35] : memref<101888xf32, #tpu.memory_space<vmem_shared>> -> memref<1592xf32, #tpu.memory_space<vmem_shared>>
      %dma_start3A_59 = arith.constant 0 : i32
      %dma_start3A_60 = tpu.memref_slice %arg11[%dma_start3A_59] : memref<2000xf32, #tpu.memory_space<vmem>> -> memref<1592xf32, #tpu.memory_space<vmem>>
      %dma_start3A_61 = tpu.memref_slice %arg16[%add3A_35] : memref<101888xf32, #tpu.memory_space<vmem_shared>> -> memref<1592xf32, #tpu.memory_space<vmem_shared>>
      tpu.enqueue_dma source(%dma_start3A_61 : memref<1592xf32, #tpu.memory_space<vmem_shared>>) target(%dma_start3A_60 : memref<1592xf32, #tpu.memory_space<vmem>>) target_semaphore(%run_scoped3A_56 : memref<!tpu.dma_semaphore, #tpu.memory_space<semaphore_mem>>)
      %dma_wait3A_62 = arith.constant 0 : i32
      %dma_wait3A_63 = tpu.memref_slice %arg11[%dma_wait3A_62] : memref<2000xf32, #tpu.memory_space<vmem>> -> memref<1592xf32, #tpu.memory_space<vmem>>
      %dma_wait3A_64 = tpu.memref_slice %arg16[%add3A_35] : memref<101888xf32, #tpu.memory_space<vmem_shared>> -> memref<1592xf32, #tpu.memory_space<vmem_shared>>
      %dma_wait3A_65 = arith.constant 0 : i32
      %dma_wait3A_66 = tpu.memref_slice %arg11[%dma_wait3A_65] : memref<2000xf32, #tpu.memory_space<vmem>> -> memref<1592xf32, #tpu.memory_space<vmem>>
      %dma_wait3A_67 = tpu.memref_slice %arg16[%add3A_35] : memref<101888xf32, #tpu.memory_space<vmem_shared>> -> memref<1592xf32, #tpu.memory_space<vmem_shared>>
      tpu.wait_dma2 semaphore(%run_scoped3A_56 : memref<!tpu.dma_semaphore, #tpu.memory_space<semaphore_mem>>) src(%dma_wait3A_67 : memref<1592xf32, #tpu.memory_space<vmem_shared>>) dst(%dma_wait3A_66 : memref<1592xf32, #tpu.memory_space<vmem>>)
      tpu.yield
    }) : () -> ()
    %run_scoped3A = arith.constant 0 : i32
    "tpu.region"() ({
      %run_scoped3A_56 = tpu.sem_alloc : memref<!tpu.dma_semaphore, #tpu.memory_space<semaphore_mem>>
      %dma_start3A = arith.constant 0 : i32
      %dma_start3A_57 = tpu.memref_slice %arg11[%dma_start3A] : memref<2000xf32, #tpu.memory_space<vmem>> -> memref<1592xf32, #tpu.memory_space<vmem>>
      %dma_start3A_58 = tpu.memref_slice %arg6[%arg0, %run_scoped3A, %add3A_35] : memref<2x2x101888xf32, #tpu.memory_space<hbm>> -> memref<1x1x1592xf32, #tpu.memory_space<hbm>>
      %dma_start3A_59 = tpu.memref_squeeze %dma_start3A_58 : memref<1x1x1592xf32, #tpu.memory_space<hbm>> -> memref<1592xf32, #tpu.memory_space<hbm>>
      %dma_start3A_60 = tpu.memref_slice %arg6[%arg0, %run_scoped3A, %add3A_35] : memref<2x2x101888xf32, #tpu.memory_space<hbm>> -> memref<1x1x1592xf32, #tpu.memory_space<hbm>>
      %dma_start3A_61 = tpu.memref_squeeze %dma_start3A_60 : memref<1x1x1592xf32, #tpu.memory_space<hbm>> -> memref<1592xf32, #tpu.memory_space<hbm>>
      %dma_start3A_62 = arith.constant 0 : i32
      %dma_start3A_63 = tpu.memref_slice %arg11[%dma_start3A_62] : memref<2000xf32, #tpu.memory_space<vmem>> -> memref<1592xf32, #tpu.memory_space<vmem>>
      tpu.enqueue_dma source(%dma_start3A_63 : memref<1592xf32, #tpu.memory_space<vmem>>) target(%dma_start3A_61 : memref<1592xf32, #tpu.memory_space<hbm>>) target_semaphore(%run_scoped3A_56 : memref<!tpu.dma_semaphore, #tpu.memory_space<semaphore_mem>>)
      %dma_wait3A_64 = arith.constant 0 : i32
      %dma_wait3A_65 = tpu.memref_slice %arg11[%dma_wait3A_64] : memref<2000xf32, #tpu.memory_space<vmem>> -> memref<1592xf32, #tpu.memory_space<vmem>>
      %dma_wait3A_66 = tpu.memref_slice %arg6[%arg0, %run_scoped3A, %add3A_35] : memref<2x2x101888xf32, #tpu.memory_space<hbm>> -> memref<1x1x1592xf32, #tpu.memory_space<hbm>>
      %dma_wait3A_67 = tpu.memref_squeeze %dma_wait3A_66 : memref<1x1x1592xf32, #tpu.memory_space<hbm>> -> memref<1592xf32, #tpu.memory_space<hbm>>
      %dma_wait3A_68 = tpu.memref_slice %arg6[%arg0, %run_scoped3A, %add3A_35] : memref<2x2x101888xf32, #tpu.memory_space<hbm>> -> memref<1x1x1592xf32, #tpu.memory_space<hbm>>
      %dma_wait3A_69 = tpu.memref_squeeze %dma_wait3A_68 : memref<1x1x1592xf32, #tpu.memory_space<hbm>> -> memref<1592xf32, #tpu.memory_space<hbm>>
      %dma_wait3A_70 = arith.constant 0 : i32
      %dma_wait3A_71 = tpu.memref_slice %arg11[%dma_wait3A_70] : memref<2000xf32, #tpu.memory_space<vmem>> -> memref<1592xf32, #tpu.memory_space<vmem>>
      tpu.wait_dma2 semaphore(%run_scoped3A_56 : memref<!tpu.dma_semaphore, #tpu.memory_space<semaphore_mem>>) src(%dma_wait3A_71 : memref<1592xf32, #tpu.memory_space<vmem>>) dst(%dma_wait3A_69 : memref<1592xf32, #tpu.memory_space<hbm>>)
      tpu.yield
    }) : () -> ()
    "tpu.region"() ({
      %run_scoped3A_56 = tpu.sem_alloc : memref<!tpu.dma_semaphore, #tpu.memory_space<semaphore_mem>>
      %dma_start3A = arith.constant 0 : i32
      %dma_start3A_57 = tpu.memref_slice %arg13[%dma_start3A] : memref<2000xf32, #tpu.memory_space<vmem>> -> memref<1592xf32, #tpu.memory_space<vmem>>
      %dma_start3A_58 = tpu.memref_slice %arg17[%add3A_35] : memref<101888xf32, #tpu.memory_space<vmem_shared>> -> memref<1592xf32, #tpu.memory_space<vmem_shared>>
      %dma_start3A_59 = arith.constant 0 : i32
      %dma_start3A_60 = tpu.memref_slice %arg13[%dma_start3A_59] : memref<2000xf32, #tpu.memory_space<vmem>> -> memref<1592xf32, #tpu.memory_space<vmem>>
      %dma_start3A_61 = tpu.memref_slice %arg17[%add3A_35] : memref<101888xf32, #tpu.memory_space<vmem_shared>> -> memref<1592xf32, #tpu.memory_space<vmem_shared>>
      tpu.enqueue_dma source(%dma_start3A_61 : memref<1592xf32, #tpu.memory_space<vmem_shared>>) target(%dma_start3A_60 : memref<1592xf32, #tpu.memory_space<vmem>>) target_semaphore(%run_scoped3A_56 : memref<!tpu.dma_semaphore, #tpu.memory_space<semaphore_mem>>)
      %dma_wait3A_62 = arith.constant 0 : i32
      %dma_wait3A_63 = tpu.memref_slice %arg13[%dma_wait3A_62] : memref<2000xf32, #tpu.memory_space<vmem>> -> memref<1592xf32, #tpu.memory_space<vmem>>
      %dma_wait3A_64 = tpu.memref_slice %arg17[%add3A_35] : memref<101888xf32, #tpu.memory_space<vmem_shared>> -> memref<1592xf32, #tpu.memory_space<vmem_shared>>
      %dma_wait3A_65 = arith.constant 0 : i32
      %dma_wait3A_66 = tpu.memref_slice %arg13[%dma_wait3A_65] : memref<2000xf32, #tpu.memory_space<vmem>> -> memref<1592xf32, #tpu.memory_space<vmem>>
      %dma_wait3A_67 = tpu.memref_slice %arg17[%add3A_35] : memref<101888xf32, #tpu.memory_space<vmem_shared>> -> memref<1592xf32, #tpu.memory_space<vmem_shared>>
      tpu.wait_dma2 semaphore(%run_scoped3A_56 : memref<!tpu.dma_semaphore, #tpu.memory_space<semaphore_mem>>) src(%dma_wait3A_67 : memref<1592xf32, #tpu.memory_space<vmem_shared>>) dst(%dma_wait3A_66 : memref<1592xf32, #tpu.memory_space<vmem>>)
      tpu.yield
    }) : () -> ()
    %run_scoped3A_36 = arith.constant 1 : i32
    "tpu.region"() ({
      %run_scoped3A_56 = tpu.sem_alloc : memref<!tpu.dma_semaphore, #tpu.memory_space<semaphore_mem>>
      %dma_start3A = arith.constant 0 : i32
      %dma_start3A_57 = tpu.memref_slice %arg13[%dma_start3A] : memref<2000xf32, #tpu.memory_space<vmem>> -> memref<1592xf32, #tpu.memory_space<vmem>>
      %dma_start3A_58 = tpu.memref_slice %arg6[%arg0, %run_scoped3A_36, %add3A_35] : memref<2x2x101888xf32, #tpu.memory_space<hbm>> -> memref<1x1x1592xf32, #tpu.memory_space<hbm>>
      %dma_start3A_59 = tpu.memref_squeeze %dma_start3A_58 : memref<1x1x1592xf32, #tpu.memory_space<hbm>> -> memref<1592xf32, #tpu.memory_space<hbm>>
      %dma_start3A_60 = tpu.memref_slice %arg6[%arg0, %run_scoped3A_36, %add3A_35] : memref<2x2x101888xf32, #tpu.memory_space<hbm>> -> memref<1x1x1592xf32, #tpu.memory_space<hbm>>
      %dma_start3A_61 = tpu.memref_squeeze %dma_start3A_60 : memref<1x1x1592xf32, #tpu.memory_space<hbm>> -> memref<1592xf32, #tpu.memory_space<hbm>>
      %dma_start3A_62 = arith.constant 0 : i32
      %dma_start3A_63 = tpu.memref_slice %arg13[%dma_start3A_62] : memref<2000xf32, #tpu.memory_space<vmem>> -> memref<1592xf32, #tpu.memory_space<vmem>>
      tpu.enqueue_dma source(%dma_start3A_63 : memref<1592xf32, #tpu.memory_space<vmem>>) target(%dma_start3A_61 : memref<1592xf32, #tpu.memory_space<hbm>>) target_semaphore(%run_scoped3A_56 : memref<!tpu.dma_semaphore, #tpu.memory_space<semaphore_mem>>)
      %dma_wait3A_64 = arith.constant 0 : i32
      %dma_wait3A_65 = tpu.memref_slice %arg13[%dma_wait3A_64] : memref<2000xf32, #tpu.memory_space<vmem>> -> memref<1592xf32, #tpu.memory_space<vmem>>
      %dma_wait3A_66 = tpu.memref_slice %arg6[%arg0, %run_scoped3A_36, %add3A_35] : memref<2x2x101888xf32, #tpu.memory_space<hbm>> -> memref<1x1x1592xf32, #tpu.memory_space<hbm>>
      %dma_wait3A_67 = tpu.memref_squeeze %dma_wait3A_66 : memref<1x1x1592xf32, #tpu.memory_space<hbm>> -> memref<1592xf32, #tpu.memory_space<hbm>>
      %dma_wait3A_68 = tpu.memref_slice %arg6[%arg0, %run_scoped3A_36, %add3A_35] : memref<2x2x101888xf32, #tpu.memory_space<hbm>> -> memref<1x1x1592xf32, #tpu.memory_space<hbm>>
      %dma_wait3A_69 = tpu.memref_squeeze %dma_wait3A_68 : memref<1x1x1592xf32, #tpu.memory_space<hbm>> -> memref<1592xf32, #tpu.memory_space<hbm>>
      %dma_wait3A_70 = arith.constant 0 : i32
      %dma_wait3A_71 = tpu.memref_slice %arg13[%dma_wait3A_70] : memref<2000xf32, #tpu.memory_space<vmem>> -> memref<1592xf32, #tpu.memory_space<vmem>>
      tpu.wait_dma2 semaphore(%run_scoped3A_56 : memref<!tpu.dma_semaphore, #tpu.memory_space<semaphore_mem>>) src(%dma_wait3A_71 : memref<1592xf32, #tpu.memory_space<vmem>>) dst(%dma_wait3A_69 : memref<1592xf32, #tpu.memory_space<hbm>>)
      tpu.yield
    }) : () -> ()
    %mul3A_37 = arith.constant 6368 : i32
    %mul3A_38 = arith.muli %arg1, %mul3A_37 : i32
    %add3A_39 = arith.constant 1592 : i32
    %add3A_40 = arith.addi %mul3A_38, %add3A_39 : i32
    "tpu.region"() ({
      %run_scoped3A_56 = tpu.sem_alloc : memref<!tpu.dma_semaphore, #tpu.memory_space<semaphore_mem>>
      %dma_start3A = arith.constant 0 : i32
      %dma_start3A_57 = tpu.memref_slice %arg11[%dma_start3A] : memref<2000xf32, #tpu.memory_space<vmem>> -> memref<1592xf32, #tpu.memory_space<vmem>>
      %dma_start3A_58 = tpu.memref_slice %arg16[%add3A_40] : memref<101888xf32, #tpu.memory_space<vmem_shared>> -> memref<1592xf32, #tpu.memory_space<vmem_shared>>
      %dma_start3A_59 = arith.constant 0 : i32
      %dma_start3A_60 = tpu.memref_slice %arg11[%dma_start3A_59] : memref<2000xf32, #tpu.memory_space<vmem>> -> memref<1592xf32, #tpu.memory_space<vmem>>
      %dma_start3A_61 = tpu.memref_slice %arg16[%add3A_40] : memref<101888xf32, #tpu.memory_space<vmem_shared>> -> memref<1592xf32, #tpu.memory_space<vmem_shared>>
      tpu.enqueue_dma source(%dma_start3A_61 : memref<1592xf32, #tpu.memory_space<vmem_shared>>) target(%dma_start3A_60 : memref<1592xf32, #tpu.memory_space<vmem>>) target_semaphore(%run_scoped3A_56 : memref<!tpu.dma_semaphore, #tpu.memory_space<semaphore_mem>>)
      %dma_wait3A_62 = arith.constant 0 : i32
      %dma_wait3A_63 = tpu.memref_slice %arg11[%dma_wait3A_62] : memref<2000xf32, #tpu.memory_space<vmem>> -> memref<1592xf32, #tpu.memory_space<vmem>>
      %dma_wait3A_64 = tpu.memref_slice %arg16[%add3A_40] : memref<101888xf32, #tpu.memory_space<vmem_shared>> -> memref<1592xf32, #tpu.memory_space<vmem_shared>>
      %dma_wait3A_65 = arith.constant 0 : i32
      %dma_wait3A_66 = tpu.memref_slice %arg11[%dma_wait3A_65] : memref<2000xf32, #tpu.memory_space<vmem>> -> memref<1592xf32, #tpu.memory_space<vmem>>
      %dma_wait3A_67 = tpu.memref_slice %arg16[%add3A_40] : memref<101888xf32, #tpu.memory_space<vmem_shared>> -> memref<1592xf32, #tpu.memory_space<vmem_shared>>
      tpu.wait_dma2 semaphore(%run_scoped3A_56 : memref<!tpu.dma_semaphore, #tpu.memory_space<semaphore_mem>>) src(%dma_wait3A_67 : memref<1592xf32, #tpu.memory_space<vmem_shared>>) dst(%dma_wait3A_66 : memref<1592xf32, #tpu.memory_space<vmem>>)
      tpu.yield
    }) : () -> ()
    %run_scoped3A_41 = arith.constant 0 : i32
    "tpu.region"() ({
      %run_scoped3A_56 = tpu.sem_alloc : memref<!tpu.dma_semaphore, #tpu.memory_space<semaphore_mem>>
      %dma_start3A = arith.constant 0 : i32
      %dma_start3A_57 = tpu.memref_slice %arg11[%dma_start3A] : memref<2000xf32, #tpu.memory_space<vmem>> -> memref<1592xf32, #tpu.memory_space<vmem>>
      %dma_start3A_58 = tpu.memref_slice %arg6[%arg0, %run_scoped3A_41, %add3A_40] : memref<2x2x101888xf32, #tpu.memory_space<hbm>> -> memref<1x1x1592xf32, #tpu.memory_space<hbm>>
      %dma_start3A_59 = tpu.memref_squeeze %dma_start3A_58 : memref<1x1x1592xf32, #tpu.memory_space<hbm>> -> memref<1592xf32, #tpu.memory_space<hbm>>
      %dma_start3A_60 = tpu.memref_slice %arg6[%arg0, %run_scoped3A_41, %add3A_40] : memref<2x2x101888xf32, #tpu.memory_space<hbm>> -> memref<1x1x1592xf32, #tpu.memory_space<hbm>>
      %dma_start3A_61 = tpu.memref_squeeze %dma_start3A_60 : memref<1x1x1592xf32, #tpu.memory_space<hbm>> -> memref<1592xf32, #tpu.memory_space<hbm>>
      %dma_start3A_62 = arith.constant 0 : i32
      %dma_start3A_63 = tpu.memref_slice %arg11[%dma_start3A_62] : memref<2000xf32, #tpu.memory_space<vmem>> -> memref<1592xf32, #tpu.memory_space<vmem>>
      tpu.enqueue_dma source(%dma_start3A_63 : memref<1592xf32, #tpu.memory_space<vmem>>) target(%dma_start3A_61 : memref<1592xf32, #tpu.memory_space<hbm>>) target_semaphore(%run_scoped3A_56 : memref<!tpu.dma_semaphore, #tpu.memory_space<semaphore_mem>>)
      %dma_wait3A_64 = arith.constant 0 : i32
      %dma_wait3A_65 = tpu.memref_slice %arg11[%dma_wait3A_64] : memref<2000xf32, #tpu.memory_space<vmem>> -> memref<1592xf32, #tpu.memory_space<vmem>>
      %dma_wait3A_66 = tpu.memref_slice %arg6[%arg0, %run_scoped3A_41, %add3A_40] : memref<2x2x101888xf32, #tpu.memory_space<hbm>> -> memref<1x1x1592xf32, #tpu.memory_space<hbm>>
      %dma_wait3A_67 = tpu.memref_squeeze %dma_wait3A_66 : memref<1x1x1592xf32, #tpu.memory_space<hbm>> -> memref<1592xf32, #tpu.memory_space<hbm>>
      %dma_wait3A_68 = tpu.memref_slice %arg6[%arg0, %run_scoped3A_41, %add3A_40] : memref<2x2x101888xf32, #tpu.memory_space<hbm>> -> memref<1x1x1592xf32, #tpu.memory_space<hbm>>
      %dma_wait3A_69 = tpu.memref_squeeze %dma_wait3A_68 : memref<1x1x1592xf32, #tpu.memory_space<hbm>> -> memref<1592xf32, #tpu.memory_space<hbm>>
      %dma_wait3A_70 = arith.constant 0 : i32
      %dma_wait3A_71 = tpu.memref_slice %arg11[%dma_wait3A_70] : memref<2000xf32, #tpu.memory_space<vmem>> -> memref<1592xf32, #tpu.memory_space<vmem>>
      tpu.wait_dma2 semaphore(%run_scoped3A_56 : memref<!tpu.dma_semaphore, #tpu.memory_space<semaphore_mem>>) src(%dma_wait3A_71 : memref<1592xf32, #tpu.memory_space<vmem>>) dst(%dma_wait3A_69 : memref<1592xf32, #tpu.memory_space<hbm>>)
      tpu.yield
    }) : () -> ()
    "tpu.region"() ({
      %run_scoped3A_56 = tpu.sem_alloc : memref<!tpu.dma_semaphore, #tpu.memory_space<semaphore_mem>>
      %dma_start3A = arith.constant 0 : i32
      %dma_start3A_57 = tpu.memref_slice %arg13[%dma_start3A] : memref<2000xf32, #tpu.memory_space<vmem>> -> memref<1592xf32, #tpu.memory_space<vmem>>
      %dma_start3A_58 = tpu.memref_slice %arg17[%add3A_40] : memref<101888xf32, #tpu.memory_space<vmem_shared>> -> memref<1592xf32, #tpu.memory_space<vmem_shared>>
      %dma_start3A_59 = arith.constant 0 : i32
      %dma_start3A_60 = tpu.memref_slice %arg13[%dma_start3A_59] : memref<2000xf32, #tpu.memory_space<vmem>> -> memref<1592xf32, #tpu.memory_space<vmem>>
      %dma_start3A_61 = tpu.memref_slice %arg17[%add3A_40] : memref<101888xf32, #tpu.memory_space<vmem_shared>> -> memref<1592xf32, #tpu.memory_space<vmem_shared>>
      tpu.enqueue_dma source(%dma_start3A_61 : memref<1592xf32, #tpu.memory_space<vmem_shared>>) target(%dma_start3A_60 : memref<1592xf32, #tpu.memory_space<vmem>>) target_semaphore(%run_scoped3A_56 : memref<!tpu.dma_semaphore, #tpu.memory_space<semaphore_mem>>)
      %dma_wait3A_62 = arith.constant 0 : i32
      %dma_wait3A_63 = tpu.memref_slice %arg13[%dma_wait3A_62] : memref<2000xf32, #tpu.memory_space<vmem>> -> memref<1592xf32, #tpu.memory_space<vmem>>
      %dma_wait3A_64 = tpu.memref_slice %arg17[%add3A_40] : memref<101888xf32, #tpu.memory_space<vmem_shared>> -> memref<1592xf32, #tpu.memory_space<vmem_shared>>
      %dma_wait3A_65 = arith.constant 0 : i32
      %dma_wait3A_66 = tpu.memref_slice %arg13[%dma_wait3A_65] : memref<2000xf32, #tpu.memory_space<vmem>> -> memref<1592xf32, #tpu.memory_space<vmem>>
      %dma_wait3A_67 = tpu.memref_slice %arg17[%add3A_40] : memref<101888xf32, #tpu.memory_space<vmem_shared>> -> memref<1592xf32, #tpu.memory_space<vmem_shared>>
      tpu.wait_dma2 semaphore(%run_scoped3A_56 : memref<!tpu.dma_semaphore, #tpu.memory_space<semaphore_mem>>) src(%dma_wait3A_67 : memref<1592xf32, #tpu.memory_space<vmem_shared>>) dst(%dma_wait3A_66 : memref<1592xf32, #tpu.memory_space<vmem>>)
      tpu.yield
    }) : () -> ()
    %run_scoped3A_42 = arith.constant 1 : i32
    "tpu.region"() ({
      %run_scoped3A_56 = tpu.sem_alloc : memref<!tpu.dma_semaphore, #tpu.memory_space<semaphore_mem>>
      %dma_start3A = arith.constant 0 : i32
      %dma_start3A_57 = tpu.memref_slice %arg13[%dma_start3A] : memref<2000xf32, #tpu.memory_space<vmem>> -> memref<1592xf32, #tpu.memory_space<vmem>>
      %dma_start3A_58 = tpu.memref_slice %arg6[%arg0, %run_scoped3A_42, %add3A_40] : memref<2x2x101888xf32, #tpu.memory_space<hbm>> -> memref<1x1x1592xf32, #tpu.memory_space<hbm>>
      %dma_start3A_59 = tpu.memref_squeeze %dma_start3A_58 : memref<1x1x1592xf32, #tpu.memory_space<hbm>> -> memref<1592xf32, #tpu.memory_space<hbm>>
      %dma_start3A_60 = tpu.memref_slice %arg6[%arg0, %run_scoped3A_42, %add3A_40] : memref<2x2x101888xf32, #tpu.memory_space<hbm>> -> memref<1x1x1592xf32, #tpu.memory_space<hbm>>
      %dma_start3A_61 = tpu.memref_squeeze %dma_start3A_60 : memref<1x1x1592xf32, #tpu.memory_space<hbm>> -> memref<1592xf32, #tpu.memory_space<hbm>>
      %dma_start3A_62 = arith.constant 0 : i32
      %dma_start3A_63 = tpu.memref_slice %arg13[%dma_start3A_62] : memref<2000xf32, #tpu.memory_space<vmem>> -> memref<1592xf32, #tpu.memory_space<vmem>>
      tpu.enqueue_dma source(%dma_start3A_63 : memref<1592xf32, #tpu.memory_space<vmem>>) target(%dma_start3A_61 : memref<1592xf32, #tpu.memory_space<hbm>>) target_semaphore(%run_scoped3A_56 : memref<!tpu.dma_semaphore, #tpu.memory_space<semaphore_mem>>)
      %dma_wait3A_64 = arith.constant 0 : i32
      %dma_wait3A_65 = tpu.memref_slice %arg13[%dma_wait3A_64] : memref<2000xf32, #tpu.memory_space<vmem>> -> memref<1592xf32, #tpu.memory_space<vmem>>
      %dma_wait3A_66 = tpu.memref_slice %arg6[%arg0, %run_scoped3A_42, %add3A_40] : memref<2x2x101888xf32, #tpu.memory_space<hbm>> -> memref<1x1x1592xf32, #tpu.memory_space<hbm>>
      %dma_wait3A_67 = tpu.memref_squeeze %dma_wait3A_66 : memref<1x1x1592xf32, #tpu.memory_space<hbm>> -> memref<1592xf32, #tpu.memory_space<hbm>>
      %dma_wait3A_68 = tpu.memref_slice %arg6[%arg0, %run_scoped3A_42, %add3A_40] : memref<2x2x101888xf32, #tpu.memory_space<hbm>> -> memref<1x1x1592xf32, #tpu.memory_space<hbm>>
      %dma_wait3A_69 = tpu.memref_squeeze %dma_wait3A_68 : memref<1x1x1592xf32, #tpu.memory_space<hbm>> -> memref<1592xf32, #tpu.memory_space<hbm>>
      %dma_wait3A_70 = arith.constant 0 : i32
      %dma_wait3A_71 = tpu.memref_slice %arg13[%dma_wait3A_70] : memref<2000xf32, #tpu.memory_space<vmem>> -> memref<1592xf32, #tpu.memory_space<vmem>>
      tpu.wait_dma2 semaphore(%run_scoped3A_56 : memref<!tpu.dma_semaphore, #tpu.memory_space<semaphore_mem>>) src(%dma_wait3A_71 : memref<1592xf32, #tpu.memory_space<vmem>>) dst(%dma_wait3A_69 : memref<1592xf32, #tpu.memory_space<hbm>>)
      tpu.yield
    }) : () -> ()
    %mul3A_43 = arith.constant 6368 : i32
    %mul3A_44 = arith.muli %arg1, %mul3A_43 : i32
    %add3A_45 = arith.constant 3184 : i32
    %add3A_46 = arith.addi %mul3A_44, %add3A_45 : i32
    "tpu.region"() ({
      %run_scoped3A_56 = tpu.sem_alloc : memref<!tpu.dma_semaphore, #tpu.memory_space<semaphore_mem>>
      %dma_start3A = arith.constant 0 : i32
      %dma_start3A_57 = tpu.memref_slice %arg11[%dma_start3A] : memref<2000xf32, #tpu.memory_space<vmem>> -> memref<1592xf32, #tpu.memory_space<vmem>>
      %dma_start3A_58 = tpu.memref_slice %arg16[%add3A_46] : memref<101888xf32, #tpu.memory_space<vmem_shared>> -> memref<1592xf32, #tpu.memory_space<vmem_shared>>
      %dma_start3A_59 = arith.constant 0 : i32
      %dma_start3A_60 = tpu.memref_slice %arg11[%dma_start3A_59] : memref<2000xf32, #tpu.memory_space<vmem>> -> memref<1592xf32, #tpu.memory_space<vmem>>
      %dma_start3A_61 = tpu.memref_slice %arg16[%add3A_46] : memref<101888xf32, #tpu.memory_space<vmem_shared>> -> memref<1592xf32, #tpu.memory_space<vmem_shared>>
      tpu.enqueue_dma source(%dma_start3A_61 : memref<1592xf32, #tpu.memory_space<vmem_shared>>) target(%dma_start3A_60 : memref<1592xf32, #tpu.memory_space<vmem>>) target_semaphore(%run_scoped3A_56 : memref<!tpu.dma_semaphore, #tpu.memory_space<semaphore_mem>>)
      %dma_wait3A_62 = arith.constant 0 : i32
      %dma_wait3A_63 = tpu.memref_slice %arg11[%dma_wait3A_62] : memref<2000xf32, #tpu.memory_space<vmem>> -> memref<1592xf32, #tpu.memory_space<vmem>>
      %dma_wait3A_64 = tpu.memref_slice %arg16[%add3A_46] : memref<101888xf32, #tpu.memory_space<vmem_shared>> -> memref<1592xf32, #tpu.memory_space<vmem_shared>>
      %dma_wait3A_65 = arith.constant 0 : i32
      %dma_wait3A_66 = tpu.memref_slice %arg11[%dma_wait3A_65] : memref<2000xf32, #tpu.memory_space<vmem>> -> memref<1592xf32, #tpu.memory_space<vmem>>
      %dma_wait3A_67 = tpu.memref_slice %arg16[%add3A_46] : memref<101888xf32, #tpu.memory_space<vmem_shared>> -> memref<1592xf32, #tpu.memory_space<vmem_shared>>
      tpu.wait_dma2 semaphore(%run_scoped3A_56 : memref<!tpu.dma_semaphore, #tpu.memory_space<semaphore_mem>>) src(%dma_wait3A_67 : memref<1592xf32, #tpu.memory_space<vmem_shared>>) dst(%dma_wait3A_66 : memref<1592xf32, #tpu.memory_space<vmem>>)
      tpu.yield
    }) : () -> ()
    %run_scoped3A_47 = arith.constant 0 : i32
    "tpu.region"() ({
      %run_scoped3A_56 = tpu.sem_alloc : memref<!tpu.dma_semaphore, #tpu.memory_space<semaphore_mem>>
      %dma_start3A = arith.constant 0 : i32
      %dma_start3A_57 = tpu.memref_slice %arg11[%dma_start3A] : memref<2000xf32, #tpu.memory_space<vmem>> -> memref<1592xf32, #tpu.memory_space<vmem>>
      %dma_start3A_58 = tpu.memref_slice %arg6[%arg0, %run_scoped3A_47, %add3A_46] : memref<2x2x101888xf32, #tpu.memory_space<hbm>> -> memref<1x1x1592xf32, #tpu.memory_space<hbm>>
      %dma_start3A_59 = tpu.memref_squeeze %dma_start3A_58 : memref<1x1x1592xf32, #tpu.memory_space<hbm>> -> memref<1592xf32, #tpu.memory_space<hbm>>
      %dma_start3A_60 = tpu.memref_slice %arg6[%arg0, %run_scoped3A_47, %add3A_46] : memref<2x2x101888xf32, #tpu.memory_space<hbm>> -> memref<1x1x1592xf32, #tpu.memory_space<hbm>>
      %dma_start3A_61 = tpu.memref_squeeze %dma_start3A_60 : memref<1x1x1592xf32, #tpu.memory_space<hbm>> -> memref<1592xf32, #tpu.memory_space<hbm>>
      %dma_start3A_62 = arith.constant 0 : i32
      %dma_start3A_63 = tpu.memref_slice %arg11[%dma_start3A_62] : memref<2000xf32, #tpu.memory_space<vmem>> -> memref<1592xf32, #tpu.memory_space<vmem>>
      tpu.enqueue_dma source(%dma_start3A_63 : memref<1592xf32, #tpu.memory_space<vmem>>) target(%dma_start3A_61 : memref<1592xf32, #tpu.memory_space<hbm>>) target_semaphore(%run_scoped3A_56 : memref<!tpu.dma_semaphore, #tpu.memory_space<semaphore_mem>>)
      %dma_wait3A_64 = arith.constant 0 : i32
      %dma_wait3A_65 = tpu.memref_slice %arg11[%dma_wait3A_64] : memref<2000xf32, #tpu.memory_space<vmem>> -> memref<1592xf32, #tpu.memory_space<vmem>>
      %dma_wait3A_66 = tpu.memref_slice %arg6[%arg0, %run_scoped3A_47, %add3A_46] : memref<2x2x101888xf32, #tpu.memory_space<hbm>> -> memref<1x1x1592xf32, #tpu.memory_space<hbm>>
      %dma_wait3A_67 = tpu.memref_squeeze %dma_wait3A_66 : memref<1x1x1592xf32, #tpu.memory_space<hbm>> -> memref<1592xf32, #tpu.memory_space<hbm>>
      %dma_wait3A_68 = tpu.memref_slice %arg6[%arg0, %run_scoped3A_47, %add3A_46] : memref<2x2x101888xf32, #tpu.memory_space<hbm>> -> memref<1x1x1592xf32, #tpu.memory_space<hbm>>
      %dma_wait3A_69 = tpu.memref_squeeze %dma_wait3A_68 : memref<1x1x1592xf32, #tpu.memory_space<hbm>> -> memref<1592xf32, #tpu.memory_space<hbm>>
      %dma_wait3A_70 = arith.constant 0 : i32
      %dma_wait3A_71 = tpu.memref_slice %arg11[%dma_wait3A_70] : memref<2000xf32, #tpu.memory_space<vmem>> -> memref<1592xf32, #tpu.memory_space<vmem>>
      tpu.wait_dma2 semaphore(%run_scoped3A_56 : memref<!tpu.dma_semaphore, #tpu.memory_space<semaphore_mem>>) src(%dma_wait3A_71 : memref<1592xf32, #tpu.memory_space<vmem>>) dst(%dma_wait3A_69 : memref<1592xf32, #tpu.memory_space<hbm>>)
      tpu.yield
    }) : () -> ()
    "tpu.region"() ({
      %run_scoped3A_56 = tpu.sem_alloc : memref<!tpu.dma_semaphore, #tpu.memory_space<semaphore_mem>>
      %dma_start3A = arith.constant 0 : i32
      %dma_start3A_57 = tpu.memref_slice %arg13[%dma_start3A] : memref<2000xf32, #tpu.memory_space<vmem>> -> memref<1592xf32, #tpu.memory_space<vmem>>
      %dma_start3A_58 = tpu.memref_slice %arg17[%add3A_46] : memref<101888xf32, #tpu.memory_space<vmem_shared>> -> memref<1592xf32, #tpu.memory_space<vmem_shared>>
      %dma_start3A_59 = arith.constant 0 : i32
      %dma_start3A_60 = tpu.memref_slice %arg13[%dma_start3A_59] : memref<2000xf32, #tpu.memory_space<vmem>> -> memref<1592xf32, #tpu.memory_space<vmem>>
      %dma_start3A_61 = tpu.memref_slice %arg17[%add3A_46] : memref<101888xf32, #tpu.memory_space<vmem_shared>> -> memref<1592xf32, #tpu.memory_space<vmem_shared>>
      tpu.enqueue_dma source(%dma_start3A_61 : memref<1592xf32, #tpu.memory_space<vmem_shared>>) target(%dma_start3A_60 : memref<1592xf32, #tpu.memory_space<vmem>>) target_semaphore(%run_scoped3A_56 : memref<!tpu.dma_semaphore, #tpu.memory_space<semaphore_mem>>)
      %dma_wait3A_62 = arith.constant 0 : i32
      %dma_wait3A_63 = tpu.memref_slice %arg13[%dma_wait3A_62] : memref<2000xf32, #tpu.memory_space<vmem>> -> memref<1592xf32, #tpu.memory_space<vmem>>
      %dma_wait3A_64 = tpu.memref_slice %arg17[%add3A_46] : memref<101888xf32, #tpu.memory_space<vmem_shared>> -> memref<1592xf32, #tpu.memory_space<vmem_shared>>
      %dma_wait3A_65 = arith.constant 0 : i32
      %dma_wait3A_66 = tpu.memref_slice %arg13[%dma_wait3A_65] : memref<2000xf32, #tpu.memory_space<vmem>> -> memref<1592xf32, #tpu.memory_space<vmem>>
      %dma_wait3A_67 = tpu.memref_slice %arg17[%add3A_46] : memref<101888xf32, #tpu.memory_space<vmem_shared>> -> memref<1592xf32, #tpu.memory_space<vmem_shared>>
      tpu.wait_dma2 semaphore(%run_scoped3A_56 : memref<!tpu.dma_semaphore, #tpu.memory_space<semaphore_mem>>) src(%dma_wait3A_67 : memref<1592xf32, #tpu.memory_space<vmem_shared>>) dst(%dma_wait3A_66 : memref<1592xf32, #tpu.memory_space<vmem>>)
      tpu.yield
    }) : () -> ()
    %run_scoped3A_48 = arith.constant 1 : i32
    "tpu.region"() ({
      %run_scoped3A_56 = tpu.sem_alloc : memref<!tpu.dma_semaphore, #tpu.memory_space<semaphore_mem>>
      %dma_start3A = arith.constant 0 : i32
      %dma_start3A_57 = tpu.memref_slice %arg13[%dma_start3A] : memref<2000xf32, #tpu.memory_space<vmem>> -> memref<1592xf32, #tpu.memory_space<vmem>>
      %dma_start3A_58 = tpu.memref_slice %arg6[%arg0, %run_scoped3A_48, %add3A_46] : memref<2x2x101888xf32, #tpu.memory_space<hbm>> -> memref<1x1x1592xf32, #tpu.memory_space<hbm>>
      %dma_start3A_59 = tpu.memref_squeeze %dma_start3A_58 : memref<1x1x1592xf32, #tpu.memory_space<hbm>> -> memref<1592xf32, #tpu.memory_space<hbm>>
      %dma_start3A_60 = tpu.memref_slice %arg6[%arg0, %run_scoped3A_48, %add3A_46] : memref<2x2x101888xf32, #tpu.memory_space<hbm>> -> memref<1x1x1592xf32, #tpu.memory_space<hbm>>
      %dma_start3A_61 = tpu.memref_squeeze %dma_start3A_60 : memref<1x1x1592xf32, #tpu.memory_space<hbm>> -> memref<1592xf32, #tpu.memory_space<hbm>>
      %dma_start3A_62 = arith.constant 0 : i32
      %dma_start3A_63 = tpu.memref_slice %arg13[%dma_start3A_62] : memref<2000xf32, #tpu.memory_space<vmem>> -> memref<1592xf32, #tpu.memory_space<vmem>>
      tpu.enqueue_dma source(%dma_start3A_63 : memref<1592xf32, #tpu.memory_space<vmem>>) target(%dma_start3A_61 : memref<1592xf32, #tpu.memory_space<hbm>>) target_semaphore(%run_scoped3A_56 : memref<!tpu.dma_semaphore, #tpu.memory_space<semaphore_mem>>)
      %dma_wait3A_64 = arith.constant 0 : i32
      %dma_wait3A_65 = tpu.memref_slice %arg13[%dma_wait3A_64] : memref<2000xf32, #tpu.memory_space<vmem>> -> memref<1592xf32, #tpu.memory_space<vmem>>
      %dma_wait3A_66 = tpu.memref_slice %arg6[%arg0, %run_scoped3A_48, %add3A_46] : memref<2x2x101888xf32, #tpu.memory_space<hbm>> -> memref<1x1x1592xf32, #tpu.memory_space<hbm>>
      %dma_wait3A_67 = tpu.memref_squeeze %dma_wait3A_66 : memref<1x1x1592xf32, #tpu.memory_space<hbm>> -> memref<1592xf32, #tpu.memory_space<hbm>>
      %dma_wait3A_68 = tpu.memref_slice %arg6[%arg0, %run_scoped3A_48, %add3A_46] : memref<2x2x101888xf32, #tpu.memory_space<hbm>> -> memref<1x1x1592xf32, #tpu.memory_space<hbm>>
      %dma_wait3A_69 = tpu.memref_squeeze %dma_wait3A_68 : memref<1x1x1592xf32, #tpu.memory_space<hbm>> -> memref<1592xf32, #tpu.memory_space<hbm>>
      %dma_wait3A_70 = arith.constant 0 : i32
      %dma_wait3A_71 = tpu.memref_slice %arg13[%dma_wait3A_70] : memref<2000xf32, #tpu.memory_space<vmem>> -> memref<1592xf32, #tpu.memory_space<vmem>>
      tpu.wait_dma2 semaphore(%run_scoped3A_56 : memref<!tpu.dma_semaphore, #tpu.memory_space<semaphore_mem>>) src(%dma_wait3A_71 : memref<1592xf32, #tpu.memory_space<vmem>>) dst(%dma_wait3A_69 : memref<1592xf32, #tpu.memory_space<hbm>>)
      tpu.yield
    }) : () -> ()
    %mul3A_49 = arith.constant 6368 : i32
    %mul3A_50 = arith.muli %arg1, %mul3A_49 : i32
    %add3A_51 = arith.constant 4776 : i32
    %add3A_52 = arith.addi %mul3A_50, %add3A_51 : i32
    "tpu.region"() ({
      %run_scoped3A_56 = tpu.sem_alloc : memref<!tpu.dma_semaphore, #tpu.memory_space<semaphore_mem>>
      %dma_start3A = arith.constant 0 : i32
      %dma_start3A_57 = tpu.memref_slice %arg11[%dma_start3A] : memref<2000xf32, #tpu.memory_space<vmem>> -> memref<1592xf32, #tpu.memory_space<vmem>>
      %dma_start3A_58 = tpu.memref_slice %arg16[%add3A_52] : memref<101888xf32, #tpu.memory_space<vmem_shared>> -> memref<1592xf32, #tpu.memory_space<vmem_shared>>
      %dma_start3A_59 = arith.constant 0 : i32
      %dma_start3A_60 = tpu.memref_slice %arg11[%dma_start3A_59] : memref<2000xf32, #tpu.memory_space<vmem>> -> memref<1592xf32, #tpu.memory_space<vmem>>
      %dma_start3A_61 = tpu.memref_slice %arg16[%add3A_52] : memref<101888xf32, #tpu.memory_space<vmem_shared>> -> memref<1592xf32, #tpu.memory_space<vmem_shared>>
      tpu.enqueue_dma source(%dma_start3A_61 : memref<1592xf32, #tpu.memory_space<vmem_shared>>) target(%dma_start3A_60 : memref<1592xf32, #tpu.memory_space<vmem>>) target_semaphore(%run_scoped3A_56 : memref<!tpu.dma_semaphore, #tpu.memory_space<semaphore_mem>>)
      %dma_wait3A_62 = arith.constant 0 : i32
      %dma_wait3A_63 = tpu.memref_slice %arg11[%dma_wait3A_62] : memref<2000xf32, #tpu.memory_space<vmem>> -> memref<1592xf32, #tpu.memory_space<vmem>>
      %dma_wait3A_64 = tpu.memref_slice %arg16[%add3A_52] : memref<101888xf32, #tpu.memory_space<vmem_shared>> -> memref<1592xf32, #tpu.memory_space<vmem_shared>>
      %dma_wait3A_65 = arith.constant 0 : i32
      %dma_wait3A_66 = tpu.memref_slice %arg11[%dma_wait3A_65] : memref<2000xf32, #tpu.memory_space<vmem>> -> memref<1592xf32, #tpu.memory_space<vmem>>
      %dma_wait3A_67 = tpu.memref_slice %arg16[%add3A_52] : memref<101888xf32, #tpu.memory_space<vmem_shared>> -> memref<1592xf32, #tpu.memory_space<vmem_shared>>
      tpu.wait_dma2 semaphore(%run_scoped3A_56 : memref<!tpu.dma_semaphore, #tpu.memory_space<semaphore_mem>>) src(%dma_wait3A_67 : memref<1592xf32, #tpu.memory_space<vmem_shared>>) dst(%dma_wait3A_66 : memref<1592xf32, #tpu.memory_space<vmem>>)
      tpu.yield
    }) : () -> ()
    %run_scoped3A_53 = arith.constant 0 : i32
    "tpu.region"() ({
      %run_scoped3A_56 = tpu.sem_alloc : memref<!tpu.dma_semaphore, #tpu.memory_space<semaphore_mem>>
      %dma_start3A = arith.constant 0 : i32
      %dma_start3A_57 = tpu.memref_slice %arg11[%dma_start3A] : memref<2000xf32, #tpu.memory_space<vmem>> -> memref<1592xf32, #tpu.memory_space<vmem>>
      %dma_start3A_58 = tpu.memref_slice %arg6[%arg0, %run_scoped3A_53, %add3A_52] : memref<2x2x101888xf32, #tpu.memory_space<hbm>> -> memref<1x1x1592xf32, #tpu.memory_space<hbm>>
      %dma_start3A_59 = tpu.memref_squeeze %dma_start3A_58 : memref<1x1x1592xf32, #tpu.memory_space<hbm>> -> memref<1592xf32, #tpu.memory_space<hbm>>
      %dma_start3A_60 = tpu.memref_slice %arg6[%arg0, %run_scoped3A_53, %add3A_52] : memref<2x2x101888xf32, #tpu.memory_space<hbm>> -> memref<1x1x1592xf32, #tpu.memory_space<hbm>>
      %dma_start3A_61 = tpu.memref_squeeze %dma_start3A_60 : memref<1x1x1592xf32, #tpu.memory_space<hbm>> -> memref<1592xf32, #tpu.memory_space<hbm>>
      %dma_start3A_62 = arith.constant 0 : i32
      %dma_start3A_63 = tpu.memref_slice %arg11[%dma_start3A_62] : memref<2000xf32, #tpu.memory_space<vmem>> -> memref<1592xf32, #tpu.memory_space<vmem>>
      tpu.enqueue_dma source(%dma_start3A_63 : memref<1592xf32, #tpu.memory_space<vmem>>) target(%dma_start3A_61 : memref<1592xf32, #tpu.memory_space<hbm>>) target_semaphore(%run_scoped3A_56 : memref<!tpu.dma_semaphore, #tpu.memory_space<semaphore_mem>>)
      %dma_wait3A_64 = arith.constant 0 : i32
      %dma_wait3A_65 = tpu.memref_slice %arg11[%dma_wait3A_64] : memref<2000xf32, #tpu.memory_space<vmem>> -> memref<1592xf32, #tpu.memory_space<vmem>>
      %dma_wait3A_66 = tpu.memref_slice %arg6[%arg0, %run_scoped3A_53, %add3A_52] : memref<2x2x101888xf32, #tpu.memory_space<hbm>> -> memref<1x1x1592xf32, #tpu.memory_space<hbm>>
      %dma_wait3A_67 = tpu.memref_squeeze %dma_wait3A_66 : memref<1x1x1592xf32, #tpu.memory_space<hbm>> -> memref<1592xf32, #tpu.memory_space<hbm>>
      %dma_wait3A_68 = tpu.memref_slice %arg6[%arg0, %run_scoped3A_53, %add3A_52] : memref<2x2x101888xf32, #tpu.memory_space<hbm>> -> memref<1x1x1592xf32, #tpu.memory_space<hbm>>
      %dma_wait3A_69 = tpu.memref_squeeze %dma_wait3A_68 : memref<1x1x1592xf32, #tpu.memory_space<hbm>> -> memref<1592xf32, #tpu.memory_space<hbm>>
      %dma_wait3A_70 = arith.constant 0 : i32
      %dma_wait3A_71 = tpu.memref_slice %arg11[%dma_wait3A_70] : memref<2000xf32, #tpu.memory_space<vmem>> -> memref<1592xf32, #tpu.memory_space<vmem>>
      tpu.wait_dma2 semaphore(%run_scoped3A_56 : memref<!tpu.dma_semaphore, #tpu.memory_space<semaphore_mem>>) src(%dma_wait3A_71 : memref<1592xf32, #tpu.memory_space<vmem>>) dst(%dma_wait3A_69 : memref<1592xf32, #tpu.memory_space<hbm>>)
      tpu.yield
    }) : () -> ()
    "tpu.region"() ({
      %run_scoped3A_56 = tpu.sem_alloc : memref<!tpu.dma_semaphore, #tpu.memory_space<semaphore_mem>>
      %dma_start3A = arith.constant 0 : i32
      %dma_start3A_57 = tpu.memref_slice %arg13[%dma_start3A] : memref<2000xf32, #tpu.memory_space<vmem>> -> memref<1592xf32, #tpu.memory_space<vmem>>
      %dma_start3A_58 = tpu.memref_slice %arg17[%add3A_52] : memref<101888xf32, #tpu.memory_space<vmem_shared>> -> memref<1592xf32, #tpu.memory_space<vmem_shared>>
      %dma_start3A_59 = arith.constant 0 : i32
      %dma_start3A_60 = tpu.memref_slice %arg13[%dma_start3A_59] : memref<2000xf32, #tpu.memory_space<vmem>> -> memref<1592xf32, #tpu.memory_space<vmem>>
      %dma_start3A_61 = tpu.memref_slice %arg17[%add3A_52] : memref<101888xf32, #tpu.memory_space<vmem_shared>> -> memref<1592xf32, #tpu.memory_space<vmem_shared>>
      tpu.enqueue_dma source(%dma_start3A_61 : memref<1592xf32, #tpu.memory_space<vmem_shared>>) target(%dma_start3A_60 : memref<1592xf32, #tpu.memory_space<vmem>>) target_semaphore(%run_scoped3A_56 : memref<!tpu.dma_semaphore, #tpu.memory_space<semaphore_mem>>)
      %dma_wait3A_62 = arith.constant 0 : i32
      %dma_wait3A_63 = tpu.memref_slice %arg13[%dma_wait3A_62] : memref<2000xf32, #tpu.memory_space<vmem>> -> memref<1592xf32, #tpu.memory_space<vmem>>
      %dma_wait3A_64 = tpu.memref_slice %arg17[%add3A_52] : memref<101888xf32, #tpu.memory_space<vmem_shared>> -> memref<1592xf32, #tpu.memory_space<vmem_shared>>
      %dma_wait3A_65 = arith.constant 0 : i32
      %dma_wait3A_66 = tpu.memref_slice %arg13[%dma_wait3A_65] : memref<2000xf32, #tpu.memory_space<vmem>> -> memref<1592xf32, #tpu.memory_space<vmem>>
      %dma_wait3A_67 = tpu.memref_slice %arg17[%add3A_52] : memref<101888xf32, #tpu.memory_space<vmem_shared>> -> memref<1592xf32, #tpu.memory_space<vmem_shared>>
      tpu.wait_dma2 semaphore(%run_scoped3A_56 : memref<!tpu.dma_semaphore, #tpu.memory_space<semaphore_mem>>) src(%dma_wait3A_67 : memref<1592xf32, #tpu.memory_space<vmem_shared>>) dst(%dma_wait3A_66 : memref<1592xf32, #tpu.memory_space<vmem>>)
      tpu.yield
    }) : () -> ()
    %run_scoped3A_54 = arith.constant 1 : i32
    "tpu.region"() ({
      %run_scoped3A_56 = tpu.sem_alloc : memref<!tpu.dma_semaphore, #tpu.memory_space<semaphore_mem>>
      %dma_start3A = arith.constant 0 : i32
      %dma_start3A_57 = tpu.memref_slice %arg13[%dma_start3A] : memref<2000xf32, #tpu.memory_space<vmem>> -> memref<1592xf32, #tpu.memory_space<vmem>>
      %dma_start3A_58 = tpu.memref_slice %arg6[%arg0, %run_scoped3A_54, %add3A_52] : memref<2x2x101888xf32, #tpu.memory_space<hbm>> -> memref<1x1x1592xf32, #tpu.memory_space<hbm>>
      %dma_start3A_59 = tpu.memref_squeeze %dma_start3A_58 : memref<1x1x1592xf32, #tpu.memory_space<hbm>> -> memref<1592xf32, #tpu.memory_space<hbm>>
      %dma_start3A_60 = tpu.memref_slice %arg6[%arg0, %run_scoped3A_54, %add3A_52] : memref<2x2x101888xf32, #tpu.memory_space<hbm>> -> memref<1x1x1592xf32, #tpu.memory_space<hbm>>
      %dma_start3A_61 = tpu.memref_squeeze %dma_start3A_60 : memref<1x1x1592xf32, #tpu.memory_space<hbm>> -> memref<1592xf32, #tpu.memory_space<hbm>>
      %dma_start3A_62 = arith.constant 0 : i32
      %dma_start3A_63 = tpu.memref_slice %arg13[%dma_start3A_62] : memref<2000xf32, #tpu.memory_space<vmem>> -> memref<1592xf32, #tpu.memory_space<vmem>>
      tpu.enqueue_dma source(%dma_start3A_63 : memref<1592xf32, #tpu.memory_space<vmem>>) target(%dma_start3A_61 : memref<1592xf32, #tpu.memory_space<hbm>>) target_semaphore(%run_scoped3A_56 : memref<!tpu.dma_semaphore, #tpu.memory_space<semaphore_mem>>)
      %dma_wait3A_64 = arith.constant 0 : i32
      %dma_wait3A_65 = tpu.memref_slice %arg13[%dma_wait3A_64] : memref<2000xf32, #tpu.memory_space<vmem>> -> memref<1592xf32, #tpu.memory_space<vmem>>
      %dma_wait3A_66 = tpu.memref_slice %arg6[%arg0, %run_scoped3A_54, %add3A_52] : memref<2x2x101888xf32, #tpu.memory_space<hbm>> -> memref<1x1x1592xf32, #tpu.memory_space<hbm>>
      %dma_wait3A_67 = tpu.memref_squeeze %dma_wait3A_66 : memref<1x1x1592xf32, #tpu.memory_space<hbm>> -> memref<1592xf32, #tpu.memory_space<hbm>>
      %dma_wait3A_68 = tpu.memref_slice %arg6[%arg0, %run_scoped3A_54, %add3A_52] : memref<2x2x101888xf32, #tpu.memory_space<hbm>> -> memref<1x1x1592xf32, #tpu.memory_space<hbm>>
      %dma_wait3A_69 = tpu.memref_squeeze %dma_wait3A_68 : memref<1x1x1592xf32, #tpu.memory_space<hbm>> -> memref<1592xf32, #tpu.memory_space<hbm>>
      %dma_wait3A_70 = arith.constant 0 : i32
      %dma_wait3A_71 = tpu.memref_slice %arg13[%dma_wait3A_70] : memref<2000xf32, #tpu.memory_space<vmem>> -> memref<1592xf32, #tpu.memory_space<vmem>>
      tpu.wait_dma2 semaphore(%run_scoped3A_56 : memref<!tpu.dma_semaphore, #tpu.memory_space<semaphore_mem>>) src(%dma_wait3A_71 : memref<1592xf32, #tpu.memory_space<vmem>>) dst(%dma_wait3A_69 : memref<1592xf32, #tpu.memory_space<hbm>>)
      tpu.yield
    }) : () -> ()
    %barrier3A_55 = arith.constant 0 : index
    tpu.barrier barrier_id(%barrier3A_55)
    return
  }
}

#map = affine_map<(d0, d1) -> (0)>
#map1 = affine_map<(d0, d1) -> (0, 0)>
module attributes {stable_mosaic.version = 14 : i64} {
  func.func @k(%arg0: i32, %arg1: i32, %arg2: memref<6400000xi32, #tpu.memory_space<hbm>>, %arg3: memref<101888xf32, #tpu.memory_space<hbm>>, %arg4: memref<8000xf32, #tpu.memory_space<hbm>>, %arg5: memref<2x101888xf32, #tpu.memory_space<hbm>>, %arg6: memref<8000xi32, #tpu.memory_space<vmem>>, %arg7: memref<8000xi32, #tpu.memory_space<vmem>>, %arg8: memref<8000xf32, #tpu.memory_space<vmem>>, %arg9: memref<6368xf32, #tpu.memory_space<vmem>>, %arg10: memref<101888xf32, #tpu.memory_space<vmem_shared>>, %arg11: memref<!tpu.dma_semaphore, #tpu.memory_space<semaphore_mem>>, %arg12: memref<!tpu.dma_semaphore, #tpu.memory_space<semaphore_mem>>) attributes {dimension_semantics = [#tpu.dimension_semantics<core_parallel>, #tpu.dimension_semantics<subcore_parallel>], iteration_bounds = array<i64: 2, 16>, scalar_prefetch = 0 : i64, scratch_operands = 7 : i64, tpu.core_type = #tpu.core_type<sc_vector_subcore>, window_params = [{transform_indices = #map}, {transform_indices = #map}, {transform_indices = #map}, {transform_indices = #map1}]} {
    %mul3A = arith.constant 16 : i32
    %mul3A_0 = arith.muli %arg0, %mul3A : i32
    %add3A = arith.addi %mul3A_0, %arg1 : i32
    "tpu.region"() ({
      %run_scoped3A = tpu.sem_alloc : memref<!tpu.dma_semaphore, #tpu.memory_space<semaphore_mem>>
      tpu.enqueue_dma source(%arg4 : memref<8000xf32, #tpu.memory_space<hbm>>) target(%arg8 : memref<8000xf32, #tpu.memory_space<vmem>>) target_semaphore(%run_scoped3A : memref<!tpu.dma_semaphore, #tpu.memory_space<semaphore_mem>>)
      tpu.wait_dma2 semaphore(%run_scoped3A : memref<!tpu.dma_semaphore, #tpu.memory_space<semaphore_mem>>) src(%arg4 : memref<8000xf32, #tpu.memory_space<hbm>>) dst(%arg8 : memref<8000xf32, #tpu.memory_space<vmem>>)
      tpu.yield
    }) : () -> ()
    %mul3A_1 = arith.constant 6368 : i32
    %mul3A_2 = arith.muli %arg1, %mul3A_1 : i32
    "tpu.region"() ({
      %run_scoped3A = tpu.sem_alloc : memref<!tpu.dma_semaphore, #tpu.memory_space<semaphore_mem>>
      %dma_start3A_24 = tpu.memref_slice %arg3[%mul3A_2] : memref<101888xf32, #tpu.memory_space<hbm>> -> memref<6368xf32, #tpu.memory_space<hbm>>
      %dma_start3A_25 = tpu.memref_slice %arg3[%mul3A_2] : memref<101888xf32, #tpu.memory_space<hbm>> -> memref<6368xf32, #tpu.memory_space<hbm>>
      tpu.enqueue_dma source(%dma_start3A_25 : memref<6368xf32, #tpu.memory_space<hbm>>) target(%arg9 : memref<6368xf32, #tpu.memory_space<vmem>>) target_semaphore(%run_scoped3A : memref<!tpu.dma_semaphore, #tpu.memory_space<semaphore_mem>>)
      %dma_wait3A_26 = tpu.memref_slice %arg3[%mul3A_2] : memref<101888xf32, #tpu.memory_space<hbm>> -> memref<6368xf32, #tpu.memory_space<hbm>>
      %dma_wait3A_27 = tpu.memref_slice %arg3[%mul3A_2] : memref<101888xf32, #tpu.memory_space<hbm>> -> memref<6368xf32, #tpu.memory_space<hbm>>
      tpu.wait_dma2 semaphore(%run_scoped3A : memref<!tpu.dma_semaphore, #tpu.memory_space<semaphore_mem>>) src(%dma_wait3A_27 : memref<6368xf32, #tpu.memory_space<hbm>>) dst(%arg9 : memref<6368xf32, #tpu.memory_space<vmem>>)
      tpu.yield
    }) : () -> ()
    %mul3A_3 = arith.constant 6368 : i32
    %mul3A_4 = arith.muli %arg1, %mul3A_3 : i32
    "tpu.region"() ({
      %run_scoped3A = tpu.sem_alloc : memref<!tpu.dma_semaphore, #tpu.memory_space<semaphore_mem>>
      %dma_start3A_24 = tpu.memref_slice %arg10[%mul3A_4] : memref<101888xf32, #tpu.memory_space<vmem_shared>> -> memref<6368xf32, #tpu.memory_space<vmem_shared>>
      %dma_start3A_25 = tpu.memref_slice %arg10[%mul3A_4] : memref<101888xf32, #tpu.memory_space<vmem_shared>> -> memref<6368xf32, #tpu.memory_space<vmem_shared>>
      tpu.enqueue_dma source(%arg9 : memref<6368xf32, #tpu.memory_space<vmem>>) target(%dma_start3A_25 : memref<6368xf32, #tpu.memory_space<vmem_shared>>) target_semaphore(%run_scoped3A : memref<!tpu.dma_semaphore, #tpu.memory_space<semaphore_mem>>)
      %dma_wait3A_26 = tpu.memref_slice %arg10[%mul3A_4] : memref<101888xf32, #tpu.memory_space<vmem_shared>> -> memref<6368xf32, #tpu.memory_space<vmem_shared>>
      %dma_wait3A_27 = tpu.memref_slice %arg10[%mul3A_4] : memref<101888xf32, #tpu.memory_space<vmem_shared>> -> memref<6368xf32, #tpu.memory_space<vmem_shared>>
      tpu.wait_dma2 semaphore(%run_scoped3A : memref<!tpu.dma_semaphore, #tpu.memory_space<semaphore_mem>>) src(%arg9 : memref<6368xf32, #tpu.memory_space<vmem>>) dst(%dma_wait3A_27 : memref<6368xf32, #tpu.memory_space<vmem_shared>>)
      tpu.yield
    }) : () -> ()
    %barrier3A = arith.constant 0 : index
    tpu.barrier barrier_id(%barrier3A)
    %mul3A_5 = arith.constant 200000 : i32
    %mul3A_6 = arith.muli %add3A, %mul3A_5 : i32
    %dma_start3A = tpu.memref_slice %arg2[%mul3A_6] : memref<6400000xi32, #tpu.memory_space<hbm>> -> memref<8000xi32, #tpu.memory_space<hbm>>
    %dma_start3A_7 = tpu.memref_slice %arg2[%mul3A_6] : memref<6400000xi32, #tpu.memory_space<hbm>> -> memref<8000xi32, #tpu.memory_space<hbm>>
    tpu.enqueue_dma source(%dma_start3A_7 : memref<8000xi32, #tpu.memory_space<hbm>>) target(%arg6 : memref<8000xi32, #tpu.memory_space<vmem>>) target_semaphore(%arg11 : memref<!tpu.dma_semaphore, #tpu.memory_space<semaphore_mem>>)
    %dma_wait3A = tpu.memref_slice %arg2[%mul3A_6] : memref<6400000xi32, #tpu.memory_space<hbm>> -> memref<8000xi32, #tpu.memory_space<hbm>>
    %dma_wait3A_8 = tpu.memref_slice %arg2[%mul3A_6] : memref<6400000xi32, #tpu.memory_space<hbm>> -> memref<8000xi32, #tpu.memory_space<hbm>>
    tpu.wait_dma2 semaphore(%arg11 : memref<!tpu.dma_semaphore, #tpu.memory_space<semaphore_mem>>) src(%dma_wait3A_8 : memref<8000xi32, #tpu.memory_space<hbm>>) dst(%arg6 : memref<8000xi32, #tpu.memory_space<vmem>>)
    %scan3A = arith.constant 0 : i32
    %scan3A_9 = arith.constant 0 : i32
    %scan3A_10 = arith.constant 24 : i32
    %scan3A_11 = arith.addi %scan3A_9, %scan3A_10 : i32
    %scan3A_12 = arith.constant 1 : i32
    %scan3A_13 = scf.for %scan3A_24 = %scan3A_9 to %scan3A_11 step %scan3A_12 iter_args(%scan3A_25 = %scan3A) -> (i32)  : i32 {
      %mul3A_26 = arith.constant 200000 : i32
      %mul3A_27 = arith.muli %add3A, %mul3A_26 : i32
      %mul3A_28 = arith.constant 8000 : i32
      %mul3A_29 = arith.muli %scan3A_24, %mul3A_28 : i32
      %add3A_30 = arith.addi %mul3A_27, %mul3A_29 : i32
      %jit3A = arith.constant 2 : i32
      %eq3A = arith.constant 0 : i32
      %eq3A_31 = arith.cmpi eq, %jit3A, %eq3A : i32
      %jit3A_32 = arith.constant 1 : i32
      %select_n3A = arith.select %eq3A_31, %jit3A_32, %jit3A : i32
      %rem3A = arith.remsi %scan3A_24, %select_n3A : i32
      %ne3A = arith.constant 0 : i32
      %ne3A_33 = arith.cmpi ne, %rem3A, %ne3A : i32
      %lt3A = arith.constant 0 : i32
      %lt3A_34 = arith.cmpi slt, %rem3A, %lt3A : i32
      %lt3A_35 = arith.constant 0 : i32
      %lt3A_36 = arith.cmpi slt, %select_n3A, %lt3A_35 : i32
      %ne3A_37 = arith.xori %lt3A_34, %lt3A_36 : i1
      %and3A = arith.andi %ne3A_37, %ne3A_33 : i1
      %add3A_38 = arith.addi %rem3A, %select_n3A : i32
      %select_n3A_39 = arith.select %and3A, %add3A_38, %rem3A : i32
      %eq3A_40 = arith.constant 0 : i32
      %eq3A_41 = arith.cmpi eq, %select_n3A_39, %eq3A_40 : i32
      %convert_element_type3A = arith.extui %eq3A_41 : i1 to i32
      %cond3A = arith.constant 0 : i32
      %cond3A_42 = arith.cmpi ne, %convert_element_type3A, %cond3A : i32
      scf.if %cond3A_42 {
        %dma_start3A_65 = arith.constant 0 : i32
        %dma_start3A_66 = tpu.memref_slice %arg10[%dma_start3A_65] : memref<101888xf32, #tpu.memory_space<vmem_shared>> -> memref<101888xf32, #tpu.memory_space<vmem_shared>>
        tpu.enqueue_indirect_dma source(%arg8 : memref<8000xf32, #tpu.memory_space<vmem>>) target(%dma_start3A_66 : memref<101888xf32, #tpu.memory_space<vmem_shared>>) offsets(%arg6 : memref<8000xi32, #tpu.memory_space<vmem>>) semaphore(%arg12 : memref<!tpu.dma_semaphore, #tpu.memory_space<semaphore_mem>>) {add = true}
        %add3A_67 = arith.constant 8000 : i32
        %add3A_68 = arith.addi %add3A_30, %add3A_67 : i32
        %dma_start3A_69 = tpu.memref_slice %arg2[%add3A_68] : memref<6400000xi32, #tpu.memory_space<hbm>> -> memref<8000xi32, #tpu.memory_space<hbm>>
        %dma_start3A_70 = tpu.memref_slice %arg2[%add3A_68] : memref<6400000xi32, #tpu.memory_space<hbm>> -> memref<8000xi32, #tpu.memory_space<hbm>>
        tpu.enqueue_dma source(%dma_start3A_70 : memref<8000xi32, #tpu.memory_space<hbm>>) target(%arg7 : memref<8000xi32, #tpu.memory_space<vmem>>) target_semaphore(%arg11 : memref<!tpu.dma_semaphore, #tpu.memory_space<semaphore_mem>>)
        %dma_wait3A_71 = arith.constant 0 : i32
        %dma_wait3A_72 = tpu.memref_slice %arg10[%dma_wait3A_71] : memref<101888xf32, #tpu.memory_space<vmem_shared>> -> memref<101888xf32, #tpu.memory_space<vmem_shared>>
        tpu.wait_indirect_dma semaphore(%arg12 : memref<!tpu.dma_semaphore, #tpu.memory_space<semaphore_mem>>) src(%arg8 : memref<8000xf32, #tpu.memory_space<vmem>>) dst(%dma_wait3A_72 : memref<101888xf32, #tpu.memory_space<vmem_shared>>)
        %dma_wait3A_73 = tpu.memref_slice %arg2[%add3A_68] : memref<6400000xi32, #tpu.memory_space<hbm>> -> memref<8000xi32, #tpu.memory_space<hbm>>
        %dma_wait3A_74 = tpu.memref_slice %arg2[%add3A_68] : memref<6400000xi32, #tpu.memory_space<hbm>> -> memref<8000xi32, #tpu.memory_space<hbm>>
        tpu.wait_dma2 semaphore(%arg11 : memref<!tpu.dma_semaphore, #tpu.memory_space<semaphore_mem>>) src(%dma_wait3A_74 : memref<8000xi32, #tpu.memory_space<hbm>>) dst(%arg7 : memref<8000xi32, #tpu.memory_space<vmem>>)
      } else {
      }
      %jit3A_43 = arith.constant 2 : i32
      %eq3A_44 = arith.constant 0 : i32
      %eq3A_45 = arith.cmpi eq, %jit3A_43, %eq3A_44 : i32
      %jit3A_46 = arith.constant 1 : i32
      %select_n3A_47 = arith.select %eq3A_45, %jit3A_46, %jit3A_43 : i32
      %rem3A_48 = arith.remsi %scan3A_24, %select_n3A_47 : i32
      %ne3A_49 = arith.constant 0 : i32
      %ne3A_50 = arith.cmpi ne, %rem3A_48, %ne3A_49 : i32
      %lt3A_51 = arith.constant 0 : i32
      %lt3A_52 = arith.cmpi slt, %rem3A_48, %lt3A_51 : i32
      %lt3A_53 = arith.constant 0 : i32
      %lt3A_54 = arith.cmpi slt, %select_n3A_47, %lt3A_53 : i32
      %ne3A_55 = arith.xori %lt3A_52, %lt3A_54 : i1
      %and3A_56 = arith.andi %ne3A_55, %ne3A_50 : i1
      %add3A_57 = arith.addi %rem3A_48, %select_n3A_47 : i32
      %select_n3A_58 = arith.select %and3A_56, %add3A_57, %rem3A_48 : i32
      %eq3A_59 = arith.constant 1 : i32
      %eq3A_60 = arith.cmpi eq, %select_n3A_58, %eq3A_59 : i32
      %convert_element_type3A_61 = arith.extui %eq3A_60 : i1 to i32
      %cond3A_62 = arith.constant 0 : i32
      %cond3A_63 = arith.cmpi ne, %convert_element_type3A_61, %cond3A_62 : i32
      scf.if %cond3A_63 {
        %dma_start3A_65 = arith.constant 0 : i32
        %dma_start3A_66 = tpu.memref_slice %arg10[%dma_start3A_65] : memref<101888xf32, #tpu.memory_space<vmem_shared>> -> memref<101888xf32, #tpu.memory_space<vmem_shared>>
        tpu.enqueue_indirect_dma source(%arg8 : memref<8000xf32, #tpu.memory_space<vmem>>) target(%dma_start3A_66 : memref<101888xf32, #tpu.memory_space<vmem_shared>>) offsets(%arg7 : memref<8000xi32, #tpu.memory_space<vmem>>) semaphore(%arg12 : memref<!tpu.dma_semaphore, #tpu.memory_space<semaphore_mem>>) {add = true}
        %add3A_67 = arith.constant 8000 : i32
        %add3A_68 = arith.addi %add3A_30, %add3A_67 : i32
        %dma_start3A_69 = tpu.memref_slice %arg2[%add3A_68] : memref<6400000xi32, #tpu.memory_space<hbm>> -> memref<8000xi32, #tpu.memory_space<hbm>>
        %dma_start3A_70 = tpu.memref_slice %arg2[%add3A_68] : memref<6400000xi32, #tpu.memory_space<hbm>> -> memref<8000xi32, #tpu.memory_space<hbm>>
        tpu.enqueue_dma source(%dma_start3A_70 : memref<8000xi32, #tpu.memory_space<hbm>>) target(%arg6 : memref<8000xi32, #tpu.memory_space<vmem>>) target_semaphore(%arg11 : memref<!tpu.dma_semaphore, #tpu.memory_space<semaphore_mem>>)
        %dma_wait3A_71 = arith.constant 0 : i32
        %dma_wait3A_72 = tpu.memref_slice %arg10[%dma_wait3A_71] : memref<101888xf32, #tpu.memory_space<vmem_shared>> -> memref<101888xf32, #tpu.memory_space<vmem_shared>>
        tpu.wait_indirect_dma semaphore(%arg12 : memref<!tpu.dma_semaphore, #tpu.memory_space<semaphore_mem>>) src(%arg8 : memref<8000xf32, #tpu.memory_space<vmem>>) dst(%dma_wait3A_72 : memref<101888xf32, #tpu.memory_space<vmem_shared>>)
        %dma_wait3A_73 = tpu.memref_slice %arg2[%add3A_68] : memref<6400000xi32, #tpu.memory_space<hbm>> -> memref<8000xi32, #tpu.memory_space<hbm>>
        %dma_wait3A_74 = tpu.memref_slice %arg2[%add3A_68] : memref<6400000xi32, #tpu.memory_space<hbm>> -> memref<8000xi32, #tpu.memory_space<hbm>>
        tpu.wait_dma2 semaphore(%arg11 : memref<!tpu.dma_semaphore, #tpu.memory_space<semaphore_mem>>) src(%dma_wait3A_74 : memref<8000xi32, #tpu.memory_space<hbm>>) dst(%arg6 : memref<8000xi32, #tpu.memory_space<vmem>>)
      } else {
      }
      %scan3A_64 = arith.constant 0 : i32
      scf.yield %scan3A_64 : i32
    }
    %scan3A_14 = arith.constant 24 : i32
    %dma_start3A_15 = arith.constant 0 : i32
    %dma_start3A_16 = tpu.memref_slice %arg10[%dma_start3A_15] : memref<101888xf32, #tpu.memory_space<vmem_shared>> -> memref<101888xf32, #tpu.memory_space<vmem_shared>>
    tpu.enqueue_indirect_dma source(%arg8 : memref<8000xf32, #tpu.memory_space<vmem>>) target(%dma_start3A_16 : memref<101888xf32, #tpu.memory_space<vmem_shared>>) offsets(%arg6 : memref<8000xi32, #tpu.memory_space<vmem>>) semaphore(%arg12 : memref<!tpu.dma_semaphore, #tpu.memory_space<semaphore_mem>>) {add = true}
    %dma_wait3A_17 = arith.constant 0 : i32
    %dma_wait3A_18 = tpu.memref_slice %arg10[%dma_wait3A_17] : memref<101888xf32, #tpu.memory_space<vmem_shared>> -> memref<101888xf32, #tpu.memory_space<vmem_shared>>
    tpu.wait_indirect_dma semaphore(%arg12 : memref<!tpu.dma_semaphore, #tpu.memory_space<semaphore_mem>>) src(%arg8 : memref<8000xf32, #tpu.memory_space<vmem>>) dst(%dma_wait3A_18 : memref<101888xf32, #tpu.memory_space<vmem_shared>>)
    %barrier3A_19 = arith.constant 0 : index
    tpu.barrier barrier_id(%barrier3A_19)
    %mul3A_20 = arith.constant 6368 : i32
    %mul3A_21 = arith.muli %arg1, %mul3A_20 : i32
    "tpu.region"() ({
      %run_scoped3A = tpu.sem_alloc : memref<!tpu.dma_semaphore, #tpu.memory_space<semaphore_mem>>
      %dma_start3A_24 = tpu.memref_slice %arg10[%mul3A_21] : memref<101888xf32, #tpu.memory_space<vmem_shared>> -> memref<6368xf32, #tpu.memory_space<vmem_shared>>
      %dma_start3A_25 = tpu.memref_slice %arg10[%mul3A_21] : memref<101888xf32, #tpu.memory_space<vmem_shared>> -> memref<6368xf32, #tpu.memory_space<vmem_shared>>
      tpu.enqueue_dma source(%dma_start3A_25 : memref<6368xf32, #tpu.memory_space<vmem_shared>>) target(%arg9 : memref<6368xf32, #tpu.memory_space<vmem>>) target_semaphore(%run_scoped3A : memref<!tpu.dma_semaphore, #tpu.memory_space<semaphore_mem>>)
      %dma_wait3A_26 = tpu.memref_slice %arg10[%mul3A_21] : memref<101888xf32, #tpu.memory_space<vmem_shared>> -> memref<6368xf32, #tpu.memory_space<vmem_shared>>
      %dma_wait3A_27 = tpu.memref_slice %arg10[%mul3A_21] : memref<101888xf32, #tpu.memory_space<vmem_shared>> -> memref<6368xf32, #tpu.memory_space<vmem_shared>>
      tpu.wait_dma2 semaphore(%run_scoped3A : memref<!tpu.dma_semaphore, #tpu.memory_space<semaphore_mem>>) src(%dma_wait3A_27 : memref<6368xf32, #tpu.memory_space<vmem_shared>>) dst(%arg9 : memref<6368xf32, #tpu.memory_space<vmem>>)
      tpu.yield
    }) : () -> ()
    %mul3A_22 = arith.constant 6368 : i32
    %mul3A_23 = arith.muli %arg1, %mul3A_22 : i32
    "tpu.region"() ({
      %run_scoped3A = tpu.sem_alloc : memref<!tpu.dma_semaphore, #tpu.memory_space<semaphore_mem>>
      %dma_start3A_24 = tpu.memref_slice %arg5[%arg0, %mul3A_23] : memref<2x101888xf32, #tpu.memory_space<hbm>> -> memref<1x6368xf32, #tpu.memory_space<hbm>>
      %dma_start3A_25 = tpu.memref_squeeze %dma_start3A_24 : memref<1x6368xf32, #tpu.memory_space<hbm>> -> memref<6368xf32, #tpu.memory_space<hbm>>
      %dma_start3A_26 = tpu.memref_slice %arg5[%arg0, %mul3A_23] : memref<2x101888xf32, #tpu.memory_space<hbm>> -> memref<1x6368xf32, #tpu.memory_space<hbm>>
      %dma_start3A_27 = tpu.memref_squeeze %dma_start3A_26 : memref<1x6368xf32, #tpu.memory_space<hbm>> -> memref<6368xf32, #tpu.memory_space<hbm>>
      tpu.enqueue_dma source(%arg9 : memref<6368xf32, #tpu.memory_space<vmem>>) target(%dma_start3A_27 : memref<6368xf32, #tpu.memory_space<hbm>>) target_semaphore(%run_scoped3A : memref<!tpu.dma_semaphore, #tpu.memory_space<semaphore_mem>>)
      %dma_wait3A_28 = tpu.memref_slice %arg5[%arg0, %mul3A_23] : memref<2x101888xf32, #tpu.memory_space<hbm>> -> memref<1x6368xf32, #tpu.memory_space<hbm>>
      %dma_wait3A_29 = tpu.memref_squeeze %dma_wait3A_28 : memref<1x6368xf32, #tpu.memory_space<hbm>> -> memref<6368xf32, #tpu.memory_space<hbm>>
      %dma_wait3A_30 = tpu.memref_slice %arg5[%arg0, %mul3A_23] : memref<2x101888xf32, #tpu.memory_space<hbm>> -> memref<1x6368xf32, #tpu.memory_space<hbm>>
      %dma_wait3A_31 = tpu.memref_squeeze %dma_wait3A_30 : memref<1x6368xf32, #tpu.memory_space<hbm>> -> memref<6368xf32, #tpu.memory_space<hbm>>
      tpu.wait_dma2 semaphore(%run_scoped3A : memref<!tpu.dma_semaphore, #tpu.memory_space<semaphore_mem>>) src(%arg9 : memref<6368xf32, #tpu.memory_space<vmem>>) dst(%dma_wait3A_31 : memref<6368xf32, #tpu.memory_space<hbm>>)
      tpu.yield
    }) : () -> ()
    return
  }
}

#map = affine_map<(d0, d1) -> (0)>
#map1 = affine_map<(d0, d1) -> (0, 0)>
#map2 = affine_map<(d0, d1) -> (0, 0, 0)>
module attributes {stable_mosaic.version = 14 : i64} {
  func.func @k(%arg0: i32, %arg1: i32, %arg2: memref<6400000xi32, #tpu.memory_space<hbm>>, %arg3: memref<6400000xi32, #tpu.memory_space<hbm>>, %arg4: memref<2x101888xf32, #tpu.memory_space<hbm>>, %arg5: memref<101888xf32, #tpu.memory_space<hbm>>, %arg6: memref<101888xf32, #tpu.memory_space<hbm>>, %arg7: memref<64xf32, #tpu.memory_space<hbm>>, %arg8: memref<101888xf32, #tpu.memory_space<hbm>>, %arg9: memref<2x2x101888xf32, #tpu.memory_space<hbm>>, %arg10: memref<101888xf32, #tpu.memory_space<hbm>>, %arg11: memref<2000xi32, #tpu.memory_space<vmem>>, %arg12: memref<2000xi32, #tpu.memory_space<vmem>>, %arg13: memref<2000xi32, #tpu.memory_space<vmem>>, %arg14: memref<2000xi32, #tpu.memory_space<vmem>>, %arg15: memref<2000xf32, #tpu.memory_space<vmem>>, %arg16: memref<2000xf32, #tpu.memory_space<vmem>>, %arg17: memref<2000xf32, #tpu.memory_space<vmem>>, %arg18: memref<2000xf32, #tpu.memory_space<vmem>>, %arg19: memref<101888xf32, #tpu.memory_space<vmem>>, %arg20: memref<101888xf32, #tpu.memory_space<vmem_shared>>, %arg21: memref<101888xf32, #tpu.memory_space<vmem_shared>>, %arg22: memref<!tpu.dma_semaphore, #tpu.memory_space<semaphore_mem>>, %arg23: memref<!tpu.dma_semaphore, #tpu.memory_space<semaphore_mem>>, %arg24: memref<!tpu.dma_semaphore, #tpu.memory_space<semaphore_mem>>, %arg25: memref<!tpu.dma_semaphore, #tpu.memory_space<semaphore_mem>>, %arg26: memref<64xf32, #tpu.memory_space<vmem>>) attributes {dimension_semantics = [#tpu.dimension_semantics<core_parallel>, #tpu.dimension_semantics<subcore_parallel>], iteration_bounds = array<i64: 2, 16>, scalar_prefetch = 0 : i64, scratch_operands = 16 : i64, tpu.core_type = #tpu.core_type<sc_vector_subcore>, window_params = [{transform_indices = #map}, {transform_indices = #map}, {transform_indices = #map1}, {transform_indices = #map}, {transform_indices = #map}, {transform_indices = #map}, {transform_indices = #map}, {transform_indices = #map2}, {transform_indices = #map}]} {
    %mul3A = arith.constant 16 : i32
    %mul3A_0 = arith.muli %arg0, %mul3A : i32
    %add3A = arith.addi %mul3A_0, %arg1 : i32
    "tpu.region"() ({
      %run_scoped3A_119 = tpu.sem_alloc : memref<!tpu.dma_semaphore, #tpu.memory_space<semaphore_mem>>
      tpu.enqueue_dma source(%arg7 : memref<64xf32, #tpu.memory_space<hbm>>) target(%arg26 : memref<64xf32, #tpu.memory_space<vmem>>) target_semaphore(%run_scoped3A_119 : memref<!tpu.dma_semaphore, #tpu.memory_space<semaphore_mem>>)
      tpu.wait_dma2 semaphore(%run_scoped3A_119 : memref<!tpu.dma_semaphore, #tpu.memory_space<semaphore_mem>>) src(%arg7 : memref<64xf32, #tpu.memory_space<hbm>>) dst(%arg26 : memref<64xf32, #tpu.memory_space<vmem>>)
      tpu.yield
    }) : () -> ()
    %get3A = arith.constant 0 : index
    %get3A_1 = tpu.vector_load %arg26[%get3A] {strides = array<i32>} : memref<64xf32, #tpu.memory_space<vmem>>, vector<16xf32>,
    %get3A_2 = arith.constant 16 : index
    %get3A_3 = tpu.vector_load %arg26[%get3A_2] {strides = array<i32>} : memref<64xf32, #tpu.memory_space<vmem>>, vector<16xf32>,
    %get3A_4 = arith.constant 32 : index
    %get3A_5 = tpu.vector_load %arg26[%get3A_4] {strides = array<i32>} : memref<64xf32, #tpu.memory_space<vmem>>, vector<16xf32>,
    %get3A_6 = arith.constant 48 : index
    %get3A_7 = tpu.vector_load %arg26[%get3A_6] {strides = array<i32>} : memref<64xf32, #tpu.memory_space<vmem>>, vector<16xf32>,
    %mul3A_8 = arith.constant 6368 : i32
    %mul3A_9 = arith.muli %arg1, %mul3A_8 : i32
    %add3A_10 = arith.constant 0 : i32
    %add3A_11 = arith.addi %mul3A_9, %add3A_10 : i32
    %run_scoped3A = arith.constant 0 : i32
    "tpu.region"() ({
      %run_scoped3A_119 = tpu.sem_alloc : memref<!tpu.dma_semaphore, #tpu.memory_space<semaphore_mem>>
      %dma_start3A = arith.constant 0 : i32
      %dma_start3A_120 = tpu.memref_slice %arg15[%dma_start3A] : memref<2000xf32, #tpu.memory_space<vmem>> -> memref<1984xf32, #tpu.memory_space<vmem>>
      %dma_start3A_121 = tpu.memref_slice %arg4[%run_scoped3A, %add3A_11] : memref<2x101888xf32, #tpu.memory_space<hbm>> -> memref<1x1984xf32, #tpu.memory_space<hbm>>
      %dma_start3A_122 = tpu.memref_squeeze %dma_start3A_121 : memref<1x1984xf32, #tpu.memory_space<hbm>> -> memref<1984xf32, #tpu.memory_space<hbm>>
      %dma_start3A_123 = arith.constant 0 : i32
      %dma_start3A_124 = tpu.memref_slice %arg15[%dma_start3A_123] : memref<2000xf32, #tpu.memory_space<vmem>> -> memref<1984xf32, #tpu.memory_space<vmem>>
      %dma_start3A_125 = tpu.memref_slice %arg4[%run_scoped3A, %add3A_11] : memref<2x101888xf32, #tpu.memory_space<hbm>> -> memref<1x1984xf32, #tpu.memory_space<hbm>>
      %dma_start3A_126 = tpu.memref_squeeze %dma_start3A_125 : memref<1x1984xf32, #tpu.memory_space<hbm>> -> memref<1984xf32, #tpu.memory_space<hbm>>
      tpu.enqueue_dma source(%dma_start3A_126 : memref<1984xf32, #tpu.memory_space<hbm>>) target(%dma_start3A_124 : memref<1984xf32, #tpu.memory_space<vmem>>) target_semaphore(%run_scoped3A_119 : memref<!tpu.dma_semaphore, #tpu.memory_space<semaphore_mem>>)
      %dma_wait3A_127 = arith.constant 0 : i32
      %dma_wait3A_128 = tpu.memref_slice %arg15[%dma_wait3A_127] : memref<2000xf32, #tpu.memory_space<vmem>> -> memref<1984xf32, #tpu.memory_space<vmem>>
      %dma_wait3A_129 = tpu.memref_slice %arg4[%run_scoped3A, %add3A_11] : memref<2x101888xf32, #tpu.memory_space<hbm>> -> memref<1x1984xf32, #tpu.memory_space<hbm>>
      %dma_wait3A_130 = tpu.memref_squeeze %dma_wait3A_129 : memref<1x1984xf32, #tpu.memory_space<hbm>> -> memref<1984xf32, #tpu.memory_space<hbm>>
      %dma_wait3A_131 = arith.constant 0 : i32
      %dma_wait3A_132 = tpu.memref_slice %arg15[%dma_wait3A_131] : memref<2000xf32, #tpu.memory_space<vmem>> -> memref<1984xf32, #tpu.memory_space<vmem>>
      %dma_wait3A_133 = tpu.memref_slice %arg4[%run_scoped3A, %add3A_11] : memref<2x101888xf32, #tpu.memory_space<hbm>> -> memref<1x1984xf32, #tpu.memory_space<hbm>>
      %dma_wait3A_134 = tpu.memref_squeeze %dma_wait3A_133 : memref<1x1984xf32, #tpu.memory_space<hbm>> -> memref<1984xf32, #tpu.memory_space<hbm>>
      tpu.wait_dma2 semaphore(%run_scoped3A_119 : memref<!tpu.dma_semaphore, #tpu.memory_space<semaphore_mem>>) src(%dma_wait3A_134 : memref<1984xf32, #tpu.memory_space<hbm>>) dst(%dma_wait3A_132 : memref<1984xf32, #tpu.memory_space<vmem>>)
      tpu.yield
    }) : () -> ()
    %run_scoped3A_12 = arith.constant 1 : i32
    "tpu.region"() ({
      %run_scoped3A_119 = tpu.sem_alloc : memref<!tpu.dma_semaphore, #tpu.memory_space<semaphore_mem>>
      %dma_start3A = arith.constant 0 : i32
      %dma_start3A_120 = tpu.memref_slice %arg16[%dma_start3A] : memref<2000xf32, #tpu.memory_space<vmem>> -> memref<1984xf32, #tpu.memory_space<vmem>>
      %dma_start3A_121 = tpu.memref_slice %arg4[%run_scoped3A_12, %add3A_11] : memref<2x101888xf32, #tpu.memory_space<hbm>> -> memref<1x1984xf32, #tpu.memory_space<hbm>>
      %dma_start3A_122 = tpu.memref_squeeze %dma_start3A_121 : memref<1x1984xf32, #tpu.memory_space<hbm>> -> memref<1984xf32, #tpu.memory_space<hbm>>
      %dma_start3A_123 = arith.constant 0 : i32
      %dma_start3A_124 = tpu.memref_slice %arg16[%dma_start3A_123] : memref<2000xf32, #tpu.memory_space<vmem>> -> memref<1984xf32, #tpu.memory_space<vmem>>
      %dma_start3A_125 = tpu.memref_slice %arg4[%run_scoped3A_12, %add3A_11] : memref<2x101888xf32, #tpu.memory_space<hbm>> -> memref<1x1984xf32, #tpu.memory_space<hbm>>
      %dma_start3A_126 = tpu.memref_squeeze %dma_start3A_125 : memref<1x1984xf32, #tpu.memory_space<hbm>> -> memref<1984xf32, #tpu.memory_space<hbm>>
      tpu.enqueue_dma source(%dma_start3A_126 : memref<1984xf32, #tpu.memory_space<hbm>>) target(%dma_start3A_124 : memref<1984xf32, #tpu.memory_space<vmem>>) target_semaphore(%run_scoped3A_119 : memref<!tpu.dma_semaphore, #tpu.memory_space<semaphore_mem>>)
      %dma_wait3A_127 = arith.constant 0 : i32
      %dma_wait3A_128 = tpu.memref_slice %arg16[%dma_wait3A_127] : memref<2000xf32, #tpu.memory_space<vmem>> -> memref<1984xf32, #tpu.memory_space<vmem>>
      %dma_wait3A_129 = tpu.memref_slice %arg4[%run_scoped3A_12, %add3A_11] : memref<2x101888xf32, #tpu.memory_space<hbm>> -> memref<1x1984xf32, #tpu.memory_space<hbm>>
      %dma_wait3A_130 = tpu.memref_squeeze %dma_wait3A_129 : memref<1x1984xf32, #tpu.memory_space<hbm>> -> memref<1984xf32, #tpu.memory_space<hbm>>
      %dma_wait3A_131 = arith.constant 0 : i32
      %dma_wait3A_132 = tpu.memref_slice %arg16[%dma_wait3A_131] : memref<2000xf32, #tpu.memory_space<vmem>> -> memref<1984xf32, #tpu.memory_space<vmem>>
      %dma_wait3A_133 = tpu.memref_slice %arg4[%run_scoped3A_12, %add3A_11] : memref<2x101888xf32, #tpu.memory_space<hbm>> -> memref<1x1984xf32, #tpu.memory_space<hbm>>
      %dma_wait3A_134 = tpu.memref_squeeze %dma_wait3A_133 : memref<1x1984xf32, #tpu.memory_space<hbm>> -> memref<1984xf32, #tpu.memory_space<hbm>>
      tpu.wait_dma2 semaphore(%run_scoped3A_119 : memref<!tpu.dma_semaphore, #tpu.memory_space<semaphore_mem>>) src(%dma_wait3A_134 : memref<1984xf32, #tpu.memory_space<hbm>>) dst(%dma_wait3A_132 : memref<1984xf32, #tpu.memory_space<vmem>>)
      tpu.yield
    }) : () -> ()
    "tpu.region"() ({
      %run_scoped3A_119 = tpu.sem_alloc : memref<!tpu.dma_semaphore, #tpu.memory_space<semaphore_mem>>
      %dma_start3A = arith.constant 0 : i32
      %dma_start3A_120 = tpu.memref_slice %arg17[%dma_start3A] : memref<2000xf32, #tpu.memory_space<vmem>> -> memref<1984xf32, #tpu.memory_space<vmem>>
      %dma_start3A_121 = tpu.memref_slice %arg5[%add3A_11] : memref<101888xf32, #tpu.memory_space<hbm>> -> memref<1984xf32, #tpu.memory_space<hbm>>
      %dma_start3A_122 = arith.constant 0 : i32
      %dma_start3A_123 = tpu.memref_slice %arg17[%dma_start3A_122] : memref<2000xf32, #tpu.memory_space<vmem>> -> memref<1984xf32, #tpu.memory_space<vmem>>
      %dma_start3A_124 = tpu.memref_slice %arg5[%add3A_11] : memref<101888xf32, #tpu.memory_space<hbm>> -> memref<1984xf32, #tpu.memory_space<hbm>>
      tpu.enqueue_dma source(%dma_start3A_124 : memref<1984xf32, #tpu.memory_space<hbm>>) target(%dma_start3A_123 : memref<1984xf32, #tpu.memory_space<vmem>>) target_semaphore(%run_scoped3A_119 : memref<!tpu.dma_semaphore, #tpu.memory_space<semaphore_mem>>)
      %dma_wait3A_125 = arith.constant 0 : i32
      %dma_wait3A_126 = tpu.memref_slice %arg17[%dma_wait3A_125] : memref<2000xf32, #tpu.memory_space<vmem>> -> memref<1984xf32, #tpu.memory_space<vmem>>
      %dma_wait3A_127 = tpu.memref_slice %arg5[%add3A_11] : memref<101888xf32, #tpu.memory_space<hbm>> -> memref<1984xf32, #tpu.memory_space<hbm>>
      %dma_wait3A_128 = arith.constant 0 : i32
      %dma_wait3A_129 = tpu.memref_slice %arg17[%dma_wait3A_128] : memref<2000xf32, #tpu.memory_space<vmem>> -> memref<1984xf32, #tpu.memory_space<vmem>>
      %dma_wait3A_130 = tpu.memref_slice %arg5[%add3A_11] : memref<101888xf32, #tpu.memory_space<hbm>> -> memref<1984xf32, #tpu.memory_space<hbm>>
      tpu.wait_dma2 semaphore(%run_scoped3A_119 : memref<!tpu.dma_semaphore, #tpu.memory_space<semaphore_mem>>) src(%dma_wait3A_130 : memref<1984xf32, #tpu.memory_space<hbm>>) dst(%dma_wait3A_129 : memref<1984xf32, #tpu.memory_space<vmem>>)
      tpu.yield
    }) : () -> ()
    "tpu.region"() ({
      %run_scoped3A_119 = tpu.sem_alloc : memref<!tpu.dma_semaphore, #tpu.memory_space<semaphore_mem>>
      %dma_start3A = arith.constant 0 : i32
      %dma_start3A_120 = tpu.memref_slice %arg18[%dma_start3A] : memref<2000xf32, #tpu.memory_space<vmem>> -> memref<1984xf32, #tpu.memory_space<vmem>>
      %dma_start3A_121 = tpu.memref_slice %arg6[%add3A_11] : memref<101888xf32, #tpu.memory_space<hbm>> -> memref<1984xf32, #tpu.memory_space<hbm>>
      %dma_start3A_122 = arith.constant 0 : i32
      %dma_start3A_123 = tpu.memref_slice %arg18[%dma_start3A_122] : memref<2000xf32, #tpu.memory_space<vmem>> -> memref<1984xf32, #tpu.memory_space<vmem>>
      %dma_start3A_124 = tpu.memref_slice %arg6[%add3A_11] : memref<101888xf32, #tpu.memory_space<hbm>> -> memref<1984xf32, #tpu.memory_space<hbm>>
      tpu.enqueue_dma source(%dma_start3A_124 : memref<1984xf32, #tpu.memory_space<hbm>>) target(%dma_start3A_123 : memref<1984xf32, #tpu.memory_space<vmem>>) target_semaphore(%run_scoped3A_119 : memref<!tpu.dma_semaphore, #tpu.memory_space<semaphore_mem>>)
      %dma_wait3A_125 = arith.constant 0 : i32
      %dma_wait3A_126 = tpu.memref_slice %arg18[%dma_wait3A_125] : memref<2000xf32, #tpu.memory_space<vmem>> -> memref<1984xf32, #tpu.memory_space<vmem>>
      %dma_wait3A_127 = tpu.memref_slice %arg6[%add3A_11] : memref<101888xf32, #tpu.memory_space<hbm>> -> memref<1984xf32, #tpu.memory_space<hbm>>
      %dma_wait3A_128 = arith.constant 0 : i32
      %dma_wait3A_129 = tpu.memref_slice %arg18[%dma_wait3A_128] : memref<2000xf32, #tpu.memory_space<vmem>> -> memref<1984xf32, #tpu.memory_space<vmem>>
      %dma_wait3A_130 = tpu.memref_slice %arg6[%add3A_11] : memref<101888xf32, #tpu.memory_space<hbm>> -> memref<1984xf32, #tpu.memory_space<hbm>>
      tpu.wait_dma2 semaphore(%run_scoped3A_119 : memref<!tpu.dma_semaphore, #tpu.memory_space<semaphore_mem>>) src(%dma_wait3A_130 : memref<1984xf32, #tpu.memory_space<hbm>>) dst(%dma_wait3A_129 : memref<1984xf32, #tpu.memory_space<vmem>>)
      tpu.yield
    }) : () -> ()
    %scan3A = arith.constant 0 : i32
    %scan3A_13 = arith.constant 0 : i32
    %scan3A_14 = arith.constant 124 : i32
    %scan3A_15 = arith.addi %scan3A_13, %scan3A_14 : i32
    %scan3A_16 = arith.constant 1 : i32
    %scan3A_17 = scf.for %scan3A_119 = %scan3A_13 to %scan3A_15 step %scan3A_16 iter_args(%scan3A_120 = %scan3A) -> (i32)  : i32 {
      %mul3A_121 = arith.constant 16 : i32
      %mul3A_122 = arith.muli %scan3A_119, %mul3A_121 : i32
      %get3A_123 = arith.index_cast %mul3A_122 : i32 to index
      %get3A_124 = tpu.vector_load %arg15[%get3A_123] {strides = array<i32>} : memref<2000xf32, #tpu.memory_space<vmem>>, vector<16xf32>,
      %get3A_125 = arith.index_cast %mul3A_122 : i32 to index
      %get3A_126 = tpu.vector_load %arg16[%get3A_125] {strides = array<i32>} : memref<2000xf32, #tpu.memory_space<vmem>>, vector<16xf32>,
      %add3A_127 = arith.addf %get3A_124, %get3A_126 : vector<16xf32>
      %add3A_128 = arith.constant 1.000000e+00 : f32
      %add3A_129 = vector.broadcast %add3A_128 : f32 to vector<16xf32>
      %add3A_130 = arith.addf %add3A_127, %add3A_129 : vector<16xf32>
      %bitcast3A = vector.bitcast %add3A_130 : vector<16xf32> to vector<16xi32>
      %shift_right_logical3A = arith.constant 1 : i32
      %shift_right_logical3A_131 = vector.broadcast %shift_right_logical3A : i32 to vector<16xi32>
      %shift_right_logical3A_132 = arith.shrui %bitcast3A, %shift_right_logical3A_131 : vector<16xi32>
      %sub3A = arith.constant 1597463007 : i32
      %sub3A_133 = vector.broadcast %sub3A : i32 to vector<16xi32>
      %sub3A_134 = arith.subi %sub3A_133, %shift_right_logical3A_132 : vector<16xi32>
      %bitcast3A_135 = vector.bitcast %sub3A_134 : vector<16xi32> to vector<16xf32>
      %mul3A_136 = arith.constant 5.000000e-01 : f32
      %mul3A_137 = vector.broadcast %mul3A_136 : f32 to vector<16xf32>
      %mul3A_138 = arith.mulf %mul3A_137, %add3A_130 : vector<16xf32>
      %mul3A_139 = arith.mulf %mul3A_138, %bitcast3A_135 : vector<16xf32>
      %mul3A_140 = arith.mulf %mul3A_139, %bitcast3A_135 : vector<16xf32>
      %sub3A_141 = arith.constant 1.500000e+00 : f32
      %sub3A_142 = vector.broadcast %sub3A_141 : f32 to vector<16xf32>
      %sub3A_143 = arith.subf %sub3A_142, %mul3A_140 : vector<16xf32>
      %mul3A_144 = arith.mulf %bitcast3A_135, %sub3A_143 : vector<16xf32>
      %mul3A_145 = arith.constant 5.000000e-01 : f32
      %mul3A_146 = vector.broadcast %mul3A_145 : f32 to vector<16xf32>
      %mul3A_147 = arith.mulf %mul3A_146, %add3A_130 : vector<16xf32>
      %mul3A_148 = arith.mulf %mul3A_147, %mul3A_144 : vector<16xf32>
      %mul3A_149 = arith.mulf %mul3A_148, %mul3A_144 : vector<16xf32>
      %sub3A_150 = arith.constant 1.500000e+00 : f32
      %sub3A_151 = vector.broadcast %sub3A_150 : f32 to vector<16xf32>
      %sub3A_152 = arith.subf %sub3A_151, %mul3A_149 : vector<16xf32>
      %mul3A_153 = arith.mulf %mul3A_144, %sub3A_152 : vector<16xf32>
      %mul3A_154 = arith.constant 5.000000e-01 : f32
      %mul3A_155 = vector.broadcast %mul3A_154 : f32 to vector<16xf32>
      %mul3A_156 = arith.mulf %mul3A_155, %add3A_130 : vector<16xf32>
      %mul3A_157 = arith.mulf %mul3A_156, %mul3A_153 : vector<16xf32>
      %mul3A_158 = arith.mulf %mul3A_157, %mul3A_153 : vector<16xf32>
      %sub3A_159 = arith.constant 1.500000e+00 : f32
      %sub3A_160 = vector.broadcast %sub3A_159 : f32 to vector<16xf32>
      %sub3A_161 = arith.subf %sub3A_160, %mul3A_158 : vector<16xf32>
      %mul3A_162 = arith.mulf %mul3A_153, %sub3A_161 : vector<16xf32>
      %get3A_163 = arith.index_cast %mul3A_122 : i32 to index
      %get3A_164 = tpu.vector_load %arg17[%get3A_163] {strides = array<i32>} : memref<2000xf32, #tpu.memory_space<vmem>>, vector<16xf32>,
      %get3A_165 = arith.index_cast %mul3A_122 : i32 to index
      %get3A_166 = tpu.vector_load %arg18[%get3A_165] {strides = array<i32>} : memref<2000xf32, #tpu.memory_space<vmem>>, vector<16xf32>,
      %mul3A_167 = arith.mulf %get3A_164, %get3A_1 : vector<16xf32>
      %mul3A_168 = arith.mulf %get3A_166, %get3A_3 : vector<16xf32>
      %add3A_169 = arith.addf %mul3A_167, %mul3A_168 : vector<16xf32>
      %mul3A_170 = arith.mulf %mul3A_162, %add3A_169 : vector<16xf32>
      %mul3A_171 = arith.mulf %get3A_164, %get3A_5 : vector<16xf32>
      %mul3A_172 = arith.mulf %get3A_166, %get3A_7 : vector<16xf32>
      %add3A_173 = arith.addf %mul3A_171, %mul3A_172 : vector<16xf32>
      %mul3A_174 = arith.mulf %mul3A_162, %add3A_173 : vector<16xf32>
      %bitcast3A_175 = vector.bitcast %mul3A_170 : vector<16xf32> to vector<16xi32>
      %bitcast3A_176 = vector.bitcast %mul3A_174 : vector<16xf32> to vector<16xi32>
      %add3A_177 = arith.constant 32767 : i32
      %add3A_178 = vector.broadcast %add3A_177 : i32 to vector<16xi32>
      %add3A_179 = arith.addi %bitcast3A_175, %add3A_178 : vector<16xi32>
      %shift_right_logical3A_180 = arith.constant 16 : i32
      %shift_right_logical3A_181 = vector.broadcast %shift_right_logical3A_180 : i32 to vector<16xi32>
      %shift_right_logical3A_182 = arith.shrui %bitcast3A_175, %shift_right_logical3A_181 : vector<16xi32>
      %and3A = arith.constant 1 : i32
      %and3A_183 = vector.broadcast %and3A : i32 to vector<16xi32>
      %and3A_184 = arith.andi %shift_right_logical3A_182, %and3A_183 : vector<16xi32>
      %add3A_185 = arith.addi %add3A_179, %and3A_184 : vector<16xi32>
      %shift_right_logical3A_186 = arith.constant 16 : i32
      %shift_right_logical3A_187 = vector.broadcast %shift_right_logical3A_186 : i32 to vector<16xi32>
      %shift_right_logical3A_188 = arith.shrui %add3A_185, %shift_right_logical3A_187 : vector<16xi32>
      %add3A_189 = arith.constant 32767 : i32
      %add3A_190 = vector.broadcast %add3A_189 : i32 to vector<16xi32>
      %add3A_191 = arith.addi %bitcast3A_176, %add3A_190 : vector<16xi32>
      %shift_right_logical3A_192 = arith.constant 16 : i32
      %shift_right_logical3A_193 = vector.broadcast %shift_right_logical3A_192 : i32 to vector<16xi32>
      %shift_right_logical3A_194 = arith.shrui %bitcast3A_176, %shift_right_logical3A_193 : vector<16xi32>
      %and3A_195 = arith.constant 1 : i32
      %and3A_196 = vector.broadcast %and3A_195 : i32 to vector<16xi32>
      %and3A_197 = arith.andi %shift_right_logical3A_194, %and3A_196 : vector<16xi32>
      %add3A_198 = arith.addi %add3A_191, %and3A_197 : vector<16xi32>
      %shift_right_logical3A_199 = arith.constant 16 : i32
      %shift_right_logical3A_200 = vector.broadcast %shift_right_logical3A_199 : i32 to vector<16xi32>
      %shift_right_logical3A_201 = arith.shrui %add3A_198, %shift_right_logical3A_200 : vector<16xi32>
      %shift_left3A = arith.constant 16 : i32
      %shift_left3A_202 = vector.broadcast %shift_left3A : i32 to vector<16xi32>
      %shift_left3A_203 = arith.shli %shift_right_logical3A_201, %shift_left3A_202 : vector<16xi32>
      %or3A = arith.ori %shift_left3A_203, %shift_right_logical3A_188 : vector<16xi32>
      %bitcast3A_204 = vector.bitcast %or3A : vector<16xi32> to vector<16xf32>
      %swap3A = arith.index_cast %mul3A_122 : i32 to index
      %swap3A_205 = tpu.vector_load %arg15[%swap3A] {strides = array<i32>} : memref<2000xf32, #tpu.memory_space<vmem>>, vector<16xf32>,
      tpu.vector_store %arg15[%swap3A], %bitcast3A_204 {strides = array<i32>} : memref<2000xf32, #tpu.memory_space<vmem>>, vector<16xf32>,
      %scan3A_206 = arith.constant 0 : i32
      scf.yield %scan3A_206 : i32
    }
    %scan3A_18 = arith.constant 124 : i32
    "tpu.region"() ({
      %run_scoped3A_119 = tpu.sem_alloc : memref<!tpu.dma_semaphore, #tpu.memory_space<semaphore_mem>>
      %dma_start3A = arith.constant 0 : i32
      %dma_start3A_120 = tpu.memref_slice %arg15[%dma_start3A] : memref<2000xf32, #tpu.memory_space<vmem>> -> memref<1984xf32, #tpu.memory_space<vmem>>
      %dma_start3A_121 = tpu.memref_slice %arg20[%add3A_11] : memref<101888xf32, #tpu.memory_space<vmem_shared>> -> memref<1984xf32, #tpu.memory_space<vmem_shared>>
      %dma_start3A_122 = tpu.memref_slice %arg20[%add3A_11] : memref<101888xf32, #tpu.memory_space<vmem_shared>> -> memref<1984xf32, #tpu.memory_space<vmem_shared>>
      %dma_start3A_123 = arith.constant 0 : i32
      %dma_start3A_124 = tpu.memref_slice %arg15[%dma_start3A_123] : memref<2000xf32, #tpu.memory_space<vmem>> -> memref<1984xf32, #tpu.memory_space<vmem>>
      tpu.enqueue_dma source(%dma_start3A_124 : memref<1984xf32, #tpu.memory_space<vmem>>) target(%dma_start3A_122 : memref<1984xf32, #tpu.memory_space<vmem_shared>>) target_semaphore(%run_scoped3A_119 : memref<!tpu.dma_semaphore, #tpu.memory_space<semaphore_mem>>)
      %dma_wait3A_125 = arith.constant 0 : i32
      %dma_wait3A_126 = tpu.memref_slice %arg15[%dma_wait3A_125] : memref<2000xf32, #tpu.memory_space<vmem>> -> memref<1984xf32, #tpu.memory_space<vmem>>
      %dma_wait3A_127 = tpu.memref_slice %arg20[%add3A_11] : memref<101888xf32, #tpu.memory_space<vmem_shared>> -> memref<1984xf32, #tpu.memory_space<vmem_shared>>
      %dma_wait3A_128 = tpu.memref_slice %arg20[%add3A_11] : memref<101888xf32, #tpu.memory_space<vmem_shared>> -> memref<1984xf32, #tpu.memory_space<vmem_shared>>
      %dma_wait3A_129 = arith.constant 0 : i32
      %dma_wait3A_130 = tpu.memref_slice %arg15[%dma_wait3A_129] : memref<2000xf32, #tpu.memory_space<vmem>> -> memref<1984xf32, #tpu.memory_space<vmem>>
      tpu.wait_dma2 semaphore(%run_scoped3A_119 : memref<!tpu.dma_semaphore, #tpu.memory_space<semaphore_mem>>) src(%dma_wait3A_130 : memref<1984xf32, #tpu.memory_space<vmem>>) dst(%dma_wait3A_128 : memref<1984xf32, #tpu.memory_space<vmem_shared>>)
      tpu.yield
    }) : () -> ()
    %mul3A_19 = arith.constant 6368 : i32
    %mul3A_20 = arith.muli %arg1, %mul3A_19 : i32
    %add3A_21 = arith.constant 1984 : i32
    %add3A_22 = arith.addi %mul3A_20, %add3A_21 : i32
    %run_scoped3A_23 = arith.constant 0 : i32
    "tpu.region"() ({
      %run_scoped3A_119 = tpu.sem_alloc : memref<!tpu.dma_semaphore, #tpu.memory_space<semaphore_mem>>
      %dma_start3A = arith.constant 0 : i32
      %dma_start3A_120 = tpu.memref_slice %arg15[%dma_start3A] : memref<2000xf32, #tpu.memory_space<vmem>> -> memref<1984xf32, #tpu.memory_space<vmem>>
      %dma_start3A_121 = tpu.memref_slice %arg4[%run_scoped3A_23, %add3A_22] : memref<2x101888xf32, #tpu.memory_space<hbm>> -> memref<1x1984xf32, #tpu.memory_space<hbm>>
      %dma_start3A_122 = tpu.memref_squeeze %dma_start3A_121 : memref<1x1984xf32, #tpu.memory_space<hbm>> -> memref<1984xf32, #tpu.memory_space<hbm>>
      %dma_start3A_123 = arith.constant 0 : i32
      %dma_start3A_124 = tpu.memref_slice %arg15[%dma_start3A_123] : memref<2000xf32, #tpu.memory_space<vmem>> -> memref<1984xf32, #tpu.memory_space<vmem>>
      %dma_start3A_125 = tpu.memref_slice %arg4[%run_scoped3A_23, %add3A_22] : memref<2x101888xf32, #tpu.memory_space<hbm>> -> memref<1x1984xf32, #tpu.memory_space<hbm>>
      %dma_start3A_126 = tpu.memref_squeeze %dma_start3A_125 : memref<1x1984xf32, #tpu.memory_space<hbm>> -> memref<1984xf32, #tpu.memory_space<hbm>>
      tpu.enqueue_dma source(%dma_start3A_126 : memref<1984xf32, #tpu.memory_space<hbm>>) target(%dma_start3A_124 : memref<1984xf32, #tpu.memory_space<vmem>>) target_semaphore(%run_scoped3A_119 : memref<!tpu.dma_semaphore, #tpu.memory_space<semaphore_mem>>)
      %dma_wait3A_127 = arith.constant 0 : i32
      %dma_wait3A_128 = tpu.memref_slice %arg15[%dma_wait3A_127] : memref<2000xf32, #tpu.memory_space<vmem>> -> memref<1984xf32, #tpu.memory_space<vmem>>
      %dma_wait3A_129 = tpu.memref_slice %arg4[%run_scoped3A_23, %add3A_22] : memref<2x101888xf32, #tpu.memory_space<hbm>> -> memref<1x1984xf32, #tpu.memory_space<hbm>>
      %dma_wait3A_130 = tpu.memref_squeeze %dma_wait3A_129 : memref<1x1984xf32, #tpu.memory_space<hbm>> -> memref<1984xf32, #tpu.memory_space<hbm>>
      %dma_wait3A_131 = arith.constant 0 : i32
      %dma_wait3A_132 = tpu.memref_slice %arg15[%dma_wait3A_131] : memref<2000xf32, #tpu.memory_space<vmem>> -> memref<1984xf32, #tpu.memory_space<vmem>>
      %dma_wait3A_133 = tpu.memref_slice %arg4[%run_scoped3A_23, %add3A_22] : memref<2x101888xf32, #tpu.memory_space<hbm>> -> memref<1x1984xf32, #tpu.memory_space<hbm>>
      %dma_wait3A_134 = tpu.memref_squeeze %dma_wait3A_133 : memref<1x1984xf32, #tpu.memory_space<hbm>> -> memref<1984xf32, #tpu.memory_space<hbm>>
      tpu.wait_dma2 semaphore(%run_scoped3A_119 : memref<!tpu.dma_semaphore, #tpu.memory_space<semaphore_mem>>) src(%dma_wait3A_134 : memref<1984xf32, #tpu.memory_space<hbm>>) dst(%dma_wait3A_132 : memref<1984xf32, #tpu.memory_space<vmem>>)
      tpu.yield
    }) : () -> ()
    %run_scoped3A_24 = arith.constant 1 : i32
    "tpu.region"() ({
      %run_scoped3A_119 = tpu.sem_alloc : memref<!tpu.dma_semaphore, #tpu.memory_space<semaphore_mem>>
      %dma_start3A = arith.constant 0 : i32
      %dma_start3A_120 = tpu.memref_slice %arg16[%dma_start3A] : memref<2000xf32, #tpu.memory_space<vmem>> -> memref<1984xf32, #tpu.memory_space<vmem>>
      %dma_start3A_121 = tpu.memref_slice %arg4[%run_scoped3A_24, %add3A_22] : memref<2x101888xf32, #tpu.memory_space<hbm>> -> memref<1x1984xf32, #tpu.memory_space<hbm>>
      %dma_start3A_122 = tpu.memref_squeeze %dma_start3A_121 : memref<1x1984xf32, #tpu.memory_space<hbm>> -> memref<1984xf32, #tpu.memory_space<hbm>>
      %dma_start3A_123 = arith.constant 0 : i32
      %dma_start3A_124 = tpu.memref_slice %arg16[%dma_start3A_123] : memref<2000xf32, #tpu.memory_space<vmem>> -> memref<1984xf32, #tpu.memory_space<vmem>>
      %dma_start3A_125 = tpu.memref_slice %arg4[%run_scoped3A_24, %add3A_22] : memref<2x101888xf32, #tpu.memory_space<hbm>> -> memref<1x1984xf32, #tpu.memory_space<hbm>>
      %dma_start3A_126 = tpu.memref_squeeze %dma_start3A_125 : memref<1x1984xf32, #tpu.memory_space<hbm>> -> memref<1984xf32, #tpu.memory_space<hbm>>
      tpu.enqueue_dma source(%dma_start3A_126 : memref<1984xf32, #tpu.memory_space<hbm>>) target(%dma_start3A_124 : memref<1984xf32, #tpu.memory_space<vmem>>) target_semaphore(%run_scoped3A_119 : memref<!tpu.dma_semaphore, #tpu.memory_space<semaphore_mem>>)
      %dma_wait3A_127 = arith.constant 0 : i32
      %dma_wait3A_128 = tpu.memref_slice %arg16[%dma_wait3A_127] : memref<2000xf32, #tpu.memory_space<vmem>> -> memref<1984xf32, #tpu.memory_space<vmem>>
      %dma_wait3A_129 = tpu.memref_slice %arg4[%run_scoped3A_24, %add3A_22] : memref<2x101888xf32, #tpu.memory_space<hbm>> -> memref<1x1984xf32, #tpu.memory_space<hbm>>
      %dma_wait3A_130 = tpu.memref_squeeze %dma_wait3A_129 : memref<1x1984xf32, #tpu.memory_space<hbm>> -> memref<1984xf32, #tpu.memory_space<hbm>>
      %dma_wait3A_131 = arith.constant 0 : i32
      %dma_wait3A_132 = tpu.memref_slice %arg16[%dma_wait3A_131] : memref<2000xf32, #tpu.memory_space<vmem>> -> memref<1984xf32, #tpu.memory_space<vmem>>
      %dma_wait3A_133 = tpu.memref_slice %arg4[%run_scoped3A_24, %add3A_22] : memref<2x101888xf32, #tpu.memory_space<hbm>> -> memref<1x1984xf32, #tpu.memory_space<hbm>>
      %dma_wait3A_134 = tpu.memref_squeeze %dma_wait3A_133 : memref<1x1984xf32, #tpu.memory_space<hbm>> -> memref<1984xf32, #tpu.memory_space<hbm>>
      tpu.wait_dma2 semaphore(%run_scoped3A_119 : memref<!tpu.dma_semaphore, #tpu.memory_space<semaphore_mem>>) src(%dma_wait3A_134 : memref<1984xf32, #tpu.memory_space<hbm>>) dst(%dma_wait3A_132 : memref<1984xf32, #tpu.memory_space<vmem>>)
      tpu.yield
    }) : () -> ()
    "tpu.region"() ({
      %run_scoped3A_119 = tpu.sem_alloc : memref<!tpu.dma_semaphore, #tpu.memory_space<semaphore_mem>>
      %dma_start3A = arith.constant 0 : i32
      %dma_start3A_120 = tpu.memref_slice %arg17[%dma_start3A] : memref<2000xf32, #tpu.memory_space<vmem>> -> memref<1984xf32, #tpu.memory_space<vmem>>
      %dma_start3A_121 = tpu.memref_slice %arg5[%add3A_22] : memref<101888xf32, #tpu.memory_space<hbm>> -> memref<1984xf32, #tpu.memory_space<hbm>>
      %dma_start3A_122 = arith.constant 0 : i32
      %dma_start3A_123 = tpu.memref_slice %arg17[%dma_start3A_122] : memref<2000xf32, #tpu.memory_space<vmem>> -> memref<1984xf32, #tpu.memory_space<vmem>>
      %dma_start3A_124 = tpu.memref_slice %arg5[%add3A_22] : memref<101888xf32, #tpu.memory_space<hbm>> -> memref<1984xf32, #tpu.memory_space<hbm>>
      tpu.enqueue_dma source(%dma_start3A_124 : memref<1984xf32, #tpu.memory_space<hbm>>) target(%dma_start3A_123 : memref<1984xf32, #tpu.memory_space<vmem>>) target_semaphore(%run_scoped3A_119 : memref<!tpu.dma_semaphore, #tpu.memory_space<semaphore_mem>>)
      %dma_wait3A_125 = arith.constant 0 : i32
      %dma_wait3A_126 = tpu.memref_slice %arg17[%dma_wait3A_125] : memref<2000xf32, #tpu.memory_space<vmem>> -> memref<1984xf32, #tpu.memory_space<vmem>>
      %dma_wait3A_127 = tpu.memref_slice %arg5[%add3A_22] : memref<101888xf32, #tpu.memory_space<hbm>> -> memref<1984xf32, #tpu.memory_space<hbm>>
      %dma_wait3A_128 = arith.constant 0 : i32
      %dma_wait3A_129 = tpu.memref_slice %arg17[%dma_wait3A_128] : memref<2000xf32, #tpu.memory_space<vmem>> -> memref<1984xf32, #tpu.memory_space<vmem>>
      %dma_wait3A_130 = tpu.memref_slice %arg5[%add3A_22] : memref<101888xf32, #tpu.memory_space<hbm>> -> memref<1984xf32, #tpu.memory_space<hbm>>
      tpu.wait_dma2 semaphore(%run_scoped3A_119 : memref<!tpu.dma_semaphore, #tpu.memory_space<semaphore_mem>>) src(%dma_wait3A_130 : memref<1984xf32, #tpu.memory_space<hbm>>) dst(%dma_wait3A_129 : memref<1984xf32, #tpu.memory_space<vmem>>)
      tpu.yield
    }) : () -> ()
    "tpu.region"() ({
      %run_scoped3A_119 = tpu.sem_alloc : memref<!tpu.dma_semaphore, #tpu.memory_space<semaphore_mem>>
      %dma_start3A = arith.constant 0 : i32
      %dma_start3A_120 = tpu.memref_slice %arg18[%dma_start3A] : memref<2000xf32, #tpu.memory_space<vmem>> -> memref<1984xf32, #tpu.memory_space<vmem>>
      %dma_start3A_121 = tpu.memref_slice %arg6[%add3A_22] : memref<101888xf32, #tpu.memory_space<hbm>> -> memref<1984xf32, #tpu.memory_space<hbm>>
      %dma_start3A_122 = arith.constant 0 : i32
      %dma_start3A_123 = tpu.memref_slice %arg18[%dma_start3A_122] : memref<2000xf32, #tpu.memory_space<vmem>> -> memref<1984xf32, #tpu.memory_space<vmem>>
      %dma_start3A_124 = tpu.memref_slice %arg6[%add3A_22] : memref<101888xf32, #tpu.memory_space<hbm>> -> memref<1984xf32, #tpu.memory_space<hbm>>
      tpu.enqueue_dma source(%dma_start3A_124 : memref<1984xf32, #tpu.memory_space<hbm>>) target(%dma_start3A_123 : memref<1984xf32, #tpu.memory_space<vmem>>) target_semaphore(%run_scoped3A_119 : memref<!tpu.dma_semaphore, #tpu.memory_space<semaphore_mem>>)
      %dma_wait3A_125 = arith.constant 0 : i32
      %dma_wait3A_126 = tpu.memref_slice %arg18[%dma_wait3A_125] : memref<2000xf32, #tpu.memory_space<vmem>> -> memref<1984xf32, #tpu.memory_space<vmem>>
      %dma_wait3A_127 = tpu.memref_slice %arg6[%add3A_22] : memref<101888xf32, #tpu.memory_space<hbm>> -> memref<1984xf32, #tpu.memory_space<hbm>>
      %dma_wait3A_128 = arith.constant 0 : i32
      %dma_wait3A_129 = tpu.memref_slice %arg18[%dma_wait3A_128] : memref<2000xf32, #tpu.memory_space<vmem>> -> memref<1984xf32, #tpu.memory_space<vmem>>
      %dma_wait3A_130 = tpu.memref_slice %arg6[%add3A_22] : memref<101888xf32, #tpu.memory_space<hbm>> -> memref<1984xf32, #tpu.memory_space<hbm>>
      tpu.wait_dma2 semaphore(%run_scoped3A_119 : memref<!tpu.dma_semaphore, #tpu.memory_space<semaphore_mem>>) src(%dma_wait3A_130 : memref<1984xf32, #tpu.memory_space<hbm>>) dst(%dma_wait3A_129 : memref<1984xf32, #tpu.memory_space<vmem>>)
      tpu.yield
    }) : () -> ()
    %scan3A_25 = arith.constant 0 : i32
    %scan3A_26 = arith.constant 0 : i32
    %scan3A_27 = arith.constant 124 : i32
    %scan3A_28 = arith.addi %scan3A_26, %scan3A_27 : i32
    %scan3A_29 = arith.constant 1 : i32
    %scan3A_30 = scf.for %scan3A_119 = %scan3A_26 to %scan3A_28 step %scan3A_29 iter_args(%scan3A_120 = %scan3A_25) -> (i32)  : i32 {
      %mul3A_121 = arith.constant 16 : i32
      %mul3A_122 = arith.muli %scan3A_119, %mul3A_121 : i32
      %get3A_123 = arith.index_cast %mul3A_122 : i32 to index
      %get3A_124 = tpu.vector_load %arg15[%get3A_123] {strides = array<i32>} : memref<2000xf32, #tpu.memory_space<vmem>>, vector<16xf32>,
      %get3A_125 = arith.index_cast %mul3A_122 : i32 to index
      %get3A_126 = tpu.vector_load %arg16[%get3A_125] {strides = array<i32>} : memref<2000xf32, #tpu.memory_space<vmem>>, vector<16xf32>,
      %add3A_127 = arith.addf %get3A_124, %get3A_126 : vector<16xf32>
      %add3A_128 = arith.constant 1.000000e+00 : f32
      %add3A_129 = vector.broadcast %add3A_128 : f32 to vector<16xf32>
      %add3A_130 = arith.addf %add3A_127, %add3A_129 : vector<16xf32>
      %bitcast3A = vector.bitcast %add3A_130 : vector<16xf32> to vector<16xi32>
      %shift_right_logical3A = arith.constant 1 : i32
      %shift_right_logical3A_131 = vector.broadcast %shift_right_logical3A : i32 to vector<16xi32>
      %shift_right_logical3A_132 = arith.shrui %bitcast3A, %shift_right_logical3A_131 : vector<16xi32>
      %sub3A = arith.constant 1597463007 : i32
      %sub3A_133 = vector.broadcast %sub3A : i32 to vector<16xi32>
      %sub3A_134 = arith.subi %sub3A_133, %shift_right_logical3A_132 : vector<16xi32>
      %bitcast3A_135 = vector.bitcast %sub3A_134 : vector<16xi32> to vector<16xf32>
      %mul3A_136 = arith.constant 5.000000e-01 : f32
      %mul3A_137 = vector.broadcast %mul3A_136 : f32 to vector<16xf32>
      %mul3A_138 = arith.mulf %mul3A_137, %add3A_130 : vector<16xf32>
      %mul3A_139 = arith.mulf %mul3A_138, %bitcast3A_135 : vector<16xf32>
      %mul3A_140 = arith.mulf %mul3A_139, %bitcast3A_135 : vector<16xf32>
      %sub3A_141 = arith.constant 1.500000e+00 : f32
      %sub3A_142 = vector.broadcast %sub3A_141 : f32 to vector<16xf32>
      %sub3A_143 = arith.subf %sub3A_142, %mul3A_140 : vector<16xf32>
      %mul3A_144 = arith.mulf %bitcast3A_135, %sub3A_143 : vector<16xf32>
      %mul3A_145 = arith.constant 5.000000e-01 : f32
      %mul3A_146 = vector.broadcast %mul3A_145 : f32 to vector<16xf32>
      %mul3A_147 = arith.mulf %mul3A_146, %add3A_130 : vector<16xf32>
      %mul3A_148 = arith.mulf %mul3A_147, %mul3A_144 : vector<16xf32>
      %mul3A_149 = arith.mulf %mul3A_148, %mul3A_144 : vector<16xf32>
      %sub3A_150 = arith.constant 1.500000e+00 : f32
      %sub3A_151 = vector.broadcast %sub3A_150 : f32 to vector<16xf32>
      %sub3A_152 = arith.subf %sub3A_151, %mul3A_149 : vector<16xf32>
      %mul3A_153 = arith.mulf %mul3A_144, %sub3A_152 : vector<16xf32>
      %mul3A_154 = arith.constant 5.000000e-01 : f32
      %mul3A_155 = vector.broadcast %mul3A_154 : f32 to vector<16xf32>
      %mul3A_156 = arith.mulf %mul3A_155, %add3A_130 : vector<16xf32>
      %mul3A_157 = arith.mulf %mul3A_156, %mul3A_153 : vector<16xf32>
      %mul3A_158 = arith.mulf %mul3A_157, %mul3A_153 : vector<16xf32>
      %sub3A_159 = arith.constant 1.500000e+00 : f32
      %sub3A_160 = vector.broadcast %sub3A_159 : f32 to vector<16xf32>
      %sub3A_161 = arith.subf %sub3A_160, %mul3A_158 : vector<16xf32>
      %mul3A_162 = arith.mulf %mul3A_153, %sub3A_161 : vector<16xf32>
      %get3A_163 = arith.index_cast %mul3A_122 : i32 to index
      %get3A_164 = tpu.vector_load %arg17[%get3A_163] {strides = array<i32>} : memref<2000xf32, #tpu.memory_space<vmem>>, vector<16xf32>,
      %get3A_165 = arith.index_cast %mul3A_122 : i32 to index
      %get3A_166 = tpu.vector_load %arg18[%get3A_165] {strides = array<i32>} : memref<2000xf32, #tpu.memory_space<vmem>>, vector<16xf32>,
      %mul3A_167 = arith.mulf %get3A_164, %get3A_1 : vector<16xf32>
      %mul3A_168 = arith.mulf %get3A_166, %get3A_3 : vector<16xf32>
      %add3A_169 = arith.addf %mul3A_167, %mul3A_168 : vector<16xf32>
      %mul3A_170 = arith.mulf %mul3A_162, %add3A_169 : vector<16xf32>
      %mul3A_171 = arith.mulf %get3A_164, %get3A_5 : vector<16xf32>
      %mul3A_172 = arith.mulf %get3A_166, %get3A_7 : vector<16xf32>
      %add3A_173 = arith.addf %mul3A_171, %mul3A_172 : vector<16xf32>
      %mul3A_174 = arith.mulf %mul3A_162, %add3A_173 : vector<16xf32>
      %bitcast3A_175 = vector.bitcast %mul3A_170 : vector<16xf32> to vector<16xi32>
      %bitcast3A_176 = vector.bitcast %mul3A_174 : vector<16xf32> to vector<16xi32>
      %add3A_177 = arith.constant 32767 : i32
      %add3A_178 = vector.broadcast %add3A_177 : i32 to vector<16xi32>
      %add3A_179 = arith.addi %bitcast3A_175, %add3A_178 : vector<16xi32>
      %shift_right_logical3A_180 = arith.constant 16 : i32
      %shift_right_logical3A_181 = vector.broadcast %shift_right_logical3A_180 : i32 to vector<16xi32>
      %shift_right_logical3A_182 = arith.shrui %bitcast3A_175, %shift_right_logical3A_181 : vector<16xi32>
      %and3A = arith.constant 1 : i32
      %and3A_183 = vector.broadcast %and3A : i32 to vector<16xi32>
      %and3A_184 = arith.andi %shift_right_logical3A_182, %and3A_183 : vector<16xi32>
      %add3A_185 = arith.addi %add3A_179, %and3A_184 : vector<16xi32>
      %shift_right_logical3A_186 = arith.constant 16 : i32
      %shift_right_logical3A_187 = vector.broadcast %shift_right_logical3A_186 : i32 to vector<16xi32>
      %shift_right_logical3A_188 = arith.shrui %add3A_185, %shift_right_logical3A_187 : vector<16xi32>
      %add3A_189 = arith.constant 32767 : i32
      %add3A_190 = vector.broadcast %add3A_189 : i32 to vector<16xi32>
      %add3A_191 = arith.addi %bitcast3A_176, %add3A_190 : vector<16xi32>
      %shift_right_logical3A_192 = arith.constant 16 : i32
      %shift_right_logical3A_193 = vector.broadcast %shift_right_logical3A_192 : i32 to vector<16xi32>
      %shift_right_logical3A_194 = arith.shrui %bitcast3A_176, %shift_right_logical3A_193 : vector<16xi32>
      %and3A_195 = arith.constant 1 : i32
      %and3A_196 = vector.broadcast %and3A_195 : i32 to vector<16xi32>
      %and3A_197 = arith.andi %shift_right_logical3A_194, %and3A_196 : vector<16xi32>
      %add3A_198 = arith.addi %add3A_191, %and3A_197 : vector<16xi32>
      %shift_right_logical3A_199 = arith.constant 16 : i32
      %shift_right_logical3A_200 = vector.broadcast %shift_right_logical3A_199 : i32 to vector<16xi32>
      %shift_right_logical3A_201 = arith.shrui %add3A_198, %shift_right_logical3A_200 : vector<16xi32>
      %shift_left3A = arith.constant 16 : i32
      %shift_left3A_202 = vector.broadcast %shift_left3A : i32 to vector<16xi32>
      %shift_left3A_203 = arith.shli %shift_right_logical3A_201, %shift_left3A_202 : vector<16xi32>
      %or3A = arith.ori %shift_left3A_203, %shift_right_logical3A_188 : vector<16xi32>
      %bitcast3A_204 = vector.bitcast %or3A : vector<16xi32> to vector<16xf32>
      %swap3A = arith.index_cast %mul3A_122 : i32 to index
      %swap3A_205 = tpu.vector_load %arg15[%swap3A] {strides = array<i32>} : memref<2000xf32, #tpu.memory_space<vmem>>, vector<16xf32>,
      tpu.vector_store %arg15[%swap3A], %bitcast3A_204 {strides = array<i32>} : memref<2000xf32, #tpu.memory_space<vmem>>, vector<16xf32>,
      %scan3A_206 = arith.constant 0 : i32
      scf.yield %scan3A_206 : i32
    }
    %scan3A_31 = arith.constant 124 : i32
    "tpu.region"() ({
      %run_scoped3A_119 = tpu.sem_alloc : memref<!tpu.dma_semaphore, #tpu.memory_space<semaphore_mem>>
      %dma_start3A = arith.constant 0 : i32
      %dma_start3A_120 = tpu.memref_slice %arg15[%dma_start3A] : memref<2000xf32, #tpu.memory_space<vmem>> -> memref<1984xf32, #tpu.memory_space<vmem>>
      %dma_start3A_121 = tpu.memref_slice %arg20[%add3A_22] : memref<101888xf32, #tpu.memory_space<vmem_shared>> -> memref<1984xf32, #tpu.memory_space<vmem_shared>>
      %dma_start3A_122 = tpu.memref_slice %arg20[%add3A_22] : memref<101888xf32, #tpu.memory_space<vmem_shared>> -> memref<1984xf32, #tpu.memory_space<vmem_shared>>
      %dma_start3A_123 = arith.constant 0 : i32
      %dma_start3A_124 = tpu.memref_slice %arg15[%dma_start3A_123] : memref<2000xf32, #tpu.memory_space<vmem>> -> memref<1984xf32, #tpu.memory_space<vmem>>
      tpu.enqueue_dma source(%dma_start3A_124 : memref<1984xf32, #tpu.memory_space<vmem>>) target(%dma_start3A_122 : memref<1984xf32, #tpu.memory_space<vmem_shared>>) target_semaphore(%run_scoped3A_119 : memref<!tpu.dma_semaphore, #tpu.memory_space<semaphore_mem>>)
      %dma_wait3A_125 = arith.constant 0 : i32
      %dma_wait3A_126 = tpu.memref_slice %arg15[%dma_wait3A_125] : memref<2000xf32, #tpu.memory_space<vmem>> -> memref<1984xf32, #tpu.memory_space<vmem>>
      %dma_wait3A_127 = tpu.memref_slice %arg20[%add3A_22] : memref<101888xf32, #tpu.memory_space<vmem_shared>> -> memref<1984xf32, #tpu.memory_space<vmem_shared>>
      %dma_wait3A_128 = tpu.memref_slice %arg20[%add3A_22] : memref<101888xf32, #tpu.memory_space<vmem_shared>> -> memref<1984xf32, #tpu.memory_space<vmem_shared>>
      %dma_wait3A_129 = arith.constant 0 : i32
      %dma_wait3A_130 = tpu.memref_slice %arg15[%dma_wait3A_129] : memref<2000xf32, #tpu.memory_space<vmem>> -> memref<1984xf32, #tpu.memory_space<vmem>>
      tpu.wait_dma2 semaphore(%run_scoped3A_119 : memref<!tpu.dma_semaphore, #tpu.memory_space<semaphore_mem>>) src(%dma_wait3A_130 : memref<1984xf32, #tpu.memory_space<vmem>>) dst(%dma_wait3A_128 : memref<1984xf32, #tpu.memory_space<vmem_shared>>)
      tpu.yield
    }) : () -> ()
    %mul3A_32 = arith.constant 6368 : i32
    %mul3A_33 = arith.muli %arg1, %mul3A_32 : i32
    %add3A_34 = arith.constant 3968 : i32
    %add3A_35 = arith.addi %mul3A_33, %add3A_34 : i32
    %run_scoped3A_36 = arith.constant 0 : i32
    "tpu.region"() ({
      %run_scoped3A_119 = tpu.sem_alloc : memref<!tpu.dma_semaphore, #tpu.memory_space<semaphore_mem>>
      %dma_start3A = arith.constant 0 : i32
      %dma_start3A_120 = tpu.memref_slice %arg15[%dma_start3A] : memref<2000xf32, #tpu.memory_space<vmem>> -> memref<1984xf32, #tpu.memory_space<vmem>>
      %dma_start3A_121 = tpu.memref_slice %arg4[%run_scoped3A_36, %add3A_35] : memref<2x101888xf32, #tpu.memory_space<hbm>> -> memref<1x1984xf32, #tpu.memory_space<hbm>>
      %dma_start3A_122 = tpu.memref_squeeze %dma_start3A_121 : memref<1x1984xf32, #tpu.memory_space<hbm>> -> memref<1984xf32, #tpu.memory_space<hbm>>
      %dma_start3A_123 = arith.constant 0 : i32
      %dma_start3A_124 = tpu.memref_slice %arg15[%dma_start3A_123] : memref<2000xf32, #tpu.memory_space<vmem>> -> memref<1984xf32, #tpu.memory_space<vmem>>
      %dma_start3A_125 = tpu.memref_slice %arg4[%run_scoped3A_36, %add3A_35] : memref<2x101888xf32, #tpu.memory_space<hbm>> -> memref<1x1984xf32, #tpu.memory_space<hbm>>
      %dma_start3A_126 = tpu.memref_squeeze %dma_start3A_125 : memref<1x1984xf32, #tpu.memory_space<hbm>> -> memref<1984xf32, #tpu.memory_space<hbm>>
      tpu.enqueue_dma source(%dma_start3A_126 : memref<1984xf32, #tpu.memory_space<hbm>>) target(%dma_start3A_124 : memref<1984xf32, #tpu.memory_space<vmem>>) target_semaphore(%run_scoped3A_119 : memref<!tpu.dma_semaphore, #tpu.memory_space<semaphore_mem>>)
      %dma_wait3A_127 = arith.constant 0 : i32
      %dma_wait3A_128 = tpu.memref_slice %arg15[%dma_wait3A_127] : memref<2000xf32, #tpu.memory_space<vmem>> -> memref<1984xf32, #tpu.memory_space<vmem>>
      %dma_wait3A_129 = tpu.memref_slice %arg4[%run_scoped3A_36, %add3A_35] : memref<2x101888xf32, #tpu.memory_space<hbm>> -> memref<1x1984xf32, #tpu.memory_space<hbm>>
      %dma_wait3A_130 = tpu.memref_squeeze %dma_wait3A_129 : memref<1x1984xf32, #tpu.memory_space<hbm>> -> memref<1984xf32, #tpu.memory_space<hbm>>
      %dma_wait3A_131 = arith.constant 0 : i32
      %dma_wait3A_132 = tpu.memref_slice %arg15[%dma_wait3A_131] : memref<2000xf32, #tpu.memory_space<vmem>> -> memref<1984xf32, #tpu.memory_space<vmem>>
      %dma_wait3A_133 = tpu.memref_slice %arg4[%run_scoped3A_36, %add3A_35] : memref<2x101888xf32, #tpu.memory_space<hbm>> -> memref<1x1984xf32, #tpu.memory_space<hbm>>
      %dma_wait3A_134 = tpu.memref_squeeze %dma_wait3A_133 : memref<1x1984xf32, #tpu.memory_space<hbm>> -> memref<1984xf32, #tpu.memory_space<hbm>>
      tpu.wait_dma2 semaphore(%run_scoped3A_119 : memref<!tpu.dma_semaphore, #tpu.memory_space<semaphore_mem>>) src(%dma_wait3A_134 : memref<1984xf32, #tpu.memory_space<hbm>>) dst(%dma_wait3A_132 : memref<1984xf32, #tpu.memory_space<vmem>>)
      tpu.yield
    }) : () -> ()
    %run_scoped3A_37 = arith.constant 1 : i32
    "tpu.region"() ({
      %run_scoped3A_119 = tpu.sem_alloc : memref<!tpu.dma_semaphore, #tpu.memory_space<semaphore_mem>>
      %dma_start3A = arith.constant 0 : i32
      %dma_start3A_120 = tpu.memref_slice %arg16[%dma_start3A] : memref<2000xf32, #tpu.memory_space<vmem>> -> memref<1984xf32, #tpu.memory_space<vmem>>
      %dma_start3A_121 = tpu.memref_slice %arg4[%run_scoped3A_37, %add3A_35] : memref<2x101888xf32, #tpu.memory_space<hbm>> -> memref<1x1984xf32, #tpu.memory_space<hbm>>
      %dma_start3A_122 = tpu.memref_squeeze %dma_start3A_121 : memref<1x1984xf32, #tpu.memory_space<hbm>> -> memref<1984xf32, #tpu.memory_space<hbm>>
      %dma_start3A_123 = arith.constant 0 : i32
      %dma_start3A_124 = tpu.memref_slice %arg16[%dma_start3A_123] : memref<2000xf32, #tpu.memory_space<vmem>> -> memref<1984xf32, #tpu.memory_space<vmem>>
      %dma_start3A_125 = tpu.memref_slice %arg4[%run_scoped3A_37, %add3A_35] : memref<2x101888xf32, #tpu.memory_space<hbm>> -> memref<1x1984xf32, #tpu.memory_space<hbm>>
      %dma_start3A_126 = tpu.memref_squeeze %dma_start3A_125 : memref<1x1984xf32, #tpu.memory_space<hbm>> -> memref<1984xf32, #tpu.memory_space<hbm>>
      tpu.enqueue_dma source(%dma_start3A_126 : memref<1984xf32, #tpu.memory_space<hbm>>) target(%dma_start3A_124 : memref<1984xf32, #tpu.memory_space<vmem>>) target_semaphore(%run_scoped3A_119 : memref<!tpu.dma_semaphore, #tpu.memory_space<semaphore_mem>>)
      %dma_wait3A_127 = arith.constant 0 : i32
      %dma_wait3A_128 = tpu.memref_slice %arg16[%dma_wait3A_127] : memref<2000xf32, #tpu.memory_space<vmem>> -> memref<1984xf32, #tpu.memory_space<vmem>>
      %dma_wait3A_129 = tpu.memref_slice %arg4[%run_scoped3A_37, %add3A_35] : memref<2x101888xf32, #tpu.memory_space<hbm>> -> memref<1x1984xf32, #tpu.memory_space<hbm>>
      %dma_wait3A_130 = tpu.memref_squeeze %dma_wait3A_129 : memref<1x1984xf32, #tpu.memory_space<hbm>> -> memref<1984xf32, #tpu.memory_space<hbm>>
      %dma_wait3A_131 = arith.constant 0 : i32
      %dma_wait3A_132 = tpu.memref_slice %arg16[%dma_wait3A_131] : memref<2000xf32, #tpu.memory_space<vmem>> -> memref<1984xf32, #tpu.memory_space<vmem>>
      %dma_wait3A_133 = tpu.memref_slice %arg4[%run_scoped3A_37, %add3A_35] : memref<2x101888xf32, #tpu.memory_space<hbm>> -> memref<1x1984xf32, #tpu.memory_space<hbm>>
      %dma_wait3A_134 = tpu.memref_squeeze %dma_wait3A_133 : memref<1x1984xf32, #tpu.memory_space<hbm>> -> memref<1984xf32, #tpu.memory_space<hbm>>
      tpu.wait_dma2 semaphore(%run_scoped3A_119 : memref<!tpu.dma_semaphore, #tpu.memory_space<semaphore_mem>>) src(%dma_wait3A_134 : memref<1984xf32, #tpu.memory_space<hbm>>) dst(%dma_wait3A_132 : memref<1984xf32, #tpu.memory_space<vmem>>)
      tpu.yield
    }) : () -> ()
    "tpu.region"() ({
      %run_scoped3A_119 = tpu.sem_alloc : memref<!tpu.dma_semaphore, #tpu.memory_space<semaphore_mem>>
      %dma_start3A = arith.constant 0 : i32
      %dma_start3A_120 = tpu.memref_slice %arg17[%dma_start3A] : memref<2000xf32, #tpu.memory_space<vmem>> -> memref<1984xf32, #tpu.memory_space<vmem>>
      %dma_start3A_121 = tpu.memref_slice %arg5[%add3A_35] : memref<101888xf32, #tpu.memory_space<hbm>> -> memref<1984xf32, #tpu.memory_space<hbm>>
      %dma_start3A_122 = arith.constant 0 : i32
      %dma_start3A_123 = tpu.memref_slice %arg17[%dma_start3A_122] : memref<2000xf32, #tpu.memory_space<vmem>> -> memref<1984xf32, #tpu.memory_space<vmem>>
      %dma_start3A_124 = tpu.memref_slice %arg5[%add3A_35] : memref<101888xf32, #tpu.memory_space<hbm>> -> memref<1984xf32, #tpu.memory_space<hbm>>
      tpu.enqueue_dma source(%dma_start3A_124 : memref<1984xf32, #tpu.memory_space<hbm>>) target(%dma_start3A_123 : memref<1984xf32, #tpu.memory_space<vmem>>) target_semaphore(%run_scoped3A_119 : memref<!tpu.dma_semaphore, #tpu.memory_space<semaphore_mem>>)
      %dma_wait3A_125 = arith.constant 0 : i32
      %dma_wait3A_126 = tpu.memref_slice %arg17[%dma_wait3A_125] : memref<2000xf32, #tpu.memory_space<vmem>> -> memref<1984xf32, #tpu.memory_space<vmem>>
      %dma_wait3A_127 = tpu.memref_slice %arg5[%add3A_35] : memref<101888xf32, #tpu.memory_space<hbm>> -> memref<1984xf32, #tpu.memory_space<hbm>>
      %dma_wait3A_128 = arith.constant 0 : i32
      %dma_wait3A_129 = tpu.memref_slice %arg17[%dma_wait3A_128] : memref<2000xf32, #tpu.memory_space<vmem>> -> memref<1984xf32, #tpu.memory_space<vmem>>
      %dma_wait3A_130 = tpu.memref_slice %arg5[%add3A_35] : memref<101888xf32, #tpu.memory_space<hbm>> -> memref<1984xf32, #tpu.memory_space<hbm>>
      tpu.wait_dma2 semaphore(%run_scoped3A_119 : memref<!tpu.dma_semaphore, #tpu.memory_space<semaphore_mem>>) src(%dma_wait3A_130 : memref<1984xf32, #tpu.memory_space<hbm>>) dst(%dma_wait3A_129 : memref<1984xf32, #tpu.memory_space<vmem>>)
      tpu.yield
    }) : () -> ()
    "tpu.region"() ({
      %run_scoped3A_119 = tpu.sem_alloc : memref<!tpu.dma_semaphore, #tpu.memory_space<semaphore_mem>>
      %dma_start3A = arith.constant 0 : i32
      %dma_start3A_120 = tpu.memref_slice %arg18[%dma_start3A] : memref<2000xf32, #tpu.memory_space<vmem>> -> memref<1984xf32, #tpu.memory_space<vmem>>
      %dma_start3A_121 = tpu.memref_slice %arg6[%add3A_35] : memref<101888xf32, #tpu.memory_space<hbm>> -> memref<1984xf32, #tpu.memory_space<hbm>>
      %dma_start3A_122 = arith.constant 0 : i32
      %dma_start3A_123 = tpu.memref_slice %arg18[%dma_start3A_122] : memref<2000xf32, #tpu.memory_space<vmem>> -> memref<1984xf32, #tpu.memory_space<vmem>>
      %dma_start3A_124 = tpu.memref_slice %arg6[%add3A_35] : memref<101888xf32, #tpu.memory_space<hbm>> -> memref<1984xf32, #tpu.memory_space<hbm>>
      tpu.enqueue_dma source(%dma_start3A_124 : memref<1984xf32, #tpu.memory_space<hbm>>) target(%dma_start3A_123 : memref<1984xf32, #tpu.memory_space<vmem>>) target_semaphore(%run_scoped3A_119 : memref<!tpu.dma_semaphore, #tpu.memory_space<semaphore_mem>>)
      %dma_wait3A_125 = arith.constant 0 : i32
      %dma_wait3A_126 = tpu.memref_slice %arg18[%dma_wait3A_125] : memref<2000xf32, #tpu.memory_space<vmem>> -> memref<1984xf32, #tpu.memory_space<vmem>>
      %dma_wait3A_127 = tpu.memref_slice %arg6[%add3A_35] : memref<101888xf32, #tpu.memory_space<hbm>> -> memref<1984xf32, #tpu.memory_space<hbm>>
      %dma_wait3A_128 = arith.constant 0 : i32
      %dma_wait3A_129 = tpu.memref_slice %arg18[%dma_wait3A_128] : memref<2000xf32, #tpu.memory_space<vmem>> -> memref<1984xf32, #tpu.memory_space<vmem>>
      %dma_wait3A_130 = tpu.memref_slice %arg6[%add3A_35] : memref<101888xf32, #tpu.memory_space<hbm>> -> memref<1984xf32, #tpu.memory_space<hbm>>
      tpu.wait_dma2 semaphore(%run_scoped3A_119 : memref<!tpu.dma_semaphore, #tpu.memory_space<semaphore_mem>>) src(%dma_wait3A_130 : memref<1984xf32, #tpu.memory_space<hbm>>) dst(%dma_wait3A_129 : memref<1984xf32, #tpu.memory_space<vmem>>)
      tpu.yield
    }) : () -> ()
    %scan3A_38 = arith.constant 0 : i32
    %scan3A_39 = arith.constant 0 : i32
    %scan3A_40 = arith.constant 124 : i32
    %scan3A_41 = arith.addi %scan3A_39, %scan3A_40 : i32
    %scan3A_42 = arith.constant 1 : i32
    %scan3A_43 = scf.for %scan3A_119 = %scan3A_39 to %scan3A_41 step %scan3A_42 iter_args(%scan3A_120 = %scan3A_38) -> (i32)  : i32 {
      %mul3A_121 = arith.constant 16 : i32
      %mul3A_122 = arith.muli %scan3A_119, %mul3A_121 : i32
      %get3A_123 = arith.index_cast %mul3A_122 : i32 to index
      %get3A_124 = tpu.vector_load %arg15[%get3A_123] {strides = array<i32>} : memref<2000xf32, #tpu.memory_space<vmem>>, vector<16xf32>,
      %get3A_125 = arith.index_cast %mul3A_122 : i32 to index
      %get3A_126 = tpu.vector_load %arg16[%get3A_125] {strides = array<i32>} : memref<2000xf32, #tpu.memory_space<vmem>>, vector<16xf32>,
      %add3A_127 = arith.addf %get3A_124, %get3A_126 : vector<16xf32>
      %add3A_128 = arith.constant 1.000000e+00 : f32
      %add3A_129 = vector.broadcast %add3A_128 : f32 to vector<16xf32>
      %add3A_130 = arith.addf %add3A_127, %add3A_129 : vector<16xf32>
      %bitcast3A = vector.bitcast %add3A_130 : vector<16xf32> to vector<16xi32>
      %shift_right_logical3A = arith.constant 1 : i32
      %shift_right_logical3A_131 = vector.broadcast %shift_right_logical3A : i32 to vector<16xi32>
      %shift_right_logical3A_132 = arith.shrui %bitcast3A, %shift_right_logical3A_131 : vector<16xi32>
      %sub3A = arith.constant 1597463007 : i32
      %sub3A_133 = vector.broadcast %sub3A : i32 to vector<16xi32>
      %sub3A_134 = arith.subi %sub3A_133, %shift_right_logical3A_132 : vector<16xi32>
      %bitcast3A_135 = vector.bitcast %sub3A_134 : vector<16xi32> to vector<16xf32>
      %mul3A_136 = arith.constant 5.000000e-01 : f32
      %mul3A_137 = vector.broadcast %mul3A_136 : f32 to vector<16xf32>
      %mul3A_138 = arith.mulf %mul3A_137, %add3A_130 : vector<16xf32>
      %mul3A_139 = arith.mulf %mul3A_138, %bitcast3A_135 : vector<16xf32>
      %mul3A_140 = arith.mulf %mul3A_139, %bitcast3A_135 : vector<16xf32>
      %sub3A_141 = arith.constant 1.500000e+00 : f32
      %sub3A_142 = vector.broadcast %sub3A_141 : f32 to vector<16xf32>
      %sub3A_143 = arith.subf %sub3A_142, %mul3A_140 : vector<16xf32>
      %mul3A_144 = arith.mulf %bitcast3A_135, %sub3A_143 : vector<16xf32>
      %mul3A_145 = arith.constant 5.000000e-01 : f32
      %mul3A_146 = vector.broadcast %mul3A_145 : f32 to vector<16xf32>
      %mul3A_147 = arith.mulf %mul3A_146, %add3A_130 : vector<16xf32>
      %mul3A_148 = arith.mulf %mul3A_147, %mul3A_144 : vector<16xf32>
      %mul3A_149 = arith.mulf %mul3A_148, %mul3A_144 : vector<16xf32>
      %sub3A_150 = arith.constant 1.500000e+00 : f32
      %sub3A_151 = vector.broadcast %sub3A_150 : f32 to vector<16xf32>
      %sub3A_152 = arith.subf %sub3A_151, %mul3A_149 : vector<16xf32>
      %mul3A_153 = arith.mulf %mul3A_144, %sub3A_152 : vector<16xf32>
      %mul3A_154 = arith.constant 5.000000e-01 : f32
      %mul3A_155 = vector.broadcast %mul3A_154 : f32 to vector<16xf32>
      %mul3A_156 = arith.mulf %mul3A_155, %add3A_130 : vector<16xf32>
      %mul3A_157 = arith.mulf %mul3A_156, %mul3A_153 : vector<16xf32>
      %mul3A_158 = arith.mulf %mul3A_157, %mul3A_153 : vector<16xf32>
      %sub3A_159 = arith.constant 1.500000e+00 : f32
      %sub3A_160 = vector.broadcast %sub3A_159 : f32 to vector<16xf32>
      %sub3A_161 = arith.subf %sub3A_160, %mul3A_158 : vector<16xf32>
      %mul3A_162 = arith.mulf %mul3A_153, %sub3A_161 : vector<16xf32>
      %get3A_163 = arith.index_cast %mul3A_122 : i32 to index
      %get3A_164 = tpu.vector_load %arg17[%get3A_163] {strides = array<i32>} : memref<2000xf32, #tpu.memory_space<vmem>>, vector<16xf32>,
      %get3A_165 = arith.index_cast %mul3A_122 : i32 to index
      %get3A_166 = tpu.vector_load %arg18[%get3A_165] {strides = array<i32>} : memref<2000xf32, #tpu.memory_space<vmem>>, vector<16xf32>,
      %mul3A_167 = arith.mulf %get3A_164, %get3A_1 : vector<16xf32>
      %mul3A_168 = arith.mulf %get3A_166, %get3A_3 : vector<16xf32>
      %add3A_169 = arith.addf %mul3A_167, %mul3A_168 : vector<16xf32>
      %mul3A_170 = arith.mulf %mul3A_162, %add3A_169 : vector<16xf32>
      %mul3A_171 = arith.mulf %get3A_164, %get3A_5 : vector<16xf32>
      %mul3A_172 = arith.mulf %get3A_166, %get3A_7 : vector<16xf32>
      %add3A_173 = arith.addf %mul3A_171, %mul3A_172 : vector<16xf32>
      %mul3A_174 = arith.mulf %mul3A_162, %add3A_173 : vector<16xf32>
      %bitcast3A_175 = vector.bitcast %mul3A_170 : vector<16xf32> to vector<16xi32>
      %bitcast3A_176 = vector.bitcast %mul3A_174 : vector<16xf32> to vector<16xi32>
      %add3A_177 = arith.constant 32767 : i32
      %add3A_178 = vector.broadcast %add3A_177 : i32 to vector<16xi32>
      %add3A_179 = arith.addi %bitcast3A_175, %add3A_178 : vector<16xi32>
      %shift_right_logical3A_180 = arith.constant 16 : i32
      %shift_right_logical3A_181 = vector.broadcast %shift_right_logical3A_180 : i32 to vector<16xi32>
      %shift_right_logical3A_182 = arith.shrui %bitcast3A_175, %shift_right_logical3A_181 : vector<16xi32>
      %and3A = arith.constant 1 : i32
      %and3A_183 = vector.broadcast %and3A : i32 to vector<16xi32>
      %and3A_184 = arith.andi %shift_right_logical3A_182, %and3A_183 : vector<16xi32>
      %add3A_185 = arith.addi %add3A_179, %and3A_184 : vector<16xi32>
      %shift_right_logical3A_186 = arith.constant 16 : i32
      %shift_right_logical3A_187 = vector.broadcast %shift_right_logical3A_186 : i32 to vector<16xi32>
      %shift_right_logical3A_188 = arith.shrui %add3A_185, %shift_right_logical3A_187 : vector<16xi32>
      %add3A_189 = arith.constant 32767 : i32
      %add3A_190 = vector.broadcast %add3A_189 : i32 to vector<16xi32>
      %add3A_191 = arith.addi %bitcast3A_176, %add3A_190 : vector<16xi32>
      %shift_right_logical3A_192 = arith.constant 16 : i32
      %shift_right_logical3A_193 = vector.broadcast %shift_right_logical3A_192 : i32 to vector<16xi32>
      %shift_right_logical3A_194 = arith.shrui %bitcast3A_176, %shift_right_logical3A_193 : vector<16xi32>
      %and3A_195 = arith.constant 1 : i32
      %and3A_196 = vector.broadcast %and3A_195 : i32 to vector<16xi32>
      %and3A_197 = arith.andi %shift_right_logical3A_194, %and3A_196 : vector<16xi32>
      %add3A_198 = arith.addi %add3A_191, %and3A_197 : vector<16xi32>
      %shift_right_logical3A_199 = arith.constant 16 : i32
      %shift_right_logical3A_200 = vector.broadcast %shift_right_logical3A_199 : i32 to vector<16xi32>
      %shift_right_logical3A_201 = arith.shrui %add3A_198, %shift_right_logical3A_200 : vector<16xi32>
      %shift_left3A = arith.constant 16 : i32
      %shift_left3A_202 = vector.broadcast %shift_left3A : i32 to vector<16xi32>
      %shift_left3A_203 = arith.shli %shift_right_logical3A_201, %shift_left3A_202 : vector<16xi32>
      %or3A = arith.ori %shift_left3A_203, %shift_right_logical3A_188 : vector<16xi32>
      %bitcast3A_204 = vector.bitcast %or3A : vector<16xi32> to vector<16xf32>
      %swap3A = arith.index_cast %mul3A_122 : i32 to index
      %swap3A_205 = tpu.vector_load %arg15[%swap3A] {strides = array<i32>} : memref<2000xf32, #tpu.memory_space<vmem>>, vector<16xf32>,
      tpu.vector_store %arg15[%swap3A], %bitcast3A_204 {strides = array<i32>} : memref<2000xf32, #tpu.memory_space<vmem>>, vector<16xf32>,
      %scan3A_206 = arith.constant 0 : i32
      scf.yield %scan3A_206 : i32
    }
    %scan3A_44 = arith.constant 124 : i32
    "tpu.region"() ({
      %run_scoped3A_119 = tpu.sem_alloc : memref<!tpu.dma_semaphore, #tpu.memory_space<semaphore_mem>>
      %dma_start3A = arith.constant 0 : i32
      %dma_start3A_120 = tpu.memref_slice %arg15[%dma_start3A] : memref<2000xf32, #tpu.memory_space<vmem>> -> memref<1984xf32, #tpu.memory_space<vmem>>
      %dma_start3A_121 = tpu.memref_slice %arg20[%add3A_35] : memref<101888xf32, #tpu.memory_space<vmem_shared>> -> memref<1984xf32, #tpu.memory_space<vmem_shared>>
      %dma_start3A_122 = tpu.memref_slice %arg20[%add3A_35] : memref<101888xf32, #tpu.memory_space<vmem_shared>> -> memref<1984xf32, #tpu.memory_space<vmem_shared>>
      %dma_start3A_123 = arith.constant 0 : i32
      %dma_start3A_124 = tpu.memref_slice %arg15[%dma_start3A_123] : memref<2000xf32, #tpu.memory_space<vmem>> -> memref<1984xf32, #tpu.memory_space<vmem>>
      tpu.enqueue_dma source(%dma_start3A_124 : memref<1984xf32, #tpu.memory_space<vmem>>) target(%dma_start3A_122 : memref<1984xf32, #tpu.memory_space<vmem_shared>>) target_semaphore(%run_scoped3A_119 : memref<!tpu.dma_semaphore, #tpu.memory_space<semaphore_mem>>)
      %dma_wait3A_125 = arith.constant 0 : i32
      %dma_wait3A_126 = tpu.memref_slice %arg15[%dma_wait3A_125] : memref<2000xf32, #tpu.memory_space<vmem>> -> memref<1984xf32, #tpu.memory_space<vmem>>
      %dma_wait3A_127 = tpu.memref_slice %arg20[%add3A_35] : memref<101888xf32, #tpu.memory_space<vmem_shared>> -> memref<1984xf32, #tpu.memory_space<vmem_shared>>
      %dma_wait3A_128 = tpu.memref_slice %arg20[%add3A_35] : memref<101888xf32, #tpu.memory_space<vmem_shared>> -> memref<1984xf32, #tpu.memory_space<vmem_shared>>
      %dma_wait3A_129 = arith.constant 0 : i32
      %dma_wait3A_130 = tpu.memref_slice %arg15[%dma_wait3A_129] : memref<2000xf32, #tpu.memory_space<vmem>> -> memref<1984xf32, #tpu.memory_space<vmem>>
      tpu.wait_dma2 semaphore(%run_scoped3A_119 : memref<!tpu.dma_semaphore, #tpu.memory_space<semaphore_mem>>) src(%dma_wait3A_130 : memref<1984xf32, #tpu.memory_space<vmem>>) dst(%dma_wait3A_128 : memref<1984xf32, #tpu.memory_space<vmem_shared>>)
      tpu.yield
    }) : () -> ()
    %mul3A_45 = arith.constant 6368 : i32
    %mul3A_46 = arith.muli %arg1, %mul3A_45 : i32
    %add3A_47 = arith.constant 5952 : i32
    %add3A_48 = arith.addi %mul3A_46, %add3A_47 : i32
    %run_scoped3A_49 = arith.constant 0 : i32
    "tpu.region"() ({
      %run_scoped3A_119 = tpu.sem_alloc : memref<!tpu.dma_semaphore, #tpu.memory_space<semaphore_mem>>
      %dma_start3A = arith.constant 0 : i32
      %dma_start3A_120 = tpu.memref_slice %arg15[%dma_start3A] : memref<2000xf32, #tpu.memory_space<vmem>> -> memref<416xf32, #tpu.memory_space<vmem>>
      %dma_start3A_121 = tpu.memref_slice %arg4[%run_scoped3A_49, %add3A_48] : memref<2x101888xf32, #tpu.memory_space<hbm>> -> memref<1x416xf32, #tpu.memory_space<hbm>>
      %dma_start3A_122 = tpu.memref_squeeze %dma_start3A_121 : memref<1x416xf32, #tpu.memory_space<hbm>> -> memref<416xf32, #tpu.memory_space<hbm>>
      %dma_start3A_123 = arith.constant 0 : i32
      %dma_start3A_124 = tpu.memref_slice %arg15[%dma_start3A_123] : memref<2000xf32, #tpu.memory_space<vmem>> -> memref<416xf32, #tpu.memory_space<vmem>>
      %dma_start3A_125 = tpu.memref_slice %arg4[%run_scoped3A_49, %add3A_48] : memref<2x101888xf32, #tpu.memory_space<hbm>> -> memref<1x416xf32, #tpu.memory_space<hbm>>
      %dma_start3A_126 = tpu.memref_squeeze %dma_start3A_125 : memref<1x416xf32, #tpu.memory_space<hbm>> -> memref<416xf32, #tpu.memory_space<hbm>>
      tpu.enqueue_dma source(%dma_start3A_126 : memref<416xf32, #tpu.memory_space<hbm>>) target(%dma_start3A_124 : memref<416xf32, #tpu.memory_space<vmem>>) target_semaphore(%run_scoped3A_119 : memref<!tpu.dma_semaphore, #tpu.memory_space<semaphore_mem>>)
      %dma_wait3A_127 = arith.constant 0 : i32
      %dma_wait3A_128 = tpu.memref_slice %arg15[%dma_wait3A_127] : memref<2000xf32, #tpu.memory_space<vmem>> -> memref<416xf32, #tpu.memory_space<vmem>>
      %dma_wait3A_129 = tpu.memref_slice %arg4[%run_scoped3A_49, %add3A_48] : memref<2x101888xf32, #tpu.memory_space<hbm>> -> memref<1x416xf32, #tpu.memory_space<hbm>>
      %dma_wait3A_130 = tpu.memref_squeeze %dma_wait3A_129 : memref<1x416xf32, #tpu.memory_space<hbm>> -> memref<416xf32, #tpu.memory_space<hbm>>
      %dma_wait3A_131 = arith.constant 0 : i32
      %dma_wait3A_132 = tpu.memref_slice %arg15[%dma_wait3A_131] : memref<2000xf32, #tpu.memory_space<vmem>> -> memref<416xf32, #tpu.memory_space<vmem>>
      %dma_wait3A_133 = tpu.memref_slice %arg4[%run_scoped3A_49, %add3A_48] : memref<2x101888xf32, #tpu.memory_space<hbm>> -> memref<1x416xf32, #tpu.memory_space<hbm>>
      %dma_wait3A_134 = tpu.memref_squeeze %dma_wait3A_133 : memref<1x416xf32, #tpu.memory_space<hbm>> -> memref<416xf32, #tpu.memory_space<hbm>>
      tpu.wait_dma2 semaphore(%run_scoped3A_119 : memref<!tpu.dma_semaphore, #tpu.memory_space<semaphore_mem>>) src(%dma_wait3A_134 : memref<416xf32, #tpu.memory_space<hbm>>) dst(%dma_wait3A_132 : memref<416xf32, #tpu.memory_space<vmem>>)
      tpu.yield
    }) : () -> ()
    %run_scoped3A_50 = arith.constant 1 : i32
    "tpu.region"() ({
      %run_scoped3A_119 = tpu.sem_alloc : memref<!tpu.dma_semaphore, #tpu.memory_space<semaphore_mem>>
      %dma_start3A = arith.constant 0 : i32
      %dma_start3A_120 = tpu.memref_slice %arg16[%dma_start3A] : memref<2000xf32, #tpu.memory_space<vmem>> -> memref<416xf32, #tpu.memory_space<vmem>>
      %dma_start3A_121 = tpu.memref_slice %arg4[%run_scoped3A_50, %add3A_48] : memref<2x101888xf32, #tpu.memory_space<hbm>> -> memref<1x416xf32, #tpu.memory_space<hbm>>
      %dma_start3A_122 = tpu.memref_squeeze %dma_start3A_121 : memref<1x416xf32, #tpu.memory_space<hbm>> -> memref<416xf32, #tpu.memory_space<hbm>>
      %dma_start3A_123 = arith.constant 0 : i32
      %dma_start3A_124 = tpu.memref_slice %arg16[%dma_start3A_123] : memref<2000xf32, #tpu.memory_space<vmem>> -> memref<416xf32, #tpu.memory_space<vmem>>
      %dma_start3A_125 = tpu.memref_slice %arg4[%run_scoped3A_50, %add3A_48] : memref<2x101888xf32, #tpu.memory_space<hbm>> -> memref<1x416xf32, #tpu.memory_space<hbm>>
      %dma_start3A_126 = tpu.memref_squeeze %dma_start3A_125 : memref<1x416xf32, #tpu.memory_space<hbm>> -> memref<416xf32, #tpu.memory_space<hbm>>
      tpu.enqueue_dma source(%dma_start3A_126 : memref<416xf32, #tpu.memory_space<hbm>>) target(%dma_start3A_124 : memref<416xf32, #tpu.memory_space<vmem>>) target_semaphore(%run_scoped3A_119 : memref<!tpu.dma_semaphore, #tpu.memory_space<semaphore_mem>>)
      %dma_wait3A_127 = arith.constant 0 : i32
      %dma_wait3A_128 = tpu.memref_slice %arg16[%dma_wait3A_127] : memref<2000xf32, #tpu.memory_space<vmem>> -> memref<416xf32, #tpu.memory_space<vmem>>
      %dma_wait3A_129 = tpu.memref_slice %arg4[%run_scoped3A_50, %add3A_48] : memref<2x101888xf32, #tpu.memory_space<hbm>> -> memref<1x416xf32, #tpu.memory_space<hbm>>
      %dma_wait3A_130 = tpu.memref_squeeze %dma_wait3A_129 : memref<1x416xf32, #tpu.memory_space<hbm>> -> memref<416xf32, #tpu.memory_space<hbm>>
      %dma_wait3A_131 = arith.constant 0 : i32
      %dma_wait3A_132 = tpu.memref_slice %arg16[%dma_wait3A_131] : memref<2000xf32, #tpu.memory_space<vmem>> -> memref<416xf32, #tpu.memory_space<vmem>>
      %dma_wait3A_133 = tpu.memref_slice %arg4[%run_scoped3A_50, %add3A_48] : memref<2x101888xf32, #tpu.memory_space<hbm>> -> memref<1x416xf32, #tpu.memory_space<hbm>>
      %dma_wait3A_134 = tpu.memref_squeeze %dma_wait3A_133 : memref<1x416xf32, #tpu.memory_space<hbm>> -> memref<416xf32, #tpu.memory_space<hbm>>
      tpu.wait_dma2 semaphore(%run_scoped3A_119 : memref<!tpu.dma_semaphore, #tpu.memory_space<semaphore_mem>>) src(%dma_wait3A_134 : memref<416xf32, #tpu.memory_space<hbm>>) dst(%dma_wait3A_132 : memref<416xf32, #tpu.memory_space<vmem>>)
      tpu.yield
    }) : () -> ()
    "tpu.region"() ({
      %run_scoped3A_119 = tpu.sem_alloc : memref<!tpu.dma_semaphore, #tpu.memory_space<semaphore_mem>>
      %dma_start3A = arith.constant 0 : i32
      %dma_start3A_120 = tpu.memref_slice %arg17[%dma_start3A] : memref<2000xf32, #tpu.memory_space<vmem>> -> memref<416xf32, #tpu.memory_space<vmem>>
      %dma_start3A_121 = tpu.memref_slice %arg5[%add3A_48] : memref<101888xf32, #tpu.memory_space<hbm>> -> memref<416xf32, #tpu.memory_space<hbm>>
      %dma_start3A_122 = arith.constant 0 : i32
      %dma_start3A_123 = tpu.memref_slice %arg17[%dma_start3A_122] : memref<2000xf32, #tpu.memory_space<vmem>> -> memref<416xf32, #tpu.memory_space<vmem>>
      %dma_start3A_124 = tpu.memref_slice %arg5[%add3A_48] : memref<101888xf32, #tpu.memory_space<hbm>> -> memref<416xf32, #tpu.memory_space<hbm>>
      tpu.enqueue_dma source(%dma_start3A_124 : memref<416xf32, #tpu.memory_space<hbm>>) target(%dma_start3A_123 : memref<416xf32, #tpu.memory_space<vmem>>) target_semaphore(%run_scoped3A_119 : memref<!tpu.dma_semaphore, #tpu.memory_space<semaphore_mem>>)
      %dma_wait3A_125 = arith.constant 0 : i32
      %dma_wait3A_126 = tpu.memref_slice %arg17[%dma_wait3A_125] : memref<2000xf32, #tpu.memory_space<vmem>> -> memref<416xf32, #tpu.memory_space<vmem>>
      %dma_wait3A_127 = tpu.memref_slice %arg5[%add3A_48] : memref<101888xf32, #tpu.memory_space<hbm>> -> memref<416xf32, #tpu.memory_space<hbm>>
      %dma_wait3A_128 = arith.constant 0 : i32
      %dma_wait3A_129 = tpu.memref_slice %arg17[%dma_wait3A_128] : memref<2000xf32, #tpu.memory_space<vmem>> -> memref<416xf32, #tpu.memory_space<vmem>>
      %dma_wait3A_130 = tpu.memref_slice %arg5[%add3A_48] : memref<101888xf32, #tpu.memory_space<hbm>> -> memref<416xf32, #tpu.memory_space<hbm>>
      tpu.wait_dma2 semaphore(%run_scoped3A_119 : memref<!tpu.dma_semaphore, #tpu.memory_space<semaphore_mem>>) src(%dma_wait3A_130 : memref<416xf32, #tpu.memory_space<hbm>>) dst(%dma_wait3A_129 : memref<416xf32, #tpu.memory_space<vmem>>)
      tpu.yield
    }) : () -> ()
    "tpu.region"() ({
      %run_scoped3A_119 = tpu.sem_alloc : memref<!tpu.dma_semaphore, #tpu.memory_space<semaphore_mem>>
      %dma_start3A = arith.constant 0 : i32
      %dma_start3A_120 = tpu.memref_slice %arg18[%dma_start3A] : memref<2000xf32, #tpu.memory_space<vmem>> -> memref<416xf32, #tpu.memory_space<vmem>>
      %dma_start3A_121 = tpu.memref_slice %arg6[%add3A_48] : memref<101888xf32, #tpu.memory_space<hbm>> -> memref<416xf32, #tpu.memory_space<hbm>>
      %dma_start3A_122 = arith.constant 0 : i32
      %dma_start3A_123 = tpu.memref_slice %arg18[%dma_start3A_122] : memref<2000xf32, #tpu.memory_space<vmem>> -> memref<416xf32, #tpu.memory_space<vmem>>
      %dma_start3A_124 = tpu.memref_slice %arg6[%add3A_48] : memref<101888xf32, #tpu.memory_space<hbm>> -> memref<416xf32, #tpu.memory_space<hbm>>
      tpu.enqueue_dma source(%dma_start3A_124 : memref<416xf32, #tpu.memory_space<hbm>>) target(%dma_start3A_123 : memref<416xf32, #tpu.memory_space<vmem>>) target_semaphore(%run_scoped3A_119 : memref<!tpu.dma_semaphore, #tpu.memory_space<semaphore_mem>>)
      %dma_wait3A_125 = arith.constant 0 : i32
      %dma_wait3A_126 = tpu.memref_slice %arg18[%dma_wait3A_125] : memref<2000xf32, #tpu.memory_space<vmem>> -> memref<416xf32, #tpu.memory_space<vmem>>
      %dma_wait3A_127 = tpu.memref_slice %arg6[%add3A_48] : memref<101888xf32, #tpu.memory_space<hbm>> -> memref<416xf32, #tpu.memory_space<hbm>>
      %dma_wait3A_128 = arith.constant 0 : i32
      %dma_wait3A_129 = tpu.memref_slice %arg18[%dma_wait3A_128] : memref<2000xf32, #tpu.memory_space<vmem>> -> memref<416xf32, #tpu.memory_space<vmem>>
      %dma_wait3A_130 = tpu.memref_slice %arg6[%add3A_48] : memref<101888xf32, #tpu.memory_space<hbm>> -> memref<416xf32, #tpu.memory_space<hbm>>
      tpu.wait_dma2 semaphore(%run_scoped3A_119 : memref<!tpu.dma_semaphore, #tpu.memory_space<semaphore_mem>>) src(%dma_wait3A_130 : memref<416xf32, #tpu.memory_space<hbm>>) dst(%dma_wait3A_129 : memref<416xf32, #tpu.memory_space<vmem>>)
      tpu.yield
    }) : () -> ()
    %scan3A_51 = arith.constant 0 : i32
    %scan3A_52 = arith.constant 0 : i32
    %scan3A_53 = arith.constant 26 : i32
    %scan3A_54 = arith.addi %scan3A_52, %scan3A_53 : i32
    %scan3A_55 = arith.constant 1 : i32
    %scan3A_56 = scf.for %scan3A_119 = %scan3A_52 to %scan3A_54 step %scan3A_55 iter_args(%scan3A_120 = %scan3A_51) -> (i32)  : i32 {
      %mul3A_121 = arith.constant 16 : i32
      %mul3A_122 = arith.muli %scan3A_119, %mul3A_121 : i32
      %get3A_123 = arith.index_cast %mul3A_122 : i32 to index
      %get3A_124 = tpu.vector_load %arg15[%get3A_123] {strides = array<i32>} : memref<2000xf32, #tpu.memory_space<vmem>>, vector<16xf32>,
      %get3A_125 = arith.index_cast %mul3A_122 : i32 to index
      %get3A_126 = tpu.vector_load %arg16[%get3A_125] {strides = array<i32>} : memref<2000xf32, #tpu.memory_space<vmem>>, vector<16xf32>,
      %add3A_127 = arith.addf %get3A_124, %get3A_126 : vector<16xf32>
      %add3A_128 = arith.constant 1.000000e+00 : f32
      %add3A_129 = vector.broadcast %add3A_128 : f32 to vector<16xf32>
      %add3A_130 = arith.addf %add3A_127, %add3A_129 : vector<16xf32>
      %bitcast3A = vector.bitcast %add3A_130 : vector<16xf32> to vector<16xi32>
      %shift_right_logical3A = arith.constant 1 : i32
      %shift_right_logical3A_131 = vector.broadcast %shift_right_logical3A : i32 to vector<16xi32>
      %shift_right_logical3A_132 = arith.shrui %bitcast3A, %shift_right_logical3A_131 : vector<16xi32>
      %sub3A = arith.constant 1597463007 : i32
      %sub3A_133 = vector.broadcast %sub3A : i32 to vector<16xi32>
      %sub3A_134 = arith.subi %sub3A_133, %shift_right_logical3A_132 : vector<16xi32>
      %bitcast3A_135 = vector.bitcast %sub3A_134 : vector<16xi32> to vector<16xf32>
      %mul3A_136 = arith.constant 5.000000e-01 : f32
      %mul3A_137 = vector.broadcast %mul3A_136 : f32 to vector<16xf32>
      %mul3A_138 = arith.mulf %mul3A_137, %add3A_130 : vector<16xf32>
      %mul3A_139 = arith.mulf %mul3A_138, %bitcast3A_135 : vector<16xf32>
      %mul3A_140 = arith.mulf %mul3A_139, %bitcast3A_135 : vector<16xf32>
      %sub3A_141 = arith.constant 1.500000e+00 : f32
      %sub3A_142 = vector.broadcast %sub3A_141 : f32 to vector<16xf32>
      %sub3A_143 = arith.subf %sub3A_142, %mul3A_140 : vector<16xf32>
      %mul3A_144 = arith.mulf %bitcast3A_135, %sub3A_143 : vector<16xf32>
      %mul3A_145 = arith.constant 5.000000e-01 : f32
      %mul3A_146 = vector.broadcast %mul3A_145 : f32 to vector<16xf32>
      %mul3A_147 = arith.mulf %mul3A_146, %add3A_130 : vector<16xf32>
      %mul3A_148 = arith.mulf %mul3A_147, %mul3A_144 : vector<16xf32>
      %mul3A_149 = arith.mulf %mul3A_148, %mul3A_144 : vector<16xf32>
      %sub3A_150 = arith.constant 1.500000e+00 : f32
      %sub3A_151 = vector.broadcast %sub3A_150 : f32 to vector<16xf32>
      %sub3A_152 = arith.subf %sub3A_151, %mul3A_149 : vector<16xf32>
      %mul3A_153 = arith.mulf %mul3A_144, %sub3A_152 : vector<16xf32>
      %mul3A_154 = arith.constant 5.000000e-01 : f32
      %mul3A_155 = vector.broadcast %mul3A_154 : f32 to vector<16xf32>
      %mul3A_156 = arith.mulf %mul3A_155, %add3A_130 : vector<16xf32>
      %mul3A_157 = arith.mulf %mul3A_156, %mul3A_153 : vector<16xf32>
      %mul3A_158 = arith.mulf %mul3A_157, %mul3A_153 : vector<16xf32>
      %sub3A_159 = arith.constant 1.500000e+00 : f32
      %sub3A_160 = vector.broadcast %sub3A_159 : f32 to vector<16xf32>
      %sub3A_161 = arith.subf %sub3A_160, %mul3A_158 : vector<16xf32>
      %mul3A_162 = arith.mulf %mul3A_153, %sub3A_161 : vector<16xf32>
      %get3A_163 = arith.index_cast %mul3A_122 : i32 to index
      %get3A_164 = tpu.vector_load %arg17[%get3A_163] {strides = array<i32>} : memref<2000xf32, #tpu.memory_space<vmem>>, vector<16xf32>,
      %get3A_165 = arith.index_cast %mul3A_122 : i32 to index
      %get3A_166 = tpu.vector_load %arg18[%get3A_165] {strides = array<i32>} : memref<2000xf32, #tpu.memory_space<vmem>>, vector<16xf32>,
      %mul3A_167 = arith.mulf %get3A_164, %get3A_1 : vector<16xf32>
      %mul3A_168 = arith.mulf %get3A_166, %get3A_3 : vector<16xf32>
      %add3A_169 = arith.addf %mul3A_167, %mul3A_168 : vector<16xf32>
      %mul3A_170 = arith.mulf %mul3A_162, %add3A_169 : vector<16xf32>
      %mul3A_171 = arith.mulf %get3A_164, %get3A_5 : vector<16xf32>
      %mul3A_172 = arith.mulf %get3A_166, %get3A_7 : vector<16xf32>
      %add3A_173 = arith.addf %mul3A_171, %mul3A_172 : vector<16xf32>
      %mul3A_174 = arith.mulf %mul3A_162, %add3A_173 : vector<16xf32>
      %bitcast3A_175 = vector.bitcast %mul3A_170 : vector<16xf32> to vector<16xi32>
      %bitcast3A_176 = vector.bitcast %mul3A_174 : vector<16xf32> to vector<16xi32>
      %add3A_177 = arith.constant 32767 : i32
      %add3A_178 = vector.broadcast %add3A_177 : i32 to vector<16xi32>
      %add3A_179 = arith.addi %bitcast3A_175, %add3A_178 : vector<16xi32>
      %shift_right_logical3A_180 = arith.constant 16 : i32
      %shift_right_logical3A_181 = vector.broadcast %shift_right_logical3A_180 : i32 to vector<16xi32>
      %shift_right_logical3A_182 = arith.shrui %bitcast3A_175, %shift_right_logical3A_181 : vector<16xi32>
      %and3A = arith.constant 1 : i32
      %and3A_183 = vector.broadcast %and3A : i32 to vector<16xi32>
      %and3A_184 = arith.andi %shift_right_logical3A_182, %and3A_183 : vector<16xi32>
      %add3A_185 = arith.addi %add3A_179, %and3A_184 : vector<16xi32>
      %shift_right_logical3A_186 = arith.constant 16 : i32
      %shift_right_logical3A_187 = vector.broadcast %shift_right_logical3A_186 : i32 to vector<16xi32>
      %shift_right_logical3A_188 = arith.shrui %add3A_185, %shift_right_logical3A_187 : vector<16xi32>
      %add3A_189 = arith.constant 32767 : i32
      %add3A_190 = vector.broadcast %add3A_189 : i32 to vector<16xi32>
      %add3A_191 = arith.addi %bitcast3A_176, %add3A_190 : vector<16xi32>
      %shift_right_logical3A_192 = arith.constant 16 : i32
      %shift_right_logical3A_193 = vector.broadcast %shift_right_logical3A_192 : i32 to vector<16xi32>
      %shift_right_logical3A_194 = arith.shrui %bitcast3A_176, %shift_right_logical3A_193 : vector<16xi32>
      %and3A_195 = arith.constant 1 : i32
      %and3A_196 = vector.broadcast %and3A_195 : i32 to vector<16xi32>
      %and3A_197 = arith.andi %shift_right_logical3A_194, %and3A_196 : vector<16xi32>
      %add3A_198 = arith.addi %add3A_191, %and3A_197 : vector<16xi32>
      %shift_right_logical3A_199 = arith.constant 16 : i32
      %shift_right_logical3A_200 = vector.broadcast %shift_right_logical3A_199 : i32 to vector<16xi32>
      %shift_right_logical3A_201 = arith.shrui %add3A_198, %shift_right_logical3A_200 : vector<16xi32>
      %shift_left3A = arith.constant 16 : i32
      %shift_left3A_202 = vector.broadcast %shift_left3A : i32 to vector<16xi32>
      %shift_left3A_203 = arith.shli %shift_right_logical3A_201, %shift_left3A_202 : vector<16xi32>
      %or3A = arith.ori %shift_left3A_203, %shift_right_logical3A_188 : vector<16xi32>
      %bitcast3A_204 = vector.bitcast %or3A : vector<16xi32> to vector<16xf32>
      %swap3A = arith.index_cast %mul3A_122 : i32 to index
      %swap3A_205 = tpu.vector_load %arg15[%swap3A] {strides = array<i32>} : memref<2000xf32, #tpu.memory_space<vmem>>, vector<16xf32>,
      tpu.vector_store %arg15[%swap3A], %bitcast3A_204 {strides = array<i32>} : memref<2000xf32, #tpu.memory_space<vmem>>, vector<16xf32>,
      %scan3A_206 = arith.constant 0 : i32
      scf.yield %scan3A_206 : i32
    }
    %scan3A_57 = arith.constant 26 : i32
    "tpu.region"() ({
      %run_scoped3A_119 = tpu.sem_alloc : memref<!tpu.dma_semaphore, #tpu.memory_space<semaphore_mem>>
      %dma_start3A = arith.constant 0 : i32
      %dma_start3A_120 = tpu.memref_slice %arg15[%dma_start3A] : memref<2000xf32, #tpu.memory_space<vmem>> -> memref<416xf32, #tpu.memory_space<vmem>>
      %dma_start3A_121 = tpu.memref_slice %arg20[%add3A_48] : memref<101888xf32, #tpu.memory_space<vmem_shared>> -> memref<416xf32, #tpu.memory_space<vmem_shared>>
      %dma_start3A_122 = tpu.memref_slice %arg20[%add3A_48] : memref<101888xf32, #tpu.memory_space<vmem_shared>> -> memref<416xf32, #tpu.memory_space<vmem_shared>>
      %dma_start3A_123 = arith.constant 0 : i32
      %dma_start3A_124 = tpu.memref_slice %arg15[%dma_start3A_123] : memref<2000xf32, #tpu.memory_space<vmem>> -> memref<416xf32, #tpu.memory_space<vmem>>
      tpu.enqueue_dma source(%dma_start3A_124 : memref<416xf32, #tpu.memory_space<vmem>>) target(%dma_start3A_122 : memref<416xf32, #tpu.memory_space<vmem_shared>>) target_semaphore(%run_scoped3A_119 : memref<!tpu.dma_semaphore, #tpu.memory_space<semaphore_mem>>)
      %dma_wait3A_125 = arith.constant 0 : i32
      %dma_wait3A_126 = tpu.memref_slice %arg15[%dma_wait3A_125] : memref<2000xf32, #tpu.memory_space<vmem>> -> memref<416xf32, #tpu.memory_space<vmem>>
      %dma_wait3A_127 = tpu.memref_slice %arg20[%add3A_48] : memref<101888xf32, #tpu.memory_space<vmem_shared>> -> memref<416xf32, #tpu.memory_space<vmem_shared>>
      %dma_wait3A_128 = tpu.memref_slice %arg20[%add3A_48] : memref<101888xf32, #tpu.memory_space<vmem_shared>> -> memref<416xf32, #tpu.memory_space<vmem_shared>>
      %dma_wait3A_129 = arith.constant 0 : i32
      %dma_wait3A_130 = tpu.memref_slice %arg15[%dma_wait3A_129] : memref<2000xf32, #tpu.memory_space<vmem>> -> memref<416xf32, #tpu.memory_space<vmem>>
      tpu.wait_dma2 semaphore(%run_scoped3A_119 : memref<!tpu.dma_semaphore, #tpu.memory_space<semaphore_mem>>) src(%dma_wait3A_130 : memref<416xf32, #tpu.memory_space<vmem>>) dst(%dma_wait3A_128 : memref<416xf32, #tpu.memory_space<vmem_shared>>)
      tpu.yield
    }) : () -> ()
    %barrier3A = arith.constant 0 : index
    tpu.barrier barrier_id(%barrier3A)
    "tpu.region"() ({
      %run_scoped3A_119 = tpu.sem_alloc : memref<!tpu.dma_semaphore, #tpu.memory_space<semaphore_mem>>
      tpu.enqueue_dma source(%arg20 : memref<101888xf32, #tpu.memory_space<vmem_shared>>) target(%arg19 : memref<101888xf32, #tpu.memory_space<vmem>>) target_semaphore(%run_scoped3A_119 : memref<!tpu.dma_semaphore, #tpu.memory_space<semaphore_mem>>)
      tpu.wait_dma2 semaphore(%run_scoped3A_119 : memref<!tpu.dma_semaphore, #tpu.memory_space<semaphore_mem>>) src(%arg20 : memref<101888xf32, #tpu.memory_space<vmem_shared>>) dst(%arg19 : memref<101888xf32, #tpu.memory_space<vmem>>)
      tpu.yield
    }) : () -> ()
    %eq3A = arith.constant 0 : i32
    %eq3A_58 = arith.cmpi eq, %arg0, %eq3A : i32
    %convert_element_type3A = arith.extui %eq3A_58 : i1 to i32
    %cond3A = arith.constant 0 : i32
    %cond3A_59 = arith.cmpi ne, %convert_element_type3A, %cond3A : i32
    scf.if %cond3A_59 {
      %mul3A_119 = arith.constant 6368 : i32
      %mul3A_120 = arith.muli %arg1, %mul3A_119 : i32
      "tpu.region"() ({
        %run_scoped3A_121 = tpu.sem_alloc : memref<!tpu.dma_semaphore, #tpu.memory_space<semaphore_mem>>
        %dma_start3A = tpu.memref_slice %arg19[%mul3A_120] : memref<101888xf32, #tpu.memory_space<vmem>> -> memref<6368xf32, #tpu.memory_space<vmem>>
        %dma_start3A_122 = tpu.memref_slice %arg10[%mul3A_120] : memref<101888xf32, #tpu.memory_space<hbm>> -> memref<6368xf32, #tpu.memory_space<hbm>>
        %dma_start3A_123 = tpu.memref_slice %arg10[%mul3A_120] : memref<101888xf32, #tpu.memory_space<hbm>> -> memref<6368xf32, #tpu.memory_space<hbm>>
        %dma_start3A_124 = tpu.memref_slice %arg19[%mul3A_120] : memref<101888xf32, #tpu.memory_space<vmem>> -> memref<6368xf32, #tpu.memory_space<vmem>>
        tpu.enqueue_dma source(%dma_start3A_124 : memref<6368xf32, #tpu.memory_space<vmem>>) target(%dma_start3A_123 : memref<6368xf32, #tpu.memory_space<hbm>>) target_semaphore(%run_scoped3A_121 : memref<!tpu.dma_semaphore, #tpu.memory_space<semaphore_mem>>)
        %dma_wait3A_125 = tpu.memref_slice %arg19[%mul3A_120] : memref<101888xf32, #tpu.memory_space<vmem>> -> memref<6368xf32, #tpu.memory_space<vmem>>
        %dma_wait3A_126 = tpu.memref_slice %arg10[%mul3A_120] : memref<101888xf32, #tpu.memory_space<hbm>> -> memref<6368xf32, #tpu.memory_space<hbm>>
        %dma_wait3A_127 = tpu.memref_slice %arg10[%mul3A_120] : memref<101888xf32, #tpu.memory_space<hbm>> -> memref<6368xf32, #tpu.memory_space<hbm>>
        %dma_wait3A_128 = tpu.memref_slice %arg19[%mul3A_120] : memref<101888xf32, #tpu.memory_space<vmem>> -> memref<6368xf32, #tpu.memory_space<vmem>>
        tpu.wait_dma2 semaphore(%run_scoped3A_121 : memref<!tpu.dma_semaphore, #tpu.memory_space<semaphore_mem>>) src(%dma_wait3A_128 : memref<6368xf32, #tpu.memory_space<vmem>>) dst(%dma_wait3A_127 : memref<6368xf32, #tpu.memory_space<hbm>>)
        tpu.yield
      }) : () -> ()
    } else {
    }
    %barrier3A_60 = arith.constant 0 : index
    tpu.barrier barrier_id(%barrier3A_60)
    %mul3A_61 = arith.constant 6368 : i32
    %mul3A_62 = arith.muli %arg1, %mul3A_61 : i32
    %add3A_63 = arith.constant 0 : i32
    %add3A_64 = arith.addi %mul3A_62, %add3A_63 : i32
    "tpu.region"() ({
      %run_scoped3A_119 = tpu.sem_alloc : memref<!tpu.dma_semaphore, #tpu.memory_space<semaphore_mem>>
      %dma_start3A = arith.constant 0 : i32
      %dma_start3A_120 = tpu.memref_slice %arg15[%dma_start3A] : memref<2000xf32, #tpu.memory_space<vmem>> -> memref<1592xf32, #tpu.memory_space<vmem>>
      %dma_start3A_121 = arith.constant 0 : i32
      %dma_start3A_122 = tpu.memref_slice %arg8[%dma_start3A_121] : memref<101888xf32, #tpu.memory_space<hbm>> -> memref<1592xf32, #tpu.memory_space<hbm>>
      %dma_start3A_123 = arith.constant 0 : i32
      %dma_start3A_124 = tpu.memref_slice %arg15[%dma_start3A_123] : memref<2000xf32, #tpu.memory_space<vmem>> -> memref<1592xf32, #tpu.memory_space<vmem>>
      %dma_start3A_125 = arith.constant 0 : i32
      %dma_start3A_126 = tpu.memref_slice %arg8[%dma_start3A_125] : memref<101888xf32, #tpu.memory_space<hbm>> -> memref<1592xf32, #tpu.memory_space<hbm>>
      tpu.enqueue_dma source(%dma_start3A_126 : memref<1592xf32, #tpu.memory_space<hbm>>) target(%dma_start3A_124 : memref<1592xf32, #tpu.memory_space<vmem>>) target_semaphore(%run_scoped3A_119 : memref<!tpu.dma_semaphore, #tpu.memory_space<semaphore_mem>>)
      %dma_wait3A_127 = arith.constant 0 : i32
      %dma_wait3A_128 = tpu.memref_slice %arg15[%dma_wait3A_127] : memref<2000xf32, #tpu.memory_space<vmem>> -> memref<1592xf32, #tpu.memory_space<vmem>>
      %dma_wait3A_129 = arith.constant 0 : i32
      %dma_wait3A_130 = tpu.memref_slice %arg8[%dma_wait3A_129] : memref<101888xf32, #tpu.memory_space<hbm>> -> memref<1592xf32, #tpu.memory_space<hbm>>
      %dma_wait3A_131 = arith.constant 0 : i32
      %dma_wait3A_132 = tpu.memref_slice %arg15[%dma_wait3A_131] : memref<2000xf32, #tpu.memory_space<vmem>> -> memref<1592xf32, #tpu.memory_space<vmem>>
      %dma_wait3A_133 = arith.constant 0 : i32
      %dma_wait3A_134 = tpu.memref_slice %arg8[%dma_wait3A_133] : memref<101888xf32, #tpu.memory_space<hbm>> -> memref<1592xf32, #tpu.memory_space<hbm>>
      tpu.wait_dma2 semaphore(%run_scoped3A_119 : memref<!tpu.dma_semaphore, #tpu.memory_space<semaphore_mem>>) src(%dma_wait3A_134 : memref<1592xf32, #tpu.memory_space<hbm>>) dst(%dma_wait3A_132 : memref<1592xf32, #tpu.memory_space<vmem>>)
      tpu.yield
    }) : () -> ()
    "tpu.region"() ({
      %run_scoped3A_119 = tpu.sem_alloc : memref<!tpu.dma_semaphore, #tpu.memory_space<semaphore_mem>>
      %dma_start3A = arith.constant 0 : i32
      %dma_start3A_120 = tpu.memref_slice %arg15[%dma_start3A] : memref<2000xf32, #tpu.memory_space<vmem>> -> memref<1592xf32, #tpu.memory_space<vmem>>
      %dma_start3A_121 = tpu.memref_slice %arg20[%add3A_64] : memref<101888xf32, #tpu.memory_space<vmem_shared>> -> memref<1592xf32, #tpu.memory_space<vmem_shared>>
      %dma_start3A_122 = tpu.memref_slice %arg20[%add3A_64] : memref<101888xf32, #tpu.memory_space<vmem_shared>> -> memref<1592xf32, #tpu.memory_space<vmem_shared>>
      %dma_start3A_123 = arith.constant 0 : i32
      %dma_start3A_124 = tpu.memref_slice %arg15[%dma_start3A_123] : memref<2000xf32, #tpu.memory_space<vmem>> -> memref<1592xf32, #tpu.memory_space<vmem>>
      tpu.enqueue_dma source(%dma_start3A_124 : memref<1592xf32, #tpu.memory_space<vmem>>) target(%dma_start3A_122 : memref<1592xf32, #tpu.memory_space<vmem_shared>>) target_semaphore(%run_scoped3A_119 : memref<!tpu.dma_semaphore, #tpu.memory_space<semaphore_mem>>)
      %dma_wait3A_125 = arith.constant 0 : i32
      %dma_wait3A_126 = tpu.memref_slice %arg15[%dma_wait3A_125] : memref<2000xf32, #tpu.memory_space<vmem>> -> memref<1592xf32, #tpu.memory_space<vmem>>
      %dma_wait3A_127 = tpu.memref_slice %arg20[%add3A_64] : memref<101888xf32, #tpu.memory_space<vmem_shared>> -> memref<1592xf32, #tpu.memory_space<vmem_shared>>
      %dma_wait3A_128 = tpu.memref_slice %arg20[%add3A_64] : memref<101888xf32, #tpu.memory_space<vmem_shared>> -> memref<1592xf32, #tpu.memory_space<vmem_shared>>
      %dma_wait3A_129 = arith.constant 0 : i32
      %dma_wait3A_130 = tpu.memref_slice %arg15[%dma_wait3A_129] : memref<2000xf32, #tpu.memory_space<vmem>> -> memref<1592xf32, #tpu.memory_space<vmem>>
      tpu.wait_dma2 semaphore(%run_scoped3A_119 : memref<!tpu.dma_semaphore, #tpu.memory_space<semaphore_mem>>) src(%dma_wait3A_130 : memref<1592xf32, #tpu.memory_space<vmem>>) dst(%dma_wait3A_128 : memref<1592xf32, #tpu.memory_space<vmem_shared>>)
      tpu.yield
    }) : () -> ()
    "tpu.region"() ({
      %run_scoped3A_119 = tpu.sem_alloc : memref<!tpu.dma_semaphore, #tpu.memory_space<semaphore_mem>>
      %dma_start3A = arith.constant 0 : i32
      %dma_start3A_120 = tpu.memref_slice %arg15[%dma_start3A] : memref<2000xf32, #tpu.memory_space<vmem>> -> memref<1592xf32, #tpu.memory_space<vmem>>
      %dma_start3A_121 = tpu.memref_slice %arg21[%add3A_64] : memref<101888xf32, #tpu.memory_space<vmem_shared>> -> memref<1592xf32, #tpu.memory_space<vmem_shared>>
      %dma_start3A_122 = tpu.memref_slice %arg21[%add3A_64] : memref<101888xf32, #tpu.memory_space<vmem_shared>> -> memref<1592xf32, #tpu.memory_space<vmem_shared>>
      %dma_start3A_123 = arith.constant 0 : i32
      %dma_start3A_124 = tpu.memref_slice %arg15[%dma_start3A_123] : memref<2000xf32, #tpu.memory_space<vmem>> -> memref<1592xf32, #tpu.memory_space<vmem>>
      tpu.enqueue_dma source(%dma_start3A_124 : memref<1592xf32, #tpu.memory_space<vmem>>) target(%dma_start3A_122 : memref<1592xf32, #tpu.memory_space<vmem_shared>>) target_semaphore(%run_scoped3A_119 : memref<!tpu.dma_semaphore, #tpu.memory_space<semaphore_mem>>)
      %dma_wait3A_125 = arith.constant 0 : i32
      %dma_wait3A_126 = tpu.memref_slice %arg15[%dma_wait3A_125] : memref<2000xf32, #tpu.memory_space<vmem>> -> memref<1592xf32, #tpu.memory_space<vmem>>
      %dma_wait3A_127 = tpu.memref_slice %arg21[%add3A_64] : memref<101888xf32, #tpu.memory_space<vmem_shared>> -> memref<1592xf32, #tpu.memory_space<vmem_shared>>
      %dma_wait3A_128 = tpu.memref_slice %arg21[%add3A_64] : memref<101888xf32, #tpu.memory_space<vmem_shared>> -> memref<1592xf32, #tpu.memory_space<vmem_shared>>
      %dma_wait3A_129 = arith.constant 0 : i32
      %dma_wait3A_130 = tpu.memref_slice %arg15[%dma_wait3A_129] : memref<2000xf32, #tpu.memory_space<vmem>> -> memref<1592xf32, #tpu.memory_space<vmem>>
      tpu.wait_dma2 semaphore(%run_scoped3A_119 : memref<!tpu.dma_semaphore, #tpu.memory_space<semaphore_mem>>) src(%dma_wait3A_130 : memref<1592xf32, #tpu.memory_space<vmem>>) dst(%dma_wait3A_128 : memref<1592xf32, #tpu.memory_space<vmem_shared>>)
      tpu.yield
    }) : () -> ()
    %mul3A_65 = arith.constant 6368 : i32
    %mul3A_66 = arith.muli %arg1, %mul3A_65 : i32
    %add3A_67 = arith.constant 1592 : i32
    %add3A_68 = arith.addi %mul3A_66, %add3A_67 : i32
    "tpu.region"() ({
      %run_scoped3A_119 = tpu.sem_alloc : memref<!tpu.dma_semaphore, #tpu.memory_space<semaphore_mem>>
      %dma_start3A = arith.constant 0 : i32
      %dma_start3A_120 = tpu.memref_slice %arg15[%dma_start3A] : memref<2000xf32, #tpu.memory_space<vmem>> -> memref<1592xf32, #tpu.memory_space<vmem>>
      %dma_start3A_121 = arith.constant 1592 : i32
      %dma_start3A_122 = tpu.memref_slice %arg8[%dma_start3A_121] : memref<101888xf32, #tpu.memory_space<hbm>> -> memref<1592xf32, #tpu.memory_space<hbm>>
      %dma_start3A_123 = arith.constant 0 : i32
      %dma_start3A_124 = tpu.memref_slice %arg15[%dma_start3A_123] : memref<2000xf32, #tpu.memory_space<vmem>> -> memref<1592xf32, #tpu.memory_space<vmem>>
      %dma_start3A_125 = arith.constant 1592 : i32
      %dma_start3A_126 = tpu.memref_slice %arg8[%dma_start3A_125] : memref<101888xf32, #tpu.memory_space<hbm>> -> memref<1592xf32, #tpu.memory_space<hbm>>
      tpu.enqueue_dma source(%dma_start3A_126 : memref<1592xf32, #tpu.memory_space<hbm>>) target(%dma_start3A_124 : memref<1592xf32, #tpu.memory_space<vmem>>) target_semaphore(%run_scoped3A_119 : memref<!tpu.dma_semaphore, #tpu.memory_space<semaphore_mem>>)
      %dma_wait3A_127 = arith.constant 0 : i32
      %dma_wait3A_128 = tpu.memref_slice %arg15[%dma_wait3A_127] : memref<2000xf32, #tpu.memory_space<vmem>> -> memref<1592xf32, #tpu.memory_space<vmem>>
      %dma_wait3A_129 = arith.constant 1592 : i32
      %dma_wait3A_130 = tpu.memref_slice %arg8[%dma_wait3A_129] : memref<101888xf32, #tpu.memory_space<hbm>> -> memref<1592xf32, #tpu.memory_space<hbm>>
      %dma_wait3A_131 = arith.constant 0 : i32
      %dma_wait3A_132 = tpu.memref_slice %arg15[%dma_wait3A_131] : memref<2000xf32, #tpu.memory_space<vmem>> -> memref<1592xf32, #tpu.memory_space<vmem>>
      %dma_wait3A_133 = arith.constant 1592 : i32
      %dma_wait3A_134 = tpu.memref_slice %arg8[%dma_wait3A_133] : memref<101888xf32, #tpu.memory_space<hbm>> -> memref<1592xf32, #tpu.memory_space<hbm>>
      tpu.wait_dma2 semaphore(%run_scoped3A_119 : memref<!tpu.dma_semaphore, #tpu.memory_space<semaphore_mem>>) src(%dma_wait3A_134 : memref<1592xf32, #tpu.memory_space<hbm>>) dst(%dma_wait3A_132 : memref<1592xf32, #tpu.memory_space<vmem>>)
      tpu.yield
    }) : () -> ()
    "tpu.region"() ({
      %run_scoped3A_119 = tpu.sem_alloc : memref<!tpu.dma_semaphore, #tpu.memory_space<semaphore_mem>>
      %dma_start3A = arith.constant 0 : i32
      %dma_start3A_120 = tpu.memref_slice %arg15[%dma_start3A] : memref<2000xf32, #tpu.memory_space<vmem>> -> memref<1592xf32, #tpu.memory_space<vmem>>
      %dma_start3A_121 = tpu.memref_slice %arg20[%add3A_68] : memref<101888xf32, #tpu.memory_space<vmem_shared>> -> memref<1592xf32, #tpu.memory_space<vmem_shared>>
      %dma_start3A_122 = tpu.memref_slice %arg20[%add3A_68] : memref<101888xf32, #tpu.memory_space<vmem_shared>> -> memref<1592xf32, #tpu.memory_space<vmem_shared>>
      %dma_start3A_123 = arith.constant 0 : i32
      %dma_start3A_124 = tpu.memref_slice %arg15[%dma_start3A_123] : memref<2000xf32, #tpu.memory_space<vmem>> -> memref<1592xf32, #tpu.memory_space<vmem>>
      tpu.enqueue_dma source(%dma_start3A_124 : memref<1592xf32, #tpu.memory_space<vmem>>) target(%dma_start3A_122 : memref<1592xf32, #tpu.memory_space<vmem_shared>>) target_semaphore(%run_scoped3A_119 : memref<!tpu.dma_semaphore, #tpu.memory_space<semaphore_mem>>)
      %dma_wait3A_125 = arith.constant 0 : i32
      %dma_wait3A_126 = tpu.memref_slice %arg15[%dma_wait3A_125] : memref<2000xf32, #tpu.memory_space<vmem>> -> memref<1592xf32, #tpu.memory_space<vmem>>
      %dma_wait3A_127 = tpu.memref_slice %arg20[%add3A_68] : memref<101888xf32, #tpu.memory_space<vmem_shared>> -> memref<1592xf32, #tpu.memory_space<vmem_shared>>
      %dma_wait3A_128 = tpu.memref_slice %arg20[%add3A_68] : memref<101888xf32, #tpu.memory_space<vmem_shared>> -> memref<1592xf32, #tpu.memory_space<vmem_shared>>
      %dma_wait3A_129 = arith.constant 0 : i32
      %dma_wait3A_130 = tpu.memref_slice %arg15[%dma_wait3A_129] : memref<2000xf32, #tpu.memory_space<vmem>> -> memref<1592xf32, #tpu.memory_space<vmem>>
      tpu.wait_dma2 semaphore(%run_scoped3A_119 : memref<!tpu.dma_semaphore, #tpu.memory_space<semaphore_mem>>) src(%dma_wait3A_130 : memref<1592xf32, #tpu.memory_space<vmem>>) dst(%dma_wait3A_128 : memref<1592xf32, #tpu.memory_space<vmem_shared>>)
      tpu.yield
    }) : () -> ()
    "tpu.region"() ({
      %run_scoped3A_119 = tpu.sem_alloc : memref<!tpu.dma_semaphore, #tpu.memory_space<semaphore_mem>>
      %dma_start3A = arith.constant 0 : i32
      %dma_start3A_120 = tpu.memref_slice %arg15[%dma_start3A] : memref<2000xf32, #tpu.memory_space<vmem>> -> memref<1592xf32, #tpu.memory_space<vmem>>
      %dma_start3A_121 = tpu.memref_slice %arg21[%add3A_68] : memref<101888xf32, #tpu.memory_space<vmem_shared>> -> memref<1592xf32, #tpu.memory_space<vmem_shared>>
      %dma_start3A_122 = tpu.memref_slice %arg21[%add3A_68] : memref<101888xf32, #tpu.memory_space<vmem_shared>> -> memref<1592xf32, #tpu.memory_space<vmem_shared>>
      %dma_start3A_123 = arith.constant 0 : i32
      %dma_start3A_124 = tpu.memref_slice %arg15[%dma_start3A_123] : memref<2000xf32, #tpu.memory_space<vmem>> -> memref<1592xf32, #tpu.memory_space<vmem>>
      tpu.enqueue_dma source(%dma_start3A_124 : memref<1592xf32, #tpu.memory_space<vmem>>) target(%dma_start3A_122 : memref<1592xf32, #tpu.memory_space<vmem_shared>>) target_semaphore(%run_scoped3A_119 : memref<!tpu.dma_semaphore, #tpu.memory_space<semaphore_mem>>)
      %dma_wait3A_125 = arith.constant 0 : i32
      %dma_wait3A_126 = tpu.memref_slice %arg15[%dma_wait3A_125] : memref<2000xf32, #tpu.memory_space<vmem>> -> memref<1592xf32, #tpu.memory_space<vmem>>
      %dma_wait3A_127 = tpu.memref_slice %arg21[%add3A_68] : memref<101888xf32, #tpu.memory_space<vmem_shared>> -> memref<1592xf32, #tpu.memory_space<vmem_shared>>
      %dma_wait3A_128 = tpu.memref_slice %arg21[%add3A_68] : memref<101888xf32, #tpu.memory_space<vmem_shared>> -> memref<1592xf32, #tpu.memory_space<vmem_shared>>
      %dma_wait3A_129 = arith.constant 0 : i32
      %dma_wait3A_130 = tpu.memref_slice %arg15[%dma_wait3A_129] : memref<2000xf32, #tpu.memory_space<vmem>> -> memref<1592xf32, #tpu.memory_space<vmem>>
      tpu.wait_dma2 semaphore(%run_scoped3A_119 : memref<!tpu.dma_semaphore, #tpu.memory_space<semaphore_mem>>) src(%dma_wait3A_130 : memref<1592xf32, #tpu.memory_space<vmem>>) dst(%dma_wait3A_128 : memref<1592xf32, #tpu.memory_space<vmem_shared>>)
      tpu.yield
    }) : () -> ()
    %mul3A_69 = arith.constant 6368 : i32
    %mul3A_70 = arith.muli %arg1, %mul3A_69 : i32
    %add3A_71 = arith.constant 3184 : i32
    %add3A_72 = arith.addi %mul3A_70, %add3A_71 : i32
    "tpu.region"() ({
      %run_scoped3A_119 = tpu.sem_alloc : memref<!tpu.dma_semaphore, #tpu.memory_space<semaphore_mem>>
      %dma_start3A = arith.constant 0 : i32
      %dma_start3A_120 = tpu.memref_slice %arg15[%dma_start3A] : memref<2000xf32, #tpu.memory_space<vmem>> -> memref<1592xf32, #tpu.memory_space<vmem>>
      %dma_start3A_121 = arith.constant 3184 : i32
      %dma_start3A_122 = tpu.memref_slice %arg8[%dma_start3A_121] : memref<101888xf32, #tpu.memory_space<hbm>> -> memref<1592xf32, #tpu.memory_space<hbm>>
      %dma_start3A_123 = arith.constant 0 : i32
      %dma_start3A_124 = tpu.memref_slice %arg15[%dma_start3A_123] : memref<2000xf32, #tpu.memory_space<vmem>> -> memref<1592xf32, #tpu.memory_space<vmem>>
      %dma_start3A_125 = arith.constant 3184 : i32
      %dma_start3A_126 = tpu.memref_slice %arg8[%dma_start3A_125] : memref<101888xf32, #tpu.memory_space<hbm>> -> memref<1592xf32, #tpu.memory_space<hbm>>
      tpu.enqueue_dma source(%dma_start3A_126 : memref<1592xf32, #tpu.memory_space<hbm>>) target(%dma_start3A_124 : memref<1592xf32, #tpu.memory_space<vmem>>) target_semaphore(%run_scoped3A_119 : memref<!tpu.dma_semaphore, #tpu.memory_space<semaphore_mem>>)
      %dma_wait3A_127 = arith.constant 0 : i32
      %dma_wait3A_128 = tpu.memref_slice %arg15[%dma_wait3A_127] : memref<2000xf32, #tpu.memory_space<vmem>> -> memref<1592xf32, #tpu.memory_space<vmem>>
      %dma_wait3A_129 = arith.constant 3184 : i32
      %dma_wait3A_130 = tpu.memref_slice %arg8[%dma_wait3A_129] : memref<101888xf32, #tpu.memory_space<hbm>> -> memref<1592xf32, #tpu.memory_space<hbm>>
      %dma_wait3A_131 = arith.constant 0 : i32
      %dma_wait3A_132 = tpu.memref_slice %arg15[%dma_wait3A_131] : memref<2000xf32, #tpu.memory_space<vmem>> -> memref<1592xf32, #tpu.memory_space<vmem>>
      %dma_wait3A_133 = arith.constant 3184 : i32
      %dma_wait3A_134 = tpu.memref_slice %arg8[%dma_wait3A_133] : memref<101888xf32, #tpu.memory_space<hbm>> -> memref<1592xf32, #tpu.memory_space<hbm>>
      tpu.wait_dma2 semaphore(%run_scoped3A_119 : memref<!tpu.dma_semaphore, #tpu.memory_space<semaphore_mem>>) src(%dma_wait3A_134 : memref<1592xf32, #tpu.memory_space<hbm>>) dst(%dma_wait3A_132 : memref<1592xf32, #tpu.memory_space<vmem>>)
      tpu.yield
    }) : () -> ()
    "tpu.region"() ({
      %run_scoped3A_119 = tpu.sem_alloc : memref<!tpu.dma_semaphore, #tpu.memory_space<semaphore_mem>>
      %dma_start3A = arith.constant 0 : i32
      %dma_start3A_120 = tpu.memref_slice %arg15[%dma_start3A] : memref<2000xf32, #tpu.memory_space<vmem>> -> memref<1592xf32, #tpu.memory_space<vmem>>
      %dma_start3A_121 = tpu.memref_slice %arg20[%add3A_72] : memref<101888xf32, #tpu.memory_space<vmem_shared>> -> memref<1592xf32, #tpu.memory_space<vmem_shared>>
      %dma_start3A_122 = tpu.memref_slice %arg20[%add3A_72] : memref<101888xf32, #tpu.memory_space<vmem_shared>> -> memref<1592xf32, #tpu.memory_space<vmem_shared>>
      %dma_start3A_123 = arith.constant 0 : i32
      %dma_start3A_124 = tpu.memref_slice %arg15[%dma_start3A_123] : memref<2000xf32, #tpu.memory_space<vmem>> -> memref<1592xf32, #tpu.memory_space<vmem>>
      tpu.enqueue_dma source(%dma_start3A_124 : memref<1592xf32, #tpu.memory_space<vmem>>) target(%dma_start3A_122 : memref<1592xf32, #tpu.memory_space<vmem_shared>>) target_semaphore(%run_scoped3A_119 : memref<!tpu.dma_semaphore, #tpu.memory_space<semaphore_mem>>)
      %dma_wait3A_125 = arith.constant 0 : i32
      %dma_wait3A_126 = tpu.memref_slice %arg15[%dma_wait3A_125] : memref<2000xf32, #tpu.memory_space<vmem>> -> memref<1592xf32, #tpu.memory_space<vmem>>
      %dma_wait3A_127 = tpu.memref_slice %arg20[%add3A_72] : memref<101888xf32, #tpu.memory_space<vmem_shared>> -> memref<1592xf32, #tpu.memory_space<vmem_shared>>
      %dma_wait3A_128 = tpu.memref_slice %arg20[%add3A_72] : memref<101888xf32, #tpu.memory_space<vmem_shared>> -> memref<1592xf32, #tpu.memory_space<vmem_shared>>
      %dma_wait3A_129 = arith.constant 0 : i32
      %dma_wait3A_130 = tpu.memref_slice %arg15[%dma_wait3A_129] : memref<2000xf32, #tpu.memory_space<vmem>> -> memref<1592xf32, #tpu.memory_space<vmem>>
      tpu.wait_dma2 semaphore(%run_scoped3A_119 : memref<!tpu.dma_semaphore, #tpu.memory_space<semaphore_mem>>) src(%dma_wait3A_130 : memref<1592xf32, #tpu.memory_space<vmem>>) dst(%dma_wait3A_128 : memref<1592xf32, #tpu.memory_space<vmem_shared>>)
      tpu.yield
    }) : () -> ()
    "tpu.region"() ({
      %run_scoped3A_119 = tpu.sem_alloc : memref<!tpu.dma_semaphore, #tpu.memory_space<semaphore_mem>>
      %dma_start3A = arith.constant 0 : i32
      %dma_start3A_120 = tpu.memref_slice %arg15[%dma_start3A] : memref<2000xf32, #tpu.memory_space<vmem>> -> memref<1592xf32, #tpu.memory_space<vmem>>
      %dma_start3A_121 = tpu.memref_slice %arg21[%add3A_72] : memref<101888xf32, #tpu.memory_space<vmem_shared>> -> memref<1592xf32, #tpu.memory_space<vmem_shared>>
      %dma_start3A_122 = tpu.memref_slice %arg21[%add3A_72] : memref<101888xf32, #tpu.memory_space<vmem_shared>> -> memref<1592xf32, #tpu.memory_space<vmem_shared>>
      %dma_start3A_123 = arith.constant 0 : i32
      %dma_start3A_124 = tpu.memref_slice %arg15[%dma_start3A_123] : memref<2000xf32, #tpu.memory_space<vmem>> -> memref<1592xf32, #tpu.memory_space<vmem>>
      tpu.enqueue_dma source(%dma_start3A_124 : memref<1592xf32, #tpu.memory_space<vmem>>) target(%dma_start3A_122 : memref<1592xf32, #tpu.memory_space<vmem_shared>>) target_semaphore(%run_scoped3A_119 : memref<!tpu.dma_semaphore, #tpu.memory_space<semaphore_mem>>)
      %dma_wait3A_125 = arith.constant 0 : i32
      %dma_wait3A_126 = tpu.memref_slice %arg15[%dma_wait3A_125] : memref<2000xf32, #tpu.memory_space<vmem>> -> memref<1592xf32, #tpu.memory_space<vmem>>
      %dma_wait3A_127 = tpu.memref_slice %arg21[%add3A_72] : memref<101888xf32, #tpu.memory_space<vmem_shared>> -> memref<1592xf32, #tpu.memory_space<vmem_shared>>
      %dma_wait3A_128 = tpu.memref_slice %arg21[%add3A_72] : memref<101888xf32, #tpu.memory_space<vmem_shared>> -> memref<1592xf32, #tpu.memory_space<vmem_shared>>
      %dma_wait3A_129 = arith.constant 0 : i32
      %dma_wait3A_130 = tpu.memref_slice %arg15[%dma_wait3A_129] : memref<2000xf32, #tpu.memory_space<vmem>> -> memref<1592xf32, #tpu.memory_space<vmem>>
      tpu.wait_dma2 semaphore(%run_scoped3A_119 : memref<!tpu.dma_semaphore, #tpu.memory_space<semaphore_mem>>) src(%dma_wait3A_130 : memref<1592xf32, #tpu.memory_space<vmem>>) dst(%dma_wait3A_128 : memref<1592xf32, #tpu.memory_space<vmem_shared>>)
      tpu.yield
    }) : () -> ()
    %mul3A_73 = arith.constant 6368 : i32
    %mul3A_74 = arith.muli %arg1, %mul3A_73 : i32
    %add3A_75 = arith.constant 4776 : i32
    %add3A_76 = arith.addi %mul3A_74, %add3A_75 : i32
    "tpu.region"() ({
      %run_scoped3A_119 = tpu.sem_alloc : memref<!tpu.dma_semaphore, #tpu.memory_space<semaphore_mem>>
      %dma_start3A = arith.constant 0 : i32
      %dma_start3A_120 = tpu.memref_slice %arg15[%dma_start3A] : memref<2000xf32, #tpu.memory_space<vmem>> -> memref<1592xf32, #tpu.memory_space<vmem>>
      %dma_start3A_121 = arith.constant 4776 : i32
      %dma_start3A_122 = tpu.memref_slice %arg8[%dma_start3A_121] : memref<101888xf32, #tpu.memory_space<hbm>> -> memref<1592xf32, #tpu.memory_space<hbm>>
      %dma_start3A_123 = arith.constant 0 : i32
      %dma_start3A_124 = tpu.memref_slice %arg15[%dma_start3A_123] : memref<2000xf32, #tpu.memory_space<vmem>> -> memref<1592xf32, #tpu.memory_space<vmem>>
      %dma_start3A_125 = arith.constant 4776 : i32
      %dma_start3A_126 = tpu.memref_slice %arg8[%dma_start3A_125] : memref<101888xf32, #tpu.memory_space<hbm>> -> memref<1592xf32, #tpu.memory_space<hbm>>
      tpu.enqueue_dma source(%dma_start3A_126 : memref<1592xf32, #tpu.memory_space<hbm>>) target(%dma_start3A_124 : memref<1592xf32, #tpu.memory_space<vmem>>) target_semaphore(%run_scoped3A_119 : memref<!tpu.dma_semaphore, #tpu.memory_space<semaphore_mem>>)
      %dma_wait3A_127 = arith.constant 0 : i32
      %dma_wait3A_128 = tpu.memref_slice %arg15[%dma_wait3A_127] : memref<2000xf32, #tpu.memory_space<vmem>> -> memref<1592xf32, #tpu.memory_space<vmem>>
      %dma_wait3A_129 = arith.constant 4776 : i32
      %dma_wait3A_130 = tpu.memref_slice %arg8[%dma_wait3A_129] : memref<101888xf32, #tpu.memory_space<hbm>> -> memref<1592xf32, #tpu.memory_space<hbm>>
      %dma_wait3A_131 = arith.constant 0 : i32
      %dma_wait3A_132 = tpu.memref_slice %arg15[%dma_wait3A_131] : memref<2000xf32, #tpu.memory_space<vmem>> -> memref<1592xf32, #tpu.memory_space<vmem>>
      %dma_wait3A_133 = arith.constant 4776 : i32
      %dma_wait3A_134 = tpu.memref_slice %arg8[%dma_wait3A_133] : memref<101888xf32, #tpu.memory_space<hbm>> -> memref<1592xf32, #tpu.memory_space<hbm>>
      tpu.wait_dma2 semaphore(%run_scoped3A_119 : memref<!tpu.dma_semaphore, #tpu.memory_space<semaphore_mem>>) src(%dma_wait3A_134 : memref<1592xf32, #tpu.memory_space<hbm>>) dst(%dma_wait3A_132 : memref<1592xf32, #tpu.memory_space<vmem>>)
      tpu.yield
    }) : () -> ()
    "tpu.region"() ({
      %run_scoped3A_119 = tpu.sem_alloc : memref<!tpu.dma_semaphore, #tpu.memory_space<semaphore_mem>>
      %dma_start3A = arith.constant 0 : i32
      %dma_start3A_120 = tpu.memref_slice %arg15[%dma_start3A] : memref<2000xf32, #tpu.memory_space<vmem>> -> memref<1592xf32, #tpu.memory_space<vmem>>
      %dma_start3A_121 = tpu.memref_slice %arg20[%add3A_76] : memref<101888xf32, #tpu.memory_space<vmem_shared>> -> memref<1592xf32, #tpu.memory_space<vmem_shared>>
      %dma_start3A_122 = tpu.memref_slice %arg20[%add3A_76] : memref<101888xf32, #tpu.memory_space<vmem_shared>> -> memref<1592xf32, #tpu.memory_space<vmem_shared>>
      %dma_start3A_123 = arith.constant 0 : i32
      %dma_start3A_124 = tpu.memref_slice %arg15[%dma_start3A_123] : memref<2000xf32, #tpu.memory_space<vmem>> -> memref<1592xf32, #tpu.memory_space<vmem>>
      tpu.enqueue_dma source(%dma_start3A_124 : memref<1592xf32, #tpu.memory_space<vmem>>) target(%dma_start3A_122 : memref<1592xf32, #tpu.memory_space<vmem_shared>>) target_semaphore(%run_scoped3A_119 : memref<!tpu.dma_semaphore, #tpu.memory_space<semaphore_mem>>)
      %dma_wait3A_125 = arith.constant 0 : i32
      %dma_wait3A_126 = tpu.memref_slice %arg15[%dma_wait3A_125] : memref<2000xf32, #tpu.memory_space<vmem>> -> memref<1592xf32, #tpu.memory_space<vmem>>
      %dma_wait3A_127 = tpu.memref_slice %arg20[%add3A_76] : memref<101888xf32, #tpu.memory_space<vmem_shared>> -> memref<1592xf32, #tpu.memory_space<vmem_shared>>
      %dma_wait3A_128 = tpu.memref_slice %arg20[%add3A_76] : memref<101888xf32, #tpu.memory_space<vmem_shared>> -> memref<1592xf32, #tpu.memory_space<vmem_shared>>
      %dma_wait3A_129 = arith.constant 0 : i32
      %dma_wait3A_130 = tpu.memref_slice %arg15[%dma_wait3A_129] : memref<2000xf32, #tpu.memory_space<vmem>> -> memref<1592xf32, #tpu.memory_space<vmem>>
      tpu.wait_dma2 semaphore(%run_scoped3A_119 : memref<!tpu.dma_semaphore, #tpu.memory_space<semaphore_mem>>) src(%dma_wait3A_130 : memref<1592xf32, #tpu.memory_space<vmem>>) dst(%dma_wait3A_128 : memref<1592xf32, #tpu.memory_space<vmem_shared>>)
      tpu.yield
    }) : () -> ()
    "tpu.region"() ({
      %run_scoped3A_119 = tpu.sem_alloc : memref<!tpu.dma_semaphore, #tpu.memory_space<semaphore_mem>>
      %dma_start3A = arith.constant 0 : i32
      %dma_start3A_120 = tpu.memref_slice %arg15[%dma_start3A] : memref<2000xf32, #tpu.memory_space<vmem>> -> memref<1592xf32, #tpu.memory_space<vmem>>
      %dma_start3A_121 = tpu.memref_slice %arg21[%add3A_76] : memref<101888xf32, #tpu.memory_space<vmem_shared>> -> memref<1592xf32, #tpu.memory_space<vmem_shared>>
      %dma_start3A_122 = tpu.memref_slice %arg21[%add3A_76] : memref<101888xf32, #tpu.memory_space<vmem_shared>> -> memref<1592xf32, #tpu.memory_space<vmem_shared>>
      %dma_start3A_123 = arith.constant 0 : i32
      %dma_start3A_124 = tpu.memref_slice %arg15[%dma_start3A_123] : memref<2000xf32, #tpu.memory_space<vmem>> -> memref<1592xf32, #tpu.memory_space<vmem>>
      tpu.enqueue_dma source(%dma_start3A_124 : memref<1592xf32, #tpu.memory_space<vmem>>) target(%dma_start3A_122 : memref<1592xf32, #tpu.memory_space<vmem_shared>>) target_semaphore(%run_scoped3A_119 : memref<!tpu.dma_semaphore, #tpu.memory_space<semaphore_mem>>)
      %dma_wait3A_125 = arith.constant 0 : i32
      %dma_wait3A_126 = tpu.memref_slice %arg15[%dma_wait3A_125] : memref<2000xf32, #tpu.memory_space<vmem>> -> memref<1592xf32, #tpu.memory_space<vmem>>
      %dma_wait3A_127 = tpu.memref_slice %arg21[%add3A_76] : memref<101888xf32, #tpu.memory_space<vmem_shared>> -> memref<1592xf32, #tpu.memory_space<vmem_shared>>
      %dma_wait3A_128 = tpu.memref_slice %arg21[%add3A_76] : memref<101888xf32, #tpu.memory_space<vmem_shared>> -> memref<1592xf32, #tpu.memory_space<vmem_shared>>
      %dma_wait3A_129 = arith.constant 0 : i32
      %dma_wait3A_130 = tpu.memref_slice %arg15[%dma_wait3A_129] : memref<2000xf32, #tpu.memory_space<vmem>> -> memref<1592xf32, #tpu.memory_space<vmem>>
      tpu.wait_dma2 semaphore(%run_scoped3A_119 : memref<!tpu.dma_semaphore, #tpu.memory_space<semaphore_mem>>) src(%dma_wait3A_130 : memref<1592xf32, #tpu.memory_space<vmem>>) dst(%dma_wait3A_128 : memref<1592xf32, #tpu.memory_space<vmem_shared>>)
      tpu.yield
    }) : () -> ()
    %barrier3A_77 = arith.constant 0 : index
    tpu.barrier barrier_id(%barrier3A_77)
    %broadcast_in_dim3A = arith.constant -65536 : i32
    %broadcast_in_dim3A_78 = vector.broadcast %broadcast_in_dim3A : i32 to vector<16xi32>
    %scan3A_79 = arith.constant 0 : i32
    %scan3A_80 = arith.constant 0 : i32
    %scan3A_81 = arith.constant 50 : i32
    %scan3A_82 = arith.addi %scan3A_80, %scan3A_81 : i32
    %scan3A_83 = arith.constant 1 : i32
    %scan3A_84 = scf.for %scan3A_119 = %scan3A_80 to %scan3A_82 step %scan3A_83 iter_args(%scan3A_120 = %scan3A_79) -> (i32)  : i32 {
      %mul3A_121 = arith.constant 2 : i32
      %mul3A_122 = arith.muli %mul3A_121, %scan3A_119 : i32
      %mul3A_123 = arith.constant 200000 : i32
      %mul3A_124 = arith.muli %add3A, %mul3A_123 : i32
      %mul3A_125 = arith.constant 2000 : i32
      %mul3A_126 = arith.muli %mul3A_122, %mul3A_125 : i32
      %add3A_127 = arith.addi %mul3A_124, %mul3A_126 : i32
      %gt3A = arith.constant 0 : i32
      %gt3A_128 = arith.cmpi sgt, %scan3A_119, %gt3A : i32
      %convert_element_type3A_129 = arith.extui %gt3A_128 : i1 to i32
      %cond3A_130 = arith.constant 0 : i32
      %cond3A_131 = arith.cmpi ne, %convert_element_type3A_129, %cond3A_130 : i32
      scf.if %cond3A_131 {
        %dma_wait3A_184 = arith.constant 0 : i32
        %dma_wait3A_185 = tpu.memref_slice %arg20[%dma_wait3A_184] : memref<101888xf32, #tpu.memory_space<vmem_shared>> -> memref<101888xf32, #tpu.memory_space<vmem_shared>>
        tpu.wait_indirect_dma semaphore(%arg24 : memref<!tpu.dma_semaphore, #tpu.memory_space<semaphore_mem>>) src(%arg15 : memref<2000xf32, #tpu.memory_space<vmem>>) dst(%dma_wait3A_185 : memref<101888xf32, #tpu.memory_space<vmem_shared>>)
        %dma_wait3A_186 = arith.constant 0 : i32
        %dma_wait3A_187 = tpu.memref_slice %arg21[%dma_wait3A_186] : memref<101888xf32, #tpu.memory_space<vmem_shared>> -> memref<101888xf32, #tpu.memory_space<vmem_shared>>
        tpu.wait_indirect_dma semaphore(%arg24 : memref<!tpu.dma_semaphore, #tpu.memory_space<semaphore_mem>>) src(%arg17 : memref<2000xf32, #tpu.memory_space<vmem>>) dst(%dma_wait3A_187 : memref<101888xf32, #tpu.memory_space<vmem_shared>>)
      } else {
      }
      %dma_start3A = tpu.memref_slice %arg2[%add3A_127] : memref<6400000xi32, #tpu.memory_space<hbm>> -> memref<2000xi32, #tpu.memory_space<hbm>>
      %dma_start3A_132 = tpu.memref_slice %arg2[%add3A_127] : memref<6400000xi32, #tpu.memory_space<hbm>> -> memref<2000xi32, #tpu.memory_space<hbm>>
      tpu.enqueue_dma source(%dma_start3A_132 : memref<2000xi32, #tpu.memory_space<hbm>>) target(%arg11 : memref<2000xi32, #tpu.memory_space<vmem>>) target_semaphore(%arg22 : memref<!tpu.dma_semaphore, #tpu.memory_space<semaphore_mem>>)
      %dma_start3A_133 = tpu.memref_slice %arg3[%add3A_127] : memref<6400000xi32, #tpu.memory_space<hbm>> -> memref<2000xi32, #tpu.memory_space<hbm>>
      %dma_start3A_134 = tpu.memref_slice %arg3[%add3A_127] : memref<6400000xi32, #tpu.memory_space<hbm>> -> memref<2000xi32, #tpu.memory_space<hbm>>
      tpu.enqueue_dma source(%dma_start3A_134 : memref<2000xi32, #tpu.memory_space<hbm>>) target(%arg13 : memref<2000xi32, #tpu.memory_space<vmem>>) target_semaphore(%arg22 : memref<!tpu.dma_semaphore, #tpu.memory_space<semaphore_mem>>)
      %dma_wait3A_135 = tpu.memref_slice %arg2[%add3A_127] : memref<6400000xi32, #tpu.memory_space<hbm>> -> memref<2000xi32, #tpu.memory_space<hbm>>
      %dma_wait3A_136 = tpu.memref_slice %arg2[%add3A_127] : memref<6400000xi32, #tpu.memory_space<hbm>> -> memref<2000xi32, #tpu.memory_space<hbm>>
      tpu.wait_dma2 semaphore(%arg22 : memref<!tpu.dma_semaphore, #tpu.memory_space<semaphore_mem>>) src(%dma_wait3A_136 : memref<2000xi32, #tpu.memory_space<hbm>>) dst(%arg11 : memref<2000xi32, #tpu.memory_space<vmem>>)
      %dma_wait3A_137 = tpu.memref_slice %arg3[%add3A_127] : memref<6400000xi32, #tpu.memory_space<hbm>> -> memref<2000xi32, #tpu.memory_space<hbm>>
      %dma_wait3A_138 = tpu.memref_slice %arg3[%add3A_127] : memref<6400000xi32, #tpu.memory_space<hbm>> -> memref<2000xi32, #tpu.memory_space<hbm>>
      tpu.wait_dma2 semaphore(%arg22 : memref<!tpu.dma_semaphore, #tpu.memory_space<semaphore_mem>>) src(%dma_wait3A_138 : memref<2000xi32, #tpu.memory_space<hbm>>) dst(%arg13 : memref<2000xi32, #tpu.memory_space<vmem>>)
      %scan3A_139 = arith.constant 0 : i32
      %scan3A_140 = arith.constant 0 : i32
      %scan3A_141 = arith.constant 25 : i32
      %scan3A_142 = arith.addi %scan3A_140, %scan3A_141 : i32
      %scan3A_143 = arith.constant 1 : i32
      %scan3A_144 = scf.for %scan3A_184 = %scan3A_140 to %scan3A_142 step %scan3A_143 iter_args(%scan3A_185 = %scan3A_139) -> (i32)  : i32 {
        %mul3A_186 = arith.constant 80 : i32
        %mul3A_187 = arith.muli %scan3A_184, %mul3A_186 : i32
        %add3A_188 = arith.constant 0 : i32
        %add3A_189 = arith.addi %mul3A_187, %add3A_188 : i32
        %get3A_190 = arith.index_cast %add3A_189 : i32 to index
        %get3A_191 = tpu.vector_load %arg11[%get3A_190] {strides = array<i32>} : memref<2000xi32, #tpu.memory_space<vmem>>, vector<16xi32>,
        %gather3A = tpu.vector_load_idx %arg19[%get3A_191] : memref<101888xf32, #tpu.memory_space<vmem>>[vector<16xi32>], vector<16xf32>,
        %bitcast3A = vector.bitcast %gather3A : vector<16xf32> to vector<16xi32>
        %shift_left3A = arith.constant 16 : i32
        %shift_left3A_192 = vector.broadcast %shift_left3A : i32 to vector<16xi32>
        %shift_left3A_193 = arith.shli %bitcast3A, %shift_left3A_192 : vector<16xi32>
        %bitcast3A_194 = vector.bitcast %shift_left3A_193 : vector<16xi32> to vector<16xf32>
        %swap3A = arith.index_cast %add3A_189 : i32 to index
        %swap3A_195 = tpu.vector_load %arg15[%swap3A] {strides = array<i32>} : memref<2000xf32, #tpu.memory_space<vmem>>, vector<16xf32>,
        tpu.vector_store %arg15[%swap3A], %bitcast3A_194 {strides = array<i32>} : memref<2000xf32, #tpu.memory_space<vmem>>, vector<16xf32>,
        %and3A = arith.andi %bitcast3A, %broadcast_in_dim3A_78 : vector<16xi32>
        %bitcast3A_196 = vector.bitcast %and3A : vector<16xi32> to vector<16xf32>
        %swap3A_197 = arith.index_cast %add3A_189 : i32 to index
        %swap3A_198 = tpu.vector_load %arg17[%swap3A_197] {strides = array<i32>} : memref<2000xf32, #tpu.memory_space<vmem>>, vector<16xf32>,
        tpu.vector_store %arg17[%swap3A_197], %bitcast3A_196 {strides = array<i32>} : memref<2000xf32, #tpu.memory_space<vmem>>, vector<16xf32>,
        %mul3A_199 = arith.constant 80 : i32
        %mul3A_200 = arith.muli %scan3A_184, %mul3A_199 : i32
        %add3A_201 = arith.constant 16 : i32
        %add3A_202 = arith.addi %mul3A_200, %add3A_201 : i32
        %get3A_203 = arith.index_cast %add3A_202 : i32 to index
        %get3A_204 = tpu.vector_load %arg11[%get3A_203] {strides = array<i32>} : memref<2000xi32, #tpu.memory_space<vmem>>, vector<16xi32>,
        %gather3A_205 = tpu.vector_load_idx %arg19[%get3A_204] : memref<101888xf32, #tpu.memory_space<vmem>>[vector<16xi32>], vector<16xf32>,
        %bitcast3A_206 = vector.bitcast %gather3A_205 : vector<16xf32> to vector<16xi32>
        %shift_left3A_207 = arith.constant 16 : i32
        %shift_left3A_208 = vector.broadcast %shift_left3A_207 : i32 to vector<16xi32>
        %shift_left3A_209 = arith.shli %bitcast3A_206, %shift_left3A_208 : vector<16xi32>
        %bitcast3A_210 = vector.bitcast %shift_left3A_209 : vector<16xi32> to vector<16xf32>
        %swap3A_211 = arith.index_cast %add3A_202 : i32 to index
        %swap3A_212 = tpu.vector_load %arg15[%swap3A_211] {strides = array<i32>} : memref<2000xf32, #tpu.memory_space<vmem>>, vector<16xf32>,
        tpu.vector_store %arg15[%swap3A_211], %bitcast3A_210 {strides = array<i32>} : memref<2000xf32, #tpu.memory_space<vmem>>, vector<16xf32>,
        %and3A_213 = arith.andi %bitcast3A_206, %broadcast_in_dim3A_78 : vector<16xi32>
        %bitcast3A_214 = vector.bitcast %and3A_213 : vector<16xi32> to vector<16xf32>
        %swap3A_215 = arith.index_cast %add3A_202 : i32 to index
        %swap3A_216 = tpu.vector_load %arg17[%swap3A_215] {strides = array<i32>} : memref<2000xf32, #tpu.memory_space<vmem>>, vector<16xf32>,
        tpu.vector_store %arg17[%swap3A_215], %bitcast3A_214 {strides = array<i32>} : memref<2000xf32, #tpu.memory_space<vmem>>, vector<16xf32>,
        %mul3A_217 = arith.constant 80 : i32
        %mul3A_218 = arith.muli %scan3A_184, %mul3A_217 : i32
        %add3A_219 = arith.constant 32 : i32
        %add3A_220 = arith.addi %mul3A_218, %add3A_219 : i32
        %get3A_221 = arith.index_cast %add3A_220 : i32 to index
        %get3A_222 = tpu.vector_load %arg11[%get3A_221] {strides = array<i32>} : memref<2000xi32, #tpu.memory_space<vmem>>, vector<16xi32>,
        %gather3A_223 = tpu.vector_load_idx %arg19[%get3A_222] : memref<101888xf32, #tpu.memory_space<vmem>>[vector<16xi32>], vector<16xf32>,
        %bitcast3A_224 = vector.bitcast %gather3A_223 : vector<16xf32> to vector<16xi32>
        %shift_left3A_225 = arith.constant 16 : i32
        %shift_left3A_226 = vector.broadcast %shift_left3A_225 : i32 to vector<16xi32>
        %shift_left3A_227 = arith.shli %bitcast3A_224, %shift_left3A_226 : vector<16xi32>
        %bitcast3A_228 = vector.bitcast %shift_left3A_227 : vector<16xi32> to vector<16xf32>
        %swap3A_229 = arith.index_cast %add3A_220 : i32 to index
        %swap3A_230 = tpu.vector_load %arg15[%swap3A_229] {strides = array<i32>} : memref<2000xf32, #tpu.memory_space<vmem>>, vector<16xf32>,
        tpu.vector_store %arg15[%swap3A_229], %bitcast3A_228 {strides = array<i32>} : memref<2000xf32, #tpu.memory_space<vmem>>, vector<16xf32>,
        %and3A_231 = arith.andi %bitcast3A_224, %broadcast_in_dim3A_78 : vector<16xi32>
        %bitcast3A_232 = vector.bitcast %and3A_231 : vector<16xi32> to vector<16xf32>
        %swap3A_233 = arith.index_cast %add3A_220 : i32 to index
        %swap3A_234 = tpu.vector_load %arg17[%swap3A_233] {strides = array<i32>} : memref<2000xf32, #tpu.memory_space<vmem>>, vector<16xf32>,
        tpu.vector_store %arg17[%swap3A_233], %bitcast3A_232 {strides = array<i32>} : memref<2000xf32, #tpu.memory_space<vmem>>, vector<16xf32>,
        %mul3A_235 = arith.constant 80 : i32
        %mul3A_236 = arith.muli %scan3A_184, %mul3A_235 : i32
        %add3A_237 = arith.constant 48 : i32
        %add3A_238 = arith.addi %mul3A_236, %add3A_237 : i32
        %get3A_239 = arith.index_cast %add3A_238 : i32 to index
        %get3A_240 = tpu.vector_load %arg11[%get3A_239] {strides = array<i32>} : memref<2000xi32, #tpu.memory_space<vmem>>, vector<16xi32>,
        %gather3A_241 = tpu.vector_load_idx %arg19[%get3A_240] : memref<101888xf32, #tpu.memory_space<vmem>>[vector<16xi32>], vector<16xf32>,
        %bitcast3A_242 = vector.bitcast %gather3A_241 : vector<16xf32> to vector<16xi32>
        %shift_left3A_243 = arith.constant 16 : i32
        %shift_left3A_244 = vector.broadcast %shift_left3A_243 : i32 to vector<16xi32>
        %shift_left3A_245 = arith.shli %bitcast3A_242, %shift_left3A_244 : vector<16xi32>
        %bitcast3A_246 = vector.bitcast %shift_left3A_245 : vector<16xi32> to vector<16xf32>
        %swap3A_247 = arith.index_cast %add3A_238 : i32 to index
        %swap3A_248 = tpu.vector_load %arg15[%swap3A_247] {strides = array<i32>} : memref<2000xf32, #tpu.memory_space<vmem>>, vector<16xf32>,
        tpu.vector_store %arg15[%swap3A_247], %bitcast3A_246 {strides = array<i32>} : memref<2000xf32, #tpu.memory_space<vmem>>, vector<16xf32>,
        %and3A_249 = arith.andi %bitcast3A_242, %broadcast_in_dim3A_78 : vector<16xi32>
        %bitcast3A_250 = vector.bitcast %and3A_249 : vector<16xi32> to vector<16xf32>
        %swap3A_251 = arith.index_cast %add3A_238 : i32 to index
        %swap3A_252 = tpu.vector_load %arg17[%swap3A_251] {strides = array<i32>} : memref<2000xf32, #tpu.memory_space<vmem>>, vector<16xf32>,
        tpu.vector_store %arg17[%swap3A_251], %bitcast3A_250 {strides = array<i32>} : memref<2000xf32, #tpu.memory_space<vmem>>, vector<16xf32>,
        %mul3A_253 = arith.constant 80 : i32
        %mul3A_254 = arith.muli %scan3A_184, %mul3A_253 : i32
        %add3A_255 = arith.constant 64 : i32
        %add3A_256 = arith.addi %mul3A_254, %add3A_255 : i32
        %get3A_257 = arith.index_cast %add3A_256 : i32 to index
        %get3A_258 = tpu.vector_load %arg11[%get3A_257] {strides = array<i32>} : memref<2000xi32, #tpu.memory_space<vmem>>, vector<16xi32>,
        %gather3A_259 = tpu.vector_load_idx %arg19[%get3A_258] : memref<101888xf32, #tpu.memory_space<vmem>>[vector<16xi32>], vector<16xf32>,
        %bitcast3A_260 = vector.bitcast %gather3A_259 : vector<16xf32> to vector<16xi32>
        %shift_left3A_261 = arith.constant 16 : i32
        %shift_left3A_262 = vector.broadcast %shift_left3A_261 : i32 to vector<16xi32>
        %shift_left3A_263 = arith.shli %bitcast3A_260, %shift_left3A_262 : vector<16xi32>
        %bitcast3A_264 = vector.bitcast %shift_left3A_263 : vector<16xi32> to vector<16xf32>
        %swap3A_265 = arith.index_cast %add3A_256 : i32 to index
        %swap3A_266 = tpu.vector_load %arg15[%swap3A_265] {strides = array<i32>} : memref<2000xf32, #tpu.memory_space<vmem>>, vector<16xf32>,
        tpu.vector_store %arg15[%swap3A_265], %bitcast3A_264 {strides = array<i32>} : memref<2000xf32, #tpu.memory_space<vmem>>, vector<16xf32>,
        %and3A_267 = arith.andi %bitcast3A_260, %broadcast_in_dim3A_78 : vector<16xi32>
        %bitcast3A_268 = vector.bitcast %and3A_267 : vector<16xi32> to vector<16xf32>
        %swap3A_269 = arith.index_cast %add3A_256 : i32 to index
        %swap3A_270 = tpu.vector_load %arg17[%swap3A_269] {strides = array<i32>} : memref<2000xf32, #tpu.memory_space<vmem>>, vector<16xf32>,
        tpu.vector_store %arg17[%swap3A_269], %bitcast3A_268 {strides = array<i32>} : memref<2000xf32, #tpu.memory_space<vmem>>, vector<16xf32>,
        %scan3A_271 = arith.constant 0 : i32
        scf.yield %scan3A_271 : i32
      }
      %scan3A_145 = arith.constant 25 : i32
      %dma_start3A_146 = arith.constant 0 : i32
      %dma_start3A_147 = tpu.memref_slice %arg20[%dma_start3A_146] : memref<101888xf32, #tpu.memory_space<vmem_shared>> -> memref<101888xf32, #tpu.memory_space<vmem_shared>>
      tpu.enqueue_indirect_dma source(%arg15 : memref<2000xf32, #tpu.memory_space<vmem>>) target(%dma_start3A_147 : memref<101888xf32, #tpu.memory_space<vmem_shared>>) offsets(%arg13 : memref<2000xi32, #tpu.memory_space<vmem>>) semaphore(%arg24 : memref<!tpu.dma_semaphore, #tpu.memory_space<semaphore_mem>>) {add = true}
      %dma_start3A_148 = arith.constant 0 : i32
      %dma_start3A_149 = tpu.memref_slice %arg21[%dma_start3A_148] : memref<101888xf32, #tpu.memory_space<vmem_shared>> -> memref<101888xf32, #tpu.memory_space<vmem_shared>>
      tpu.enqueue_indirect_dma source(%arg17 : memref<2000xf32, #tpu.memory_space<vmem>>) target(%dma_start3A_149 : memref<101888xf32, #tpu.memory_space<vmem_shared>>) offsets(%arg13 : memref<2000xi32, #tpu.memory_space<vmem>>) semaphore(%arg24 : memref<!tpu.dma_semaphore, #tpu.memory_space<semaphore_mem>>) {add = true}
      %mul3A_150 = arith.constant 2 : i32
      %mul3A_151 = arith.muli %mul3A_150, %scan3A_119 : i32
      %add3A_152 = arith.constant 1 : i32
      %add3A_153 = arith.addi %mul3A_151, %add3A_152 : i32
      %mul3A_154 = arith.constant 200000 : i32
      %mul3A_155 = arith.muli %add3A, %mul3A_154 : i32
      %mul3A_156 = arith.constant 2000 : i32
      %mul3A_157 = arith.muli %add3A_153, %mul3A_156 : i32
      %add3A_158 = arith.addi %mul3A_155, %mul3A_157 : i32
      %gt3A_159 = arith.constant 0 : i32
      %gt3A_160 = arith.cmpi sgt, %scan3A_119, %gt3A_159 : i32
      %convert_element_type3A_161 = arith.extui %gt3A_160 : i1 to i32
      %cond3A_162 = arith.constant 0 : i32
      %cond3A_163 = arith.cmpi ne, %convert_element_type3A_161, %cond3A_162 : i32
      scf.if %cond3A_163 {
        %dma_wait3A_184 = arith.constant 0 : i32
        %dma_wait3A_185 = tpu.memref_slice %arg20[%dma_wait3A_184] : memref<101888xf32, #tpu.memory_space<vmem_shared>> -> memref<101888xf32, #tpu.memory_space<vmem_shared>>
        tpu.wait_indirect_dma semaphore(%arg25 : memref<!tpu.dma_semaphore, #tpu.memory_space<semaphore_mem>>) src(%arg16 : memref<2000xf32, #tpu.memory_space<vmem>>) dst(%dma_wait3A_185 : memref<101888xf32, #tpu.memory_space<vmem_shared>>)
        %dma_wait3A_186 = arith.constant 0 : i32
        %dma_wait3A_187 = tpu.memref_slice %arg21[%dma_wait3A_186] : memref<101888xf32, #tpu.memory_space<vmem_shared>> -> memref<101888xf32, #tpu.memory_space<vmem_shared>>
        tpu.wait_indirect_dma semaphore(%arg25 : memref<!tpu.dma_semaphore, #tpu.memory_space<semaphore_mem>>) src(%arg18 : memref<2000xf32, #tpu.memory_space<vmem>>) dst(%dma_wait3A_187 : memref<101888xf32, #tpu.memory_space<vmem_shared>>)
      } else {
      }
      %dma_start3A_164 = tpu.memref_slice %arg2[%add3A_158] : memref<6400000xi32, #tpu.memory_space<hbm>> -> memref<2000xi32, #tpu.memory_space<hbm>>
      %dma_start3A_165 = tpu.memref_slice %arg2[%add3A_158] : memref<6400000xi32, #tpu.memory_space<hbm>> -> memref<2000xi32, #tpu.memory_space<hbm>>
      tpu.enqueue_dma source(%dma_start3A_165 : memref<2000xi32, #tpu.memory_space<hbm>>) target(%arg12 : memref<2000xi32, #tpu.memory_space<vmem>>) target_semaphore(%arg23 : memref<!tpu.dma_semaphore, #tpu.memory_space<semaphore_mem>>)
      %dma_start3A_166 = tpu.memref_slice %arg3[%add3A_158] : memref<6400000xi32, #tpu.memory_space<hbm>> -> memref<2000xi32, #tpu.memory_space<hbm>>
      %dma_start3A_167 = tpu.memref_slice %arg3[%add3A_158] : memref<6400000xi32, #tpu.memory_space<hbm>> -> memref<2000xi32, #tpu.memory_space<hbm>>
      tpu.enqueue_dma source(%dma_start3A_167 : memref<2000xi32, #tpu.memory_space<hbm>>) target(%arg14 : memref<2000xi32, #tpu.memory_space<vmem>>) target_semaphore(%arg23 : memref<!tpu.dma_semaphore, #tpu.memory_space<semaphore_mem>>)
      %dma_wait3A_168 = tpu.memref_slice %arg2[%add3A_158] : memref<6400000xi32, #tpu.memory_space<hbm>> -> memref<2000xi32, #tpu.memory_space<hbm>>
      %dma_wait3A_169 = tpu.memref_slice %arg2[%add3A_158] : memref<6400000xi32, #tpu.memory_space<hbm>> -> memref<2000xi32, #tpu.memory_space<hbm>>
      tpu.wait_dma2 semaphore(%arg23 : memref<!tpu.dma_semaphore, #tpu.memory_space<semaphore_mem>>) src(%dma_wait3A_169 : memref<2000xi32, #tpu.memory_space<hbm>>) dst(%arg12 : memref<2000xi32, #tpu.memory_space<vmem>>)
      %dma_wait3A_170 = tpu.memref_slice %arg3[%add3A_158] : memref<6400000xi32, #tpu.memory_space<hbm>> -> memref<2000xi32, #tpu.memory_space<hbm>>
      %dma_wait3A_171 = tpu.memref_slice %arg3[%add3A_158] : memref<6400000xi32, #tpu.memory_space<hbm>> -> memref<2000xi32, #tpu.memory_space<hbm>>
      tpu.wait_dma2 semaphore(%arg23 : memref<!tpu.dma_semaphore, #tpu.memory_space<semaphore_mem>>) src(%dma_wait3A_171 : memref<2000xi32, #tpu.memory_space<hbm>>) dst(%arg14 : memref<2000xi32, #tpu.memory_space<vmem>>)
      %scan3A_172 = arith.constant 0 : i32
      %scan3A_173 = arith.constant 0 : i32
      %scan3A_174 = arith.constant 25 : i32
      %scan3A_175 = arith.addi %scan3A_173, %scan3A_174 : i32
      %scan3A_176 = arith.constant 1 : i32
      %scan3A_177 = scf.for %scan3A_184 = %scan3A_173 to %scan3A_175 step %scan3A_176 iter_args(%scan3A_185 = %scan3A_172) -> (i32)  : i32 {
        %mul3A_186 = arith.constant 80 : i32
        %mul3A_187 = arith.muli %scan3A_184, %mul3A_186 : i32
        %add3A_188 = arith.constant 0 : i32
        %add3A_189 = arith.addi %mul3A_187, %add3A_188 : i32
        %get3A_190 = arith.index_cast %add3A_189 : i32 to index
        %get3A_191 = tpu.vector_load %arg12[%get3A_190] {strides = array<i32>} : memref<2000xi32, #tpu.memory_space<vmem>>, vector<16xi32>,
        %gather3A = tpu.vector_load_idx %arg19[%get3A_191] : memref<101888xf32, #tpu.memory_space<vmem>>[vector<16xi32>], vector<16xf32>,
        %bitcast3A = vector.bitcast %gather3A : vector<16xf32> to vector<16xi32>
        %shift_left3A = arith.constant 16 : i32
        %shift_left3A_192 = vector.broadcast %shift_left3A : i32 to vector<16xi32>
        %shift_left3A_193 = arith.shli %bitcast3A, %shift_left3A_192 : vector<16xi32>
        %bitcast3A_194 = vector.bitcast %shift_left3A_193 : vector<16xi32> to vector<16xf32>
        %swap3A = arith.index_cast %add3A_189 : i32 to index
        %swap3A_195 = tpu.vector_load %arg16[%swap3A] {strides = array<i32>} : memref<2000xf32, #tpu.memory_space<vmem>>, vector<16xf32>,
        tpu.vector_store %arg16[%swap3A], %bitcast3A_194 {strides = array<i32>} : memref<2000xf32, #tpu.memory_space<vmem>>, vector<16xf32>,
        %and3A = arith.andi %bitcast3A, %broadcast_in_dim3A_78 : vector<16xi32>
        %bitcast3A_196 = vector.bitcast %and3A : vector<16xi32> to vector<16xf32>
        %swap3A_197 = arith.index_cast %add3A_189 : i32 to index
        %swap3A_198 = tpu.vector_load %arg18[%swap3A_197] {strides = array<i32>} : memref<2000xf32, #tpu.memory_space<vmem>>, vector<16xf32>,
        tpu.vector_store %arg18[%swap3A_197], %bitcast3A_196 {strides = array<i32>} : memref<2000xf32, #tpu.memory_space<vmem>>, vector<16xf32>,
        %mul3A_199 = arith.constant 80 : i32
        %mul3A_200 = arith.muli %scan3A_184, %mul3A_199 : i32
        %add3A_201 = arith.constant 16 : i32
        %add3A_202 = arith.addi %mul3A_200, %add3A_201 : i32
        %get3A_203 = arith.index_cast %add3A_202 : i32 to index
        %get3A_204 = tpu.vector_load %arg12[%get3A_203] {strides = array<i32>} : memref<2000xi32, #tpu.memory_space<vmem>>, vector<16xi32>,
        %gather3A_205 = tpu.vector_load_idx %arg19[%get3A_204] : memref<101888xf32, #tpu.memory_space<vmem>>[vector<16xi32>], vector<16xf32>,
        %bitcast3A_206 = vector.bitcast %gather3A_205 : vector<16xf32> to vector<16xi32>
        %shift_left3A_207 = arith.constant 16 : i32
        %shift_left3A_208 = vector.broadcast %shift_left3A_207 : i32 to vector<16xi32>
        %shift_left3A_209 = arith.shli %bitcast3A_206, %shift_left3A_208 : vector<16xi32>
        %bitcast3A_210 = vector.bitcast %shift_left3A_209 : vector<16xi32> to vector<16xf32>
        %swap3A_211 = arith.index_cast %add3A_202 : i32 to index
        %swap3A_212 = tpu.vector_load %arg16[%swap3A_211] {strides = array<i32>} : memref<2000xf32, #tpu.memory_space<vmem>>, vector<16xf32>,
        tpu.vector_store %arg16[%swap3A_211], %bitcast3A_210 {strides = array<i32>} : memref<2000xf32, #tpu.memory_space<vmem>>, vector<16xf32>,
        %and3A_213 = arith.andi %bitcast3A_206, %broadcast_in_dim3A_78 : vector<16xi32>
        %bitcast3A_214 = vector.bitcast %and3A_213 : vector<16xi32> to vector<16xf32>
        %swap3A_215 = arith.index_cast %add3A_202 : i32 to index
        %swap3A_216 = tpu.vector_load %arg18[%swap3A_215] {strides = array<i32>} : memref<2000xf32, #tpu.memory_space<vmem>>, vector<16xf32>,
        tpu.vector_store %arg18[%swap3A_215], %bitcast3A_214 {strides = array<i32>} : memref<2000xf32, #tpu.memory_space<vmem>>, vector<16xf32>,
        %mul3A_217 = arith.constant 80 : i32
        %mul3A_218 = arith.muli %scan3A_184, %mul3A_217 : i32
        %add3A_219 = arith.constant 32 : i32
        %add3A_220 = arith.addi %mul3A_218, %add3A_219 : i32
        %get3A_221 = arith.index_cast %add3A_220 : i32 to index
        %get3A_222 = tpu.vector_load %arg12[%get3A_221] {strides = array<i32>} : memref<2000xi32, #tpu.memory_space<vmem>>, vector<16xi32>,
        %gather3A_223 = tpu.vector_load_idx %arg19[%get3A_222] : memref<101888xf32, #tpu.memory_space<vmem>>[vector<16xi32>], vector<16xf32>,
        %bitcast3A_224 = vector.bitcast %gather3A_223 : vector<16xf32> to vector<16xi32>
        %shift_left3A_225 = arith.constant 16 : i32
        %shift_left3A_226 = vector.broadcast %shift_left3A_225 : i32 to vector<16xi32>
        %shift_left3A_227 = arith.shli %bitcast3A_224, %shift_left3A_226 : vector<16xi32>
        %bitcast3A_228 = vector.bitcast %shift_left3A_227 : vector<16xi32> to vector<16xf32>
        %swap3A_229 = arith.index_cast %add3A_220 : i32 to index
        %swap3A_230 = tpu.vector_load %arg16[%swap3A_229] {strides = array<i32>} : memref<2000xf32, #tpu.memory_space<vmem>>, vector<16xf32>,
        tpu.vector_store %arg16[%swap3A_229], %bitcast3A_228 {strides = array<i32>} : memref<2000xf32, #tpu.memory_space<vmem>>, vector<16xf32>,
        %and3A_231 = arith.andi %bitcast3A_224, %broadcast_in_dim3A_78 : vector<16xi32>
        %bitcast3A_232 = vector.bitcast %and3A_231 : vector<16xi32> to vector<16xf32>
        %swap3A_233 = arith.index_cast %add3A_220 : i32 to index
        %swap3A_234 = tpu.vector_load %arg18[%swap3A_233] {strides = array<i32>} : memref<2000xf32, #tpu.memory_space<vmem>>, vector<16xf32>,
        tpu.vector_store %arg18[%swap3A_233], %bitcast3A_232 {strides = array<i32>} : memref<2000xf32, #tpu.memory_space<vmem>>, vector<16xf32>,
        %mul3A_235 = arith.constant 80 : i32
        %mul3A_236 = arith.muli %scan3A_184, %mul3A_235 : i32
        %add3A_237 = arith.constant 48 : i32
        %add3A_238 = arith.addi %mul3A_236, %add3A_237 : i32
        %get3A_239 = arith.index_cast %add3A_238 : i32 to index
        %get3A_240 = tpu.vector_load %arg12[%get3A_239] {strides = array<i32>} : memref<2000xi32, #tpu.memory_space<vmem>>, vector<16xi32>,
        %gather3A_241 = tpu.vector_load_idx %arg19[%get3A_240] : memref<101888xf32, #tpu.memory_space<vmem>>[vector<16xi32>], vector<16xf32>,
        %bitcast3A_242 = vector.bitcast %gather3A_241 : vector<16xf32> to vector<16xi32>
        %shift_left3A_243 = arith.constant 16 : i32
        %shift_left3A_244 = vector.broadcast %shift_left3A_243 : i32 to vector<16xi32>
        %shift_left3A_245 = arith.shli %bitcast3A_242, %shift_left3A_244 : vector<16xi32>
        %bitcast3A_246 = vector.bitcast %shift_left3A_245 : vector<16xi32> to vector<16xf32>
        %swap3A_247 = arith.index_cast %add3A_238 : i32 to index
        %swap3A_248 = tpu.vector_load %arg16[%swap3A_247] {strides = array<i32>} : memref<2000xf32, #tpu.memory_space<vmem>>, vector<16xf32>,
        tpu.vector_store %arg16[%swap3A_247], %bitcast3A_246 {strides = array<i32>} : memref<2000xf32, #tpu.memory_space<vmem>>, vector<16xf32>,
        %and3A_249 = arith.andi %bitcast3A_242, %broadcast_in_dim3A_78 : vector<16xi32>
        %bitcast3A_250 = vector.bitcast %and3A_249 : vector<16xi32> to vector<16xf32>
        %swap3A_251 = arith.index_cast %add3A_238 : i32 to index
        %swap3A_252 = tpu.vector_load %arg18[%swap3A_251] {strides = array<i32>} : memref<2000xf32, #tpu.memory_space<vmem>>, vector<16xf32>,
        tpu.vector_store %arg18[%swap3A_251], %bitcast3A_250 {strides = array<i32>} : memref<2000xf32, #tpu.memory_space<vmem>>, vector<16xf32>,
        %mul3A_253 = arith.constant 80 : i32
        %mul3A_254 = arith.muli %scan3A_184, %mul3A_253 : i32
        %add3A_255 = arith.constant 64 : i32
        %add3A_256 = arith.addi %mul3A_254, %add3A_255 : i32
        %get3A_257 = arith.index_cast %add3A_256 : i32 to index
        %get3A_258 = tpu.vector_load %arg12[%get3A_257] {strides = array<i32>} : memref<2000xi32, #tpu.memory_space<vmem>>, vector<16xi32>,
        %gather3A_259 = tpu.vector_load_idx %arg19[%get3A_258] : memref<101888xf32, #tpu.memory_space<vmem>>[vector<16xi32>], vector<16xf32>,
        %bitcast3A_260 = vector.bitcast %gather3A_259 : vector<16xf32> to vector<16xi32>
        %shift_left3A_261 = arith.constant 16 : i32
        %shift_left3A_262 = vector.broadcast %shift_left3A_261 : i32 to vector<16xi32>
        %shift_left3A_263 = arith.shli %bitcast3A_260, %shift_left3A_262 : vector<16xi32>
        %bitcast3A_264 = vector.bitcast %shift_left3A_263 : vector<16xi32> to vector<16xf32>
        %swap3A_265 = arith.index_cast %add3A_256 : i32 to index
        %swap3A_266 = tpu.vector_load %arg16[%swap3A_265] {strides = array<i32>} : memref<2000xf32, #tpu.memory_space<vmem>>, vector<16xf32>,
        tpu.vector_store %arg16[%swap3A_265], %bitcast3A_264 {strides = array<i32>} : memref<2000xf32, #tpu.memory_space<vmem>>, vector<16xf32>,
        %and3A_267 = arith.andi %bitcast3A_260, %broadcast_in_dim3A_78 : vector<16xi32>
        %bitcast3A_268 = vector.bitcast %and3A_267 : vector<16xi32> to vector<16xf32>
        %swap3A_269 = arith.index_cast %add3A_256 : i32 to index
        %swap3A_270 = tpu.vector_load %arg18[%swap3A_269] {strides = array<i32>} : memref<2000xf32, #tpu.memory_space<vmem>>, vector<16xf32>,
        tpu.vector_store %arg18[%swap3A_269], %bitcast3A_268 {strides = array<i32>} : memref<2000xf32, #tpu.memory_space<vmem>>, vector<16xf32>,
        %scan3A_271 = arith.constant 0 : i32
        scf.yield %scan3A_271 : i32
      }
      %scan3A_178 = arith.constant 25 : i32
      %dma_start3A_179 = arith.constant 0 : i32
      %dma_start3A_180 = tpu.memref_slice %arg20[%dma_start3A_179] : memref<101888xf32, #tpu.memory_space<vmem_shared>> -> memref<101888xf32, #tpu.memory_space<vmem_shared>>
      tpu.enqueue_indirect_dma source(%arg16 : memref<2000xf32, #tpu.memory_space<vmem>>) target(%dma_start3A_180 : memref<101888xf32, #tpu.memory_space<vmem_shared>>) offsets(%arg14 : memref<2000xi32, #tpu.memory_space<vmem>>) semaphore(%arg25 : memref<!tpu.dma_semaphore, #tpu.memory_space<semaphore_mem>>) {add = true}
      %dma_start3A_181 = arith.constant 0 : i32
      %dma_start3A_182 = tpu.memref_slice %arg21[%dma_start3A_181] : memref<101888xf32, #tpu.memory_space<vmem_shared>> -> memref<101888xf32, #tpu.memory_space<vmem_shared>>
      tpu.enqueue_indirect_dma source(%arg18 : memref<2000xf32, #tpu.memory_space<vmem>>) target(%dma_start3A_182 : memref<101888xf32, #tpu.memory_space<vmem_shared>>) offsets(%arg14 : memref<2000xi32, #tpu.memory_space<vmem>>) semaphore(%arg25 : memref<!tpu.dma_semaphore, #tpu.memory_space<semaphore_mem>>) {add = true}
      %scan3A_183 = arith.constant 0 : i32
      scf.yield %scan3A_183 : i32
    }
    %scan3A_85 = arith.constant 50 : i32
    %dma_wait3A = arith.constant 0 : i32
    %dma_wait3A_86 = tpu.memref_slice %arg20[%dma_wait3A] : memref<101888xf32, #tpu.memory_space<vmem_shared>> -> memref<101888xf32, #tpu.memory_space<vmem_shared>>
    tpu.wait_indirect_dma semaphore(%arg24 : memref<!tpu.dma_semaphore, #tpu.memory_space<semaphore_mem>>) src(%arg15 : memref<2000xf32, #tpu.memory_space<vmem>>) dst(%dma_wait3A_86 : memref<101888xf32, #tpu.memory_space<vmem_shared>>)
    %dma_wait3A_87 = arith.constant 0 : i32
    %dma_wait3A_88 = tpu.memref_slice %arg21[%dma_wait3A_87] : memref<101888xf32, #tpu.memory_space<vmem_shared>> -> memref<101888xf32, #tpu.memory_space<vmem_shared>>
    tpu.wait_indirect_dma semaphore(%arg24 : memref<!tpu.dma_semaphore, #tpu.memory_space<semaphore_mem>>) src(%arg17 : memref<2000xf32, #tpu.memory_space<vmem>>) dst(%dma_wait3A_88 : memref<101888xf32, #tpu.memory_space<vmem_shared>>)
    %dma_wait3A_89 = arith.constant 0 : i32
    %dma_wait3A_90 = tpu.memref_slice %arg20[%dma_wait3A_89] : memref<101888xf32, #tpu.memory_space<vmem_shared>> -> memref<101888xf32, #tpu.memory_space<vmem_shared>>
    tpu.wait_indirect_dma semaphore(%arg25 : memref<!tpu.dma_semaphore, #tpu.memory_space<semaphore_mem>>) src(%arg16 : memref<2000xf32, #tpu.memory_space<vmem>>) dst(%dma_wait3A_90 : memref<101888xf32, #tpu.memory_space<vmem_shared>>)
    %dma_wait3A_91 = arith.constant 0 : i32
    %dma_wait3A_92 = tpu.memref_slice %arg21[%dma_wait3A_91] : memref<101888xf32, #tpu.memory_space<vmem_shared>> -> memref<101888xf32, #tpu.memory_space<vmem_shared>>
    tpu.wait_indirect_dma semaphore(%arg25 : memref<!tpu.dma_semaphore, #tpu.memory_space<semaphore_mem>>) src(%arg18 : memref<2000xf32, #tpu.memory_space<vmem>>) dst(%dma_wait3A_92 : memref<101888xf32, #tpu.memory_space<vmem_shared>>)
    %barrier3A_93 = arith.constant 0 : index
    tpu.barrier barrier_id(%barrier3A_93)
    %mul3A_94 = arith.constant 6368 : i32
    %mul3A_95 = arith.muli %arg1, %mul3A_94 : i32
    %add3A_96 = arith.constant 0 : i32
    %add3A_97 = arith.addi %mul3A_95, %add3A_96 : i32
    "tpu.region"() ({
      %run_scoped3A_119 = tpu.sem_alloc : memref<!tpu.dma_semaphore, #tpu.memory_space<semaphore_mem>>
      %dma_start3A = arith.constant 0 : i32
      %dma_start3A_120 = tpu.memref_slice %arg15[%dma_start3A] : memref<2000xf32, #tpu.memory_space<vmem>> -> memref<1592xf32, #tpu.memory_space<vmem>>
      %dma_start3A_121 = tpu.memref_slice %arg20[%add3A_97] : memref<101888xf32, #tpu.memory_space<vmem_shared>> -> memref<1592xf32, #tpu.memory_space<vmem_shared>>
      %dma_start3A_122 = arith.constant 0 : i32
      %dma_start3A_123 = tpu.memref_slice %arg15[%dma_start3A_122] : memref<2000xf32, #tpu.memory_space<vmem>> -> memref<1592xf32, #tpu.memory_space<vmem>>
      %dma_start3A_124 = tpu.memref_slice %arg20[%add3A_97] : memref<101888xf32, #tpu.memory_space<vmem_shared>> -> memref<1592xf32, #tpu.memory_space<vmem_shared>>
      tpu.enqueue_dma source(%dma_start3A_124 : memref<1592xf32, #tpu.memory_space<vmem_shared>>) target(%dma_start3A_123 : memref<1592xf32, #tpu.memory_space<vmem>>) target_semaphore(%run_scoped3A_119 : memref<!tpu.dma_semaphore, #tpu.memory_space<semaphore_mem>>)
      %dma_wait3A_125 = arith.constant 0 : i32
      %dma_wait3A_126 = tpu.memref_slice %arg15[%dma_wait3A_125] : memref<2000xf32, #tpu.memory_space<vmem>> -> memref<1592xf32, #tpu.memory_space<vmem>>
      %dma_wait3A_127 = tpu.memref_slice %arg20[%add3A_97] : memref<101888xf32, #tpu.memory_space<vmem_shared>> -> memref<1592xf32, #tpu.memory_space<vmem_shared>>
      %dma_wait3A_128 = arith.constant 0 : i32
      %dma_wait3A_129 = tpu.memref_slice %arg15[%dma_wait3A_128] : memref<2000xf32, #tpu.memory_space<vmem>> -> memref<1592xf32, #tpu.memory_space<vmem>>
      %dma_wait3A_130 = tpu.memref_slice %arg20[%add3A_97] : memref<101888xf32, #tpu.memory_space<vmem_shared>> -> memref<1592xf32, #tpu.memory_space<vmem_shared>>
      tpu.wait_dma2 semaphore(%run_scoped3A_119 : memref<!tpu.dma_semaphore, #tpu.memory_space<semaphore_mem>>) src(%dma_wait3A_130 : memref<1592xf32, #tpu.memory_space<vmem_shared>>) dst(%dma_wait3A_129 : memref<1592xf32, #tpu.memory_space<vmem>>)
      tpu.yield
    }) : () -> ()
    %run_scoped3A_98 = arith.constant 0 : i32
    "tpu.region"() ({
      %run_scoped3A_119 = tpu.sem_alloc : memref<!tpu.dma_semaphore, #tpu.memory_space<semaphore_mem>>
      %dma_start3A = arith.constant 0 : i32
      %dma_start3A_120 = tpu.memref_slice %arg15[%dma_start3A] : memref<2000xf32, #tpu.memory_space<vmem>> -> memref<1592xf32, #tpu.memory_space<vmem>>
      %dma_start3A_121 = tpu.memref_slice %arg9[%arg0, %run_scoped3A_98, %add3A_97] : memref<2x2x101888xf32, #tpu.memory_space<hbm>> -> memref<1x1x1592xf32, #tpu.memory_space<hbm>>
      %dma_start3A_122 = tpu.memref_squeeze %dma_start3A_121 : memref<1x1x1592xf32, #tpu.memory_space<hbm>> -> memref<1592xf32, #tpu.memory_space<hbm>>
      %dma_start3A_123 = tpu.memref_slice %arg9[%arg0, %run_scoped3A_98, %add3A_97] : memref<2x2x101888xf32, #tpu.memory_space<hbm>> -> memref<1x1x1592xf32, #tpu.memory_space<hbm>>
      %dma_start3A_124 = tpu.memref_squeeze %dma_start3A_123 : memref<1x1x1592xf32, #tpu.memory_space<hbm>> -> memref<1592xf32, #tpu.memory_space<hbm>>
      %dma_start3A_125 = arith.constant 0 : i32
      %dma_start3A_126 = tpu.memref_slice %arg15[%dma_start3A_125] : memref<2000xf32, #tpu.memory_space<vmem>> -> memref<1592xf32, #tpu.memory_space<vmem>>
      tpu.enqueue_dma source(%dma_start3A_126 : memref<1592xf32, #tpu.memory_space<vmem>>) target(%dma_start3A_124 : memref<1592xf32, #tpu.memory_space<hbm>>) target_semaphore(%run_scoped3A_119 : memref<!tpu.dma_semaphore, #tpu.memory_space<semaphore_mem>>)
      %dma_wait3A_127 = arith.constant 0 : i32
      %dma_wait3A_128 = tpu.memref_slice %arg15[%dma_wait3A_127] : memref<2000xf32, #tpu.memory_space<vmem>> -> memref<1592xf32, #tpu.memory_space<vmem>>
      %dma_wait3A_129 = tpu.memref_slice %arg9[%arg0, %run_scoped3A_98, %add3A_97] : memref<2x2x101888xf32, #tpu.memory_space<hbm>> -> memref<1x1x1592xf32, #tpu.memory_space<hbm>>
      %dma_wait3A_130 = tpu.memref_squeeze %dma_wait3A_129 : memref<1x1x1592xf32, #tpu.memory_space<hbm>> -> memref<1592xf32, #tpu.memory_space<hbm>>
      %dma_wait3A_131 = tpu.memref_slice %arg9[%arg0, %run_scoped3A_98, %add3A_97] : memref<2x2x101888xf32, #tpu.memory_space<hbm>> -> memref<1x1x1592xf32, #tpu.memory_space<hbm>>
      %dma_wait3A_132 = tpu.memref_squeeze %dma_wait3A_131 : memref<1x1x1592xf32, #tpu.memory_space<hbm>> -> memref<1592xf32, #tpu.memory_space<hbm>>
      %dma_wait3A_133 = arith.constant 0 : i32
      %dma_wait3A_134 = tpu.memref_slice %arg15[%dma_wait3A_133] : memref<2000xf32, #tpu.memory_space<vmem>> -> memref<1592xf32, #tpu.memory_space<vmem>>
      tpu.wait_dma2 semaphore(%run_scoped3A_119 : memref<!tpu.dma_semaphore, #tpu.memory_space<semaphore_mem>>) src(%dma_wait3A_134 : memref<1592xf32, #tpu.memory_space<vmem>>) dst(%dma_wait3A_132 : memref<1592xf32, #tpu.memory_space<hbm>>)
      tpu.yield
    }) : () -> ()
    "tpu.region"() ({
      %run_scoped3A_119 = tpu.sem_alloc : memref<!tpu.dma_semaphore, #tpu.memory_space<semaphore_mem>>
      %dma_start3A = arith.constant 0 : i32
      %dma_start3A_120 = tpu.memref_slice %arg17[%dma_start3A] : memref<2000xf32, #tpu.memory_space<vmem>> -> memref<1592xf32, #tpu.memory_space<vmem>>
      %dma_start3A_121 = tpu.memref_slice %arg21[%add3A_97] : memref<101888xf32, #tpu.memory_space<vmem_shared>> -> memref<1592xf32, #tpu.memory_space<vmem_shared>>
      %dma_start3A_122 = arith.constant 0 : i32
      %dma_start3A_123 = tpu.memref_slice %arg17[%dma_start3A_122] : memref<2000xf32, #tpu.memory_space<vmem>> -> memref<1592xf32, #tpu.memory_space<vmem>>
      %dma_start3A_124 = tpu.memref_slice %arg21[%add3A_97] : memref<101888xf32, #tpu.memory_space<vmem_shared>> -> memref<1592xf32, #tpu.memory_space<vmem_shared>>
      tpu.enqueue_dma source(%dma_start3A_124 : memref<1592xf32, #tpu.memory_space<vmem_shared>>) target(%dma_start3A_123 : memref<1592xf32, #tpu.memory_space<vmem>>) target_semaphore(%run_scoped3A_119 : memref<!tpu.dma_semaphore, #tpu.memory_space<semaphore_mem>>)
      %dma_wait3A_125 = arith.constant 0 : i32
      %dma_wait3A_126 = tpu.memref_slice %arg17[%dma_wait3A_125] : memref<2000xf32, #tpu.memory_space<vmem>> -> memref<1592xf32, #tpu.memory_space<vmem>>
      %dma_wait3A_127 = tpu.memref_slice %arg21[%add3A_97] : memref<101888xf32, #tpu.memory_space<vmem_shared>> -> memref<1592xf32, #tpu.memory_space<vmem_shared>>
      %dma_wait3A_128 = arith.constant 0 : i32
      %dma_wait3A_129 = tpu.memref_slice %arg17[%dma_wait3A_128] : memref<2000xf32, #tpu.memory_space<vmem>> -> memref<1592xf32, #tpu.memory_space<vmem>>
      %dma_wait3A_130 = tpu.memref_slice %arg21[%add3A_97] : memref<101888xf32, #tpu.memory_space<vmem_shared>> -> memref<1592xf32, #tpu.memory_space<vmem_shared>>
      tpu.wait_dma2 semaphore(%run_scoped3A_119 : memref<!tpu.dma_semaphore, #tpu.memory_space<semaphore_mem>>) src(%dma_wait3A_130 : memref<1592xf32, #tpu.memory_space<vmem_shared>>) dst(%dma_wait3A_129 : memref<1592xf32, #tpu.memory_space<vmem>>)
      tpu.yield
    }) : () -> ()
    %run_scoped3A_99 = arith.constant 1 : i32
    "tpu.region"() ({
      %run_scoped3A_119 = tpu.sem_alloc : memref<!tpu.dma_semaphore, #tpu.memory_space<semaphore_mem>>
      %dma_start3A = arith.constant 0 : i32
      %dma_start3A_120 = tpu.memref_slice %arg17[%dma_start3A] : memref<2000xf32, #tpu.memory_space<vmem>> -> memref<1592xf32, #tpu.memory_space<vmem>>
      %dma_start3A_121 = tpu.memref_slice %arg9[%arg0, %run_scoped3A_99, %add3A_97] : memref<2x2x101888xf32, #tpu.memory_space<hbm>> -> memref<1x1x1592xf32, #tpu.memory_space<hbm>>
      %dma_start3A_122 = tpu.memref_squeeze %dma_start3A_121 : memref<1x1x1592xf32, #tpu.memory_space<hbm>> -> memref<1592xf32, #tpu.memory_space<hbm>>
      %dma_start3A_123 = tpu.memref_slice %arg9[%arg0, %run_scoped3A_99, %add3A_97] : memref<2x2x101888xf32, #tpu.memory_space<hbm>> -> memref<1x1x1592xf32, #tpu.memory_space<hbm>>
      %dma_start3A_124 = tpu.memref_squeeze %dma_start3A_123 : memref<1x1x1592xf32, #tpu.memory_space<hbm>> -> memref<1592xf32, #tpu.memory_space<hbm>>
      %dma_start3A_125 = arith.constant 0 : i32
      %dma_start3A_126 = tpu.memref_slice %arg17[%dma_start3A_125] : memref<2000xf32, #tpu.memory_space<vmem>> -> memref<1592xf32, #tpu.memory_space<vmem>>
      tpu.enqueue_dma source(%dma_start3A_126 : memref<1592xf32, #tpu.memory_space<vmem>>) target(%dma_start3A_124 : memref<1592xf32, #tpu.memory_space<hbm>>) target_semaphore(%run_scoped3A_119 : memref<!tpu.dma_semaphore, #tpu.memory_space<semaphore_mem>>)
      %dma_wait3A_127 = arith.constant 0 : i32
      %dma_wait3A_128 = tpu.memref_slice %arg17[%dma_wait3A_127] : memref<2000xf32, #tpu.memory_space<vmem>> -> memref<1592xf32, #tpu.memory_space<vmem>>
      %dma_wait3A_129 = tpu.memref_slice %arg9[%arg0, %run_scoped3A_99, %add3A_97] : memref<2x2x101888xf32, #tpu.memory_space<hbm>> -> memref<1x1x1592xf32, #tpu.memory_space<hbm>>
      %dma_wait3A_130 = tpu.memref_squeeze %dma_wait3A_129 : memref<1x1x1592xf32, #tpu.memory_space<hbm>> -> memref<1592xf32, #tpu.memory_space<hbm>>
      %dma_wait3A_131 = tpu.memref_slice %arg9[%arg0, %run_scoped3A_99, %add3A_97] : memref<2x2x101888xf32, #tpu.memory_space<hbm>> -> memref<1x1x1592xf32, #tpu.memory_space<hbm>>
      %dma_wait3A_132 = tpu.memref_squeeze %dma_wait3A_131 : memref<1x1x1592xf32, #tpu.memory_space<hbm>> -> memref<1592xf32, #tpu.memory_space<hbm>>
      %dma_wait3A_133 = arith.constant 0 : i32
      %dma_wait3A_134 = tpu.memref_slice %arg17[%dma_wait3A_133] : memref<2000xf32, #tpu.memory_space<vmem>> -> memref<1592xf32, #tpu.memory_space<vmem>>
      tpu.wait_dma2 semaphore(%run_scoped3A_119 : memref<!tpu.dma_semaphore, #tpu.memory_space<semaphore_mem>>) src(%dma_wait3A_134 : memref<1592xf32, #tpu.memory_space<vmem>>) dst(%dma_wait3A_132 : memref<1592xf32, #tpu.memory_space<hbm>>)
      tpu.yield
    }) : () -> ()
    %mul3A_100 = arith.constant 6368 : i32
    %mul3A_101 = arith.muli %arg1, %mul3A_100 : i32
    %add3A_102 = arith.constant 1592 : i32
    %add3A_103 = arith.addi %mul3A_101, %add3A_102 : i32
    "tpu.region"() ({
      %run_scoped3A_119 = tpu.sem_alloc : memref<!tpu.dma_semaphore, #tpu.memory_space<semaphore_mem>>
      %dma_start3A = arith.constant 0 : i32
      %dma_start3A_120 = tpu.memref_slice %arg15[%dma_start3A] : memref<2000xf32, #tpu.memory_space<vmem>> -> memref<1592xf32, #tpu.memory_space<vmem>>
      %dma_start3A_121 = tpu.memref_slice %arg20[%add3A_103] : memref<101888xf32, #tpu.memory_space<vmem_shared>> -> memref<1592xf32, #tpu.memory_space<vmem_shared>>
      %dma_start3A_122 = arith.constant 0 : i32
      %dma_start3A_123 = tpu.memref_slice %arg15[%dma_start3A_122] : memref<2000xf32, #tpu.memory_space<vmem>> -> memref<1592xf32, #tpu.memory_space<vmem>>
      %dma_start3A_124 = tpu.memref_slice %arg20[%add3A_103] : memref<101888xf32, #tpu.memory_space<vmem_shared>> -> memref<1592xf32, #tpu.memory_space<vmem_shared>>
      tpu.enqueue_dma source(%dma_start3A_124 : memref<1592xf32, #tpu.memory_space<vmem_shared>>) target(%dma_start3A_123 : memref<1592xf32, #tpu.memory_space<vmem>>) target_semaphore(%run_scoped3A_119 : memref<!tpu.dma_semaphore, #tpu.memory_space<semaphore_mem>>)
      %dma_wait3A_125 = arith.constant 0 : i32
      %dma_wait3A_126 = tpu.memref_slice %arg15[%dma_wait3A_125] : memref<2000xf32, #tpu.memory_space<vmem>> -> memref<1592xf32, #tpu.memory_space<vmem>>
      %dma_wait3A_127 = tpu.memref_slice %arg20[%add3A_103] : memref<101888xf32, #tpu.memory_space<vmem_shared>> -> memref<1592xf32, #tpu.memory_space<vmem_shared>>
      %dma_wait3A_128 = arith.constant 0 : i32
      %dma_wait3A_129 = tpu.memref_slice %arg15[%dma_wait3A_128] : memref<2000xf32, #tpu.memory_space<vmem>> -> memref<1592xf32, #tpu.memory_space<vmem>>
      %dma_wait3A_130 = tpu.memref_slice %arg20[%add3A_103] : memref<101888xf32, #tpu.memory_space<vmem_shared>> -> memref<1592xf32, #tpu.memory_space<vmem_shared>>
      tpu.wait_dma2 semaphore(%run_scoped3A_119 : memref<!tpu.dma_semaphore, #tpu.memory_space<semaphore_mem>>) src(%dma_wait3A_130 : memref<1592xf32, #tpu.memory_space<vmem_shared>>) dst(%dma_wait3A_129 : memref<1592xf32, #tpu.memory_space<vmem>>)
      tpu.yield
    }) : () -> ()
    %run_scoped3A_104 = arith.constant 0 : i32
    "tpu.region"() ({
      %run_scoped3A_119 = tpu.sem_alloc : memref<!tpu.dma_semaphore, #tpu.memory_space<semaphore_mem>>
      %dma_start3A = arith.constant 0 : i32
      %dma_start3A_120 = tpu.memref_slice %arg15[%dma_start3A] : memref<2000xf32, #tpu.memory_space<vmem>> -> memref<1592xf32, #tpu.memory_space<vmem>>
      %dma_start3A_121 = tpu.memref_slice %arg9[%arg0, %run_scoped3A_104, %add3A_103] : memref<2x2x101888xf32, #tpu.memory_space<hbm>> -> memref<1x1x1592xf32, #tpu.memory_space<hbm>>
      %dma_start3A_122 = tpu.memref_squeeze %dma_start3A_121 : memref<1x1x1592xf32, #tpu.memory_space<hbm>> -> memref<1592xf32, #tpu.memory_space<hbm>>
      %dma_start3A_123 = tpu.memref_slice %arg9[%arg0, %run_scoped3A_104, %add3A_103] : memref<2x2x101888xf32, #tpu.memory_space<hbm>> -> memref<1x1x1592xf32, #tpu.memory_space<hbm>>
      %dma_start3A_124 = tpu.memref_squeeze %dma_start3A_123 : memref<1x1x1592xf32, #tpu.memory_space<hbm>> -> memref<1592xf32, #tpu.memory_space<hbm>>
      %dma_start3A_125 = arith.constant 0 : i32
      %dma_start3A_126 = tpu.memref_slice %arg15[%dma_start3A_125] : memref<2000xf32, #tpu.memory_space<vmem>> -> memref<1592xf32, #tpu.memory_space<vmem>>
      tpu.enqueue_dma source(%dma_start3A_126 : memref<1592xf32, #tpu.memory_space<vmem>>) target(%dma_start3A_124 : memref<1592xf32, #tpu.memory_space<hbm>>) target_semaphore(%run_scoped3A_119 : memref<!tpu.dma_semaphore, #tpu.memory_space<semaphore_mem>>)
      %dma_wait3A_127 = arith.constant 0 : i32
      %dma_wait3A_128 = tpu.memref_slice %arg15[%dma_wait3A_127] : memref<2000xf32, #tpu.memory_space<vmem>> -> memref<1592xf32, #tpu.memory_space<vmem>>
      %dma_wait3A_129 = tpu.memref_slice %arg9[%arg0, %run_scoped3A_104, %add3A_103] : memref<2x2x101888xf32, #tpu.memory_space<hbm>> -> memref<1x1x1592xf32, #tpu.memory_space<hbm>>
      %dma_wait3A_130 = tpu.memref_squeeze %dma_wait3A_129 : memref<1x1x1592xf32, #tpu.memory_space<hbm>> -> memref<1592xf32, #tpu.memory_space<hbm>>
      %dma_wait3A_131 = tpu.memref_slice %arg9[%arg0, %run_scoped3A_104, %add3A_103] : memref<2x2x101888xf32, #tpu.memory_space<hbm>> -> memref<1x1x1592xf32, #tpu.memory_space<hbm>>
      %dma_wait3A_132 = tpu.memref_squeeze %dma_wait3A_131 : memref<1x1x1592xf32, #tpu.memory_space<hbm>> -> memref<1592xf32, #tpu.memory_space<hbm>>
      %dma_wait3A_133 = arith.constant 0 : i32
      %dma_wait3A_134 = tpu.memref_slice %arg15[%dma_wait3A_133] : memref<2000xf32, #tpu.memory_space<vmem>> -> memref<1592xf32, #tpu.memory_space<vmem>>
      tpu.wait_dma2 semaphore(%run_scoped3A_119 : memref<!tpu.dma_semaphore, #tpu.memory_space<semaphore_mem>>) src(%dma_wait3A_134 : memref<1592xf32, #tpu.memory_space<vmem>>) dst(%dma_wait3A_132 : memref<1592xf32, #tpu.memory_space<hbm>>)
      tpu.yield
    }) : () -> ()
    "tpu.region"() ({
      %run_scoped3A_119 = tpu.sem_alloc : memref<!tpu.dma_semaphore, #tpu.memory_space<semaphore_mem>>
      %dma_start3A = arith.constant 0 : i32
      %dma_start3A_120 = tpu.memref_slice %arg17[%dma_start3A] : memref<2000xf32, #tpu.memory_space<vmem>> -> memref<1592xf32, #tpu.memory_space<vmem>>
      %dma_start3A_121 = tpu.memref_slice %arg21[%add3A_103] : memref<101888xf32, #tpu.memory_space<vmem_shared>> -> memref<1592xf32, #tpu.memory_space<vmem_shared>>
      %dma_start3A_122 = arith.constant 0 : i32
      %dma_start3A_123 = tpu.memref_slice %arg17[%dma_start3A_122] : memref<2000xf32, #tpu.memory_space<vmem>> -> memref<1592xf32, #tpu.memory_space<vmem>>
      %dma_start3A_124 = tpu.memref_slice %arg21[%add3A_103] : memref<101888xf32, #tpu.memory_space<vmem_shared>> -> memref<1592xf32, #tpu.memory_space<vmem_shared>>
      tpu.enqueue_dma source(%dma_start3A_124 : memref<1592xf32, #tpu.memory_space<vmem_shared>>) target(%dma_start3A_123 : memref<1592xf32, #tpu.memory_space<vmem>>) target_semaphore(%run_scoped3A_119 : memref<!tpu.dma_semaphore, #tpu.memory_space<semaphore_mem>>)
      %dma_wait3A_125 = arith.constant 0 : i32
      %dma_wait3A_126 = tpu.memref_slice %arg17[%dma_wait3A_125] : memref<2000xf32, #tpu.memory_space<vmem>> -> memref<1592xf32, #tpu.memory_space<vmem>>
      %dma_wait3A_127 = tpu.memref_slice %arg21[%add3A_103] : memref<101888xf32, #tpu.memory_space<vmem_shared>> -> memref<1592xf32, #tpu.memory_space<vmem_shared>>
      %dma_wait3A_128 = arith.constant 0 : i32
      %dma_wait3A_129 = tpu.memref_slice %arg17[%dma_wait3A_128] : memref<2000xf32, #tpu.memory_space<vmem>> -> memref<1592xf32, #tpu.memory_space<vmem>>
      %dma_wait3A_130 = tpu.memref_slice %arg21[%add3A_103] : memref<101888xf32, #tpu.memory_space<vmem_shared>> -> memref<1592xf32, #tpu.memory_space<vmem_shared>>
      tpu.wait_dma2 semaphore(%run_scoped3A_119 : memref<!tpu.dma_semaphore, #tpu.memory_space<semaphore_mem>>) src(%dma_wait3A_130 : memref<1592xf32, #tpu.memory_space<vmem_shared>>) dst(%dma_wait3A_129 : memref<1592xf32, #tpu.memory_space<vmem>>)
      tpu.yield
    }) : () -> ()
    %run_scoped3A_105 = arith.constant 1 : i32
    "tpu.region"() ({
      %run_scoped3A_119 = tpu.sem_alloc : memref<!tpu.dma_semaphore, #tpu.memory_space<semaphore_mem>>
      %dma_start3A = arith.constant 0 : i32
      %dma_start3A_120 = tpu.memref_slice %arg17[%dma_start3A] : memref<2000xf32, #tpu.memory_space<vmem>> -> memref<1592xf32, #tpu.memory_space<vmem>>
      %dma_start3A_121 = tpu.memref_slice %arg9[%arg0, %run_scoped3A_105, %add3A_103] : memref<2x2x101888xf32, #tpu.memory_space<hbm>> -> memref<1x1x1592xf32, #tpu.memory_space<hbm>>
      %dma_start3A_122 = tpu.memref_squeeze %dma_start3A_121 : memref<1x1x1592xf32, #tpu.memory_space<hbm>> -> memref<1592xf32, #tpu.memory_space<hbm>>
      %dma_start3A_123 = tpu.memref_slice %arg9[%arg0, %run_scoped3A_105, %add3A_103] : memref<2x2x101888xf32, #tpu.memory_space<hbm>> -> memref<1x1x1592xf32, #tpu.memory_space<hbm>>
      %dma_start3A_124 = tpu.memref_squeeze %dma_start3A_123 : memref<1x1x1592xf32, #tpu.memory_space<hbm>> -> memref<1592xf32, #tpu.memory_space<hbm>>
      %dma_start3A_125 = arith.constant 0 : i32
      %dma_start3A_126 = tpu.memref_slice %arg17[%dma_start3A_125] : memref<2000xf32, #tpu.memory_space<vmem>> -> memref<1592xf32, #tpu.memory_space<vmem>>
      tpu.enqueue_dma source(%dma_start3A_126 : memref<1592xf32, #tpu.memory_space<vmem>>) target(%dma_start3A_124 : memref<1592xf32, #tpu.memory_space<hbm>>) target_semaphore(%run_scoped3A_119 : memref<!tpu.dma_semaphore, #tpu.memory_space<semaphore_mem>>)
      %dma_wait3A_127 = arith.constant 0 : i32
      %dma_wait3A_128 = tpu.memref_slice %arg17[%dma_wait3A_127] : memref<2000xf32, #tpu.memory_space<vmem>> -> memref<1592xf32, #tpu.memory_space<vmem>>
      %dma_wait3A_129 = tpu.memref_slice %arg9[%arg0, %run_scoped3A_105, %add3A_103] : memref<2x2x101888xf32, #tpu.memory_space<hbm>> -> memref<1x1x1592xf32, #tpu.memory_space<hbm>>
      %dma_wait3A_130 = tpu.memref_squeeze %dma_wait3A_129 : memref<1x1x1592xf32, #tpu.memory_space<hbm>> -> memref<1592xf32, #tpu.memory_space<hbm>>
      %dma_wait3A_131 = tpu.memref_slice %arg9[%arg0, %run_scoped3A_105, %add3A_103] : memref<2x2x101888xf32, #tpu.memory_space<hbm>> -> memref<1x1x1592xf32, #tpu.memory_space<hbm>>
      %dma_wait3A_132 = tpu.memref_squeeze %dma_wait3A_131 : memref<1x1x1592xf32, #tpu.memory_space<hbm>> -> memref<1592xf32, #tpu.memory_space<hbm>>
      %dma_wait3A_133 = arith.constant 0 : i32
      %dma_wait3A_134 = tpu.memref_slice %arg17[%dma_wait3A_133] : memref<2000xf32, #tpu.memory_space<vmem>> -> memref<1592xf32, #tpu.memory_space<vmem>>
      tpu.wait_dma2 semaphore(%run_scoped3A_119 : memref<!tpu.dma_semaphore, #tpu.memory_space<semaphore_mem>>) src(%dma_wait3A_134 : memref<1592xf32, #tpu.memory_space<vmem>>) dst(%dma_wait3A_132 : memref<1592xf32, #tpu.memory_space<hbm>>)
      tpu.yield
    }) : () -> ()
    %mul3A_106 = arith.constant 6368 : i32
    %mul3A_107 = arith.muli %arg1, %mul3A_106 : i32
    %add3A_108 = arith.constant 3184 : i32
    %add3A_109 = arith.addi %mul3A_107, %add3A_108 : i32
    "tpu.region"() ({
      %run_scoped3A_119 = tpu.sem_alloc : memref<!tpu.dma_semaphore, #tpu.memory_space<semaphore_mem>>
      %dma_start3A = arith.constant 0 : i32
      %dma_start3A_120 = tpu.memref_slice %arg15[%dma_start3A] : memref<2000xf32, #tpu.memory_space<vmem>> -> memref<1592xf32, #tpu.memory_space<vmem>>
      %dma_start3A_121 = tpu.memref_slice %arg20[%add3A_109] : memref<101888xf32, #tpu.memory_space<vmem_shared>> -> memref<1592xf32, #tpu.memory_space<vmem_shared>>
      %dma_start3A_122 = arith.constant 0 : i32
      %dma_start3A_123 = tpu.memref_slice %arg15[%dma_start3A_122] : memref<2000xf32, #tpu.memory_space<vmem>> -> memref<1592xf32, #tpu.memory_space<vmem>>
      %dma_start3A_124 = tpu.memref_slice %arg20[%add3A_109] : memref<101888xf32, #tpu.memory_space<vmem_shared>> -> memref<1592xf32, #tpu.memory_space<vmem_shared>>
      tpu.enqueue_dma source(%dma_start3A_124 : memref<1592xf32, #tpu.memory_space<vmem_shared>>) target(%dma_start3A_123 : memref<1592xf32, #tpu.memory_space<vmem>>) target_semaphore(%run_scoped3A_119 : memref<!tpu.dma_semaphore, #tpu.memory_space<semaphore_mem>>)
      %dma_wait3A_125 = arith.constant 0 : i32
      %dma_wait3A_126 = tpu.memref_slice %arg15[%dma_wait3A_125] : memref<2000xf32, #tpu.memory_space<vmem>> -> memref<1592xf32, #tpu.memory_space<vmem>>
      %dma_wait3A_127 = tpu.memref_slice %arg20[%add3A_109] : memref<101888xf32, #tpu.memory_space<vmem_shared>> -> memref<1592xf32, #tpu.memory_space<vmem_shared>>
      %dma_wait3A_128 = arith.constant 0 : i32
      %dma_wait3A_129 = tpu.memref_slice %arg15[%dma_wait3A_128] : memref<2000xf32, #tpu.memory_space<vmem>> -> memref<1592xf32, #tpu.memory_space<vmem>>
      %dma_wait3A_130 = tpu.memref_slice %arg20[%add3A_109] : memref<101888xf32, #tpu.memory_space<vmem_shared>> -> memref<1592xf32, #tpu.memory_space<vmem_shared>>
      tpu.wait_dma2 semaphore(%run_scoped3A_119 : memref<!tpu.dma_semaphore, #tpu.memory_space<semaphore_mem>>) src(%dma_wait3A_130 : memref<1592xf32, #tpu.memory_space<vmem_shared>>) dst(%dma_wait3A_129 : memref<1592xf32, #tpu.memory_space<vmem>>)
      tpu.yield
    }) : () -> ()
    %run_scoped3A_110 = arith.constant 0 : i32
    "tpu.region"() ({
      %run_scoped3A_119 = tpu.sem_alloc : memref<!tpu.dma_semaphore, #tpu.memory_space<semaphore_mem>>
      %dma_start3A = arith.constant 0 : i32
      %dma_start3A_120 = tpu.memref_slice %arg15[%dma_start3A] : memref<2000xf32, #tpu.memory_space<vmem>> -> memref<1592xf32, #tpu.memory_space<vmem>>
      %dma_start3A_121 = tpu.memref_slice %arg9[%arg0, %run_scoped3A_110, %add3A_109] : memref<2x2x101888xf32, #tpu.memory_space<hbm>> -> memref<1x1x1592xf32, #tpu.memory_space<hbm>>
      %dma_start3A_122 = tpu.memref_squeeze %dma_start3A_121 : memref<1x1x1592xf32, #tpu.memory_space<hbm>> -> memref<1592xf32, #tpu.memory_space<hbm>>
      %dma_start3A_123 = tpu.memref_slice %arg9[%arg0, %run_scoped3A_110, %add3A_109] : memref<2x2x101888xf32, #tpu.memory_space<hbm>> -> memref<1x1x1592xf32, #tpu.memory_space<hbm>>
      %dma_start3A_124 = tpu.memref_squeeze %dma_start3A_123 : memref<1x1x1592xf32, #tpu.memory_space<hbm>> -> memref<1592xf32, #tpu.memory_space<hbm>>
      %dma_start3A_125 = arith.constant 0 : i32
      %dma_start3A_126 = tpu.memref_slice %arg15[%dma_start3A_125] : memref<2000xf32, #tpu.memory_space<vmem>> -> memref<1592xf32, #tpu.memory_space<vmem>>
      tpu.enqueue_dma source(%dma_start3A_126 : memref<1592xf32, #tpu.memory_space<vmem>>) target(%dma_start3A_124 : memref<1592xf32, #tpu.memory_space<hbm>>) target_semaphore(%run_scoped3A_119 : memref<!tpu.dma_semaphore, #tpu.memory_space<semaphore_mem>>)
      %dma_wait3A_127 = arith.constant 0 : i32
      %dma_wait3A_128 = tpu.memref_slice %arg15[%dma_wait3A_127] : memref<2000xf32, #tpu.memory_space<vmem>> -> memref<1592xf32, #tpu.memory_space<vmem>>
      %dma_wait3A_129 = tpu.memref_slice %arg9[%arg0, %run_scoped3A_110, %add3A_109] : memref<2x2x101888xf32, #tpu.memory_space<hbm>> -> memref<1x1x1592xf32, #tpu.memory_space<hbm>>
      %dma_wait3A_130 = tpu.memref_squeeze %dma_wait3A_129 : memref<1x1x1592xf32, #tpu.memory_space<hbm>> -> memref<1592xf32, #tpu.memory_space<hbm>>
      %dma_wait3A_131 = tpu.memref_slice %arg9[%arg0, %run_scoped3A_110, %add3A_109] : memref<2x2x101888xf32, #tpu.memory_space<hbm>> -> memref<1x1x1592xf32, #tpu.memory_space<hbm>>
      %dma_wait3A_132 = tpu.memref_squeeze %dma_wait3A_131 : memref<1x1x1592xf32, #tpu.memory_space<hbm>> -> memref<1592xf32, #tpu.memory_space<hbm>>
      %dma_wait3A_133 = arith.constant 0 : i32
      %dma_wait3A_134 = tpu.memref_slice %arg15[%dma_wait3A_133] : memref<2000xf32, #tpu.memory_space<vmem>> -> memref<1592xf32, #tpu.memory_space<vmem>>
      tpu.wait_dma2 semaphore(%run_scoped3A_119 : memref<!tpu.dma_semaphore, #tpu.memory_space<semaphore_mem>>) src(%dma_wait3A_134 : memref<1592xf32, #tpu.memory_space<vmem>>) dst(%dma_wait3A_132 : memref<1592xf32, #tpu.memory_space<hbm>>)
      tpu.yield
    }) : () -> ()
    "tpu.region"() ({
      %run_scoped3A_119 = tpu.sem_alloc : memref<!tpu.dma_semaphore, #tpu.memory_space<semaphore_mem>>
      %dma_start3A = arith.constant 0 : i32
      %dma_start3A_120 = tpu.memref_slice %arg17[%dma_start3A] : memref<2000xf32, #tpu.memory_space<vmem>> -> memref<1592xf32, #tpu.memory_space<vmem>>
      %dma_start3A_121 = tpu.memref_slice %arg21[%add3A_109] : memref<101888xf32, #tpu.memory_space<vmem_shared>> -> memref<1592xf32, #tpu.memory_space<vmem_shared>>
      %dma_start3A_122 = arith.constant 0 : i32
      %dma_start3A_123 = tpu.memref_slice %arg17[%dma_start3A_122] : memref<2000xf32, #tpu.memory_space<vmem>> -> memref<1592xf32, #tpu.memory_space<vmem>>
      %dma_start3A_124 = tpu.memref_slice %arg21[%add3A_109] : memref<101888xf32, #tpu.memory_space<vmem_shared>> -> memref<1592xf32, #tpu.memory_space<vmem_shared>>
      tpu.enqueue_dma source(%dma_start3A_124 : memref<1592xf32, #tpu.memory_space<vmem_shared>>) target(%dma_start3A_123 : memref<1592xf32, #tpu.memory_space<vmem>>) target_semaphore(%run_scoped3A_119 : memref<!tpu.dma_semaphore, #tpu.memory_space<semaphore_mem>>)
      %dma_wait3A_125 = arith.constant 0 : i32
      %dma_wait3A_126 = tpu.memref_slice %arg17[%dma_wait3A_125] : memref<2000xf32, #tpu.memory_space<vmem>> -> memref<1592xf32, #tpu.memory_space<vmem>>
      %dma_wait3A_127 = tpu.memref_slice %arg21[%add3A_109] : memref<101888xf32, #tpu.memory_space<vmem_shared>> -> memref<1592xf32, #tpu.memory_space<vmem_shared>>
      %dma_wait3A_128 = arith.constant 0 : i32
      %dma_wait3A_129 = tpu.memref_slice %arg17[%dma_wait3A_128] : memref<2000xf32, #tpu.memory_space<vmem>> -> memref<1592xf32, #tpu.memory_space<vmem>>
      %dma_wait3A_130 = tpu.memref_slice %arg21[%add3A_109] : memref<101888xf32, #tpu.memory_space<vmem_shared>> -> memref<1592xf32, #tpu.memory_space<vmem_shared>>
      tpu.wait_dma2 semaphore(%run_scoped3A_119 : memref<!tpu.dma_semaphore, #tpu.memory_space<semaphore_mem>>) src(%dma_wait3A_130 : memref<1592xf32, #tpu.memory_space<vmem_shared>>) dst(%dma_wait3A_129 : memref<1592xf32, #tpu.memory_space<vmem>>)
      tpu.yield
    }) : () -> ()
    %run_scoped3A_111 = arith.constant 1 : i32
    "tpu.region"() ({
      %run_scoped3A_119 = tpu.sem_alloc : memref<!tpu.dma_semaphore, #tpu.memory_space<semaphore_mem>>
      %dma_start3A = arith.constant 0 : i32
      %dma_start3A_120 = tpu.memref_slice %arg17[%dma_start3A] : memref<2000xf32, #tpu.memory_space<vmem>> -> memref<1592xf32, #tpu.memory_space<vmem>>
      %dma_start3A_121 = tpu.memref_slice %arg9[%arg0, %run_scoped3A_111, %add3A_109] : memref<2x2x101888xf32, #tpu.memory_space<hbm>> -> memref<1x1x1592xf32, #tpu.memory_space<hbm>>
      %dma_start3A_122 = tpu.memref_squeeze %dma_start3A_121 : memref<1x1x1592xf32, #tpu.memory_space<hbm>> -> memref<1592xf32, #tpu.memory_space<hbm>>
      %dma_start3A_123 = tpu.memref_slice %arg9[%arg0, %run_scoped3A_111, %add3A_109] : memref<2x2x101888xf32, #tpu.memory_space<hbm>> -> memref<1x1x1592xf32, #tpu.memory_space<hbm>>
      %dma_start3A_124 = tpu.memref_squeeze %dma_start3A_123 : memref<1x1x1592xf32, #tpu.memory_space<hbm>> -> memref<1592xf32, #tpu.memory_space<hbm>>
      %dma_start3A_125 = arith.constant 0 : i32
      %dma_start3A_126 = tpu.memref_slice %arg17[%dma_start3A_125] : memref<2000xf32, #tpu.memory_space<vmem>> -> memref<1592xf32, #tpu.memory_space<vmem>>
      tpu.enqueue_dma source(%dma_start3A_126 : memref<1592xf32, #tpu.memory_space<vmem>>) target(%dma_start3A_124 : memref<1592xf32, #tpu.memory_space<hbm>>) target_semaphore(%run_scoped3A_119 : memref<!tpu.dma_semaphore, #tpu.memory_space<semaphore_mem>>)
      %dma_wait3A_127 = arith.constant 0 : i32
      %dma_wait3A_128 = tpu.memref_slice %arg17[%dma_wait3A_127] : memref<2000xf32, #tpu.memory_space<vmem>> -> memref<1592xf32, #tpu.memory_space<vmem>>
      %dma_wait3A_129 = tpu.memref_slice %arg9[%arg0, %run_scoped3A_111, %add3A_109] : memref<2x2x101888xf32, #tpu.memory_space<hbm>> -> memref<1x1x1592xf32, #tpu.memory_space<hbm>>
      %dma_wait3A_130 = tpu.memref_squeeze %dma_wait3A_129 : memref<1x1x1592xf32, #tpu.memory_space<hbm>> -> memref<1592xf32, #tpu.memory_space<hbm>>
      %dma_wait3A_131 = tpu.memref_slice %arg9[%arg0, %run_scoped3A_111, %add3A_109] : memref<2x2x101888xf32, #tpu.memory_space<hbm>> -> memref<1x1x1592xf32, #tpu.memory_space<hbm>>
      %dma_wait3A_132 = tpu.memref_squeeze %dma_wait3A_131 : memref<1x1x1592xf32, #tpu.memory_space<hbm>> -> memref<1592xf32, #tpu.memory_space<hbm>>
      %dma_wait3A_133 = arith.constant 0 : i32
      %dma_wait3A_134 = tpu.memref_slice %arg17[%dma_wait3A_133] : memref<2000xf32, #tpu.memory_space<vmem>> -> memref<1592xf32, #tpu.memory_space<vmem>>
      tpu.wait_dma2 semaphore(%run_scoped3A_119 : memref<!tpu.dma_semaphore, #tpu.memory_space<semaphore_mem>>) src(%dma_wait3A_134 : memref<1592xf32, #tpu.memory_space<vmem>>) dst(%dma_wait3A_132 : memref<1592xf32, #tpu.memory_space<hbm>>)
      tpu.yield
    }) : () -> ()
    %mul3A_112 = arith.constant 6368 : i32
    %mul3A_113 = arith.muli %arg1, %mul3A_112 : i32
    %add3A_114 = arith.constant 4776 : i32
    %add3A_115 = arith.addi %mul3A_113, %add3A_114 : i32
    "tpu.region"() ({
      %run_scoped3A_119 = tpu.sem_alloc : memref<!tpu.dma_semaphore, #tpu.memory_space<semaphore_mem>>
      %dma_start3A = arith.constant 0 : i32
      %dma_start3A_120 = tpu.memref_slice %arg15[%dma_start3A] : memref<2000xf32, #tpu.memory_space<vmem>> -> memref<1592xf32, #tpu.memory_space<vmem>>
      %dma_start3A_121 = tpu.memref_slice %arg20[%add3A_115] : memref<101888xf32, #tpu.memory_space<vmem_shared>> -> memref<1592xf32, #tpu.memory_space<vmem_shared>>
      %dma_start3A_122 = arith.constant 0 : i32
      %dma_start3A_123 = tpu.memref_slice %arg15[%dma_start3A_122] : memref<2000xf32, #tpu.memory_space<vmem>> -> memref<1592xf32, #tpu.memory_space<vmem>>
      %dma_start3A_124 = tpu.memref_slice %arg20[%add3A_115] : memref<101888xf32, #tpu.memory_space<vmem_shared>> -> memref<1592xf32, #tpu.memory_space<vmem_shared>>
      tpu.enqueue_dma source(%dma_start3A_124 : memref<1592xf32, #tpu.memory_space<vmem_shared>>) target(%dma_start3A_123 : memref<1592xf32, #tpu.memory_space<vmem>>) target_semaphore(%run_scoped3A_119 : memref<!tpu.dma_semaphore, #tpu.memory_space<semaphore_mem>>)
      %dma_wait3A_125 = arith.constant 0 : i32
      %dma_wait3A_126 = tpu.memref_slice %arg15[%dma_wait3A_125] : memref<2000xf32, #tpu.memory_space<vmem>> -> memref<1592xf32, #tpu.memory_space<vmem>>
      %dma_wait3A_127 = tpu.memref_slice %arg20[%add3A_115] : memref<101888xf32, #tpu.memory_space<vmem_shared>> -> memref<1592xf32, #tpu.memory_space<vmem_shared>>
      %dma_wait3A_128 = arith.constant 0 : i32
      %dma_wait3A_129 = tpu.memref_slice %arg15[%dma_wait3A_128] : memref<2000xf32, #tpu.memory_space<vmem>> -> memref<1592xf32, #tpu.memory_space<vmem>>
      %dma_wait3A_130 = tpu.memref_slice %arg20[%add3A_115] : memref<101888xf32, #tpu.memory_space<vmem_shared>> -> memref<1592xf32, #tpu.memory_space<vmem_shared>>
      tpu.wait_dma2 semaphore(%run_scoped3A_119 : memref<!tpu.dma_semaphore, #tpu.memory_space<semaphore_mem>>) src(%dma_wait3A_130 : memref<1592xf32, #tpu.memory_space<vmem_shared>>) dst(%dma_wait3A_129 : memref<1592xf32, #tpu.memory_space<vmem>>)
      tpu.yield
    }) : () -> ()
    %run_scoped3A_116 = arith.constant 0 : i32
    "tpu.region"() ({
      %run_scoped3A_119 = tpu.sem_alloc : memref<!tpu.dma_semaphore, #tpu.memory_space<semaphore_mem>>
      %dma_start3A = arith.constant 0 : i32
      %dma_start3A_120 = tpu.memref_slice %arg15[%dma_start3A] : memref<2000xf32, #tpu.memory_space<vmem>> -> memref<1592xf32, #tpu.memory_space<vmem>>
      %dma_start3A_121 = tpu.memref_slice %arg9[%arg0, %run_scoped3A_116, %add3A_115] : memref<2x2x101888xf32, #tpu.memory_space<hbm>> -> memref<1x1x1592xf32, #tpu.memory_space<hbm>>
      %dma_start3A_122 = tpu.memref_squeeze %dma_start3A_121 : memref<1x1x1592xf32, #tpu.memory_space<hbm>> -> memref<1592xf32, #tpu.memory_space<hbm>>
      %dma_start3A_123 = tpu.memref_slice %arg9[%arg0, %run_scoped3A_116, %add3A_115] : memref<2x2x101888xf32, #tpu.memory_space<hbm>> -> memref<1x1x1592xf32, #tpu.memory_space<hbm>>
      %dma_start3A_124 = tpu.memref_squeeze %dma_start3A_123 : memref<1x1x1592xf32, #tpu.memory_space<hbm>> -> memref<1592xf32, #tpu.memory_space<hbm>>
      %dma_start3A_125 = arith.constant 0 : i32
      %dma_start3A_126 = tpu.memref_slice %arg15[%dma_start3A_125] : memref<2000xf32, #tpu.memory_space<vmem>> -> memref<1592xf32, #tpu.memory_space<vmem>>
      tpu.enqueue_dma source(%dma_start3A_126 : memref<1592xf32, #tpu.memory_space<vmem>>) target(%dma_start3A_124 : memref<1592xf32, #tpu.memory_space<hbm>>) target_semaphore(%run_scoped3A_119 : memref<!tpu.dma_semaphore, #tpu.memory_space<semaphore_mem>>)
      %dma_wait3A_127 = arith.constant 0 : i32
      %dma_wait3A_128 = tpu.memref_slice %arg15[%dma_wait3A_127] : memref<2000xf32, #tpu.memory_space<vmem>> -> memref<1592xf32, #tpu.memory_space<vmem>>
      %dma_wait3A_129 = tpu.memref_slice %arg9[%arg0, %run_scoped3A_116, %add3A_115] : memref<2x2x101888xf32, #tpu.memory_space<hbm>> -> memref<1x1x1592xf32, #tpu.memory_space<hbm>>
      %dma_wait3A_130 = tpu.memref_squeeze %dma_wait3A_129 : memref<1x1x1592xf32, #tpu.memory_space<hbm>> -> memref<1592xf32, #tpu.memory_space<hbm>>
      %dma_wait3A_131 = tpu.memref_slice %arg9[%arg0, %run_scoped3A_116, %add3A_115] : memref<2x2x101888xf32, #tpu.memory_space<hbm>> -> memref<1x1x1592xf32, #tpu.memory_space<hbm>>
      %dma_wait3A_132 = tpu.memref_squeeze %dma_wait3A_131 : memref<1x1x1592xf32, #tpu.memory_space<hbm>> -> memref<1592xf32, #tpu.memory_space<hbm>>
      %dma_wait3A_133 = arith.constant 0 : i32
      %dma_wait3A_134 = tpu.memref_slice %arg15[%dma_wait3A_133] : memref<2000xf32, #tpu.memory_space<vmem>> -> memref<1592xf32, #tpu.memory_space<vmem>>
      tpu.wait_dma2 semaphore(%run_scoped3A_119 : memref<!tpu.dma_semaphore, #tpu.memory_space<semaphore_mem>>) src(%dma_wait3A_134 : memref<1592xf32, #tpu.memory_space<vmem>>) dst(%dma_wait3A_132 : memref<1592xf32, #tpu.memory_space<hbm>>)
      tpu.yield
    }) : () -> ()
    "tpu.region"() ({
      %run_scoped3A_119 = tpu.sem_alloc : memref<!tpu.dma_semaphore, #tpu.memory_space<semaphore_mem>>
      %dma_start3A = arith.constant 0 : i32
      %dma_start3A_120 = tpu.memref_slice %arg17[%dma_start3A] : memref<2000xf32, #tpu.memory_space<vmem>> -> memref<1592xf32, #tpu.memory_space<vmem>>
      %dma_start3A_121 = tpu.memref_slice %arg21[%add3A_115] : memref<101888xf32, #tpu.memory_space<vmem_shared>> -> memref<1592xf32, #tpu.memory_space<vmem_shared>>
      %dma_start3A_122 = arith.constant 0 : i32
      %dma_start3A_123 = tpu.memref_slice %arg17[%dma_start3A_122] : memref<2000xf32, #tpu.memory_space<vmem>> -> memref<1592xf32, #tpu.memory_space<vmem>>
      %dma_start3A_124 = tpu.memref_slice %arg21[%add3A_115] : memref<101888xf32, #tpu.memory_space<vmem_shared>> -> memref<1592xf32, #tpu.memory_space<vmem_shared>>
      tpu.enqueue_dma source(%dma_start3A_124 : memref<1592xf32, #tpu.memory_space<vmem_shared>>) target(%dma_start3A_123 : memref<1592xf32, #tpu.memory_space<vmem>>) target_semaphore(%run_scoped3A_119 : memref<!tpu.dma_semaphore, #tpu.memory_space<semaphore_mem>>)
      %dma_wait3A_125 = arith.constant 0 : i32
      %dma_wait3A_126 = tpu.memref_slice %arg17[%dma_wait3A_125] : memref<2000xf32, #tpu.memory_space<vmem>> -> memref<1592xf32, #tpu.memory_space<vmem>>
      %dma_wait3A_127 = tpu.memref_slice %arg21[%add3A_115] : memref<101888xf32, #tpu.memory_space<vmem_shared>> -> memref<1592xf32, #tpu.memory_space<vmem_shared>>
      %dma_wait3A_128 = arith.constant 0 : i32
      %dma_wait3A_129 = tpu.memref_slice %arg17[%dma_wait3A_128] : memref<2000xf32, #tpu.memory_space<vmem>> -> memref<1592xf32, #tpu.memory_space<vmem>>
      %dma_wait3A_130 = tpu.memref_slice %arg21[%add3A_115] : memref<101888xf32, #tpu.memory_space<vmem_shared>> -> memref<1592xf32, #tpu.memory_space<vmem_shared>>
      tpu.wait_dma2 semaphore(%run_scoped3A_119 : memref<!tpu.dma_semaphore, #tpu.memory_space<semaphore_mem>>) src(%dma_wait3A_130 : memref<1592xf32, #tpu.memory_space<vmem_shared>>) dst(%dma_wait3A_129 : memref<1592xf32, #tpu.memory_space<vmem>>)
      tpu.yield
    }) : () -> ()
    %run_scoped3A_117 = arith.constant 1 : i32
    "tpu.region"() ({
      %run_scoped3A_119 = tpu.sem_alloc : memref<!tpu.dma_semaphore, #tpu.memory_space<semaphore_mem>>
      %dma_start3A = arith.constant 0 : i32
      %dma_start3A_120 = tpu.memref_slice %arg17[%dma_start3A] : memref<2000xf32, #tpu.memory_space<vmem>> -> memref<1592xf32, #tpu.memory_space<vmem>>
      %dma_start3A_121 = tpu.memref_slice %arg9[%arg0, %run_scoped3A_117, %add3A_115] : memref<2x2x101888xf32, #tpu.memory_space<hbm>> -> memref<1x1x1592xf32, #tpu.memory_space<hbm>>
      %dma_start3A_122 = tpu.memref_squeeze %dma_start3A_121 : memref<1x1x1592xf32, #tpu.memory_space<hbm>> -> memref<1592xf32, #tpu.memory_space<hbm>>
      %dma_start3A_123 = tpu.memref_slice %arg9[%arg0, %run_scoped3A_117, %add3A_115] : memref<2x2x101888xf32, #tpu.memory_space<hbm>> -> memref<1x1x1592xf32, #tpu.memory_space<hbm>>
      %dma_start3A_124 = tpu.memref_squeeze %dma_start3A_123 : memref<1x1x1592xf32, #tpu.memory_space<hbm>> -> memref<1592xf32, #tpu.memory_space<hbm>>
      %dma_start3A_125 = arith.constant 0 : i32
      %dma_start3A_126 = tpu.memref_slice %arg17[%dma_start3A_125] : memref<2000xf32, #tpu.memory_space<vmem>> -> memref<1592xf32, #tpu.memory_space<vmem>>
      tpu.enqueue_dma source(%dma_start3A_126 : memref<1592xf32, #tpu.memory_space<vmem>>) target(%dma_start3A_124 : memref<1592xf32, #tpu.memory_space<hbm>>) target_semaphore(%run_scoped3A_119 : memref<!tpu.dma_semaphore, #tpu.memory_space<semaphore_mem>>)
      %dma_wait3A_127 = arith.constant 0 : i32
      %dma_wait3A_128 = tpu.memref_slice %arg17[%dma_wait3A_127] : memref<2000xf32, #tpu.memory_space<vmem>> -> memref<1592xf32, #tpu.memory_space<vmem>>
      %dma_wait3A_129 = tpu.memref_slice %arg9[%arg0, %run_scoped3A_117, %add3A_115] : memref<2x2x101888xf32, #tpu.memory_space<hbm>> -> memref<1x1x1592xf32, #tpu.memory_space<hbm>>
      %dma_wait3A_130 = tpu.memref_squeeze %dma_wait3A_129 : memref<1x1x1592xf32, #tpu.memory_space<hbm>> -> memref<1592xf32, #tpu.memory_space<hbm>>
      %dma_wait3A_131 = tpu.memref_slice %arg9[%arg0, %run_scoped3A_117, %add3A_115] : memref<2x2x101888xf32, #tpu.memory_space<hbm>> -> memref<1x1x1592xf32, #tpu.memory_space<hbm>>
      %dma_wait3A_132 = tpu.memref_squeeze %dma_wait3A_131 : memref<1x1x1592xf32, #tpu.memory_space<hbm>> -> memref<1592xf32, #tpu.memory_space<hbm>>
      %dma_wait3A_133 = arith.constant 0 : i32
      %dma_wait3A_134 = tpu.memref_slice %arg17[%dma_wait3A_133] : memref<2000xf32, #tpu.memory_space<vmem>> -> memref<1592xf32, #tpu.memory_space<vmem>>
      tpu.wait_dma2 semaphore(%run_scoped3A_119 : memref<!tpu.dma_semaphore, #tpu.memory_space<semaphore_mem>>) src(%dma_wait3A_134 : memref<1592xf32, #tpu.memory_space<vmem>>) dst(%dma_wait3A_132 : memref<1592xf32, #tpu.memory_space<hbm>>)
      tpu.yield
    }) : () -> ()
    %barrier3A_118 = arith.constant 0 : index
    tpu.barrier barrier_id(%barrier3A_118)
    return
  }
}

module attributes {stable_mosaic.version = 14 : i64} {
  func.func @body(%arg0: memref<2x101888xf32, #tpu.memory_space<vmem>>, %arg1: memref<1x101888xf32, #tpu.memory_space<vmem>>, %arg2: memref<2x101888xf32, #tpu.memory_space<vmem>>, %arg3: memref<2x101888xf32, #tpu.memory_space<vmem>>, %arg4: memref<2x2xf32, #tpu.memory_space<vmem>>, %arg5: memref<2x101888xf32, #tpu.memory_space<vmem>>, %arg6: memref<1x101888xf32, #tpu.memory_space<vmem>>) attributes {dimension_semantics = [], scalar_prefetch = 0 : i64, scratch_operands = 0 : i64, tpu.core_type = #tpu.core_type<tc>} {
    %get3A = arith.constant 0 : index
    %get3A_0 = arith.constant 0 : index
    %get3A_1 = vector.load %arg0[%get3A, %get3A_0] : memref<2x101888xf32, #tpu.memory_space<vmem>>, vector<1x101888xf32>
    %get3A_2 = arith.constant 1 : index
    %get3A_3 = arith.constant 0 : index
    %get3A_4 = vector.load %arg0[%get3A_2, %get3A_3] : memref<2x101888xf32, #tpu.memory_space<vmem>>, vector<1x101888xf32>
    %add3A = arith.addf %get3A_1, %get3A_4 : vector<1x101888xf32>
    %add3A_5 = arith.constant 1.000000e+00 : f32
    %add3A_6 = vector.broadcast %add3A_5 : f32 to vector<1x101888xf32>
    %add3A_7 = arith.addf %add3A, %add3A_6 : vector<1x101888xf32>
    %rsqrt3A = math.rsqrt %add3A_7 : vector<1x101888xf32>
    %get3A_8 = arith.constant 0 : index
    %get3A_9 = arith.constant 0 : index
    %get3A_10 = vector.load %arg1[%get3A_8, %get3A_9] : memref<1x101888xf32, #tpu.memory_space<vmem>>, vector<1x101888xf32>
    %bitcast_convert_type3A = tpu.bitcast %get3A_10 : vector<1x101888xf32> -> vector<1x101888xi32>
    %shift_left3A = arith.constant 16 : i32
    %shift_left3A_11 = vector.broadcast %shift_left3A : i32 to vector<1x101888xi32>
    %shift_left3A_12 = arith.shli %bitcast_convert_type3A, %shift_left3A_11 : vector<1x101888xi32>
    %bitcast_convert_type3A_13 = tpu.bitcast %shift_left3A_12 : vector<1x101888xi32> -> vector<1x101888xf32>
    %and3A = arith.constant -65536 : i32
    %and3A_14 = vector.broadcast %and3A : i32 to vector<1x101888xi32>
    %and3A_15 = arith.andi %bitcast_convert_type3A, %and3A_14 : vector<1x101888xi32>
    %bitcast_convert_type3A_16 = tpu.bitcast %and3A_15 : vector<1x101888xi32> -> vector<1x101888xf32>
    %get3A_17 = arith.constant 0 : index
    %get3A_18 = arith.constant 0 : index
    %get3A_19 = vector.load %arg2[%get3A_17, %get3A_18] : memref<2x101888xf32, #tpu.memory_space<vmem>>, vector<1x101888xf32>
    %get3A_20 = arith.constant 0 : index
    %get3A_21 = arith.constant 0 : index
    %get3A_22 = vector.load %arg3[%get3A_20, %get3A_21] : memref<2x101888xf32, #tpu.memory_space<vmem>>, vector<1x101888xf32>
    %add3A_23 = arith.addf %get3A_19, %get3A_22 : vector<1x101888xf32>
    %add3A_24 = arith.addf %add3A_23, %bitcast_convert_type3A_13 : vector<1x101888xf32>
    %mul3A = arith.mulf %rsqrt3A, %add3A_24 : vector<1x101888xf32>
    %get3A_25 = arith.constant 0 : index
    %get3A_26 = arith.constant 0 : index
    %get3A_27 = vector.load %arg5[%get3A_25, %get3A_26] : memref<2x101888xf32, #tpu.memory_space<vmem>>, vector<1x101888xf32>
    %add3A_28 = arith.addf %mul3A, %get3A_27 : vector<1x101888xf32>
    %get3A_29 = arith.constant 1 : index
    %get3A_30 = arith.constant 0 : index
    %get3A_31 = vector.load %arg2[%get3A_29, %get3A_30] : memref<2x101888xf32, #tpu.memory_space<vmem>>, vector<1x101888xf32>
    %get3A_32 = arith.constant 1 : index
    %get3A_33 = arith.constant 0 : index
    %get3A_34 = vector.load %arg3[%get3A_32, %get3A_33] : memref<2x101888xf32, #tpu.memory_space<vmem>>, vector<1x101888xf32>
    %add3A_35 = arith.addf %get3A_31, %get3A_34 : vector<1x101888xf32>
    %add3A_36 = arith.addf %add3A_35, %bitcast_convert_type3A_16 : vector<1x101888xf32>
    %mul3A_37 = arith.mulf %rsqrt3A, %add3A_36 : vector<1x101888xf32>
    %get3A_38 = arith.constant 1 : index
    %get3A_39 = arith.constant 0 : index
    %get3A_40 = vector.load %arg5[%get3A_38, %get3A_39] : memref<2x101888xf32, #tpu.memory_space<vmem>>, vector<1x101888xf32>
    %add3A_41 = arith.addf %mul3A_37, %get3A_40 : vector<1x101888xf32>
    %get3A_42 = arith.constant 0 : index
    %get3A_43 = arith.constant 0 : index
    %get3A_44 = vector.load %arg4[%get3A_42, %get3A_43] : memref<2x2xf32, #tpu.memory_space<vmem>>, vector<1x1xf32>
    %mul3A_45 = vector.broadcast %get3A_44 : vector<1x1xf32> to vector<1x101888xf32>
    %mul3A_46 = arith.mulf %add3A_28, %mul3A_45 : vector<1x101888xf32>
    %get3A_47 = arith.constant 1 : index
    %get3A_48 = arith.constant 0 : index
    %get3A_49 = vector.load %arg4[%get3A_47, %get3A_48] : memref<2x2xf32, #tpu.memory_space<vmem>>, vector<1x1xf32>
    %mul3A_50 = vector.broadcast %get3A_49 : vector<1x1xf32> to vector<1x101888xf32>
    %mul3A_51 = arith.mulf %add3A_41, %mul3A_50 : vector<1x101888xf32>
    %add3A_52 = arith.addf %mul3A_46, %mul3A_51 : vector<1x101888xf32>
    %mul3A_53 = arith.mulf %rsqrt3A, %add3A_52 : vector<1x101888xf32>
    %get3A_54 = arith.constant 0 : index
    %get3A_55 = arith.constant 1 : index
    %get3A_56 = vector.load %arg4[%get3A_54, %get3A_55] : memref<2x2xf32, #tpu.memory_space<vmem>>, vector<1x1xf32>
    %mul3A_57 = vector.broadcast %get3A_56 : vector<1x1xf32> to vector<1x101888xf32>
    %mul3A_58 = arith.mulf %add3A_28, %mul3A_57 : vector<1x101888xf32>
    %get3A_59 = arith.constant 1 : index
    %get3A_60 = arith.constant 1 : index
    %get3A_61 = vector.load %arg4[%get3A_59, %get3A_60] : memref<2x2xf32, #tpu.memory_space<vmem>>, vector<1x1xf32>
    %mul3A_62 = vector.broadcast %get3A_61 : vector<1x1xf32> to vector<1x101888xf32>
    %mul3A_63 = arith.mulf %add3A_41, %mul3A_62 : vector<1x101888xf32>
    %add3A_64 = arith.addf %mul3A_58, %mul3A_63 : vector<1x101888xf32>
    %mul3A_65 = arith.mulf %rsqrt3A, %add3A_64 : vector<1x101888xf32>
    %convert_element_type3A = arith.truncf %mul3A_53 : vector<1x101888xf32> to vector<1x101888xbf16>
    %bitcast_convert_type3A_66 = tpu.bitcast %convert_element_type3A : vector<1x101888xbf16> -> vector<1x101888xi16>
    %convert_element_type3A_67 = arith.truncf %mul3A_65 : vector<1x101888xf32> to vector<1x101888xbf16>
    %bitcast_convert_type3A_68 = tpu.bitcast %convert_element_type3A_67 : vector<1x101888xbf16> -> vector<1x101888xi16>
    %convert_element_type3A_69 = arith.extui %bitcast_convert_type3A_68 : vector<1x101888xi16> to vector<1x101888xi32>
    %shift_left3A_70 = arith.constant 16 : i32
    %shift_left3A_71 = vector.broadcast %shift_left3A_70 : i32 to vector<1x101888xi32>
    %shift_left3A_72 = arith.shli %convert_element_type3A_69, %shift_left3A_71 : vector<1x101888xi32>
    %convert_element_type3A_73 = arith.extui %bitcast_convert_type3A_66 : vector<1x101888xi16> to vector<1x101888xi32>
    %or3A = arith.ori %shift_left3A_72, %convert_element_type3A_73 : vector<1x101888xi32>
    %bitcast_convert_type3A_74 = tpu.bitcast %or3A : vector<1x101888xi32> -> vector<1x101888xf32>
    %swap3A = arith.constant 0 : index
    %swap3A_75 = arith.constant 0 : index
    %swap3A_76 = vector.load %arg6[%swap3A, %swap3A_75] : memref<1x101888xf32, #tpu.memory_space<vmem>>, vector<1x101888xf32>
    tpu.vector_store %arg6[%swap3A, %swap3A_75], %bitcast_convert_type3A_74 {strides = array<i32>} : memref<1x101888xf32, #tpu.memory_space<vmem>>, vector<1x101888xf32>,
    return
  }
}

module attributes {stable_mosaic.version = 14 : i64} {
  func.func @body(%arg0: memref<2x101888xf32, #tpu.memory_space<vmem>>, %arg1: memref<1x101888xf32, #tpu.memory_space<vmem>>, %arg2: memref<2x101888xf32, #tpu.memory_space<vmem>>, %arg3: memref<2x101888xf32, #tpu.memory_space<vmem>>, %arg4: memref<2x101888xf32, #tpu.memory_space<vmem>>, %arg5: memref<2x101888xf32, #tpu.memory_space<vmem>>) attributes {dimension_semantics = [], scalar_prefetch = 0 : i64, scratch_operands = 0 : i64, tpu.core_type = #tpu.core_type<tc>} {
    %get3A = arith.constant 0 : index
    %get3A_0 = arith.constant 0 : index
    %get3A_1 = vector.load %arg0[%get3A, %get3A_0] : memref<2x101888xf32, #tpu.memory_space<vmem>>, vector<1x101888xf32>
    %get3A_2 = arith.constant 1 : index
    %get3A_3 = arith.constant 0 : index
    %get3A_4 = vector.load %arg0[%get3A_2, %get3A_3] : memref<2x101888xf32, #tpu.memory_space<vmem>>, vector<1x101888xf32>
    %add3A = arith.addf %get3A_1, %get3A_4 : vector<1x101888xf32>
    %add3A_5 = arith.constant 1.000000e+00 : f32
    %add3A_6 = vector.broadcast %add3A_5 : f32 to vector<1x101888xf32>
    %add3A_7 = arith.addf %add3A, %add3A_6 : vector<1x101888xf32>
    %rsqrt3A = math.rsqrt %add3A_7 : vector<1x101888xf32>
    %get3A_8 = arith.constant 0 : index
    %get3A_9 = arith.constant 0 : index
    %get3A_10 = vector.load %arg1[%get3A_8, %get3A_9] : memref<1x101888xf32, #tpu.memory_space<vmem>>, vector<1x101888xf32>
    %bitcast_convert_type3A = tpu.bitcast %get3A_10 : vector<1x101888xf32> -> vector<1x101888xi32>
    %shift_left3A = arith.constant 16 : i32
    %shift_left3A_11 = vector.broadcast %shift_left3A : i32 to vector<1x101888xi32>
    %shift_left3A_12 = arith.shli %bitcast_convert_type3A, %shift_left3A_11 : vector<1x101888xi32>
    %bitcast_convert_type3A_13 = tpu.bitcast %shift_left3A_12 : vector<1x101888xi32> -> vector<1x101888xf32>
    %and3A = arith.constant -65536 : i32
    %and3A_14 = vector.broadcast %and3A : i32 to vector<1x101888xi32>
    %and3A_15 = arith.andi %bitcast_convert_type3A, %and3A_14 : vector<1x101888xi32>
    %bitcast_convert_type3A_16 = tpu.bitcast %and3A_15 : vector<1x101888xi32> -> vector<1x101888xf32>
    %get3A_17 = arith.constant 0 : index
    %get3A_18 = arith.constant 0 : index
    %get3A_19 = vector.load %arg2[%get3A_17, %get3A_18] : memref<2x101888xf32, #tpu.memory_space<vmem>>, vector<1x101888xf32>
    %get3A_20 = arith.constant 0 : index
    %get3A_21 = arith.constant 0 : index
    %get3A_22 = vector.load %arg3[%get3A_20, %get3A_21] : memref<2x101888xf32, #tpu.memory_space<vmem>>, vector<1x101888xf32>
    %add3A_23 = arith.addf %get3A_19, %get3A_22 : vector<1x101888xf32>
    %add3A_24 = arith.addf %add3A_23, %bitcast_convert_type3A_13 : vector<1x101888xf32>
    %mul3A = arith.mulf %rsqrt3A, %add3A_24 : vector<1x101888xf32>
    %get3A_25 = arith.constant 0 : index
    %get3A_26 = arith.constant 0 : index
    %get3A_27 = vector.load %arg4[%get3A_25, %get3A_26] : memref<2x101888xf32, #tpu.memory_space<vmem>>, vector<1x101888xf32>
    %add3A_28 = arith.addf %mul3A, %get3A_27 : vector<1x101888xf32>
    %get3A_29 = arith.constant 1 : index
    %get3A_30 = arith.constant 0 : index
    %get3A_31 = vector.load %arg2[%get3A_29, %get3A_30] : memref<2x101888xf32, #tpu.memory_space<vmem>>, vector<1x101888xf32>
    %get3A_32 = arith.constant 1 : index
    %get3A_33 = arith.constant 0 : index
    %get3A_34 = vector.load %arg3[%get3A_32, %get3A_33] : memref<2x101888xf32, #tpu.memory_space<vmem>>, vector<1x101888xf32>
    %add3A_35 = arith.addf %get3A_31, %get3A_34 : vector<1x101888xf32>
    %add3A_36 = arith.addf %add3A_35, %bitcast_convert_type3A_16 : vector<1x101888xf32>
    %mul3A_37 = arith.mulf %rsqrt3A, %add3A_36 : vector<1x101888xf32>
    %get3A_38 = arith.constant 1 : index
    %get3A_39 = arith.constant 0 : index
    %get3A_40 = vector.load %arg4[%get3A_38, %get3A_39] : memref<2x101888xf32, #tpu.memory_space<vmem>>, vector<1x101888xf32>
    %add3A_41 = arith.addf %mul3A_37, %get3A_40 : vector<1x101888xf32>
    %concatenate3A = tpu.concatenate %add3A_28, %add3A_41 in 0 : vector<1x101888xf32>, vector<1x101888xf32> -> vector<2x101888xf32>
    %swap3A = arith.constant 0 : index
    %swap3A_42 = arith.constant 0 : index
    %swap3A_43 = vector.load %arg5[%swap3A, %swap3A_42] : memref<2x101888xf32, #tpu.memory_space<vmem>>, vector<2x101888xf32>
    tpu.vector_store %arg5[%swap3A, %swap3A_42], %concatenate3A {strides = array<i32>} : memref<2x101888xf32, #tpu.memory_space<vmem>>, vector<2x101888xf32>,
    return
  }
}

</mosaic_0001>

<sc_bundles>
// kernel: kernel.10.cloned.1.call-start
scs
__scs_entry_jumppad:
0x0: {  	(pc) =	sbr.rel $0x88, $3  }
0x1: {  	(tag) =	ssettag $0x0;
	lr =	simm.s32 $0x1  }
0x2: {  	[smem:$0x3F9B] =	sst lr;
	_ =	strace $0xD0000000  }
0x3: {  	_ = 	snop  }
0x4: {  	_ = 	snop  }
0x5: {  	_ = 	snop  }
0x6: {  	_ = 	snop  }
0x7: {  	_ = 	snop  }
__scs_overlays_trampoline_lowered:
0x8: {  	[smem:$0x3FAA] =	sst s0  }
0x9: {  	[smem:$0x3FAB] =	sst s1  }
0xa: {  	[smem:$0x3FAC] =	sst s2  }
0xb: {  	[smem:$0x3FAD] =	sst s3  }
0xc: {  	[smem:$0x3FAE] =	sst s4  }
0xd: {  	[smem:$0x3FAF] =	sst s5  }
0xe: {  	[smem:$0x3FB0] =	sst s6  }
0xf: {  	[smem:$0x3FB1] =	sst s7  }
0x10: {  	[smem:$0x3FB2] =	sst s8  }
0x11: {  	[smem:$0x3FB3] =	sst s9;
	s0 =	simm.s32 @!p0 $0x0  }
0x12: {  	s1 =	sld [smem:$0x3F99];
	s0 =	simm.s32 @p0 $0x1  }
0x13: {  	[smem:$0x3FB4] =	sst s0;
	s0 =	simm.s32 @!p1 $0x0  }
0x14: {  	s2 =	sld [smem:$0x3F98];
	s0 =	simm.s32 @p1 $0x1  }
0x15: {  	[smem:$0x3FB5] =	sst s0;
	s0 =	simm.s32 @!p2 $0x0  }
0x16: {  	s3 =	sld [smem:$0x3FDB];
	s0 =	simm.s32 @p2 $0x1  }
0x17: {  	s4 =	simm.s32 $0x1BF5;
	[smem:$0x3FB7] =	sst s0  }
0x18: {  	s0 =	sld [smem:$0x3F9A];
	_ =	swait.ge [sflag:s4], $0x0  }
0x19: {  	s7 =	sld [smem:$0x3F9B]  }
0x1a: {  	s8 =	sadd.s32 $0xFFFFE003, lr  }
0x1b: {  	s9 =	sadd.s32 $0xFFFFFEF7, lr;
	s5 =	simm.s32 $0xFFFFFFFF;
	p2 =	slt.u32 s8, $0xFFFFF086  }
0x1c: {  	p1 =	slt.u32 s9, $0xF7A;
	s5 =	simm.s32 @!p2 $0x0  }
0x1d: {  	s5 =	simm.s32 @p1 $0x1;
	p0 =	seq.s32 s7, s2  }
0x1e: {  	s7 =	smul.u32 @!p0 $0xF7A, s2;
	p2 =	seq.s32 @!p0 s5, $0x0  }
0x1f: {  	s9 =	smul.u32 $0xF7A, s1;
	s8 =	simm.s32 @!p0 $0x1BF5;
	p2 =	por !p2, p0  }
0x20: {  	[sflag:s8] =	ssyncset.s32 @!p0 $0xFFFFF086;
	s6 =	sadd.s32 @!p0 s3, s7;
	s7 =	simm.s32 @!p0 $0x108  }
0x21: {  	s3 =	sadd.s32 s3, s9;
	s6 =	sadd.s32 @!p0 $0x88, s6;
	s7 =	simm.s32 @p2 $0x1082  }
0x22: {  	[simem:s7], [sflag:s8] =	dma.local @!p0 [hbm:s6], $0xF7A  }
0x23: {  	s9 =	sor.u32 $0xD0000000, s2;
	s6 =	simm.s32 $0x108;
	_ =	swait.ge @!p0 [sflag:s8], $0x0  }
0x24: {  	s3 =	sadd.s32 $0x88, s3;
	s6 =	simm.s32 @!p1 $0x1082;
	[sflag:s4] =	ssyncset.s32 $0xFFFFF086  }
0x25: {  	[simem:s6], [sflag:s4] =	dma.local [hbm:s3], $0xF7A  }
0x26: {  	[smem:$0x3F9B] =	sst s1;
	(tag) =	ssettag s2;
	_ =	strace s9  }
0x27: {  	s1 =	sld [smem:$0x3FAB]  }
0x28: {  	s2 =	sld [smem:$0x3FAC]  }
0x29: {  	s4 =	sld [smem:$0x3FAE]  }
0x2a: {  	p0 =	seq.s32 s5, $0x0;
	s5 =	sld [smem:$0x3FAF]  }
0x2b: {  	s6 =	sld [smem:$0x3FB0]  }
0x2c: {  	s7 =	sld [smem:$0x3FB1]  }
0x2d: {  	s3 =	simm.s32 $0x108;
	s8 =	sld [smem:$0x3FB2]  }
0x2e: {  	s3 =	simm.s32 @!p0 $0x1082;
	s9 =	sld [smem:$0x3FB3]  }
0x2f: {  	lr =	sadd.s32 s0, s3;
	s0 =	sld [smem:$0x3FAA]  }
0x30: {  	s3 =	sld [smem:$0x3FAD]  }
0x31: {  	[smem:$0x3FB6] =	sst s10  }
0x32: {  	s10 =	sld [smem:$0x3FB4];
	_ =	sdelay $0x3  }
0x33: {  	p0 =	seq.s32 s10, $0x1;
	s10 =	sld [smem:$0x3FB6];
	_ =	sdelay $0x3  }
0x34: {  	[smem:$0x3FB6] =	sst s10  }
0x35: {  	s10 =	sld [smem:$0x3FB5];
	_ =	sdelay $0x3  }
0x36: {  	p1 =	seq.s32 s10, $0x1;
	s10 =	sld [smem:$0x3FB6];
	_ =	sdelay $0x3  }
0x37: {  	[smem:$0x3FB6] =	sst s10  }
0x38: {  	s10 =	sld [smem:$0x3FB7]  }
0x39: {  	_ = 	snop;
	(pc) =	sbr.ind lr, $3  }
0x3a: {  	_ = 	snop  }
0x3b: {  	_ = 	snop  }
0x3c: {  	p2 =	seq.s32 s10, $0x1;
	s10 =	sld [smem:$0x3FB6]  }
0x3d: {  	_ =	shalt  }
0x3e: {  	_ =	shalt  }
0x3f: {  	_ =	shalt  }
0x40: {  	_ =	shalt  }
0x41: {  	_ =	shalt  }
0x42: {  	_ =	shalt  }
0x43: {  	_ =	shalt  }
0x44: {  	_ =	shalt  }
0x45: {  	_ =	shalt  }
0x46: {  	_ =	shalt  }
0x47: {  	_ =	shalt  }
0x48: {  	_ =	shalt  }
0x49: {  	_ =	shalt  }
0x4a: {  	_ =	shalt  }
0x4b: {  	_ =	shalt  }
0x4c: {  	_ =	shalt  }
0x4d: {  	_ =	shalt  }
0x4e: {  	_ =	shalt  }
0x4f: {  	_ =	shalt  }
0x50: {  	_ =	shalt  }
0x51: {  	_ =	shalt  }
0x52: {  	_ =	shalt  }
0x53: {  	_ =	shalt  }
0x54: {  	_ =	shalt  }
0x55: {  	_ =	shalt  }
0x56: {  	_ =	shalt  }
0x57: {  	_ =	shalt  }
0x58: {  	_ =	shalt  }
0x59: {  	_ =	shalt  }
0x5a: {  	_ =	shalt  }
0x5b: {  	_ =	shalt  }
0x5c: {  	_ =	shalt  }
0x5d: {  	_ =	shalt  }
0x5e: {  	_ =	shalt  }
0x5f: {  	_ =	shalt  }
0x60: {  	_ =	shalt  }
0x61: {  	_ =	shalt  }
0x62: {  	_ =	shalt  }
0x63: {  	_ =	shalt  }
0x64: {  	_ =	shalt  }
0x65: {  	_ =	shalt  }
0x66: {  	_ =	shalt  }
0x67: {  	_ =	shalt  }
0x68: {  	_ =	shalt  }
0x69: {  	_ =	shalt  }
0x6a: {  	_ =	shalt  }
0x6b: {  	_ =	shalt  }
0x6c: {  	_ =	shalt  }
0x6d: {  	_ =	shalt  }
0x6e: {  	_ =	shalt  }
0x6f: {  	_ =	shalt  }
0x70: {  	_ =	shalt  }
0x71: {  	_ =	shalt  }
0x72: {  	_ =	shalt  }
0x73: {  	_ =	shalt  }
0x74: {  	_ =	shalt  }
0x75: {  	_ =	shalt  }
0x76: {  	_ =	shalt  }
0x77: {  	_ =	shalt  }
0x78: {  	_ =	shalt  }
0x79: {  	_ =	shalt  }
0x7a: {  	_ =	shalt  }
0x7b: {  	_ =	shalt  }
0x7c: {  	_ =	shalt  }
0x7d: {  	_ =	shalt  }
0x7e: {  	_ =	shalt  }
0x7f: {  	_ =	shalt  }
0x80: {  	_ =	shalt  }
0x81: {  	_ =	shalt  }
0x82: {  	_ =	shalt  }
0x83: {  	_ =	shalt  }
0x84: {  	_ =	shalt  }
0x85: {  	_ =	shalt  }
0x86: {  	_ =	shalt  }
0x87: {  	_ =	shalt  }
.Lfunc_end0:
.L_simem_size_0:
called_computation.1_lowered:
.L_overlay_start_0:
0x88: {  	s2 =	sld [smem:$0x3FD9]  }
0x89: {  	s3 =	sld [smem:$0x3FFE];
	_ =	sdelay $0x1  }
0x8a: {  	s1 =	srdreg.scid  }
0x8b: {  	s0 =	sand.u32 $0x1, s1  }
0x8c: {  	s17 =	sshll.u32 s0, $0xA;
	s2 =	sadd.s32 s3, s2  }
0x8d: {  	s2 =	sadd.s32 s2, s17  }
0x8e: {  	[smem:$0x3FC2] =	sst s2  }
0x8f: {  	_ = 	snop  }
0x90: {  	s2 =	sld [smem:$0x3FD0];
	(tm) =	ssettm $0x1  }
0x91: {  	s18 =	sld [smem:$0x3FFB];
	_ =	sdelay $0x3  }
0x92: {  	_ =	strace s18  }
0x93: {  	s3 =	sld [smem:$0x3FFC];
	_ =	sdelay $0x3  }
0x94: {  	_ =	strace s3  }
0x95: {  	s3 =	sld [smem:$0x3FFD];
	_ =	sdelay $0x3  }
0x96: {  	_ =	strace s3  }
0x97: {  	_ =	strace $0x8FFFFFFF  }
0x98: {  	s19 =	sld [smem:$0x3FDB];
	_ =	sdelay $0x1  }
0x99: {  	s4 =	simm.s32 $_scs_section_size  }
0x9a: {  	s5 =	simm.s32 $_size__tile_overlayer_lowered;
	s6 =	simm.s32 $_tile_overlayer_lowered  }
0x9b: {  	s22 =	simm.s32 $0x1BFF;
	s21 =	sshll.u32 s6, $0x1;
	s3 =	sadd.s32 s4, s19  }
0x9c: {  	s7 =	simm.s32 $0x0;
	s20 =	sshll.u32 s5, $0x1;
	s5 =	sadd.s32 s21, s3  }
0x9d: {  	[timem:s7], [sflag:s22] =	dma.local [hbm:s5], s20  }
0x9e: {  	_ =	swait.ge [sflag:s22], s20  }
0x9f: {  	s4 =	ssub.s32 $0x0, s20;
	[sflag:s22] =	ssyncset.done $0x0  }
0xa0: {  	[sflag:s22] =	ssyncadd.s32 s4;
	_ =	sdelay $0x1  }
0xa1: {  	s23 =	simm.s32 $0x1B8B  }
0xa2: {  	_ =	swait.ge [sflag:s23], $0x1  }
0xa3: {  	[sflag:s23] =	ssyncset.done $0x0  }
0xa4: {  	s25 =	simm.s32 $0x1B8E;
	s24 =	sld [smem:$0x3FFE];
	[sflag:s23] =	ssyncadd.s32 $0xFFFFFFFF  }
0xa5: {  	s26 =	simm.s32 $execute0_lowered;
	[smem:$0x3FD2] =	sst s25  }
0xa6: {  	s5 =	sshll.u32 s26, $0x1;
	_ =	strace $0x80000049;
	[dreg:$0x1] =	wrdreg $0xFFFFFFFF  }
0xa7: {  	s28 =	simm.s32 $_size_execute0_lowered;
	s3 =	sadd.s32 s3, s5;
	[dreg:$0x0] =	wrdreg $0x0  }
0xa8: {  	s5 =	sshll.u32 s28, $0x1;
	[dreg:$0x2] =	wrdreg s3  }
0xa9: {  	[dreg:$0x3] =	wrdreg s5  }
0xaa: {  	[dreg:$0x4] =	wrdreg $0xC0  }
0xab: {  	_ =	task [dreg:s7], $0x5FFFF  }
0xac: {  	[dreg:$0x1] =	wrdreg $0xFFFFFFFF  }
0xad: {  	[dreg:$0x0] =	wrdreg $0x60  }
0xae: {  	[dreg:$0x2] =	wrdreg s24  }
0xaf: {  	[dreg:$0x3] =	wrdreg s2  }
0xb0: {  	[dreg:$0x4] =	wrdreg $0x1CC800  }
0xb1: {  	[dreg:$0x5] =	wrdreg $0x1E5600  }
0xb2: {  	[dreg:$0x6] =	wrdreg $0x9  }
0xb3: {  	_ =	task.clear_ibuf [dreg:s7], $0x7FFFF;
	_ =	strace $0x90000049  }
0xb4: {  	s29 =	simm.s32 $0x9;
	_ =	strace $0x8000004B  }
0xb5: {  	_ =	swait.ge [sflag:s29], $0x1  }
0xb6: {  	[sflag:s29] =	ssyncadd.s32 $0xFFFFFFFF  }
0xb7: {  	_ =	strace $0x9000004B  }
0xb8: {  	_ =	sfence  }
0xb9: {  	s30 =	sld [smem:$0x0];
	_ =	sdelay $0x2  }
0xba: {  	s31 =	sshll.u32 s1, $0xD;
	s1 =	sshrl.u32 s1, $0x2  }
0xbb: {  	s3 =	sand.u32 $0x4000, s31;
	s1 =	sadd.s32 s1, s30  }
0xbc: {  	s0 =	sor.u32 s3, s0;
	s1 =	sshll.u32 s1, $0x11  }
0xbd: {  	s0 =	sor.u32 s1, s0  }
0xbe: {  	s0 =	sadd.s32 $0x8F2B, s0  }
0xbf: {  	[sflag:s0] =	ssyncadd.remote.s32 $0x1  }
0xc0: {  	_ =	sfence.sel $0xFFFF  }
0xc1: {  	[dreg:$0x0] =	wrdreg $0xFFFFFFFF;
	(pc) =	sbr.abs _section_cstart, $3  }
0xc2: {  	[dreg:$0x1] =	wrdreg $0xFFFFFFFF  }
0xc3: {  	_ =	task.clear_ibuf [dreg:s7], $0x2FFFF;
	_ =	strace $0x9FFFFFFF  }
0xc4: {  	(tm) =	ssettm $0x7FFFFFFF  }
0xc5: {  	_ =	shalt  }
tec
execute0_lowered:
.L_overlay_start_1:
0x0: {  	(tag) =	ssettag $0x1  }
0x1: {  	s0 =	rddreg [dreg:$0x0]  }
0x2: {  	s21 =	rddreg [dreg:$0x1]  }
0x3: {  	s2 =	rddreg [dreg:$0x2]  }
0x4: {  	s3 =	rddreg [dreg:$0x3];
	s5 =	simm.s32 $0x0;
	s24 =	stileid.u32  }
0x5: {  	s7 =	srdreg.scid;
	s1 =	sadd.s32 $0x188600, s0;
	s4 =	sadd.s32 $0x191E00, s0  }
0x6: {  	[smem:$0x7FF] =	sst s5;
	s6 =	smul.u32 $0x18E0, s24;
	s8 =	sadd.s32 $0x18EC00, s0  }
0x7: {  	s9 =	sadd.s32 $0x195000, s0;
	s7 =	sand.u32 $0x1, s7;
	_ =	strace $0x8000004A  }
0x8: {  	s10 =	ssub.s32 $0x2, s7;
	s12 =	smul.u32 $0x31C00, s7;
	s11 =	sadd.s32 $0x7C0, s6  }
0x9: {  	s13 =	sshrl.u32 s6, $0x3;
	s14 =	sshrl.u32 s10, $0x1;
	s16 =	sadd.s32 $0xF80, s6  }
0xa: {  	s17 =	sadd.s32 $0x638, s6;
	s18 =	sadd.s32 $0xC70, s6;
	s19 =	sadd.s32 $0x12A8, s6  }
0xb: {  	s15 =	sshrl.u32 s11, $0x3;
	s10 =	ssub.s32 s10, s14;
	s22 =	sadd.s32 s6, s12  }
0xc: {  	s23 =	sadd.s32 s12, s17;
	s11 =	sadd.s32 s11, s2;
	s20 =	sadd.s32 s1, s15  }
0xd: {  	s14 =	sshrl.u32 s22, $0x3;
	s26 =	sadd.s32 s4, s15;
	[dreg:$0x16] =	wrdreg s11  }
0xe: {  	[dreg:$0x5] =	wrdreg s20;
	s25 =	sadd.s32 s9, s14;
	s20 =	sadd.s32 s12, s18  }
0xf: {  	s12 =	sadd.s32 s12, s19;
	[dreg:$0xa] =	wrdreg s26;
	s26 =	sadd.s32 s4, s13  }
0x10: {  	s14 =	sshrl.u32 s23, $0x3;
	s12 =	sshrl.u32 s12, $0x3;
	[dreg:$0x11] =	wrdreg s26  }
0x11: {  	s28 =	sadd.s32 s9, s14;
	s14 =	sshrl.u32 s16, $0x3;
	[dreg:$0x6] =	wrdreg s25  }
0x12: {  	s29 =	sadd.s32 s9, s12;
	s12 =	sadd.s32 s8, s15;
	[dreg:$0x7] =	wrdreg s28  }
0x13: {  	s15 =	sadd.s32 s1, s14;
	[dreg:$0xb] =	wrdreg s12  }
0x14: {  	s20 =	sshrl.u32 s20, $0x3;
	s22 =	sadd.s32 s4, s14;
	[dreg:$0xc] =	wrdreg s15  }
0x15: {  	s20 =	sadd.s32 s9, s20;
	s9 =	sadd.s32 s8, s14;
	[dreg:$0xd] =	wrdreg s22  }
0x16: {  	[dreg:$0xe] =	wrdreg s9  }
0x17: {  	[dreg:$0x8] =	wrdreg s20  }
0x18: {  	s12 =	sadd.s32 $0x1740, s6;
	s15 =	sadd.s32 s1, s13;
	[dreg:$0x9] =	wrdreg s29  }
0x19: {  	s23 =	sshrl.u32 s12, $0x3;
	s11 =	sadd.s32 $0x33B0, s15;
	[dreg:$0xf] =	wrdreg s15  }
0x1a: {  	s1 =	sadd.s32 s1, s23;
	[smem:$0x7F5] =	sst s11  }
0x1b: {  	s14 =	sadd.s32 s4, s23;
	[dreg:$0x10] =	wrdreg s1  }
0x1c: {  	s31 =	simm.s32 $0x0;
	s22 =	sadd.s32 s8, s23;
	[dreg:$0x12] =	wrdreg s14  }
0x1d: {  	p0 =	sne.s32 s7, $0x0;
	s23 =	sadd.s32 s8, s13;
	[dreg:$0x13] =	wrdreg s22  }
0x1e: {  	s26 =	sadd.s32 s13, s0;
	s13 =	sadd.s32 s16, s2;
	[dreg:$0x14] =	wrdreg s23  }
0x1f: {  	s30 =	sadd.s32 s6, s2;
	s16 =	sadd.s32 $0x3E80, s6;
	[dreg:$0x17] =	wrdreg s13  }
0x20: {  	s8 =	sshll.u32 s7, $0x4;
	s4 =	sadd.s32 s18, s3;
	[dreg:$0x1a] =	wrdreg s16  }
0x21: {  	s7 =	sadd.s32 s19, s2;
	s22 =	sadd.s32 $0x1600, s0;
	[dreg:$0x1d] =	wrdreg s4  }
0x22: {  	s23 =	sadd.s32 $0xC4C00, s0;
	s0 =	sadd.s32 $0x18EA00, s0;
	[dreg:$0x1e] =	wrdreg s7  }
0x23: {  	s6 =	sadd.s32 s6, s3;
	s14 =	sadd.s32 s12, s2;
	[dreg:$0x15] =	wrdreg s0  }
0x24: {  	s9 =	sor.u32 s24, s8;
	s1 =	sadd.s32 $0x1A1800, s26;
	[dreg:$0x18] =	wrdreg s14  }
0x25: {  	s16 =	sadd.s32 s17, s2;
	s24 =	sadd.s32 s17, s3;
	[dreg:$0x19] =	wrdreg s1  }
0x26: {  	s26 =	sadd.s32 s18, s2;
	s13 =	sadd.s32 s19, s3;
	[dreg:$0x1b] =	wrdreg s24  }
0x27: {  	s8 =	smax.u32 s10, $0x1;
	s10 =	sadd.s32 $0x32B8, s15;
	[dreg:$0x1c] =	wrdreg s26  }
0x28: {  	s12 =	sadd.s32 $0x34A8, s15;
	s17 =	sadd.s32 $0x18E, s21;
	[dreg:$0x1f] =	wrdreg s8  }
0x29: {  	s18 =	sadd.s32 $0x255, s21;
	s19 =	sadd.s32 $0x31C0, s25;
	[smem:$0x7F4] =	sst s10  }
0x2a: {  	s25 =	sadd.s32 $0x31C0, s29;
	s29 =	simm.s32 $0x4;
	[smem:$0x7F6] =	sst s12  }
0x2b: {  	s7 =	simm.s32 $0x0;
	s14 =	smul.u32 $0x30D40, s9;
	[smem:$0x7F8] =	sst s17  }
0x2c: {  	s9 =	sadd.s32 $0x31C0, s15;
	s15 =	sadd.s32 $0xC7, s21;
	[smem:$0x7F9] =	sst s18  }
0x2d: {  	[smem:$0x7FA] =	sst s19;
	s21 =	sadd.s32 $0x31C0, s28;
	s24 =	sadd.s32 $0x31C0, s20  }
0x2e: {  	[smem:$0x7FD] =	sst s25;
	s8 =	simm.s32 $0x5;
	s10 =	simm.s32 $0x2710  }
0x2f: {  	s17 =	simm.s32 $0x36B0;
	s18 =	simm.s32 $0x3E80;
	[smem:$0x7F3] =	sst s9  }
0x30: {  	s19 =	simm.s32 $0xFA0;
	s20 =	simm.s32 $0x1;
	[smem:$0x7F7] =	sst s15  }
0x31: {  	s25 =	simm.s32 $0x2;
	s28 =	simm.s32 $0x3;
	[smem:$0x7FB] =	sst s21  }
0x32: {  	[smem:$0x7FC] =	sst s24;
	s9 =	simm.s32 $0x1F40;
	s15 =	simm.s32 $0x2EE0  }
0x33: {  	s21 =	simm.s32 $0x7D0;
	s24 =	simm.s32 $0x1770;
	s26 =	sadd.s32 $0x7D0, s14  }
.LBB2_1:
0x34: {  	s0 =	rddreg [dreg:$0x15];
	s1 =	simm.s32 $0x1FE40  }
0x35: {  	[tilespmem:s1], [sflag:$0x5] =	stream.linear.gather [hbm4b:s0+s5], $0x40, $0x38;
	[tilespmem:$0x1FE80] =	vst v63  }
0x36: {  	_ =	swait.ge [sflag:s8], $0x40  }
0x37: {  	[sflag:s8] =	ssyncset.done $0x0  }
0x38: {  	[sflag:s8] =	ssyncadd.s32 $0xFFFFFFC0  }
0x39: {  	v2 =	vld [tilespmem:$0x1FE40]  }
0x3a: {  	v3 =	vld [tilespmem:$0x1FE50]  }
0x3b: {  	s1 =	rddreg [dreg:$0xf];
	v0 =	vld [tilespmem:$0x1FE60]  }
0x3c: {  	v1 =	vld [tilespmem:$0x1FE70];
	[tilespmem:s9], [sflag:$0x5] =	stream.linear.gather [hbm4b:s1+s5], $0x7C0, $0x38  }
0x3d: {  	_ =	swait.ge [sflag:s8], $0x7C0  }
0x3e: {  	s4 =	sld [smem:$0x7F3]  }
0x3f: {  	[sflag:s8] =	ssyncset.done $0x0  }
0x40: {  	[sflag:s8] =	ssyncadd.s32 $0xFFFFF840  }
0x41: {  	[tilespmem:s10], [sflag:$0x5] =	stream.linear.gather [hbm4b:s4+s5], $0x7C0, $0x38;
	[tilespmem:$0x1FE80] =	vst v63  }
0x42: {  	_ =	swait.ge [sflag:s8], $0x7C0  }
0x43: {  	[sflag:s8] =	ssyncset.done $0x0  }
0x44: {  	s11 =	rddreg [dreg:$0x11];
	[sflag:s8] =	ssyncadd.s32 $0xFFFFF840  }
0x45: {  	[tilespmem:s15], [sflag:$0x5] =	stream.linear.gather [hbm4b:s11+s5], $0x7C0, $0x38;
	[tilespmem:$0x1FE80] =	vst v63  }
0x46: {  	_ =	swait.ge [sflag:s8], $0x7C0  }
0x47: {  	[sflag:s8] =	ssyncset.done $0x0  }
0x48: {  	s12 =	rddreg [dreg:$0x14];
	[sflag:s8] =	ssyncadd.s32 $0xFFFFF840  }
0x49: {  	[tilespmem:s17], [sflag:$0x5] =	stream.linear.gather [hbm4b:s12+s5], $0x7C0, $0x38;
	[tilespmem:$0x1FE80] =	vst v63  }
0x4a: {  	_ =	swait.ge [sflag:s8], $0x7C0  }
0x4b: {  	[sflag:s8] =	ssyncset.done $0x0  }
0x4c: {  	s0 =	simm.s32 $0x0;
	[sflag:s8] =	ssyncadd.s32 $0xFFFFF840  }
0x4d: {  	s4 =	simm.s32 $0x40;
	v4 =	vld [tilespmem:s0+$0x2710]  }
.LBB2_2:
0x4e: {  	p1 =	sne.s32 s4, $0x1EC0;
	v5 =	vld [tilespmem:s0+$0x1F40];
	_ =	sdelay $0x4  }
0x4f: {  	v4 =	vadd.f32 v4, v5;
	_ =	sdelay $0x1  }
0x50: {  	v4 =	vadd.f32 $1.000000000e+00, v4;
	_ =	sdelay $0x1  }
0x51: {  	v5 =	vshrl.u32 v4, $0x1;
	v4 =	vmul.f32 $5.000000000e-01, v4  }
0x52: {  	v5 =	vsub.s32 $0x5F3759DF, v5  }
0x53: {  	v6 =	vmul.f32 v5, v4;
	_ =	sdelay $0x1  }
0x54: {  	v6 =	vmul.f32 v5, v6;
	_ =	sdelay $0x1  }
0x55: {  	v6 =	vsub.f32 $1.500000000e+00, v6;
	_ =	sdelay $0x1  }
0x56: {  	v5 =	vmul.f32 v5, v6;
	_ =	sdelay $0x1  }
0x57: {  	v6 =	vmul.f32 v5, v4;
	_ =	sdelay $0x1  }
0x58: {  	v6 =	vmul.f32 v6, v5;
	_ =	sdelay $0x1  }
0x59: {  	v6 =	vsub.f32 $1.500000000e+00, v6  }
0x5a: {  	v7 =	vld [tilespmem:s0+$0x2EE0]  }
0x5b: {  	v5 =	vmul.f32 v6, v5;
	v6 =	vld [tilespmem:s0+$0x36B0];
	_ =	sdelay $0x1  }
0x5c: {  	v4 =	vmul.f32 v5, v4;
	_ =	sdelay $0x1  }
0x5d: {  	v4 =	vmul.f32 v4, v5  }
0x5e: {  	v8 =	vmul.f32 v7, v2;
	v9 =	vmul.f32 v6, v3  }
0x5f: {  	v7 =	vmul.f32 v7, v0;
	v6 =	vmul.f32 v6, v1;
	v4 =	vsub.f32 $1.500000000e+00, v4;
	_ =	sdelay $0x1  }
0x60: {  	v6 =	vadd.f32 v6, v7;
	v4 =	vmul.f32 v4, v5;
	v5 =	vadd.f32 v9, v8;
	_ =	sdelay $0x1  }
0x61: {  	v5 =	vmul.f32 v4, v5;
	v4 =	vmul.f32 v4, v6;
	_ =	sdelay $0x1  }
0x62: {  	v6 =	vshrl.u32 v5, $0x10;
	v7 =	vshrl.u32 v4, $0x10  }
0x63: {  	v6 =	vand.u32 $0x1, v6;
	v7 =	vand.u32 $0x1, v7  }
.Ltmp0:
0x64: {  	v5 =	vadd.s32 v6, v5;
	v4 =	vadd.s32 v7, v4;
	(pc) =	sbr.rel @p1 .LBB2_2-.Ltmp0, $4  }
0x65: {  	v5 =	vadd.s32 $0x7FFF, v5;
	v4 =	vadd.s32 $0x7FFF, v4  }
0x66: {  	v5 =	vshrl.u32 v5, $0x10;
	v4 =	vand.u32 $0xFFFF0000, v4  }
0x67: {  	s1 =	sshra.s32 s4, $0x2;
	v5 =	vor.u32 v5, v4  }
0x68: {  	s4 =	sadd.s32 $0x40, s4;
	v4 =	vld [tilespmem:s1+$0x2710];
	[tilespmem:s0+$0x1F40] =	vst v5;
	s0 =	smov.u32 s1  }
0x69: {  	v5 =	vld [tilespmem:s0+$0x1F40];
	_ =	sdelay $0x4  }
0x6a: {  	v4 =	vadd.f32 v4, v5;
	_ =	sdelay $0x1  }
0x6b: {  	v4 =	vadd.f32 $1.000000000e+00, v4;
	_ =	sdelay $0x1  }
0x6c: {  	v5 =	vshrl.u32 v4, $0x1;
	v4 =	vmul.f32 $5.000000000e-01, v4  }
0x6d: {  	v5 =	vsub.s32 $0x5F3759DF, v5  }
0x6e: {  	v6 =	vmul.f32 v5, v4;
	_ =	sdelay $0x1  }
0x6f: {  	v6 =	vmul.f32 v5, v6;
	_ =	sdelay $0x1  }
0x70: {  	v6 =	vsub.f32 $1.500000000e+00, v6;
	_ =	sdelay $0x1  }
0x71: {  	v5 =	vmul.f32 v5, v6;
	_ =	sdelay $0x1  }
0x72: {  	v6 =	vmul.f32 v5, v4;
	_ =	sdelay $0x1  }
0x73: {  	v6 =	vmul.f32 v6, v5;
	_ =	sdelay $0x1  }
0x74: {  	v6 =	vsub.f32 $1.500000000e+00, v6;
	_ =	sdelay $0x1  }
0x75: {  	v7 =	vld [tilespmem:s0+$0x2EE0];
	v5 =	vmul.f32 v6, v5  }
0x76: {  	v6 =	vld [tilespmem:s0+$0x36B0]  }
0x77: {  	v4 =	vmul.f32 v5, v4;
	_ =	sdelay $0x1  }
0x78: {  	v4 =	vmul.f32 v4, v5  }
0x79: {  	v8 =	vmul.f32 v7, v2;
	v7 =	vmul.f32 v7, v0  }
0x7a: {  	v9 =	vmul.f32 v6, v3;
	v6 =	vmul.f32 v6, v1;
	v4 =	vsub.f32 $1.500000000e+00, v4;
	_ =	sdelay $0x1  }
0x7b: {  	v6 =	vadd.f32 v6, v7;
	v4 =	vmul.f32 v4, v5;
	v5 =	vadd.f32 v9, v8;
	_ =	sdelay $0x1  }
0x7c: {  	v5 =	vmul.f32 v4, v5;
	v4 =	vmul.f32 v4, v6;
	_ =	sdelay $0x1  }
0x7d: {  	v6 =	vshrl.u32 v5, $0x10;
	v7 =	vshrl.u32 v4, $0x10  }
0x7e: {  	v6 =	vand.u32 $0x1, v6;
	v7 =	vand.u32 $0x1, v7  }
0x7f: {  	v5 =	vadd.s32 v6, v5;
	v4 =	vadd.s32 v7, v4  }
0x80: {  	v5 =	vadd.s32 $0x7FFF, v5;
	v4 =	vadd.s32 $0x7FFF, v4  }
0x81: {  	v5 =	vshrl.u32 v5, $0x10;
	v4 =	vand.u32 $0xFFFF0000, v4  }
0x82: {  	v4 =	vor.u32 v5, v4  }
0x83: {  	[tilespmem:s0+$0x1F40] =	vst v4  }
0x84: {  	[spmem:s30] =	stream.linear.scatter [tilespmem:s9], [sflag:$0x5], $0x7C0, $0x38;
	[tilespmem:$0x1FE80] =	vst v63  }
0x85: {  	_ =	swait.ge [sflag:s8], $0x7C0  }
0x86: {  	[sflag:s8] =	ssyncset.done $0x0  }
0x87: {  	s0 =	simm.s32 $0x0;
	s1 =	rddreg [dreg:$0x5];
	[sflag:s8] =	ssyncadd.s32 $0xFFFFF840  }
0x88: {  	[tilespmem:s9], [sflag:$0x5] =	stream.linear.gather [hbm4b:s1+s0], $0x7C0, $0x38;
	[tilespmem:$0x1FE80] =	vst v63  }
0x89: {  	_ =	swait.ge [sflag:s8], $0x7C0  }
0x8a: {  	s4 =	sld [smem:$0x7F4]  }
0x8b: {  	[sflag:s8] =	ssyncset.done $0x0  }
0x8c: {  	[sflag:s8] =	ssyncadd.s32 $0xFFFFF840  }
0x8d: {  	[tilespmem:s10], [sflag:$0x5] =	stream.linear.gather [hbm4b:s4+s0], $0x7C0, $0x38;
	[tilespmem:$0x1FE80] =	vst v63  }
0x8e: {  	_ =	swait.ge [sflag:s8], $0x7C0  }
0x8f: {  	[sflag:s8] =	ssyncset.done $0x0  }
0x90: {  	s11 =	rddreg [dreg:$0xa];
	[sflag:s8] =	ssyncadd.s32 $0xFFFFF840  }
0x91: {  	[tilespmem:s15], [sflag:$0x5] =	stream.linear.gather [hbm4b:s11+s0], $0x7C0, $0x38;
	[tilespmem:$0x1FE80] =	vst v63  }
0x92: {  	_ =	swait.ge [sflag:s8], $0x7C0  }
0x93: {  	[sflag:s8] =	ssyncset.done $0x0  }
0x94: {  	s12 =	rddreg [dreg:$0xb];
	[sflag:s8] =	ssyncadd.s32 $0xFFFFF840  }
0x95: {  	[tilespmem:s17], [sflag:$0x5] =	stream.linear.gather [hbm4b:s12+s0], $0x7C0, $0x38;
	[tilespmem:$0x1FE80] =	vst v63  }
0x96: {  	_ =	swait.ge [sflag:s8], $0x7C0  }
0x97: {  	[sflag:s8] =	ssyncset.done $0x0  }
0x98: {  	s0 =	simm.s32 $0x0;
	[sflag:s8] =	ssyncadd.s32 $0xFFFFF840  }
0x99: {  	s4 =	simm.s32 $0x40;
	v4 =	vld [tilespmem:s0+$0x2710]  }
.LBB2_4:
0x9a: {  	p1 =	sne.s32 s4, $0x1EC0;
	v5 =	vld [tilespmem:s0+$0x1F40];
	_ =	sdelay $0x4  }
0x9b: {  	v4 =	vadd.f32 v4, v5;
	_ =	sdelay $0x1  }
0x9c: {  	v4 =	vadd.f32 $1.000000000e+00, v4;
	_ =	sdelay $0x1  }
0x9d: {  	v5 =	vshrl.u32 v4, $0x1;
	v4 =	vmul.f32 $5.000000000e-01, v4  }
0x9e: {  	v5 =	vsub.s32 $0x5F3759DF, v5  }
0x9f: {  	v6 =	vmul.f32 v5, v4;
	_ =	sdelay $0x1  }
0xa0: {  	v6 =	vmul.f32 v5, v6;
	_ =	sdelay $0x1  }
0xa1: {  	v6 =	vsub.f32 $1.500000000e+00, v6;
	_ =	sdelay $0x1  }
0xa2: {  	v5 =	vmul.f32 v5, v6;
	_ =	sdelay $0x1  }
0xa3: {  	v6 =	vmul.f32 v5, v4;
	_ =	sdelay $0x1  }
0xa4: {  	v6 =	vmul.f32 v6, v5;
	_ =	sdelay $0x1  }
0xa5: {  	v6 =	vsub.f32 $1.500000000e+00, v6  }
0xa6: {  	v7 =	vld [tilespmem:s0+$0x2EE0]  }
0xa7: {  	v5 =	vmul.f32 v6, v5;
	v6 =	vld [tilespmem:s0+$0x36B0];
	_ =	sdelay $0x1  }
0xa8: {  	v4 =	vmul.f32 v5, v4;
	_ =	sdelay $0x1  }
0xa9: {  	v4 =	vmul.f32 v4, v5  }
0xaa: {  	v8 =	vmul.f32 v7, v2;
	v9 =	vmul.f32 v6, v3  }
0xab: {  	v7 =	vmul.f32 v7, v0;
	v6 =	vmul.f32 v6, v1;
	v4 =	vsub.f32 $1.500000000e+00, v4;
	_ =	sdelay $0x1  }
0xac: {  	v6 =	vadd.f32 v6, v7;
	v4 =	vmul.f32 v4, v5;
	v5 =	vadd.f32 v9, v8;
	_ =	sdelay $0x1  }
0xad: {  	v5 =	vmul.f32 v4, v5;
	v4 =	vmul.f32 v4, v6;
	_ =	sdelay $0x1  }
0xae: {  	v6 =	vshrl.u32 v5, $0x10;
	v7 =	vshrl.u32 v4, $0x10  }
0xaf: {  	v6 =	vand.u32 $0x1, v6;
	v7 =	vand.u32 $0x1, v7  }
.Ltmp1:
0xb0: {  	v5 =	vadd.s32 v6, v5;
	v4 =	vadd.s32 v7, v4;
	(pc) =	sbr.rel @p1 .LBB2_4-.Ltmp1, $4  }
0xb1: {  	v5 =	vadd.s32 $0x7FFF, v5;
	v4 =	vadd.s32 $0x7FFF, v4  }
0xb2: {  	v5 =	vshrl.u32 v5, $0x10;
	v4 =	vand.u32 $0xFFFF0000, v4  }
0xb3: {  	s1 =	sshra.s32 s4, $0x2;
	v5 =	vor.u32 v5, v4  }
0xb4: {  	s4 =	sadd.s32 $0x40, s4;
	v4 =	vld [tilespmem:s1+$0x2710];
	[tilespmem:s0+$0x1F40] =	vst v5;
	s0 =	smov.u32 s1  }
0xb5: {  	v5 =	vld [tilespmem:s0+$0x1F40];
	_ =	sdelay $0x4  }
0xb6: {  	v4 =	vadd.f32 v4, v5;
	_ =	sdelay $0x1  }
0xb7: {  	v4 =	vadd.f32 $1.000000000e+00, v4;
	_ =	sdelay $0x1  }
0xb8: {  	v5 =	vshrl.u32 v4, $0x1;
	v4 =	vmul.f32 $5.000000000e-01, v4  }
0xb9: {  	v5 =	vsub.s32 $0x5F3759DF, v5  }
0xba: {  	v6 =	vmul.f32 v5, v4;
	_ =	sdelay $0x1  }
0xbb: {  	v6 =	vmul.f32 v5, v6;
	_ =	sdelay $0x1  }
0xbc: {  	v6 =	vsub.f32 $1.500000000e+00, v6;
	_ =	sdelay $0x1  }
0xbd: {  	v5 =	vmul.f32 v5, v6;
	_ =	sdelay $0x1  }
0xbe: {  	v6 =	vmul.f32 v5, v4;
	_ =	sdelay $0x1  }
0xbf: {  	v6 =	vmul.f32 v6, v5;
	_ =	sdelay $0x1  }
0xc0: {  	v6 =	vsub.f32 $1.500000000e+00, v6;
	_ =	sdelay $0x1  }
0xc1: {  	v7 =	vld [tilespmem:s0+$0x2EE0];
	v5 =	vmul.f32 v6, v5  }
0xc2: {  	v6 =	vld [tilespmem:s0+$0x36B0]  }
0xc3: {  	v4 =	vmul.f32 v5, v4;
	_ =	sdelay $0x1  }
0xc4: {  	v4 =	vmul.f32 v4, v5  }
0xc5: {  	v8 =	vmul.f32 v7, v2;
	v7 =	vmul.f32 v7, v0  }
0xc6: {  	v9 =	vmul.f32 v6, v3;
	v6 =	vmul.f32 v6, v1;
	v4 =	vsub.f32 $1.500000000e+00, v4;
	_ =	sdelay $0x1  }
0xc7: {  	v6 =	vadd.f32 v6, v7;
	v4 =	vmul.f32 v4, v5;
	v5 =	vadd.f32 v9, v8;
	_ =	sdelay $0x1  }
0xc8: {  	v5 =	vmul.f32 v4, v5;
	v4 =	vmul.f32 v4, v6;
	_ =	sdelay $0x1  }
0xc9: {  	v6 =	vshrl.u32 v5, $0x10;
	v7 =	vshrl.u32 v4, $0x10  }
0xca: {  	v6 =	vand.u32 $0x1, v6;
	v7 =	vand.u32 $0x1, v7  }
0xcb: {  	v5 =	vadd.s32 v6, v5;
	v4 =	vadd.s32 v7, v4  }
0xcc: {  	v5 =	vadd.s32 $0x7FFF, v5;
	v4 =	vadd.s32 $0x7FFF, v4  }
0xcd: {  	v5 =	vshrl.u32 v5, $0x10;
	v4 =	vand.u32 $0xFFFF0000, v4  }
0xce: {  	v4 =	vor.u32 v5, v4  }
0xcf: {  	s1 =	rddreg [dreg:$0x16];
	[tilespmem:s0+$0x1F40] =	vst v4  }
0xd0: {  	[spmem:s1] =	stream.linear.scatter [tilespmem:s9], [sflag:$0x5], $0x7C0, $0x38;
	[tilespmem:$0x1FE80] =	vst v63  }
0xd1: {  	_ =	swait.ge [sflag:s8], $0x7C0  }
0xd2: {  	[sflag:s8] =	ssyncset.done $0x0  }
0xd3: {  	s0 =	simm.s32 $0x0;
	s1 =	rddreg [dreg:$0xc];
	[sflag:s8] =	ssyncadd.s32 $0xFFFFF840  }
0xd4: {  	[tilespmem:s9], [sflag:$0x5] =	stream.linear.gather [hbm4b:s1+s0], $0x7C0, $0x38;
	[tilespmem:$0x1FE80] =	vst v63  }
0xd5: {  	_ =	swait.ge [sflag:s8], $0x7C0  }
0xd6: {  	s4 =	sld [smem:$0x7F5]  }
0xd7: {  	[sflag:s8] =	ssyncset.done $0x0  }
0xd8: {  	[sflag:s8] =	ssyncadd.s32 $0xFFFFF840  }
0xd9: {  	[tilespmem:s10], [sflag:$0x5] =	stream.linear.gather [hbm4b:s4+s0], $0x7C0, $0x38;
	[tilespmem:$0x1FE80] =	vst v63  }
0xda: {  	_ =	swait.ge [sflag:s8], $0x7C0  }
0xdb: {  	[sflag:s8] =	ssyncset.done $0x0  }
0xdc: {  	s11 =	rddreg [dreg:$0xd];
	[sflag:s8] =	ssyncadd.s32 $0xFFFFF840  }
0xdd: {  	[tilespmem:s15], [sflag:$0x5] =	stream.linear.gather [hbm4b:s11+s0], $0x7C0, $0x38;
	[tilespmem:$0x1FE80] =	vst v63  }
0xde: {  	_ =	swait.ge [sflag:s8], $0x7C0  }
0xdf: {  	[sflag:s8] =	ssyncset.done $0x0  }
0xe0: {  	s12 =	rddreg [dreg:$0xe];
	[sflag:s8] =	ssyncadd.s32 $0xFFFFF840  }
0xe1: {  	[tilespmem:s17], [sflag:$0x5] =	stream.linear.gather [hbm4b:s12+s0], $0x7C0, $0x38;
	[tilespmem:$0x1FE80] =	vst v63  }
0xe2: {  	_ =	swait.ge [sflag:s8], $0x7C0  }
0xe3: {  	[sflag:s8] =	ssyncset.done $0x0  }
0xe4: {  	s0 =	simm.s32 $0x0;
	[sflag:s8] =	ssyncadd.s32 $0xFFFFF840  }
0xe5: {  	s4 =	simm.s32 $0x40;
	v4 =	vld [tilespmem:s0+$0x2710]  }
.LBB2_6:
0xe6: {  	p1 =	sne.s32 s4, $0x1EC0;
	v5 =	vld [tilespmem:s0+$0x1F40];
	_ =	sdelay $0x4  }
0xe7: {  	v4 =	vadd.f32 v4, v5;
	_ =	sdelay $0x1  }
0xe8: {  	v4 =	vadd.f32 $1.000000000e+00, v4;
	_ =	sdelay $0x1  }
0xe9: {  	v5 =	vshrl.u32 v4, $0x1;
	v4 =	vmul.f32 $5.000000000e-01, v4  }
0xea: {  	v5 =	vsub.s32 $0x5F3759DF, v5  }
0xeb: {  	v6 =	vmul.f32 v5, v4;
	_ =	sdelay $0x1  }
0xec: {  	v6 =	vmul.f32 v5, v6;
	_ =	sdelay $0x1  }
0xed: {  	v6 =	vsub.f32 $1.500000000e+00, v6;
	_ =	sdelay $0x1  }
0xee: {  	v5 =	vmul.f32 v5, v6;
	_ =	sdelay $0x1  }
0xef: {  	v6 =	vmul.f32 v5, v4;
	_ =	sdelay $0x1  }
0xf0: {  	v6 =	vmul.f32 v6, v5;
	_ =	sdelay $0x1  }
0xf1: {  	v6 =	vsub.f32 $1.500000000e+00, v6  }
0xf2: {  	v7 =	vld [tilespmem:s0+$0x2EE0]  }
0xf3: {  	v5 =	vmul.f32 v6, v5;
	v6 =	vld [tilespmem:s0+$0x36B0];
	_ =	sdelay $0x1  }
0xf4: {  	v4 =	vmul.f32 v5, v4;
	_ =	sdelay $0x1  }
0xf5: {  	v4 =	vmul.f32 v4, v5  }
0xf6: {  	v8 =	vmul.f32 v7, v2;
	v9 =	vmul.f32 v6, v3  }
0xf7: {  	v7 =	vmul.f32 v7, v0;
	v6 =	vmul.f32 v6, v1;
	v4 =	vsub.f32 $1.500000000e+00, v4;
	_ =	sdelay $0x1  }
0xf8: {  	v6 =	vadd.f32 v6, v7;
	v4 =	vmul.f32 v4, v5;
	v5 =	vadd.f32 v9, v8;
	_ =	sdelay $0x1  }
0xf9: {  	v5 =	vmul.f32 v4, v5;
	v4 =	vmul.f32 v4, v6;
	_ =	sdelay $0x1  }
0xfa: {  	v6 =	vshrl.u32 v5, $0x10;
	v7 =	vshrl.u32 v4, $0x10  }
0xfb: {  	v6 =	vand.u32 $0x1, v6;
	v7 =	vand.u32 $0x1, v7  }
.Ltmp2:
0xfc: {  	v5 =	vadd.s32 v6, v5;
	v4 =	vadd.s32 v7, v4;
	(pc) =	sbr.rel @p1 .LBB2_6-.Ltmp2, $4  }
0xfd: {  	v5 =	vadd.s32 $0x7FFF, v5;
	v4 =	vadd.s32 $0x7FFF, v4  }
0xfe: {  	v5 =	vshrl.u32 v5, $0x10;
	v4 =	vand.u32 $0xFFFF0000, v4  }
0xff: {  	s1 =	sshra.s32 s4, $0x2;
	v5 =	vor.u32 v5, v4  }
0x100: {  	s4 =	sadd.s32 $0x40, s4;
	v4 =	vld [tilespmem:s1+$0x2710];
	[tilespmem:s0+$0x1F40] =	vst v5;
	s0 =	smov.u32 s1  }
0x101: {  	v5 =	vld [tilespmem:s0+$0x1F40];
	_ =	sdelay $0x4  }
0x102: {  	v4 =	vadd.f32 v4, v5;
	_ =	sdelay $0x1  }
0x103: {  	v4 =	vadd.f32 $1.000000000e+00, v4;
	_ =	sdelay $0x1  }
0x104: {  	v5 =	vshrl.u32 v4, $0x1;
	v4 =	vmul.f32 $5.000000000e-01, v4  }
0x105: {  	v5 =	vsub.s32 $0x5F3759DF, v5  }
0x106: {  	v6 =	vmul.f32 v5, v4;
	_ =	sdelay $0x1  }
0x107: {  	v6 =	vmul.f32 v5, v6;
	_ =	sdelay $0x1  }
0x108: {  	v6 =	vsub.f32 $1.500000000e+00, v6;
	_ =	sdelay $0x1  }
0x109: {  	v5 =	vmul.f32 v5, v6;
	_ =	sdelay $0x1  }
0x10a: {  	v6 =	vmul.f32 v5, v4;
	_ =	sdelay $0x1  }
0x10b: {  	v6 =	vmul.f32 v6, v5;
	_ =	sdelay $0x1  }
0x10c: {  	v6 =	vsub.f32 $1.500000000e+00, v6;
	_ =	sdelay $0x1  }
0x10d: {  	v7 =	vld [tilespmem:s0+$0x2EE0];
	v5 =	vmul.f32 v6, v5  }
0x10e: {  	v6 =	vld [tilespmem:s0+$0x36B0]  }
0x10f: {  	v4 =	vmul.f32 v5, v4;
	_ =	sdelay $0x1  }
0x110: {  	v4 =	vmul.f32 v4, v5  }
0x111: {  	v8 =	vmul.f32 v7, v2;
	v7 =	vmul.f32 v7, v0  }
0x112: {  	v9 =	vmul.f32 v6, v3;
	v6 =	vmul.f32 v6, v1;
	v4 =	vsub.f32 $1.500000000e+00, v4;
	_ =	sdelay $0x1  }
0x113: {  	v6 =	vadd.f32 v6, v7;
	v4 =	vmul.f32 v4, v5;
	v5 =	vadd.f32 v9, v8;
	_ =	sdelay $0x1  }
0x114: {  	v5 =	vmul.f32 v4, v5;
	v4 =	vmul.f32 v4, v6;
	_ =	sdelay $0x1  }
0x115: {  	v6 =	vshrl.u32 v5, $0x10;
	v7 =	vshrl.u32 v4, $0x10  }
0x116: {  	v6 =	vand.u32 $0x1, v6;
	v7 =	vand.u32 $0x1, v7  }
0x117: {  	v5 =	vadd.s32 v6, v5;
	v4 =	vadd.s32 v7, v4  }
0x118: {  	v5 =	vadd.s32 $0x7FFF, v5;
	v4 =	vadd.s32 $0x7FFF, v4  }
0x119: {  	v5 =	vshrl.u32 v5, $0x10;
	v4 =	vand.u32 $0xFFFF0000, v4  }
0x11a: {  	v4 =	vor.u32 v5, v4  }
0x11b: {  	s1 =	rddreg [dreg:$0x17];
	[tilespmem:s0+$0x1F40] =	vst v4  }
0x11c: {  	[spmem:s1] =	stream.linear.scatter [tilespmem:s9], [sflag:$0x5], $0x7C0, $0x38;
	[tilespmem:$0x1FE80] =	vst v63  }
0x11d: {  	_ =	swait.ge [sflag:s8], $0x7C0  }
0x11e: {  	[sflag:s8] =	ssyncset.done $0x0  }
0x11f: {  	s0 =	simm.s32 $0x0;
	s1 =	rddreg [dreg:$0x10];
	[sflag:s8] =	ssyncadd.s32 $0xFFFFF840  }
0x120: {  	[tilespmem:s9], [sflag:$0x5] =	stream.linear.gather [hbm4b:s1+s0], $0x1A0, $0x38;
	[tilespmem:$0x1FE80] =	vst v63  }
0x121: {  	_ =	swait.ge [sflag:s8], $0x1A0  }
0x122: {  	s4 =	sld [smem:$0x7F6]  }
0x123: {  	[sflag:s8] =	ssyncset.done $0x0  }
0x124: {  	[sflag:s8] =	ssyncadd.s32 $0xFFFFFE60  }
0x125: {  	[tilespmem:s10], [sflag:$0x5] =	stream.linear.gather [hbm4b:s4+s0], $0x1A0, $0x38;
	[tilespmem:$0x1FE80] =	vst v63  }
0x126: {  	_ =	swait.ge [sflag:s8], $0x1A0  }
0x127: {  	[sflag:s8] =	ssyncset.done $0x0  }
0x128: {  	s11 =	rddreg [dreg:$0x12];
	[sflag:s8] =	ssyncadd.s32 $0xFFFFFE60  }
0x129: {  	[tilespmem:s15], [sflag:$0x5] =	stream.linear.gather [hbm4b:s11+s0], $0x1A0, $0x38;
	[tilespmem:$0x1FE80] =	vst v63  }
0x12a: {  	_ =	swait.ge [sflag:s8], $0x1A0  }
0x12b: {  	[sflag:s8] =	ssyncset.done $0x0  }
0x12c: {  	s12 =	rddreg [dreg:$0x13];
	[sflag:s8] =	ssyncadd.s32 $0xFFFFFE60  }
0x12d: {  	[tilespmem:s17], [sflag:$0x5] =	stream.linear.gather [hbm4b:s12+s0], $0x1A0, $0x38;
	[tilespmem:$0x1FE80] =	vst v63  }
0x12e: {  	_ =	swait.ge [sflag:s8], $0x1A0  }
0x12f: {  	[sflag:s8] =	ssyncset.done $0x0  }
0x130: {  	s0 =	simm.s32 $0x0;
	[sflag:s8] =	ssyncadd.s32 $0xFFFFFE60  }
0x131: {  	s4 =	simm.s32 $0x40;
	v4 =	vld [tilespmem:s0+$0x2710]  }
.LBB2_8:
0x132: {  	p1 =	sne.s32 s4, $0x640;
	v5 =	vld [tilespmem:s0+$0x1F40];
	_ =	sdelay $0x4  }
0x133: {  	v4 =	vadd.f32 v4, v5;
	_ =	sdelay $0x1  }
0x134: {  	v4 =	vadd.f32 $1.000000000e+00, v4;
	_ =	sdelay $0x1  }
0x135: {  	v5 =	vshrl.u32 v4, $0x1;
	v4 =	vmul.f32 $5.000000000e-01, v4  }
0x136: {  	v5 =	vsub.s32 $0x5F3759DF, v5  }
0x137: {  	v6 =	vmul.f32 v5, v4;
	_ =	sdelay $0x1  }
0x138: {  	v6 =	vmul.f32 v5, v6;
	_ =	sdelay $0x1  }
0x139: {  	v6 =	vsub.f32 $1.500000000e+00, v6;
	_ =	sdelay $0x1  }
0x13a: {  	v5 =	vmul.f32 v5, v6;
	_ =	sdelay $0x1  }
0x13b: {  	v6 =	vmul.f32 v5, v4;
	_ =	sdelay $0x1  }
0x13c: {  	v6 =	vmul.f32 v6, v5;
	_ =	sdelay $0x1  }
0x13d: {  	v6 =	vsub.f32 $1.500000000e+00, v6  }
0x13e: {  	v7 =	vld [tilespmem:s0+$0x2EE0]  }
0x13f: {  	v5 =	vmul.f32 v6, v5;
	v6 =	vld [tilespmem:s0+$0x36B0];
	_ =	sdelay $0x1  }
0x140: {  	v4 =	vmul.f32 v5, v4;
	_ =	sdelay $0x1  }
0x141: {  	v4 =	vmul.f32 v4, v5  }
0x142: {  	v8 =	vmul.f32 v7, v2;
	v9 =	vmul.f32 v6, v3  }
0x143: {  	v7 =	vmul.f32 v7, v0;
	v6 =	vmul.f32 v6, v1;
	v4 =	vsub.f32 $1.500000000e+00, v4;
	_ =	sdelay $0x1  }
0x144: {  	v6 =	vadd.f32 v6, v7;
	v4 =	vmul.f32 v4, v5;
	v5 =	vadd.f32 v9, v8;
	_ =	sdelay $0x1  }
0x145: {  	v5 =	vmul.f32 v4, v5;
	v4 =	vmul.f32 v4, v6;
	_ =	sdelay $0x1  }
0x146: {  	v6 =	vshrl.u32 v5, $0x10;
	v7 =	vshrl.u32 v4, $0x10  }
0x147: {  	v6 =	vand.u32 $0x1, v6;
	v7 =	vand.u32 $0x1, v7  }
.Ltmp3:
0x148: {  	v5 =	vadd.s32 v6, v5;
	v4 =	vadd.s32 v7, v4;
	(pc) =	sbr.rel @p1 .LBB2_8-.Ltmp3, $4  }
0x149: {  	v5 =	vadd.s32 $0x7FFF, v5;
	v4 =	vadd.s32 $0x7FFF, v4  }
0x14a: {  	v5 =	vshrl.u32 v5, $0x10;
	v4 =	vand.u32 $0xFFFF0000, v4  }
0x14b: {  	s1 =	sshra.s32 s4, $0x2;
	v5 =	vor.u32 v5, v4  }
0x14c: {  	s4 =	sadd.s32 $0x40, s4;
	v4 =	vld [tilespmem:s1+$0x2710];
	[tilespmem:s0+$0x1F40] =	vst v5;
	s0 =	smov.u32 s1  }
0x14d: {  	v5 =	vld [tilespmem:s0+$0x1F40];
	_ =	sdelay $0x4  }
0x14e: {  	v4 =	vadd.f32 v4, v5;
	_ =	sdelay $0x1  }
0x14f: {  	v4 =	vadd.f32 $1.000000000e+00, v4;
	_ =	sdelay $0x1  }
0x150: {  	v60 =	vshrl.u32 v4, $0x1;
	v4 =	vmul.f32 $5.000000000e-01, v4  }
0x151: {  	v5 =	vsub.s32 $0x5F3759DF, v60  }
0x152: {  	v6 =	vmul.f32 v5, v4;
	_ =	sdelay $0x1  }
0x153: {  	v6 =	vmul.f32 v5, v6;
	_ =	sdelay $0x1  }
0x154: {  	v6 =	vsub.f32 $1.500000000e+00, v6;
	_ =	sdelay $0x1  }
0x155: {  	v5 =	vmul.f32 v5, v6;
	_ =	sdelay $0x1  }
0x156: {  	v6 =	vmul.f32 v5, v4;
	_ =	sdelay $0x1  }
0x157: {  	v6 =	vmul.f32 v6, v5;
	_ =	sdelay $0x1  }
0x158: {  	v6 =	vsub.f32 $1.500000000e+00, v6  }
0x159: {  	v7 =	vld [tilespmem:s0+$0x2EE0]  }
0x15a: {  	v61 =	vld [tilespmem:s0+$0x36B0];
	v5 =	vmul.f32 v6, v5;
	_ =	sdelay $0x1  }
0x15b: {  	v4 =	vmul.f32 v5, v4;
	_ =	sdelay $0x1  }
0x15c: {  	v4 =	vmul.f32 v4, v5  }
0x15d: {  	v2 =	vmul.f32 v7, v2;
	v3 =	vmul.f32 v61, v3  }
0x15e: {  	v0 =	vmul.f32 v7, v0;
	v1 =	vmul.f32 v61, v1;
	v4 =	vsub.f32 $1.500000000e+00, v4;
	_ =	sdelay $0x1  }
0x15f: {  	v2 =	vadd.f32 v3, v2;
	v0 =	vadd.f32 v1, v0;
	v4 =	vmul.f32 v4, v5;
	_ =	sdelay $0x1  }
0x160: {  	v62 =	vmul.f32 v4, v2;
	v0 =	vmul.f32 v4, v0;
	_ =	sdelay $0x1  }
0x161: {  	v2 =	vshrl.u32 v62, $0x10;
	v63 =	vshrl.u32 v0, $0x10  }
0x162: {  	v2 =	vand.u32 $0x1, v2;
	v3 =	vand.u32 $0x1, v63  }
0x163: {  	v1 =	vadd.s32 v2, v62;
	v0 =	vadd.s32 v3, v0  }
0x164: {  	v1 =	vadd.s32 $0x7FFF, v1;
	v0 =	vadd.s32 $0x7FFF, v0  }
0x165: {  	v1 =	vshrl.u32 v1, $0x10;
	v0 =	vand.u32 $0xFFFF0000, v0  }
0x166: {  	v0 =	vor.u32 v1, v0  }
0x167: {  	s12 =	rddreg [dreg:$0x18];
	[tilespmem:s0+$0x1F40] =	vst v0  }
0x168: {  	[spmem:s12] =	stream.linear.scatter [tilespmem:s9], [sflag:$0x5], $0x1A0, $0x38;
	[tilespmem:$0x1FE80] =	vst v63  }
0x169: {  	_ =	swait.ge [sflag:s8], $0x1A0  }
0x16a: {  	[sflag:s8] =	ssyncset.done $0x0  }
0x16b: {  	[sflag:s8] =	ssyncadd.s32 $0xFFFFFE60  }
0x16c: {  	[bflag:$0x0] =	sbarrier.arrive $0xFFFF  }
0x16d: {  	[tilespmem:s18], [sflag:$0x5] =	stream.linear.gather [spmem:s2], $0x18E00, $0x38;
	[tilespmem:$0x1FE80] =	vst v63  }
0x16e: {  	_ =	swait.ge [sflag:s8], $0x18E00  }
0x16f: {  	[sflag:s8] =	ssyncset.done $0x0;
	s1 =	rddreg [dreg:$0x19]  }
0x170: {  	s0 =	simm.s32 @!p0 $0x0;
	s4 =	rddreg [dreg:$0x1a];
	[sflag:s8] =	ssyncadd.s32 $0xFFFE7200  }
0x171: {  	[hbm4b:s1+s0] =	stream.linear.scatter @!p0 [tilespmem:s4], [sflag:$0x5], $0x18E0, $0x38;
	[tilespmem:$0x1FE80] =	vst v63  }
0x172: {  	s0 =	simm.s32 @!p0 $0x5  }
0x173: {  	_ =	swait.ge @!p0 [sflag:s0], $0x18E0  }
0x174: {  	[sflag:s0] =	ssyncset.done @!p0 $0x0  }
0x175: {  	[sflag:s0] =	ssyncadd.s32 @!p0 $0xFFFFE720  }
0x176: {  	[bflag:$0x0] =	sbarrier.arrive $0xFFFF  }
0x177: {  	s1 =	rddreg [dreg:$0x1]  }
0x178: {  	[tilespmem:s9], [sflag:$0x5] =	stream.linear.gather [hbm4b:s1+s31], $0x638, $0x38;
	[tilespmem:$0x1FE80] =	vst v63  }
0x179: {  	_ =	swait.ge [sflag:s8], $0x638  }
0x17a: {  	[sflag:s8] =	ssyncset.done $0x0  }
0x17b: {  	[sflag:s8] =	ssyncadd.s32 $0xFFFFF9C8  }
0x17c: {  	[spmem:s30] =	stream.linear.scatter [tilespmem:s9], [sflag:$0x5], $0x638, $0x38;
	[tilespmem:$0x1FE80] =	vst v63  }
0x17d: {  	_ =	swait.ge [sflag:s8], $0x638  }
0x17e: {  	[sflag:s8] =	ssyncset.done $0x0  }
0x17f: {  	[sflag:s8] =	ssyncadd.s32 $0xFFFFF9C8  }
0x180: {  	[spmem:s6] =	stream.linear.scatter [tilespmem:s9], [sflag:$0x5], $0x638, $0x38;
	[tilespmem:$0x1FE80] =	vst v63  }
0x181: {  	_ =	swait.ge [sflag:s8], $0x638  }
0x182: {  	s4 =	sld [smem:$0x7F7]  }
0x183: {  	[sflag:s8] =	ssyncset.done $0x0  }
0x184: {  	[sflag:s8] =	ssyncadd.s32 $0xFFFFF9C8  }
0x185: {  	[tilespmem:s9], [sflag:$0x5] =	stream.linear.gather [hbm4b:s4+s31], $0x638, $0x38;
	[tilespmem:$0x1FE80] =	vst v63  }
0x186: {  	_ =	swait.ge [sflag:s8], $0x638  }
0x187: {  	[sflag:s8] =	ssyncset.done $0x0  }
0x188: {  	[sflag:s8] =	ssyncadd.s32 $0xFFFFF9C8  }
0x189: {  	[spmem:s16] =	stream.linear.scatter [tilespmem:s9], [sflag:$0x5], $0x638, $0x38;
	[tilespmem:$0x1FE80] =	vst v63  }
0x18a: {  	_ =	swait.ge [sflag:s8], $0x638  }
0x18b: {  	[sflag:s8] =	ssyncset.done $0x0  }
0x18c: {  	s11 =	smov.u32 s6;
	s6 =	rddreg [dreg:$0x1b];
	[sflag:s8] =	ssyncadd.s32 $0xFFFFF9C8  }
0x18d: {  	[spmem:s6] =	stream.linear.scatter [tilespmem:s9], [sflag:$0x5], $0x638, $0x38;
	[tilespmem:$0x1FE80] =	vst v63  }
0x18e: {  	_ =	swait.ge [sflag:s8], $0x638  }
0x18f: {  	s12 =	smov.u32 s16;
	s16 =	sld [smem:$0x7F8]  }
0x190: {  	[sflag:s8] =	ssyncset.done $0x0  }
0x191: {  	[sflag:s8] =	ssyncadd.s32 $0xFFFFF9C8  }
0x192: {  	[tilespmem:s9], [sflag:$0x5] =	stream.linear.gather [hbm4b:s16+s31], $0x638, $0x38;
	[tilespmem:$0x1FE80] =	vst v63  }
0x193: {  	_ =	swait.ge [sflag:s8], $0x638  }
0x194: {  	[sflag:s8] =	ssyncset.done $0x0  }
0x195: {  	s1 =	rddreg [dreg:$0x1c];
	[sflag:s8] =	ssyncadd.s32 $0xFFFFF9C8  }
0x196: {  	[spmem:s1] =	stream.linear.scatter [tilespmem:s9], [sflag:$0x5], $0x638, $0x38;
	[tilespmem:$0x1FE80] =	vst v63  }
0x197: {  	_ =	swait.ge [sflag:s8], $0x638  }
0x198: {  	[sflag:s8] =	ssyncset.done $0x0  }
0x199: {  	s4 =	rddreg [dreg:$0x1d];
	[sflag:s8] =	ssyncadd.s32 $0xFFFFF9C8  }
0x19a: {  	[spmem:s4] =	stream.linear.scatter [tilespmem:s9], [sflag:$0x5], $0x638, $0x38;
	[tilespmem:$0x1FE80] =	vst v63  }
0x19b: {  	_ =	swait.ge [sflag:s8], $0x638  }
0x19c: {  	s6 =	sld [smem:$0x7F9]  }
0x19d: {  	[sflag:s8] =	ssyncset.done $0x0  }
0x19e: {  	[sflag:s8] =	ssyncadd.s32 $0xFFFFF9C8  }
0x19f: {  	[tilespmem:s9], [sflag:$0x5] =	stream.linear.gather [hbm4b:s6+s31], $0x638, $0x38;
	[tilespmem:$0x1FE80] =	vst v63  }
0x1a0: {  	_ =	swait.ge [sflag:s8], $0x638  }
0x1a1: {  	[sflag:s8] =	ssyncset.done $0x0  }
0x1a2: {  	s16 =	rddreg [dreg:$0x1e];
	[sflag:s8] =	ssyncadd.s32 $0xFFFFF9C8  }
0x1a3: {  	[spmem:s16] =	stream.linear.scatter [tilespmem:s9], [sflag:$0x5], $0x638, $0x38;
	[tilespmem:$0x1FE80] =	vst v63  }
0x1a4: {  	_ =	swait.ge [sflag:s8], $0x638  }
0x1a5: {  	[sflag:s8] =	ssyncset.done $0x0  }
0x1a6: {  	[sflag:s8] =	ssyncadd.s32 $0xFFFFF9C8  }
0x1a7: {  	[spmem:s13] =	stream.linear.scatter [tilespmem:s9], [sflag:$0x5], $0x638, $0x38;
	[tilespmem:$0x1FE80] =	vst v63  }
0x1a8: {  	_ =	swait.ge [sflag:s8], $0x638  }
0x1a9: {  	[sflag:s8] =	ssyncset.done $0x0  }
0x1aa: {  	[sflag:s8] =	ssyncadd.s32 $0xFFFFF9C8  }
0x1ab: {  	s16 =	simm.s32 $0x0;
	[bflag:$0x0] =	sbarrier.arrive $0xFFFF  }
.LBB2_10:
0x1ac: {  	p1 =	seq.s32 s16, $0x0  }
0x1ad: {  	s1 =	simm.s32 @!p1 $0x3  }
0x1ae: {  	_ =	swait.ge @!p1 [sflag:s1], $0x7D0  }
0x1af: {  	s0 =	smul.u32 $0xFA0, s16;
	[sflag:s1] =	ssyncset.done @!p1 $0x0  }
0x1b0: {  	[sflag:s1] =	ssyncadd.s32 @!p1 $0xFFFFF830  }
0x1b1: {  	s4 =	sadd.s32 s14, s0;
	_ =	swait.ge @!p1 [sflag:s1], $0x7D0  }
0x1b2: {  	s4 =	sshrl.u32 s4, $0x3;
	[sflag:s1] =	ssyncset.done @!p1 $0x0  }
0x1b3: {  	s6 =	sadd.s32 s22, s4;
	[sflag:s1] =	ssyncadd.s32 @!p1 $0xFFFFF830  }
0x1b4: {  	[tilespmem:s31], [sflag:$0x1] =	stream.linear.gather [hbm4b:s6+s31], $0x7D0, $0x38;
	[tilespmem:$0x1FE80] =	vst v63  }
0x1b5: {  	s6 =	sadd.s32 s23, s4  }
0x1b6: {  	[tilespmem:s19], [sflag:$0x1] =	stream.linear.gather [hbm4b:s6+s31], $0x7D0, $0x38;
	[tilespmem:$0x1FE80] =	vst v63  }
0x1b7: {  	_ =	swait.ge [sflag:s20], $0x7D0  }
0x1b8: {  	[sflag:s20] =	ssyncset.done $0x0  }
0x1b9: {  	[sflag:s20] =	ssyncadd.s32 $0xFFFFF830  }
0x1ba: {  	_ =	swait.ge [sflag:s20], $0x7D0  }
0x1bb: {  	[sflag:s20] =	ssyncset.done $0x0  }
0x1bc: {  	s4 =	simm.s32 $0x0;
	[sflag:s20] =	ssyncadd.s32 $0xFFFFF830  }
0x1bd: {  	v0 =	vld [tilespmem:s4+$0x0];
	_ =	sdelay $0x6  }
0x1be: {  	v1 =	vld [tilespmem:s4+$0x10]  }
0x1bf: {  	v0 =	vld.idx.msk [tilespmem:v0+s18+$0x0], $0xffff;
	_ =	sdelay $0x4  }
0x1c0: {  	v2 =	vshll.u32 v0, $0x10  }
0x1c1: {  	v0 =	vand.u32 $0xFFFF0000, v0;
	[tilespmem:s4+$0x1F40] =	vst v2  }
0x1c2: {  	[tilespmem:s4+$0x2EE0] =	vst v0  }
0x1c3: {  	v0 =	vld.idx.msk [tilespmem:v1+s18+$0x0], $0xffff  }
0x1c4: {  	v1 =	vld [tilespmem:s4+$0x20];
	_ =	sdelay $0x4  }
0x1c5: {  	v2 =	vshll.u32 v0, $0x10  }
0x1c6: {  	v0 =	vand.u32 $0xFFFF0000, v0;
	[tilespmem:s4+$0x1F50] =	vst v2  }
0x1c7: {  	[tilespmem:s4+$0x2EF0] =	vst v0  }
0x1c8: {  	v0 =	vld.idx.msk [tilespmem:v1+s18+$0x0], $0xffff  }
0x1c9: {  	v1 =	vld [tilespmem:s4+$0x30];
	_ =	sdelay $0x4  }
0x1ca: {  	v2 =	vshll.u32 v0, $0x10  }
0x1cb: {  	v0 =	vand.u32 $0xFFFF0000, v0;
	[tilespmem:s4+$0x1F60] =	vst v2  }
0x1cc: {  	[tilespmem:s4+$0x2F00] =	vst v0  }
0x1cd: {  	v0 =	vld.idx.msk [tilespmem:v1+s18+$0x0], $0xffff  }
0x1ce: {  	v1 =	vld [tilespmem:s4+$0x40];
	_ =	sdelay $0x3  }
0x1cf: {  	v2 =	vand.u32 $0xFFFF0000, v0  }
0x1d0: {  	v0 =	vshll.u32 v0, $0x10;
	[tilespmem:s4+$0x2F10] =	vst v2  }
0x1d1: {  	s6 =	simm.s32 $0x50;
	[tilespmem:s4+$0x1F70] =	vst v0  }
0x1d2: {  	v0 =	vld [tilespmem:s6+$0x0]  }
0x1d3: {  	v1 =	vld.idx.msk [tilespmem:v1+s18+$0x0], $0xffff;
	_ =	sdelay $0x1  }
0x1d4: {  	s1 =	simm.s32 $0x280  }
.LBB2_11:
0x1d5: {  	p2 =	sne.s32 s1, $0x1E00;
	_ =	sdelay $0x1  }
0x1d6: {  	v2 =	vshll.u32 v1, $0x10;
	v1 =	vand.u32 $0xFFFF0000, v1  }
0x1d7: {  	[tilespmem:s4+$0x1F80] =	vst v2  }
0x1d8: {  	[tilespmem:s4+$0x2F20] =	vst v1;
	s4 =	smov.u32 s6  }
0x1d9: {  	v0 =	vld.idx.msk [tilespmem:v0+s18+$0x0], $0xffff  }
0x1da: {  	v1 =	vld [tilespmem:s4+$0x10];
	_ =	sdelay $0x4  }
0x1db: {  	v2 =	vshll.u32 v0, $0x10  }
0x1dc: {  	v0 =	vand.u32 $0xFFFF0000, v0;
	[tilespmem:s4+$0x1F40] =	vst v2  }
0x1dd: {  	[tilespmem:s4+$0x2EE0] =	vst v0  }
0x1de: {  	v0 =	vld.idx.msk [tilespmem:v1+s18+$0x0], $0xffff  }
0x1df: {  	v1 =	vld [tilespmem:s4+$0x20];
	_ =	sdelay $0x4  }
0x1e0: {  	v2 =	vshll.u32 v0, $0x10  }
0x1e1: {  	v0 =	vand.u32 $0xFFFF0000, v0;
	[tilespmem:s4+$0x1F50] =	vst v2  }
0x1e2: {  	[tilespmem:s4+$0x2EF0] =	vst v0  }
0x1e3: {  	v0 =	vld.idx.msk [tilespmem:v1+s18+$0x0], $0xffff  }
0x1e4: {  	v1 =	vld [tilespmem:s4+$0x30];
	_ =	sdelay $0x4  }
0x1e5: {  	v2 =	vshll.u32 v0, $0x10  }
0x1e6: {  	v0 =	vand.u32 $0xFFFF0000, v0;
	[tilespmem:s4+$0x1F60] =	vst v2  }
0x1e7: {  	[tilespmem:s4+$0x2F00] =	vst v0  }
0x1e8: {  	v0 =	vld.idx.msk [tilespmem:v1+s18+$0x0], $0xffff  }
0x1e9: {  	v1 =	vld [tilespmem:s4+$0x40];
	_ =	sdelay $0x4  }
0x1ea: {  	v2 =	vshll.u32 v0, $0x10;
	v0 =	vand.u32 $0xFFFF0000, v0  }
0x1eb: {  	[tilespmem:s4+$0x2F10] =	vst v0  }
.Ltmp4:
0x1ec: {  	[tilespmem:s4+$0x1F70] =	vst v2;
	(pc) =	sbr.rel @p2 .LBB2_11-.Ltmp4, $3  }
0x1ed: {  	s6 =	sshra.s32 s1, $0x2;
	v1 =	vld.idx.msk [tilespmem:v1+s18+$0x0], $0xffff  }
0x1ee: {  	v0 =	vld [tilespmem:s6+$0x0];
	_ =	sdelay $0x1  }
0x1ef: {  	s1 =	sadd.s32 $0x140, s1  }
0x1f0: {  	_ =	sdelay $0x2  }
0x1f1: {  	v2 =	vshll.u32 v1, $0x10  }
0x1f2: {  	v1 =	vand.u32 $0xFFFF0000, v1;
	[tilespmem:s4+$0x1F80] =	vst v2  }
0x1f3: {  	[tilespmem:s4+$0x2F20] =	vst v1  }
0x1f4: {  	v0 =	vld.idx.msk [tilespmem:v0+s18+$0x0], $0xffff  }
0x1f5: {  	v1 =	vld [tilespmem:s6+$0x10];
	_ =	sdelay $0x4  }
0x1f6: {  	v2 =	vshll.u32 v0, $0x10  }
0x1f7: {  	v0 =	vand.u32 $0xFFFF0000, v0;
	[tilespmem:s6+$0x1F40] =	vst v2  }
0x1f8: {  	[tilespmem:s6+$0x2EE0] =	vst v0  }
0x1f9: {  	v0 =	vld.idx.msk [tilespmem:v1+s18+$0x0], $0xffff  }
0x1fa: {  	v1 =	vld [tilespmem:s6+$0x20];
	_ =	sdelay $0x4  }
0x1fb: {  	v2 =	vshll.u32 v0, $0x10  }
0x1fc: {  	v0 =	vand.u32 $0xFFFF0000, v0;
	[tilespmem:s6+$0x1F50] =	vst v2  }
0x1fd: {  	[tilespmem:s6+$0x2EF0] =	vst v0  }
0x1fe: {  	v0 =	vld.idx.msk [tilespmem:v1+s18+$0x0], $0xffff  }
0x1ff: {  	v1 =	vld [tilespmem:s6+$0x30];
	_ =	sdelay $0x4  }
0x200: {  	v2 =	vshll.u32 v0, $0x10  }
0x201: {  	v0 =	vand.u32 $0xFFFF0000, v0;
	[tilespmem:s6+$0x1F60] =	vst v2  }
0x202: {  	[tilespmem:s6+$0x2F00] =	vst v0  }
0x203: {  	v0 =	vld.idx.msk [tilespmem:v1+s18+$0x0], $0xffff  }
0x204: {  	v1 =	vld [tilespmem:s6+$0x40];
	_ =	sdelay $0x4  }
0x205: {  	v2 =	vand.u32 $0xFFFF0000, v0  }
0x206: {  	v0 =	vshll.u32 v0, $0x10;
	[tilespmem:s6+$0x2F10] =	vst v2  }
0x207: {  	[tilespmem:s6+$0x1F70] =	vst v0  }
0x208: {  	v0 =	vld.idx.msk [tilespmem:v1+s18+$0x0], $0xffff;
	_ =	sdelay $0x4  }
0x209: {  	v1 =	vshll.u32 v0, $0x10  }
0x20a: {  	v0 =	vand.u32 $0xFFFF0000, v0;
	[tilespmem:s6+$0x1F80] =	vst v1  }
0x20b: {  	[tilespmem:s6+$0x2F20] =	vst v0  }
0x20c: {  	[spmem:s2] =	stream.indirect.scatter.add.f32 [tilespmem:s9], [sflag:$0x3], $0x1, s19, s21, $0xb8;
	[tilespmem:$0x1FE80] =	vst v63  }
0x20d: {  	s1 =	simm.s32 @!p1 $0x4  }
0x20e: {  	[spmem:s3] =	stream.indirect.scatter.add.f32 [tilespmem:s15], [sflag:$0x3], $0x1, s19, s21, $0xb8;
	[tilespmem:$0x1FE80] =	vst v63  }
0x20f: {  	_ =	swait.ge @!p1 [sflag:s1], $0x7D0  }
0x210: {  	[sflag:s1] =	ssyncset.done @!p1 $0x0  }
0x211: {  	[sflag:s1] =	ssyncadd.s32 @!p1 $0xFFFFF830  }
0x212: {  	s0 =	sadd.s32 s26, s0;
	_ =	swait.ge @!p1 [sflag:s1], $0x7D0  }
0x213: {  	s0 =	sshrl.u32 s0, $0x3;
	[sflag:s1] =	ssyncset.done @!p1 $0x0  }
0x214: {  	s4 =	sadd.s32 s22, s0;
	s6 =	simm.s32 $0x0;
	[sflag:s1] =	ssyncadd.s32 @!p1 $0xFFFFF830  }
0x215: {  	[tilespmem:s21], [sflag:$0x2] =	stream.linear.gather [hbm4b:s4+s6], $0x7D0, $0x38;
	[tilespmem:$0x1FE80] =	vst v63  }
0x216: {  	s0 =	sadd.s32 s23, s0  }
0x217: {  	[tilespmem:s24], [sflag:$0x2] =	stream.linear.gather [hbm4b:s0+s6], $0x7D0, $0x38;
	[tilespmem:$0x1FE80] =	vst v63  }
0x218: {  	_ =	swait.ge [sflag:s25], $0x7D0  }
0x219: {  	[sflag:s25] =	ssyncset.done $0x0  }
0x21a: {  	[sflag:s25] =	ssyncadd.s32 $0xFFFFF830  }
0x21b: {  	_ =	swait.ge [sflag:s25], $0x7D0  }
0x21c: {  	[sflag:s25] =	ssyncset.done $0x0  }
0x21d: {  	s0 =	simm.s32 $0x0;
	[sflag:s25] =	ssyncadd.s32 $0xFFFFF830  }
0x21e: {  	v0 =	vld [tilespmem:s0+$0x7D0];
	_ =	sdelay $0x6  }
0x21f: {  	v1 =	vld [tilespmem:s0+$0x7E0]  }
0x220: {  	v0 =	vld.idx.msk [tilespmem:v0+s18+$0x0], $0xffff;
	_ =	sdelay $0x4  }
0x221: {  	v2 =	vshll.u32 v0, $0x10  }
0x222: {  	v0 =	vand.u32 $0xFFFF0000, v0;
	[tilespmem:s0+$0x2710] =	vst v2  }
0x223: {  	[tilespmem:s0+$0x36B0] =	vst v0  }
0x224: {  	v0 =	vld.idx.msk [tilespmem:v1+s18+$0x0], $0xffff  }
0x225: {  	v1 =	vld [tilespmem:s0+$0x7F0];
	_ =	sdelay $0x4  }
0x226: {  	v2 =	vshll.u32 v0, $0x10  }
0x227: {  	v0 =	vand.u32 $0xFFFF0000, v0;
	[tilespmem:s0+$0x2720] =	vst v2  }
0x228: {  	[tilespmem:s0+$0x36C0] =	vst v0  }
0x229: {  	v0 =	vld.idx.msk [tilespmem:v1+s18+$0x0], $0xffff  }
0x22a: {  	v1 =	vld [tilespmem:s0+$0x800];
	_ =	sdelay $0x4  }
0x22b: {  	v2 =	vshll.u32 v0, $0x10  }
0x22c: {  	v0 =	vand.u32 $0xFFFF0000, v0;
	[tilespmem:s0+$0x2730] =	vst v2  }
0x22d: {  	[tilespmem:s0+$0x36D0] =	vst v0  }
0x22e: {  	v0 =	vld.idx.msk [tilespmem:v1+s18+$0x0], $0xffff  }
0x22f: {  	v1 =	vld [tilespmem:s0+$0x810];
	_ =	sdelay $0x3  }
0x230: {  	v2 =	vand.u32 $0xFFFF0000, v0  }
0x231: {  	v0 =	vshll.u32 v0, $0x10;
	[tilespmem:s0+$0x36E0] =	vst v2  }
0x232: {  	s4 =	simm.s32 $0x50;
	[tilespmem:s0+$0x2740] =	vst v0  }
0x233: {  	v0 =	vld [tilespmem:s4+$0x7D0]  }
0x234: {  	v1 =	vld.idx.msk [tilespmem:v1+s18+$0x0], $0xffff;
	_ =	sdelay $0x1  }
0x235: {  	s1 =	simm.s32 $0x280  }
.LBB2_13:
0x236: {  	p1 =	sne.s32 s1, $0x1E00;
	_ =	sdelay $0x1  }
0x237: {  	v2 =	vshll.u32 v1, $0x10;
	v1 =	vand.u32 $0xFFFF0000, v1  }
0x238: {  	[tilespmem:s0+$0x2750] =	vst v2  }
0x239: {  	[tilespmem:s0+$0x36F0] =	vst v1;
	s0 =	smov.u32 s4  }
0x23a: {  	v0 =	vld.idx.msk [tilespmem:v0+s18+$0x0], $0xffff  }
0x23b: {  	v1 =	vld [tilespmem:s0+$0x7E0];
	_ =	sdelay $0x4  }
0x23c: {  	v2 =	vshll.u32 v0, $0x10  }
0x23d: {  	v0 =	vand.u32 $0xFFFF0000, v0;
	[tilespmem:s0+$0x2710] =	vst v2  }
0x23e: {  	[tilespmem:s0+$0x36B0] =	vst v0  }
0x23f: {  	v0 =	vld.idx.msk [tilespmem:v1+s18+$0x0], $0xffff  }
0x240: {  	v1 =	vld [tilespmem:s0+$0x7F0];
	_ =	sdelay $0x4  }
0x241: {  	v2 =	vshll.u32 v0, $0x10  }
0x242: {  	v0 =	vand.u32 $0xFFFF0000, v0;
	[tilespmem:s0+$0x2720] =	vst v2  }
0x243: {  	[tilespmem:s0+$0x36C0] =	vst v0  }
0x244: {  	v0 =	vld.idx.msk [tilespmem:v1+s18+$0x0], $0xffff  }
0x245: {  	v1 =	vld [tilespmem:s0+$0x800];
	_ =	sdelay $0x4  }
0x246: {  	v2 =	vshll.u32 v0, $0x10  }
0x247: {  	v0 =	vand.u32 $0xFFFF0000, v0;
	[tilespmem:s0+$0x2730] =	vst v2  }
0x248: {  	[tilespmem:s0+$0x36D0] =	vst v0  }
0x249: {  	v0 =	vld.idx.msk [tilespmem:v1+s18+$0x0], $0xffff  }
0x24a: {  	v1 =	vld [tilespmem:s0+$0x810];
	_ =	sdelay $0x4  }
0x24b: {  	v2 =	vshll.u32 v0, $0x10;
	v0 =	vand.u32 $0xFFFF0000, v0  }
0x24c: {  	[tilespmem:s0+$0x36E0] =	vst v0  }
.Ltmp5:
0x24d: {  	[tilespmem:s0+$0x2740] =	vst v2;
	(pc) =	sbr.rel @p1 .LBB2_13-.Ltmp5, $3  }
0x24e: {  	s4 =	sshra.s32 s1, $0x2;
	v1 =	vld.idx.msk [tilespmem:v1+s18+$0x0], $0xffff  }
0x24f: {  	v0 =	vld [tilespmem:s4+$0x7D0];
	_ =	sdelay $0x1  }
0x250: {  	s1 =	sadd.s32 $0x140, s1  }
0x251: {  	_ =	sdelay $0x2  }
0x252: {  	v2 =	vshll.u32 v1, $0x10  }
0x253: {  	v56 =	vand.u32 $0xFFFF0000, v1;
	[tilespmem:s0+$0x2750] =	vst v2  }
0x254: {  	[tilespmem:s0+$0x36F0] =	vst v56  }
0x255: {  	v0 =	vld.idx.msk [tilespmem:v0+s18+$0x0], $0xffff  }
0x256: {  	v1 =	vld [tilespmem:s4+$0x7E0];
	_ =	sdelay $0x4  }
0x257: {  	v57 =	vshll.u32 v0, $0x10  }
0x258: {  	v0 =	vand.u32 $0xFFFF0000, v0;
	[tilespmem:s4+$0x2710] =	vst v57  }
0x259: {  	v58 =	vld [tilespmem:s4+$0x7F0];
	[tilespmem:s4+$0x36B0] =	vst v0  }
0x25a: {  	v0 =	vld.idx.msk [tilespmem:v1+s18+$0x0], $0xffff;
	_ =	sdelay $0x4  }
0x25b: {  	v59 =	vshll.u32 v0, $0x10  }
0x25c: {  	v0 =	vand.u32 $0xFFFF0000, v0;
	[tilespmem:s4+$0x2720] =	vst v59  }
0x25d: {  	v60 =	vld [tilespmem:s4+$0x800];
	[tilespmem:s4+$0x36C0] =	vst v0  }
0x25e: {  	v0 =	vld.idx.msk [tilespmem:v58+s18+$0x0], $0xffff;
	_ =	sdelay $0x4  }
0x25f: {  	v61 =	vshll.u32 v0, $0x10  }
0x260: {  	v0 =	vand.u32 $0xFFFF0000, v0;
	[tilespmem:s4+$0x2730] =	vst v61  }
0x261: {  	v62 =	vld [tilespmem:s4+$0x810];
	[tilespmem:s4+$0x36D0] =	vst v0  }
0x262: {  	v0 =	vld.idx.msk [tilespmem:v60+s18+$0x0], $0xffff;
	_ =	sdelay $0x4  }
0x263: {  	v63 =	vand.u32 $0xFFFF0000, v0  }
0x264: {  	v0 =	vshll.u32 v0, $0x10;
	[tilespmem:s4+$0x36E0] =	vst v63  }
0x265: {  	[tilespmem:s4+$0x2740] =	vst v0  }
0x266: {  	v0 =	vld.idx.msk [tilespmem:v62+s18+$0x0], $0xffff;
	_ =	sdelay $0x3  }
0x267: {  	s16 =	sadd.s32 $0x1, s16  }
0x268: {  	p1 =	sne.s32 s16, $0x32;
	v1 =	vshll.u32 v0, $0x10  }
.Ltmp6:
0x269: {  	v0 =	vand.u32 $0xFFFF0000, v0;
	[tilespmem:s4+$0x2750] =	vst v1;
	(pc) =	sbr.rel @p1 .LBB2_10-.Ltmp6, $4  }
0x26a: {  	[tilespmem:s4+$0x36F0] =	vst v0  }
0x26b: {  	[spmem:s2] =	stream.indirect.scatter.add.f32 [tilespmem:s10], [sflag:$0x4], $0x1, s24, s21, $0xb8;
	[tilespmem:$0x1FE80] =	vst v63  }
0x26c: {  	_ = 	snop  }
0x26d: {  	[spmem:s3] =	stream.indirect.scatter.add.f32 [tilespmem:s17], [sflag:$0x4], $0x1, s24, s21, $0xb8;
	[tilespmem:$0x1FE80] =	vst v63  }
0x26e: {  	_ =	swait.ge [sflag:s28], $0x7D0  }
0x26f: {  	[sflag:s28] =	ssyncset.done $0x0  }
0x270: {  	[sflag:s28] =	ssyncadd.s32 $0xFFFFF830  }
0x271: {  	_ =	swait.ge [sflag:s28], $0x7D0  }
0x272: {  	[sflag:s28] =	ssyncset.done $0x0  }
0x273: {  	[sflag:s28] =	ssyncadd.s32 $0xFFFFF830  }
0x274: {  	_ =	swait.ge [sflag:s29], $0x7D0  }
0x275: {  	[sflag:s29] =	ssyncset.done $0x0  }
0x276: {  	[sflag:s29] =	ssyncadd.s32 $0xFFFFF830  }
0x277: {  	_ =	swait.ge [sflag:s29], $0x7D0  }
0x278: {  	[sflag:s29] =	ssyncset.done $0x0  }
0x279: {  	[sflag:s29] =	ssyncadd.s32 $0xFFFFF830  }
0x27a: {  	[bflag:$0x0] =	sbarrier.arrive $0xFFFF  }
0x27b: {  	[tilespmem:s9], [sflag:$0x5] =	stream.linear.gather [spmem:s30], $0x638, $0x38;
	[tilespmem:$0x1FE80] =	vst v63  }
0x27c: {  	_ =	swait.ge [sflag:s8], $0x638  }
0x27d: {  	[sflag:s8] =	ssyncset.done $0x0  }
0x27e: {  	s0 =	rddreg [dreg:$0x6];
	[sflag:s8] =	ssyncadd.s32 $0xFFFFF9C8  }
0x27f: {  	[hbm4b:s0+s5] =	stream.linear.scatter [tilespmem:s9], [sflag:$0x5], $0x638, $0x38;
	[tilespmem:$0x1FE80] =	vst v63  }
0x280: {  	_ =	swait.ge [sflag:s8], $0x638  }
0x281: {  	[sflag:s8] =	ssyncset.done $0x0  }
0x282: {  	[sflag:s8] =	ssyncadd.s32 $0xFFFFF9C8  }
0x283: {  	[tilespmem:s15], [sflag:$0x5] =	stream.linear.gather [spmem:s11], $0x638, $0x38;
	[tilespmem:$0x1FE80] =	vst v63  }
0x284: {  	_ =	swait.ge [sflag:s8], $0x638  }
0x285: {  	s1 =	sld [smem:$0x7FA]  }
0x286: {  	[sflag:s8] =	ssyncset.done $0x0  }
0x287: {  	[sflag:s8] =	ssyncadd.s32 $0xFFFFF9C8  }
0x288: {  	[hbm4b:s1+s5] =	stream.linear.scatter [tilespmem:s15], [sflag:$0x5], $0x638, $0x38;
	[tilespmem:$0x1FE80] =	vst v63  }
0x289: {  	_ =	swait.ge [sflag:s8], $0x638  }
0x28a: {  	[sflag:s8] =	ssyncset.done $0x0  }
0x28b: {  	[sflag:s8] =	ssyncadd.s32 $0xFFFFF9C8  }
0x28c: {  	[tilespmem:s9], [sflag:$0x5] =	stream.linear.gather [spmem:s12], $0x638, $0x38;
	[tilespmem:$0x1FE80] =	vst v63  }
0x28d: {  	_ =	swait.ge [sflag:s8], $0x638  }
0x28e: {  	[sflag:s8] =	ssyncset.done $0x0  }
0x28f: {  	s4 =	rddreg [dreg:$0x7];
	[sflag:s8] =	ssyncadd.s32 $0xFFFFF9C8  }
0x290: {  	[hbm4b:s4+s5] =	stream.linear.scatter [tilespmem:s9], [sflag:$0x5], $0x638, $0x38;
	[tilespmem:$0x1FE80] =	vst v63  }
0x291: {  	_ =	swait.ge [sflag:s8], $0x638  }
0x292: {  	[sflag:s8] =	ssyncset.done $0x0  }
0x293: {  	s6 =	smov.u32 s11;
	s11 =	rddreg [dreg:$0x1b];
	[sflag:s8] =	ssyncadd.s32 $0xFFFFF9C8  }
0x294: {  	[tilespmem:s15], [sflag:$0x5] =	stream.linear.gather [spmem:s11], $0x638, $0x38;
	[tilespmem:$0x1FE80] =	vst v63  }
0x295: {  	_ =	swait.ge [sflag:s8], $0x638  }
0x296: {  	s16 =	smov.u32 s12;
	s12 =	sld [smem:$0x7FB]  }
0x297: {  	[sflag:s8] =	ssyncset.done $0x0  }
0x298: {  	[sflag:s8] =	ssyncadd.s32 $0xFFFFF9C8  }
0x299: {  	[hbm4b:s12+s5] =	stream.linear.scatter [tilespmem:s15], [sflag:$0x5], $0x638, $0x38;
	[tilespmem:$0x1FE80] =	vst v63  }
0x29a: {  	_ =	swait.ge [sflag:s8], $0x638  }
0x29b: {  	[sflag:s8] =	ssyncset.done $0x0  }
0x29c: {  	s1 =	rddreg [dreg:$0x1c];
	[sflag:s8] =	ssyncadd.s32 $0xFFFFF9C8  }
0x29d: {  	[tilespmem:s9], [sflag:$0x5] =	stream.linear.gather [spmem:s1], $0x638, $0x38;
	[tilespmem:$0x1FE80] =	vst v63  }
0x29e: {  	_ =	swait.ge [sflag:s8], $0x638  }
0x29f: {  	[sflag:s8] =	ssyncset.done $0x0  }
0x2a0: {  	s4 =	rddreg [dreg:$0x8];
	[sflag:s8] =	ssyncadd.s32 $0xFFFFF9C8  }
0x2a1: {  	[hbm4b:s4+s5] =	stream.linear.scatter [tilespmem:s9], [sflag:$0x5], $0x638, $0x38;
	[tilespmem:$0x1FE80] =	vst v63  }
0x2a2: {  	_ =	swait.ge [sflag:s8], $0x638  }
0x2a3: {  	[sflag:s8] =	ssyncset.done $0x0  }
0x2a4: {  	s11 =	rddreg [dreg:$0x1d];
	[sflag:s8] =	ssyncadd.s32 $0xFFFFF9C8  }
0x2a5: {  	[tilespmem:s15], [sflag:$0x5] =	stream.linear.gather [spmem:s11], $0x638, $0x38;
	[tilespmem:$0x1FE80] =	vst v63  }
0x2a6: {  	_ =	swait.ge [sflag:s8], $0x638  }
0x2a7: {  	s12 =	sld [smem:$0x7FC]  }
0x2a8: {  	[sflag:s8] =	ssyncset.done $0x0  }
0x2a9: {  	[sflag:s8] =	ssyncadd.s32 $0xFFFFF9C8  }
0x2aa: {  	[hbm4b:s12+s5] =	stream.linear.scatter [tilespmem:s15], [sflag:$0x5], $0x638, $0x38;
	[tilespmem:$0x1FE80] =	vst v63  }
0x2ab: {  	_ =	swait.ge [sflag:s8], $0x638  }
0x2ac: {  	[sflag:s8] =	ssyncset.done $0x0  }
0x2ad: {  	s1 =	rddreg [dreg:$0x1e];
	[sflag:s8] =	ssyncadd.s32 $0xFFFFF9C8  }
0x2ae: {  	[tilespmem:s9], [sflag:$0x5] =	stream.linear.gather [spmem:s1], $0x638, $0x38;
	[tilespmem:$0x1FE80] =	vst v63  }
0x2af: {  	_ =	swait.ge [sflag:s8], $0x638  }
0x2b0: {  	[sflag:s8] =	ssyncset.done $0x0  }
0x2b1: {  	s4 =	rddreg [dreg:$0x9];
	[sflag:s8] =	ssyncadd.s32 $0xFFFFF9C8  }
0x2b2: {  	[hbm4b:s4+s5] =	stream.linear.scatter [tilespmem:s9], [sflag:$0x5], $0x638, $0x38;
	[tilespmem:$0x1FE80] =	vst v63  }
0x2b3: {  	_ =	swait.ge [sflag:s8], $0x638  }
0x2b4: {  	[sflag:s8] =	ssyncset.done $0x0  }
0x2b5: {  	[sflag:s8] =	ssyncadd.s32 $0xFFFFF9C8  }
0x2b6: {  	[tilespmem:s15], [sflag:$0x5] =	stream.linear.gather [spmem:s13], $0x638, $0x38;
	[tilespmem:$0x1FE80] =	vst v63  }
0x2b7: {  	_ =	swait.ge [sflag:s8], $0x638  }
0x2b8: {  	s11 =	sld [smem:$0x7FD]  }
0x2b9: {  	[sflag:s8] =	ssyncset.done $0x0  }
0x2ba: {  	[sflag:s8] =	ssyncadd.s32 $0xFFFFF9C8  }
0x2bb: {  	[hbm4b:s11+s5] =	stream.linear.scatter [tilespmem:s15], [sflag:$0x5], $0x638, $0x38;
	[tilespmem:$0x1FE80] =	vst v63  }
0x2bc: {  	_ =	swait.ge [sflag:s8], $0x638  }
0x2bd: {  	s7 =	sadd.s32 $0x1, s7;
	s12 =	rddreg [dreg:$0x1f]  }
0x2be: {  	p1 =	sne.s32 s7, s12  }
.Ltmp7:
0x2bf: {  	_ = 	snop;
	(pc) =	sbr.rel @p1 .LBB2_1-.Ltmp7, $3  }
0x2c0: {  	[sflag:s8] =	ssyncset.done $0x0  }
0x2c1: {  	[sflag:s8] =	ssyncadd.s32 $0xFFFFF9C8  }
0x2c2: {  	[bflag:$0x0] =	sbarrier.arrive $0xFFFF;
	_ =	sdelay $0x1  }
0x2c3: {  	_ =	sfence.sel $0x180000  }
0x2c4: {  	[bflag:$0x0] =	sbarrier.arrive $0xFFFF  }
0x2c5: {  	_ =	strace $0x9000004A  }
0x2c6: {  	s0 =	stileid.u32;
	[bflag:$0x2] =	sbarrier.arrive $0xFFFF  }
0x2c7: {  	p0 =	sne.s32 s0, $0x0;
	s0 =	rddreg [dreg:$0x4]  }
0x2c8: {  	s0 =	sadd.s32 @!p0 $0x100000, s0  }
0x2c9: {  	[sflag:s0] =	ssyncadd.tile.s32 @!p0 $0x1;
	_ =	shalt  }
.Lfunc_end2:
_tile_overlayer_lowered:
.L_overlay_start_2:
0x2ca: {  	(tag) =	ssettag $0x2  }
0x2cb: {  	s0 =	rddreg [dreg:$0x0];
	s2 =	stileid.u32  }
0x2cc: {  	s1 =	rddreg [dreg:$0x1];
	p0 =	sne.s32 s2, $0x0  }
0x2cd: {  	s3 =	rddreg [dreg:$0x2];
	[bflag:$0x3] =	sbarrier.arrive $0xFFFF;
	s2 =	simm.s32 @!p0 $0x1C05  }
0x2ce: {  	[timem:s3], [sflag:s2] =	dma.local @!p0 [hbm:s0], s1  }
0x2cf: {  	s0 =	simm.s32 @!p0 $0x5  }
0x2d0: {  	_ =	swait.ge @!p0 [sflag:s0], s1  }
0x2d1: {  	s1 =	ssub.s32 @!p0 $0x0, s1;
	[sflag:s0] =	ssyncset.done @!p0 $0x0  }
0x2d2: {  	[sflag:s0] =	ssyncadd.s32 @!p0 s1  }
0x2d3: {  	[bflag:$0x3] =	sbarrier.arrive $0xFFFF  }
0x2d4: {  	_ =	shalt  }

// kernel: kernel.13.cloned.1.call-start
scs
__scs_entry_jumppad:
0x0: {  	(pc) =	sbr.rel $0x88, $3  }
0x1: {  	(tag) =	ssettag $0x0;
	lr =	simm.s32 $0x1  }
0x2: {  	[smem:$0x3F9B] =	sst lr;
	_ =	strace $0xD0000000  }
0x3: {  	_ = 	snop  }
0x4: {  	_ = 	snop  }
0x5: {  	_ = 	snop  }
0x6: {  	_ = 	snop  }
0x7: {  	_ = 	snop  }
__scs_overlays_trampoline_lowered:
0x8: {  	[smem:$0x3FAA] =	sst s0  }
0x9: {  	[smem:$0x3FAB] =	sst s1  }
0xa: {  	[smem:$0x3FAC] =	sst s2  }
0xb: {  	[smem:$0x3FAD] =	sst s3  }
0xc: {  	[smem:$0x3FAE] =	sst s4  }
0xd: {  	[smem:$0x3FAF] =	sst s5  }
0xe: {  	[smem:$0x3FB0] =	sst s6  }
0xf: {  	[smem:$0x3FB1] =	sst s7  }
0x10: {  	[smem:$0x3FB2] =	sst s8  }
0x11: {  	[smem:$0x3FB3] =	sst s9;
	s0 =	simm.s32 @!p0 $0x0  }
0x12: {  	s1 =	sld [smem:$0x3F99];
	s0 =	simm.s32 @p0 $0x1  }
0x13: {  	[smem:$0x3FB4] =	sst s0;
	s0 =	simm.s32 @!p1 $0x0  }
0x14: {  	s2 =	sld [smem:$0x3F98];
	s0 =	simm.s32 @p1 $0x1  }
0x15: {  	[smem:$0x3FB5] =	sst s0;
	s0 =	simm.s32 @!p2 $0x0  }
0x16: {  	s3 =	sld [smem:$0x3FDB];
	s0 =	simm.s32 @p2 $0x1  }
0x17: {  	s4 =	simm.s32 $0x1BF5;
	[smem:$0x3FB7] =	sst s0  }
0x18: {  	s0 =	sld [smem:$0x3F9A];
	_ =	swait.ge [sflag:s4], $0x0  }
0x19: {  	s7 =	sld [smem:$0x3F9B]  }
0x1a: {  	s8 =	sadd.s32 $0xFFFFE003, lr  }
0x1b: {  	s9 =	sadd.s32 $0xFFFFFEF7, lr;
	s5 =	simm.s32 $0xFFFFFFFF;
	p2 =	slt.u32 s8, $0xFFFFF086  }
0x1c: {  	p1 =	slt.u32 s9, $0xF7A;
	s5 =	simm.s32 @!p2 $0x0  }
0x1d: {  	s5 =	simm.s32 @p1 $0x1;
	p0 =	seq.s32 s7, s2  }
0x1e: {  	s7 =	smul.u32 @!p0 $0xF7A, s2;
	p2 =	seq.s32 @!p0 s5, $0x0  }
0x1f: {  	s9 =	smul.u32 $0xF7A, s1;
	s8 =	simm.s32 @!p0 $0x1BF5;
	p2 =	por !p2, p0  }
0x20: {  	[sflag:s8] =	ssyncset.s32 @!p0 $0xFFFFF086;
	s6 =	sadd.s32 @!p0 s3, s7;
	s7 =	simm.s32 @!p0 $0x108  }
0x21: {  	s3 =	sadd.s32 s3, s9;
	s6 =	sadd.s32 @!p0 $0x88, s6;
	s7 =	simm.s32 @p2 $0x1082  }
0x22: {  	[simem:s7], [sflag:s8] =	dma.local @!p0 [hbm:s6], $0xF7A  }
0x23: {  	s9 =	sor.u32 $0xD0000000, s2;
	s6 =	simm.s32 $0x108;
	_ =	swait.ge @!p0 [sflag:s8], $0x0  }
0x24: {  	s3 =	sadd.s32 $0x88, s3;
	s6 =	simm.s32 @!p1 $0x1082;
	[sflag:s4] =	ssyncset.s32 $0xFFFFF086  }
0x25: {  	[simem:s6], [sflag:s4] =	dma.local [hbm:s3], $0xF7A  }
0x26: {  	[smem:$0x3F9B] =	sst s1;
	(tag) =	ssettag s2;
	_ =	strace s9  }
0x27: {  	s1 =	sld [smem:$0x3FAB]  }
0x28: {  	s2 =	sld [smem:$0x3FAC]  }
0x29: {  	s4 =	sld [smem:$0x3FAE]  }
0x2a: {  	p0 =	seq.s32 s5, $0x0;
	s5 =	sld [smem:$0x3FAF]  }
0x2b: {  	s6 =	sld [smem:$0x3FB0]  }
0x2c: {  	s7 =	sld [smem:$0x3FB1]  }
0x2d: {  	s3 =	simm.s32 $0x108;
	s8 =	sld [smem:$0x3FB2]  }
0x2e: {  	s3 =	simm.s32 @!p0 $0x1082;
	s9 =	sld [smem:$0x3FB3]  }
0x2f: {  	lr =	sadd.s32 s0, s3;
	s0 =	sld [smem:$0x3FAA]  }
0x30: {  	s3 =	sld [smem:$0x3FAD]  }
0x31: {  	[smem:$0x3FB6] =	sst s10  }
0x32: {  	s10 =	sld [smem:$0x3FB4];
	_ =	sdelay $0x3  }
0x33: {  	p0 =	seq.s32 s10, $0x1;
	s10 =	sld [smem:$0x3FB6];
	_ =	sdelay $0x3  }
0x34: {  	[smem:$0x3FB6] =	sst s10  }
0x35: {  	s10 =	sld [smem:$0x3FB5];
	_ =	sdelay $0x3  }
0x36: {  	p1 =	seq.s32 s10, $0x1;
	s10 =	sld [smem:$0x3FB6];
	_ =	sdelay $0x3  }
0x37: {  	[smem:$0x3FB6] =	sst s10  }
0x38: {  	s10 =	sld [smem:$0x3FB7]  }
0x39: {  	_ = 	snop;
	(pc) =	sbr.ind lr, $3  }
0x3a: {  	_ = 	snop  }
0x3b: {  	_ = 	snop  }
0x3c: {  	p2 =	seq.s32 s10, $0x1;
	s10 =	sld [smem:$0x3FB6]  }
0x3d: {  	_ =	shalt  }
0x3e: {  	_ =	shalt  }
0x3f: {  	_ =	shalt  }
0x40: {  	_ =	shalt  }
0x41: {  	_ =	shalt  }
0x42: {  	_ =	shalt  }
0x43: {  	_ =	shalt  }
0x44: {  	_ =	shalt  }
0x45: {  	_ =	shalt  }
0x46: {  	_ =	shalt  }
0x47: {  	_ =	shalt  }
0x48: {  	_ =	shalt  }
0x49: {  	_ =	shalt  }
0x4a: {  	_ =	shalt  }
0x4b: {  	_ =	shalt  }
0x4c: {  	_ =	shalt  }
0x4d: {  	_ =	shalt  }
0x4e: {  	_ =	shalt  }
0x4f: {  	_ =	shalt  }
0x50: {  	_ =	shalt  }
0x51: {  	_ =	shalt  }
0x52: {  	_ =	shalt  }
0x53: {  	_ =	shalt  }
0x54: {  	_ =	shalt  }
0x55: {  	_ =	shalt  }
0x56: {  	_ =	shalt  }
0x57: {  	_ =	shalt  }
0x58: {  	_ =	shalt  }
0x59: {  	_ =	shalt  }
0x5a: {  	_ =	shalt  }
0x5b: {  	_ =	shalt  }
0x5c: {  	_ =	shalt  }
0x5d: {  	_ =	shalt  }
0x5e: {  	_ =	shalt  }
0x5f: {  	_ =	shalt  }
0x60: {  	_ =	shalt  }
0x61: {  	_ =	shalt  }
0x62: {  	_ =	shalt  }
0x63: {  	_ =	shalt  }
0x64: {  	_ =	shalt  }
0x65: {  	_ =	shalt  }
0x66: {  	_ =	shalt  }
0x67: {  	_ =	shalt  }
0x68: {  	_ =	shalt  }
0x69: {  	_ =	shalt  }
0x6a: {  	_ =	shalt  }
0x6b: {  	_ =	shalt  }
0x6c: {  	_ =	shalt  }
0x6d: {  	_ =	shalt  }
0x6e: {  	_ =	shalt  }
0x6f: {  	_ =	shalt  }
0x70: {  	_ =	shalt  }
0x71: {  	_ =	shalt  }
0x72: {  	_ =	shalt  }
0x73: {  	_ =	shalt  }
0x74: {  	_ =	shalt  }
0x75: {  	_ =	shalt  }
0x76: {  	_ =	shalt  }
0x77: {  	_ =	shalt  }
0x78: {  	_ =	shalt  }
0x79: {  	_ =	shalt  }
0x7a: {  	_ =	shalt  }
0x7b: {  	_ =	shalt  }
0x7c: {  	_ =	shalt  }
0x7d: {  	_ =	shalt  }
0x7e: {  	_ =	shalt  }
0x7f: {  	_ =	shalt  }
0x80: {  	_ =	shalt  }
0x81: {  	_ =	shalt  }
0x82: {  	_ =	shalt  }
0x83: {  	_ =	shalt  }
0x84: {  	_ =	shalt  }
0x85: {  	_ =	shalt  }
0x86: {  	_ =	shalt  }
0x87: {  	_ =	shalt  }
.Lfunc_end0:
.L_simem_size_0:
called_computation.2_lowered:
.L_overlay_start_0:
0x88: {  	s2 =	sld [smem:$0x3FD9]  }
0x89: {  	s3 =	sld [smem:$0x3FFE];
	_ =	sdelay $0x1  }
0x8a: {  	s1 =	srdreg.scid  }
0x8b: {  	s0 =	sand.u32 $0x1, s1  }
0x8c: {  	s17 =	sshll.u32 s0, $0xA;
	s2 =	sadd.s32 s3, s2  }
0x8d: {  	s2 =	sadd.s32 s2, s17  }
0x8e: {  	[smem:$0x3FC2] =	sst s2  }
0x8f: {  	_ = 	snop  }
0x90: {  	s2 =	sld [smem:$0x3FD0];
	(tm) =	ssettm $0x1  }
0x91: {  	s18 =	sld [smem:$0x3FFB];
	_ =	sdelay $0x3  }
0x92: {  	_ =	strace s18  }
0x93: {  	s3 =	sld [smem:$0x3FFC];
	_ =	sdelay $0x3  }
0x94: {  	_ =	strace s3  }
0x95: {  	s3 =	sld [smem:$0x3FFD];
	_ =	sdelay $0x3  }
0x96: {  	_ =	strace s3  }
0x97: {  	_ =	strace $0x8FFFFFFF  }
0x98: {  	s19 =	sld [smem:$0x3FDB];
	_ =	sdelay $0x1  }
0x99: {  	s4 =	simm.s32 $_scs_section_size  }
0x9a: {  	s5 =	simm.s32 $_size__tile_overlayer_lowered;
	s6 =	simm.s32 $_tile_overlayer_lowered  }
0x9b: {  	s22 =	simm.s32 $0x1BFF;
	s21 =	sshll.u32 s6, $0x1;
	s3 =	sadd.s32 s4, s19  }
0x9c: {  	s7 =	simm.s32 $0x0;
	s20 =	sshll.u32 s5, $0x1;
	s5 =	sadd.s32 s21, s3  }
0x9d: {  	[timem:s7], [sflag:s22] =	dma.local [hbm:s5], s20  }
0x9e: {  	_ =	swait.ge [sflag:s22], s20  }
0x9f: {  	s4 =	ssub.s32 $0x0, s20;
	[sflag:s22] =	ssyncset.done $0x0  }
0xa0: {  	[sflag:s22] =	ssyncadd.s32 s4;
	_ =	sdelay $0x1  }
0xa1: {  	s23 =	simm.s32 $0x1B8B  }
0xa2: {  	_ =	swait.ge [sflag:s23], $0x1  }
0xa3: {  	[sflag:s23] =	ssyncset.done $0x0  }
0xa4: {  	s25 =	simm.s32 $0x1B8E;
	s24 =	sld [smem:$0x3FFE];
	[sflag:s23] =	ssyncadd.s32 $0xFFFFFFFF  }
0xa5: {  	s26 =	simm.s32 $execute0_lowered;
	[smem:$0x3FD2] =	sst s25  }
0xa6: {  	s5 =	sshll.u32 s26, $0x1;
	_ =	strace $0x8000004C;
	[dreg:$0x1] =	wrdreg $0xFFFFFFFF  }
0xa7: {  	s28 =	simm.s32 $_size_execute0_lowered;
	s3 =	sadd.s32 s3, s5;
	[dreg:$0x0] =	wrdreg $0x0  }
0xa8: {  	s5 =	sshll.u32 s28, $0x1;
	[dreg:$0x2] =	wrdreg s3  }
0xa9: {  	[dreg:$0x3] =	wrdreg s5  }
0xaa: {  	[dreg:$0x4] =	wrdreg $0xC0  }
0xab: {  	_ =	task [dreg:s7], $0x5FFFF  }
0xac: {  	[dreg:$0x1] =	wrdreg $0xFFFFFFFF  }
0xad: {  	[dreg:$0x0] =	wrdreg $0x60  }
0xae: {  	[dreg:$0x2] =	wrdreg s24  }
0xaf: {  	[dreg:$0x3] =	wrdreg s2  }
0xb0: {  	[dreg:$0x4] =	wrdreg $0x1CC800  }
0xb1: {  	[dreg:$0x5] =	wrdreg $0x1E5600  }
0xb2: {  	[dreg:$0x6] =	wrdreg $0x9  }
0xb3: {  	_ =	task.clear_ibuf [dreg:s7], $0x7FFFF;
	_ =	strace $0x9000004C  }
0xb4: {  	s29 =	simm.s32 $0x9;
	_ =	strace $0x8000004E  }
0xb5: {  	_ =	swait.ge [sflag:s29], $0x1  }
0xb6: {  	[sflag:s29] =	ssyncadd.s32 $0xFFFFFFFF  }
0xb7: {  	_ =	strace $0x9000004E  }
0xb8: {  	_ =	sfence  }
0xb9: {  	s30 =	sld [smem:$0x0];
	_ =	sdelay $0x2  }
0xba: {  	s31 =	sshll.u32 s1, $0xD;
	s1 =	sshrl.u32 s1, $0x2  }
0xbb: {  	s3 =	sand.u32 $0x4000, s31;
	s1 =	sadd.s32 s1, s30  }
0xbc: {  	s0 =	sor.u32 s3, s0;
	s1 =	sshll.u32 s1, $0x11  }
0xbd: {  	s0 =	sor.u32 s1, s0  }
0xbe: {  	s0 =	sadd.s32 $0x8F2B, s0  }
0xbf: {  	[sflag:s0] =	ssyncadd.remote.s32 $0x1  }
0xc0: {  	_ =	sfence.sel $0xFFFF  }
0xc1: {  	[dreg:$0x0] =	wrdreg $0xFFFFFFFF;
	(pc) =	sbr.abs _section_cstart, $3  }
0xc2: {  	[dreg:$0x1] =	wrdreg $0xFFFFFFFF  }
0xc3: {  	_ =	task.clear_ibuf [dreg:s7], $0x2FFFF;
	_ =	strace $0x9FFFFFFF  }
0xc4: {  	(tm) =	ssettm $0x7FFFFFFF  }
0xc5: {  	_ =	shalt  }
tec
execute0_lowered:
.L_overlay_start_1:
0x0: {  	(tag) =	ssettag $0x1  }
0x1: {  	s0 =	rddreg [dreg:$0x0]  }
0x2: {  	s14 =	rddreg [dreg:$0x1]  }
0x3: {  	s2 =	rddreg [dreg:$0x2]  }
0x4: {  	s3 =	rddreg [dreg:$0x3]  }
0x5: {  	s4 =	simm.s32 $0x0;
	s1 =	srdreg.scid;
	s11 =	stileid.u32  }
0x6: {  	s28 =	simm.s32 $0x2;
	s29 =	simm.s32 $0x2710;
	s30 =	simm.s32 $0x3  }
0x7: {  	s31 =	simm.s32 $0x4;
	[smem:$0x7FF] =	sst s4;
	s6 =	sadd.s32 $0x1600, s0  }
0x8: {  	s7 =	sadd.s32 $0xC4C00, s0;
	s1 =	sand.u32 $0x1, s1;
	s5 =	sadd.s32 $0x188200, s0  }
0x9: {  	s10 =	smul.u32 $0x18E0, s11;
	s0 =	sadd.s32 $0x18B400, s0;
	s16 =	sadd.s32 $0xC7, s14  }
0xa: {  	s12 =	sadd.s32 $0x18E, s14;
	_ =	strace $0x8000004D;
	[dreg:$0x5] =	wrdreg s5  }
0xb: {  	s14 =	sadd.s32 $0x255, s14;
	s24 =	ssub.s32 $0x2, s1;
	[dreg:$0x6] =	wrdreg s16  }
0xc: {  	s9 =	sshll.u32 s1, $0x4;
	s1 =	smul.u32 $0x31C00, s1;
	[dreg:$0x7] =	wrdreg s12  }
0xd: {  	[dreg:$0x9] =	wrdreg s14;
	s14 =	simm.s32 $0x7D0;
	s8 =	sshrl.u32 s24, $0x1  }
0xe: {  	s25 =	sor.u32 s11, s9;
	s21 =	sadd.s32 s10, s2;
	s22 =	sadd.s32 s10, s3  }
0xf: {  	s26 =	sadd.s32 $0x638, s10;
	s17 =	sadd.s32 $0xC70, s10;
	s11 =	simm.s32 $0x1  }
0x10: {  	s5 =	ssub.s32 s24, s8;
	s13 =	sadd.s32 s26, s2;
	s15 =	sadd.s32 s26, s3  }
0x11: {  	s24 =	sadd.s32 s17, s2;
	s16 =	sadd.s32 s17, s3;
	s18 =	sadd.s32 s10, s1  }
0x12: {  	s10 =	sadd.s32 $0x12A8, s10;
	s20 =	sadd.s32 s1, s26;
	s23 =	sadd.s32 s1, s17  }
0x13: {  	[dreg:$0x11] =	wrdreg s22;
	s12 =	sshrl.u32 s18, $0x3;
	s18 =	smul.u32 $0x30D40, s25  }
0x14: {  	s8 =	sshrl.u32 s20, $0x3;
	s17 =	smax.u32 s5, $0x1;
	[dreg:$0x8] =	wrdreg s16  }
0x15: {  	s1 =	sadd.s32 s1, s10;
	s19 =	sadd.s32 s0, s12;
	[dreg:$0x12] =	wrdreg s17  }
0x16: {  	s5 =	simm.s32 $0x5;
	s25 =	sadd.s32 s0, s8;
	[dreg:$0xa] =	wrdreg s19  }
0x17: {  	s12 =	smov.u32 s15;
	s15 =	sshrl.u32 s23, $0x3;
	[dreg:$0xb] =	wrdreg s25  }
0x18: {  	s1 =	sshrl.u32 s1, $0x3;
	s23 =	sadd.s32 s10, s3;
	[dreg:$0xf] =	wrdreg s12  }
0x19: {  	s17 =	simm.s32 $0x2EE0;
	s19 =	sadd.s32 $0x31C0, s19;
	[dreg:$0x10] =	wrdreg s23  }
0x1a: {  	s8 =	sadd.s32 s0, s15;
	s20 =	sadd.s32 $0x31C0, s25;
	[dreg:$0x13] =	wrdreg s19  }
0x1b: {  	s0 =	sadd.s32 s0, s1;
	s15 =	sadd.s32 s10, s2;
	[dreg:$0x14] =	wrdreg s20  }
0x1c: {  	s10 =	smov.u32 s13;
	s26 =	sadd.s32 $0x7D0, s18;
	[dreg:$0xc] =	wrdreg s8  }
0x1d: {  	s1 =	simm.s32 $0x1F40;
	s25 =	sadd.s32 $0x31C0, s8;
	[dreg:$0xd] =	wrdreg s0  }
0x1e: {  	s0 =	sadd.s32 $0x31C0, s0;
	s8 =	simm.s32 $0xFA0;
	[dreg:$0xe] =	wrdreg s15  }
0x1f: {  	s19 =	simm.s32 $0x36B0;
	s20 =	simm.s32 $0x0;
	[dreg:$0x15] =	wrdreg s25  }
0x20: {  	[dreg:$0x16] =	wrdreg s0;
	s0 =	simm.s32 $0x3E80;
	s25 =	simm.s32 $0x1770  }
.LBB2_1:
0x21: {  	s9 =	rddreg [dreg:$0x5]  }
0x22: {  	[tilespmem:s0], [sflag:$0x5] =	stream.linear.gather [hbm4b:s9+s4], $0x18E00, $0x38;
	[tilespmem:$0x1FE40] =	vst v63  }
0x23: {  	_ =	swait.ge [sflag:s5], $0x18E00  }
0x24: {  	[sflag:s5] =	ssyncset.done $0x0  }
0x25: {  	[sflag:s5] =	ssyncadd.s32 $0xFFFE7200  }
0x26: {  	s13 =	rddreg [dreg:$0x1]  }
0x27: {  	[tilespmem:s1], [sflag:$0x5] =	stream.linear.gather [hbm4b:s13+s4], $0x638, $0x38;
	[tilespmem:$0x1FE40] =	vst v63  }
0x28: {  	_ =	swait.ge [sflag:s5], $0x638  }
0x29: {  	[sflag:s5] =	ssyncset.done $0x0  }
0x2a: {  	[sflag:s5] =	ssyncadd.s32 $0xFFFFF9C8  }
0x2b: {  	[spmem:s21] =	stream.linear.scatter [tilespmem:s1], [sflag:$0x5], $0x638, $0x38;
	[tilespmem:$0x1FE40] =	vst v63  }
0x2c: {  	_ =	swait.ge [sflag:s5], $0x638  }
0x2d: {  	[sflag:s5] =	ssyncset.done $0x0  }
0x2e: {  	[sflag:s5] =	ssyncadd.s32 $0xFFFFF9C8  }
0x2f: {  	[spmem:s22] =	stream.linear.scatter [tilespmem:s1], [sflag:$0x5], $0x638, $0x38;
	[tilespmem:$0x1FE40] =	vst v63  }
0x30: {  	_ =	swait.ge [sflag:s5], $0x638  }
0x31: {  	[sflag:s5] =	ssyncset.done $0x0  }
0x32: {  	s22 =	rddreg [dreg:$0x6];
	[sflag:s5] =	ssyncadd.s32 $0xFFFFF9C8  }
0x33: {  	[tilespmem:s1], [sflag:$0x5] =	stream.linear.gather [hbm4b:s22+s4], $0x638, $0x38;
	[tilespmem:$0x1FE40] =	vst v63  }
0x34: {  	_ =	swait.ge [sflag:s5], $0x638  }
0x35: {  	[sflag:s5] =	ssyncset.done $0x0  }
0x36: {  	[sflag:s5] =	ssyncadd.s32 $0xFFFFF9C8  }
0x37: {  	[spmem:s10] =	stream.linear.scatter [tilespmem:s1], [sflag:$0x5], $0x638, $0x38;
	[tilespmem:$0x1FE40] =	vst v63  }
0x38: {  	_ =	swait.ge [sflag:s5], $0x638  }
0x39: {  	[sflag:s5] =	ssyncset.done $0x0  }
0x3a: {  	[sflag:s5] =	ssyncadd.s32 $0xFFFFF9C8  }
0x3b: {  	[spmem:s12] =	stream.linear.scatter [tilespmem:s1], [sflag:$0x5], $0x638, $0x38;
	[tilespmem:$0x1FE40] =	vst v63  }
0x3c: {  	_ =	swait.ge [sflag:s5], $0x638  }
0x3d: {  	[sflag:s5] =	ssyncset.done $0x0  }
0x3e: {  	s13 =	smov.u32 s21;
	s21 =	rddreg [dreg:$0x7];
	[sflag:s5] =	ssyncadd.s32 $0xFFFFF9C8  }
0x3f: {  	[tilespmem:s1], [sflag:$0x5] =	stream.linear.gather [hbm4b:s21+s4], $0x638, $0x38;
	[tilespmem:$0x1FE40] =	vst v63  }
0x40: {  	_ =	swait.ge [sflag:s5], $0x638  }
0x41: {  	[sflag:s5] =	ssyncset.done $0x0  }
0x42: {  	[sflag:s5] =	ssyncadd.s32 $0xFFFFF9C8  }
0x43: {  	[spmem:s24] =	stream.linear.scatter [tilespmem:s1], [sflag:$0x5], $0x638, $0x38;
	[tilespmem:$0x1FE40] =	vst v63  }
0x44: {  	_ =	swait.ge [sflag:s5], $0x638  }
0x45: {  	[sflag:s5] =	ssyncset.done $0x0  }
0x46: {  	s22 =	smov.u32 s16;
	[sflag:s5] =	ssyncadd.s32 $0xFFFFF9C8  }
0x47: {  	[spmem:s22] =	stream.linear.scatter [tilespmem:s1], [sflag:$0x5], $0x638, $0x38;
	[tilespmem:$0x1FE40] =	vst v63  }
0x48: {  	_ =	swait.ge [sflag:s5], $0x638  }
0x49: {  	[sflag:s5] =	ssyncset.done $0x0  }
0x4a: {  	s22 =	rddreg [dreg:$0x9];
	[sflag:s5] =	ssyncadd.s32 $0xFFFFF9C8  }
0x4b: {  	[tilespmem:s1], [sflag:$0x5] =	stream.linear.gather [hbm4b:s22+s4], $0x638, $0x38;
	[tilespmem:$0x1FE40] =	vst v63  }
0x4c: {  	_ =	swait.ge [sflag:s5], $0x638  }
0x4d: {  	[sflag:s5] =	ssyncset.done $0x0  }
0x4e: {  	[sflag:s5] =	ssyncadd.s32 $0xFFFFF9C8  }
0x4f: {  	[spmem:s15] =	stream.linear.scatter [tilespmem:s1], [sflag:$0x5], $0x638, $0x38;
	[tilespmem:$0x1FE40] =	vst v63  }
0x50: {  	_ =	swait.ge [sflag:s5], $0x638  }
0x51: {  	[sflag:s5] =	ssyncset.done $0x0  }
0x52: {  	[sflag:s5] =	ssyncadd.s32 $0xFFFFF9C8  }
0x53: {  	[spmem:s23] =	stream.linear.scatter [tilespmem:s1], [sflag:$0x5], $0x638, $0x38;
	[tilespmem:$0x1FE40] =	vst v63  }
0x54: {  	_ =	swait.ge [sflag:s5], $0x638  }
0x55: {  	[sflag:s5] =	ssyncset.done $0x0  }
0x56: {  	[sflag:s5] =	ssyncadd.s32 $0xFFFFF9C8  }
0x57: {  	s16 =	smov.u32 s10;
	s21 =	simm.s32 $0x0;
	[bflag:$0x0] =	sbarrier.arrive $0xFFFF  }
.LBB2_2:
0x58: {  	p0 =	seq.s32 s21, $0x0  }
0x59: {  	s9 =	simm.s32 @!p0 $0x3  }
0x5a: {  	_ =	swait.ge @!p0 [sflag:s9], $0x7D0  }
0x5b: {  	s22 =	smul.u32 $0xFA0, s21;
	[sflag:s9] =	ssyncset.done @!p0 $0x0  }
0x5c: {  	[sflag:s9] =	ssyncadd.s32 @!p0 $0xFFFFF830  }
0x5d: {  	s10 =	sadd.s32 s18, s22;
	_ =	swait.ge @!p0 [sflag:s9], $0x7D0  }
0x5e: {  	s10 =	sshrl.u32 s10, $0x3;
	[sflag:s9] =	ssyncset.done @!p0 $0x0  }
0x5f: {  	s12 =	simm.s32 $0x0;
	s15 =	sadd.s32 s6, s10;
	[sflag:s9] =	ssyncadd.s32 @!p0 $0xFFFFF830  }
0x60: {  	[tilespmem:s12], [sflag:$0x1] =	stream.linear.gather [hbm4b:s15+s12], $0x7D0, $0x38;
	[tilespmem:$0x1FE40] =	vst v63  }
0x61: {  	s23 =	sadd.s32 s7, s10  }
0x62: {  	[tilespmem:s8], [sflag:$0x1] =	stream.linear.gather [hbm4b:s23+s12], $0x7D0, $0x38;
	[tilespmem:$0x1FE40] =	vst v63  }
0x63: {  	_ =	swait.ge [sflag:s11], $0x7D0  }
0x64: {  	[sflag:s11] =	ssyncset.done $0x0  }
0x65: {  	[sflag:s11] =	ssyncadd.s32 $0xFFFFF830  }
0x66: {  	_ =	swait.ge [sflag:s11], $0x7D0  }
0x67: {  	[sflag:s11] =	ssyncset.done $0x0  }
0x68: {  	s9 =	simm.s32 $0x0;
	[sflag:s11] =	ssyncadd.s32 $0xFFFFF830  }
0x69: {  	v0 =	vld [tilespmem:s9+$0x0];
	_ =	sdelay $0x6  }
0x6a: {  	v1 =	vld [tilespmem:s9+$0x10]  }
0x6b: {  	v0 =	vld.idx.msk [tilespmem:v0+s0+$0x0], $0xffff;
	_ =	sdelay $0x4  }
0x6c: {  	v2 =	vshll.u32 v0, $0x10  }
0x6d: {  	v0 =	vand.u32 $0xFFFF0000, v0;
	[tilespmem:s9+$0x1F40] =	vst v2  }
0x6e: {  	[tilespmem:s9+$0x2EE0] =	vst v0  }
0x6f: {  	v0 =	vld.idx.msk [tilespmem:v1+s0+$0x0], $0xffff  }
0x70: {  	v1 =	vld [tilespmem:s9+$0x20];
	_ =	sdelay $0x4  }
0x71: {  	v2 =	vshll.u32 v0, $0x10  }
0x72: {  	v0 =	vand.u32 $0xFFFF0000, v0;
	[tilespmem:s9+$0x1F50] =	vst v2  }
0x73: {  	[tilespmem:s9+$0x2EF0] =	vst v0  }
0x74: {  	v0 =	vld.idx.msk [tilespmem:v1+s0+$0x0], $0xffff  }
0x75: {  	v1 =	vld [tilespmem:s9+$0x30];
	_ =	sdelay $0x4  }
0x76: {  	v2 =	vshll.u32 v0, $0x10  }
0x77: {  	v0 =	vand.u32 $0xFFFF0000, v0;
	[tilespmem:s9+$0x1F60] =	vst v2  }
0x78: {  	[tilespmem:s9+$0x2F00] =	vst v0  }
0x79: {  	v0 =	vld.idx.msk [tilespmem:v1+s0+$0x0], $0xffff  }
0x7a: {  	v1 =	vld [tilespmem:s9+$0x40];
	_ =	sdelay $0x3  }
0x7b: {  	v2 =	vand.u32 $0xFFFF0000, v0  }
0x7c: {  	v0 =	vshll.u32 v0, $0x10;
	[tilespmem:s9+$0x2F10] =	vst v2  }
0x7d: {  	s12 =	simm.s32 $0x50;
	[tilespmem:s9+$0x1F70] =	vst v0  }
0x7e: {  	v0 =	vld [tilespmem:s12+$0x0]  }
0x7f: {  	v1 =	vld.idx.msk [tilespmem:v1+s0+$0x0], $0xffff;
	_ =	sdelay $0x1  }
0x80: {  	s10 =	simm.s32 $0x280  }
.LBB2_3:
0x81: {  	p1 =	sne.s32 s10, $0x1E00;
	_ =	sdelay $0x1  }
0x82: {  	v2 =	vshll.u32 v1, $0x10;
	v1 =	vand.u32 $0xFFFF0000, v1  }
0x83: {  	[tilespmem:s9+$0x1F80] =	vst v2  }
0x84: {  	[tilespmem:s9+$0x2F20] =	vst v1;
	s9 =	smov.u32 s12  }
0x85: {  	v0 =	vld.idx.msk [tilespmem:v0+s0+$0x0], $0xffff  }
0x86: {  	v1 =	vld [tilespmem:s9+$0x10];
	_ =	sdelay $0x4  }
0x87: {  	v2 =	vshll.u32 v0, $0x10  }
0x88: {  	v0 =	vand.u32 $0xFFFF0000, v0;
	[tilespmem:s9+$0x1F40] =	vst v2  }
0x89: {  	[tilespmem:s9+$0x2EE0] =	vst v0  }
0x8a: {  	v0 =	vld.idx.msk [tilespmem:v1+s0+$0x0], $0xffff  }
0x8b: {  	v1 =	vld [tilespmem:s9+$0x20];
	_ =	sdelay $0x4  }
0x8c: {  	v2 =	vshll.u32 v0, $0x10  }
0x8d: {  	v0 =	vand.u32 $0xFFFF0000, v0;
	[tilespmem:s9+$0x1F50] =	vst v2  }
0x8e: {  	[tilespmem:s9+$0x2EF0] =	vst v0  }
0x8f: {  	v0 =	vld.idx.msk [tilespmem:v1+s0+$0x0], $0xffff  }
0x90: {  	v1 =	vld [tilespmem:s9+$0x30];
	_ =	sdelay $0x4  }
0x91: {  	v2 =	vshll.u32 v0, $0x10  }
0x92: {  	v0 =	vand.u32 $0xFFFF0000, v0;
	[tilespmem:s9+$0x1F60] =	vst v2  }
0x93: {  	[tilespmem:s9+$0x2F00] =	vst v0  }
0x94: {  	v0 =	vld.idx.msk [tilespmem:v1+s0+$0x0], $0xffff  }
0x95: {  	v1 =	vld [tilespmem:s9+$0x40];
	_ =	sdelay $0x4  }
0x96: {  	v2 =	vshll.u32 v0, $0x10;
	v0 =	vand.u32 $0xFFFF0000, v0  }
0x97: {  	[tilespmem:s9+$0x2F10] =	vst v0  }
.Ltmp0:
0x98: {  	[tilespmem:s9+$0x1F70] =	vst v2;
	(pc) =	sbr.rel @p1 .LBB2_3-.Ltmp0, $3  }
0x99: {  	s12 =	sshra.s32 s10, $0x2;
	v1 =	vld.idx.msk [tilespmem:v1+s0+$0x0], $0xffff  }
0x9a: {  	v0 =	vld [tilespmem:s12+$0x0];
	_ =	sdelay $0x1  }
0x9b: {  	s10 =	sadd.s32 $0x140, s10  }
0x9c: {  	_ =	sdelay $0x2  }
0x9d: {  	v2 =	vshll.u32 v1, $0x10  }
0x9e: {  	v1 =	vand.u32 $0xFFFF0000, v1;
	[tilespmem:s9+$0x1F80] =	vst v2  }
0x9f: {  	[tilespmem:s9+$0x2F20] =	vst v1  }
0xa0: {  	v0 =	vld.idx.msk [tilespmem:v0+s0+$0x0], $0xffff  }
0xa1: {  	v1 =	vld [tilespmem:s12+$0x10];
	_ =	sdelay $0x4  }
0xa2: {  	v2 =	vshll.u32 v0, $0x10  }
0xa3: {  	v0 =	vand.u32 $0xFFFF0000, v0;
	[tilespmem:s12+$0x1F40] =	vst v2  }
0xa4: {  	[tilespmem:s12+$0x2EE0] =	vst v0  }
0xa5: {  	v0 =	vld.idx.msk [tilespmem:v1+s0+$0x0], $0xffff  }
0xa6: {  	v1 =	vld [tilespmem:s12+$0x20];
	_ =	sdelay $0x4  }
0xa7: {  	v2 =	vshll.u32 v0, $0x10  }
0xa8: {  	v0 =	vand.u32 $0xFFFF0000, v0;
	[tilespmem:s12+$0x1F50] =	vst v2  }
0xa9: {  	[tilespmem:s12+$0x2EF0] =	vst v0  }
0xaa: {  	v0 =	vld.idx.msk [tilespmem:v1+s0+$0x0], $0xffff  }
0xab: {  	v1 =	vld [tilespmem:s12+$0x30];
	_ =	sdelay $0x4  }
0xac: {  	v2 =	vshll.u32 v0, $0x10  }
0xad: {  	v0 =	vand.u32 $0xFFFF0000, v0;
	[tilespmem:s12+$0x1F60] =	vst v2  }
0xae: {  	[tilespmem:s12+$0x2F00] =	vst v0  }
0xaf: {  	v0 =	vld.idx.msk [tilespmem:v1+s0+$0x0], $0xffff  }
0xb0: {  	v1 =	vld [tilespmem:s12+$0x40];
	_ =	sdelay $0x4  }
0xb1: {  	v2 =	vand.u32 $0xFFFF0000, v0  }
0xb2: {  	v0 =	vshll.u32 v0, $0x10;
	[tilespmem:s12+$0x2F10] =	vst v2  }
0xb3: {  	[tilespmem:s12+$0x1F70] =	vst v0  }
0xb4: {  	v0 =	vld.idx.msk [tilespmem:v1+s0+$0x0], $0xffff;
	_ =	sdelay $0x4  }
0xb5: {  	v1 =	vshll.u32 v0, $0x10  }
0xb6: {  	v0 =	vand.u32 $0xFFFF0000, v0;
	[tilespmem:s12+$0x1F80] =	vst v1  }
0xb7: {  	[tilespmem:s12+$0x2F20] =	vst v0  }
0xb8: {  	[spmem:s2] =	stream.indirect.scatter.add.f32 [tilespmem:s1], [sflag:$0x3], $0x1, s8, s14, $0xb8;
	[tilespmem:$0x1FE40] =	vst v63  }
0xb9: {  	s9 =	simm.s32 @!p0 $0x4  }
0xba: {  	[spmem:s3] =	stream.indirect.scatter.add.f32 [tilespmem:s17], [sflag:$0x3], $0x1, s8, s14, $0xb8;
	[tilespmem:$0x1FE40] =	vst v63  }
0xbb: {  	_ =	swait.ge @!p0 [sflag:s9], $0x7D0  }
0xbc: {  	[sflag:s9] =	ssyncset.done @!p0 $0x0  }
0xbd: {  	[sflag:s9] =	ssyncadd.s32 @!p0 $0xFFFFF830  }
0xbe: {  	s10 =	sadd.s32 s26, s22;
	_ =	swait.ge @!p0 [sflag:s9], $0x7D0  }
0xbf: {  	s10 =	sshrl.u32 s10, $0x3;
	[sflag:s9] =	ssyncset.done @!p0 $0x0  }
0xc0: {  	s22 =	simm.s32 $0x0;
	s15 =	sadd.s32 s6, s10;
	[sflag:s9] =	ssyncadd.s32 @!p0 $0xFFFFF830  }
0xc1: {  	[tilespmem:s14], [sflag:$0x2] =	stream.linear.gather [hbm4b:s15+s22], $0x7D0, $0x38;
	[tilespmem:$0x1FE40] =	vst v63  }
0xc2: {  	s23 =	sadd.s32 s7, s10  }
0xc3: {  	[tilespmem:s25], [sflag:$0x2] =	stream.linear.gather [hbm4b:s23+s22], $0x7D0, $0x38;
	[tilespmem:$0x1FE40] =	vst v63  }
0xc4: {  	_ =	swait.ge [sflag:s28], $0x7D0  }
0xc5: {  	[sflag:s28] =	ssyncset.done $0x0  }
0xc6: {  	[sflag:s28] =	ssyncadd.s32 $0xFFFFF830  }
0xc7: {  	_ =	swait.ge [sflag:s28], $0x7D0  }
0xc8: {  	[sflag:s28] =	ssyncset.done $0x0  }
0xc9: {  	s9 =	simm.s32 $0x0;
	[sflag:s28] =	ssyncadd.s32 $0xFFFFF830  }
0xca: {  	v0 =	vld [tilespmem:s9+$0x7D0];
	_ =	sdelay $0x6  }
0xcb: {  	v1 =	vld [tilespmem:s9+$0x7E0]  }
0xcc: {  	v0 =	vld.idx.msk [tilespmem:v0+s0+$0x0], $0xffff;
	_ =	sdelay $0x4  }
0xcd: {  	v2 =	vshll.u32 v0, $0x10  }
0xce: {  	v0 =	vand.u32 $0xFFFF0000, v0;
	[tilespmem:s9+$0x2710] =	vst v2  }
0xcf: {  	[tilespmem:s9+$0x36B0] =	vst v0  }
0xd0: {  	v0 =	vld.idx.msk [tilespmem:v1+s0+$0x0], $0xffff  }
0xd1: {  	v1 =	vld [tilespmem:s9+$0x7F0];
	_ =	sdelay $0x4  }
0xd2: {  	v2 =	vshll.u32 v0, $0x10  }
0xd3: {  	v0 =	vand.u32 $0xFFFF0000, v0;
	[tilespmem:s9+$0x2720] =	vst v2  }
0xd4: {  	[tilespmem:s9+$0x36C0] =	vst v0  }
0xd5: {  	v0 =	vld.idx.msk [tilespmem:v1+s0+$0x0], $0xffff  }
0xd6: {  	v1 =	vld [tilespmem:s9+$0x800];
	_ =	sdelay $0x4  }
0xd7: {  	v2 =	vshll.u32 v0, $0x10  }
0xd8: {  	v0 =	vand.u32 $0xFFFF0000, v0;
	[tilespmem:s9+$0x2730] =	vst v2  }
0xd9: {  	[tilespmem:s9+$0x36D0] =	vst v0  }
0xda: {  	v0 =	vld.idx.msk [tilespmem:v1+s0+$0x0], $0xffff  }
0xdb: {  	v1 =	vld [tilespmem:s9+$0x810];
	_ =	sdelay $0x3  }
0xdc: {  	v2 =	vand.u32 $0xFFFF0000, v0  }
0xdd: {  	v0 =	vshll.u32 v0, $0x10;
	[tilespmem:s9+$0x36E0] =	vst v2  }
0xde: {  	s12 =	simm.s32 $0x50;
	[tilespmem:s9+$0x2740] =	vst v0  }
0xdf: {  	v0 =	vld [tilespmem:s12+$0x7D0]  }
0xe0: {  	v1 =	vld.idx.msk [tilespmem:v1+s0+$0x0], $0xffff;
	_ =	sdelay $0x1  }
0xe1: {  	s10 =	simm.s32 $0x280  }
.LBB2_5:
0xe2: {  	p0 =	sne.s32 s10, $0x1E00;
	_ =	sdelay $0x1  }
0xe3: {  	v2 =	vshll.u32 v1, $0x10;
	v1 =	vand.u32 $0xFFFF0000, v1  }
0xe4: {  	[tilespmem:s9+$0x2750] =	vst v2  }
0xe5: {  	[tilespmem:s9+$0x36F0] =	vst v1;
	s9 =	smov.u32 s12  }
0xe6: {  	v0 =	vld.idx.msk [tilespmem:v0+s0+$0x0], $0xffff  }
0xe7: {  	v1 =	vld [tilespmem:s9+$0x7E0];
	_ =	sdelay $0x4  }
0xe8: {  	v2 =	vshll.u32 v0, $0x10  }
0xe9: {  	v0 =	vand.u32 $0xFFFF0000, v0;
	[tilespmem:s9+$0x2710] =	vst v2  }
0xea: {  	[tilespmem:s9+$0x36B0] =	vst v0  }
0xeb: {  	v0 =	vld.idx.msk [tilespmem:v1+s0+$0x0], $0xffff  }
0xec: {  	v1 =	vld [tilespmem:s9+$0x7F0];
	_ =	sdelay $0x4  }
0xed: {  	v2 =	vshll.u32 v0, $0x10  }
0xee: {  	v0 =	vand.u32 $0xFFFF0000, v0;
	[tilespmem:s9+$0x2720] =	vst v2  }
0xef: {  	[tilespmem:s9+$0x36C0] =	vst v0  }
0xf0: {  	v0 =	vld.idx.msk [tilespmem:v1+s0+$0x0], $0xffff  }
0xf1: {  	v1 =	vld [tilespmem:s9+$0x800];
	_ =	sdelay $0x4  }
0xf2: {  	v2 =	vshll.u32 v0, $0x10  }
0xf3: {  	v0 =	vand.u32 $0xFFFF0000, v0;
	[tilespmem:s9+$0x2730] =	vst v2  }
0xf4: {  	[tilespmem:s9+$0x36D0] =	vst v0  }
0xf5: {  	v0 =	vld.idx.msk [tilespmem:v1+s0+$0x0], $0xffff  }
0xf6: {  	v1 =	vld [tilespmem:s9+$0x810];
	_ =	sdelay $0x4  }
0xf7: {  	v2 =	vshll.u32 v0, $0x10;
	v0 =	vand.u32 $0xFFFF0000, v0  }
0xf8: {  	[tilespmem:s9+$0x36E0] =	vst v0  }
.Ltmp1:
0xf9: {  	[tilespmem:s9+$0x2740] =	vst v2;
	(pc) =	sbr.rel @p0 .LBB2_5-.Ltmp1, $3  }
0xfa: {  	s12 =	sshra.s32 s10, $0x2;
	v1 =	vld.idx.msk [tilespmem:v1+s0+$0x0], $0xffff  }
0xfb: {  	v0 =	vld [tilespmem:s12+$0x7D0];
	_ =	sdelay $0x1  }
0xfc: {  	s10 =	sadd.s32 $0x140, s10  }
0xfd: {  	_ =	sdelay $0x2  }
0xfe: {  	v2 =	vshll.u32 v1, $0x10  }
0xff: {  	v56 =	vand.u32 $0xFFFF0000, v1;
	[tilespmem:s9+$0x2750] =	vst v2  }
0x100: {  	[tilespmem:s9+$0x36F0] =	vst v56  }
0x101: {  	v0 =	vld.idx.msk [tilespmem:v0+s0+$0x0], $0xffff  }
0x102: {  	v1 =	vld [tilespmem:s12+$0x7E0];
	_ =	sdelay $0x4  }
0x103: {  	v57 =	vshll.u32 v0, $0x10  }
0x104: {  	v0 =	vand.u32 $0xFFFF0000, v0;
	[tilespmem:s12+$0x2710] =	vst v57  }
0x105: {  	v58 =	vld [tilespmem:s12+$0x7F0];
	[tilespmem:s12+$0x36B0] =	vst v0  }
0x106: {  	v0 =	vld.idx.msk [tilespmem:v1+s0+$0x0], $0xffff;
	_ =	sdelay $0x4  }
0x107: {  	v59 =	vshll.u32 v0, $0x10  }
0x108: {  	v0 =	vand.u32 $0xFFFF0000, v0;
	[tilespmem:s12+$0x2720] =	vst v59  }
0x109: {  	v60 =	vld [tilespmem:s12+$0x800];
	[tilespmem:s12+$0x36C0] =	vst v0  }
0x10a: {  	v0 =	vld.idx.msk [tilespmem:v58+s0+$0x0], $0xffff;
	_ =	sdelay $0x4  }
0x10b: {  	v61 =	vshll.u32 v0, $0x10  }
0x10c: {  	v0 =	vand.u32 $0xFFFF0000, v0;
	[tilespmem:s12+$0x2730] =	vst v61  }
0x10d: {  	v62 =	vld [tilespmem:s12+$0x810];
	[tilespmem:s12+$0x36D0] =	vst v0  }
0x10e: {  	v0 =	vld.idx.msk [tilespmem:v60+s0+$0x0], $0xffff;
	_ =	sdelay $0x4  }
0x10f: {  	v63 =	vand.u32 $0xFFFF0000, v0  }
0x110: {  	v0 =	vshll.u32 v0, $0x10;
	[tilespmem:s12+$0x36E0] =	vst v63  }
0x111: {  	[tilespmem:s12+$0x2740] =	vst v0  }
0x112: {  	v0 =	vld.idx.msk [tilespmem:v62+s0+$0x0], $0xffff;
	_ =	sdelay $0x3  }
0x113: {  	s21 =	sadd.s32 $0x1, s21  }
0x114: {  	p0 =	sne.s32 s21, $0x32;
	v1 =	vshll.u32 v0, $0x10  }
.Ltmp2:
0x115: {  	v0 =	vand.u32 $0xFFFF0000, v0;
	[tilespmem:s12+$0x2750] =	vst v1;
	(pc) =	sbr.rel @p0 .LBB2_2-.Ltmp2, $4  }
0x116: {  	[tilespmem:s12+$0x36F0] =	vst v0  }
0x117: {  	[spmem:s2] =	stream.indirect.scatter.add.f32 [tilespmem:s29], [sflag:$0x4], $0x1, s25, s14, $0xb8;
	[tilespmem:$0x1FE40] =	vst v63  }
0x118: {  	_ = 	snop  }
0x119: {  	[spmem:s3] =	stream.indirect.scatter.add.f32 [tilespmem:s19], [sflag:$0x4], $0x1, s25, s14, $0xb8;
	[tilespmem:$0x1FE40] =	vst v63  }
0x11a: {  	_ =	swait.ge [sflag:s30], $0x7D0  }
0x11b: {  	[sflag:s30] =	ssyncset.done $0x0  }
0x11c: {  	[sflag:s30] =	ssyncadd.s32 $0xFFFFF830  }
0x11d: {  	_ =	swait.ge [sflag:s30], $0x7D0  }
0x11e: {  	[sflag:s30] =	ssyncset.done $0x0  }
0x11f: {  	[sflag:s30] =	ssyncadd.s32 $0xFFFFF830  }
0x120: {  	_ =	swait.ge [sflag:s31], $0x7D0  }
0x121: {  	[sflag:s31] =	ssyncset.done $0x0  }
0x122: {  	[sflag:s31] =	ssyncadd.s32 $0xFFFFF830  }
0x123: {  	_ =	swait.ge [sflag:s31], $0x7D0  }
0x124: {  	[sflag:s31] =	ssyncset.done $0x0  }
0x125: {  	[sflag:s31] =	ssyncadd.s32 $0xFFFFF830  }
0x126: {  	[bflag:$0x0] =	sbarrier.arrive $0xFFFF  }
0x127: {  	[tilespmem:s1], [sflag:$0x5] =	stream.linear.gather [spmem:s13], $0x638, $0x38;
	[tilespmem:$0x1FE40] =	vst v63  }
0x128: {  	_ =	swait.ge [sflag:s5], $0x638  }
0x129: {  	[sflag:s5] =	ssyncset.done $0x0  }
0x12a: {  	s9 =	rddreg [dreg:$0xa];
	[sflag:s5] =	ssyncadd.s32 $0xFFFFF9C8  }
0x12b: {  	[hbm4b:s9+s4] =	stream.linear.scatter [tilespmem:s1], [sflag:$0x5], $0x638, $0x38;
	[tilespmem:$0x1FE40] =	vst v63  }
0x12c: {  	_ =	swait.ge [sflag:s5], $0x638  }
0x12d: {  	[sflag:s5] =	ssyncset.done $0x0  }
0x12e: {  	s22 =	rddreg [dreg:$0x11];
	[sflag:s5] =	ssyncadd.s32 $0xFFFFF9C8  }
0x12f: {  	[tilespmem:s17], [sflag:$0x5] =	stream.linear.gather [spmem:s22], $0x638, $0x38;
	[tilespmem:$0x1FE40] =	vst v63  }
0x130: {  	_ =	swait.ge [sflag:s5], $0x638  }
0x131: {  	[sflag:s5] =	ssyncset.done $0x0  }
0x132: {  	s15 =	rddreg [dreg:$0x13];
	[sflag:s5] =	ssyncadd.s32 $0xFFFFF9C8  }
0x133: {  	[hbm4b:s15+s4] =	stream.linear.scatter [tilespmem:s17], [sflag:$0x5], $0x638, $0x38;
	[tilespmem:$0x1FE40] =	vst v63  }
0x134: {  	_ =	swait.ge [sflag:s5], $0x638  }
0x135: {  	[sflag:s5] =	ssyncset.done $0x0  }
0x136: {  	[sflag:s5] =	ssyncadd.s32 $0xFFFFF9C8  }
0x137: {  	[tilespmem:s1], [sflag:$0x5] =	stream.linear.gather [spmem:s16], $0x638, $0x38;
	[tilespmem:$0x1FE40] =	vst v63  }
0x138: {  	_ =	swait.ge [sflag:s5], $0x638  }
0x139: {  	[sflag:s5] =	ssyncset.done $0x0  }
0x13a: {  	s10 =	smov.u32 s16;
	s16 =	rddreg [dreg:$0xb];
	[sflag:s5] =	ssyncadd.s32 $0xFFFFF9C8  }
0x13b: {  	[hbm4b:s16+s4] =	stream.linear.scatter [tilespmem:s1], [sflag:$0x5], $0x638, $0x38;
	[tilespmem:$0x1FE40] =	vst v63  }
0x13c: {  	_ =	swait.ge [sflag:s5], $0x638  }
0x13d: {  	[sflag:s5] =	ssyncset.done $0x0  }
0x13e: {  	s12 =	rddreg [dreg:$0xf];
	[sflag:s5] =	ssyncadd.s32 $0xFFFFF9C8  }
0x13f: {  	[tilespmem:s17], [sflag:$0x5] =	stream.linear.gather [spmem:s12], $0x638, $0x38;
	[tilespmem:$0x1FE40] =	vst v63  }
0x140: {  	_ =	swait.ge [sflag:s5], $0x638  }
0x141: {  	[sflag:s5] =	ssyncset.done $0x0  }
0x142: {  	s23 =	rddreg [dreg:$0x14];
	[sflag:s5] =	ssyncadd.s32 $0xFFFFF9C8  }
0x143: {  	[hbm4b:s23+s4] =	stream.linear.scatter [tilespmem:s17], [sflag:$0x5], $0x638, $0x38;
	[tilespmem:$0x1FE40] =	vst v63  }
0x144: {  	_ =	swait.ge [sflag:s5], $0x638  }
0x145: {  	[sflag:s5] =	ssyncset.done $0x0  }
0x146: {  	[sflag:s5] =	ssyncadd.s32 $0xFFFFF9C8  }
0x147: {  	[tilespmem:s1], [sflag:$0x5] =	stream.linear.gather [spmem:s24], $0x638, $0x38;
	[tilespmem:$0x1FE40] =	vst v63  }
0x148: {  	_ =	swait.ge [sflag:s5], $0x638  }
0x149: {  	[sflag:s5] =	ssyncset.done $0x0  }
0x14a: {  	s21 =	smov.u32 s13;
	s13 =	rddreg [dreg:$0xc];
	[sflag:s5] =	ssyncadd.s32 $0xFFFFF9C8  }
0x14b: {  	[hbm4b:s13+s4] =	stream.linear.scatter [tilespmem:s1], [sflag:$0x5], $0x638, $0x38;
	[tilespmem:$0x1FE40] =	vst v63  }
0x14c: {  	_ =	swait.ge [sflag:s5], $0x638  }
0x14d: {  	[sflag:s5] =	ssyncset.done $0x0  }
0x14e: {  	s16 =	rddreg [dreg:$0x8];
	[sflag:s5] =	ssyncadd.s32 $0xFFFFF9C8  }
0x14f: {  	[tilespmem:s17], [sflag:$0x5] =	stream.linear.gather [spmem:s16], $0x638, $0x38;
	[tilespmem:$0x1FE40] =	vst v63  }
0x150: {  	_ =	swait.ge [sflag:s5], $0x638  }
0x151: {  	[sflag:s5] =	ssyncset.done $0x0  }
0x152: {  	s15 =	rddreg [dreg:$0x15];
	[sflag:s5] =	ssyncadd.s32 $0xFFFFF9C8  }
0x153: {  	[hbm4b:s15+s4] =	stream.linear.scatter [tilespmem:s17], [sflag:$0x5], $0x638, $0x38;
	[tilespmem:$0x1FE40] =	vst v63  }
0x154: {  	_ =	swait.ge [sflag:s5], $0x638  }
0x155: {  	[sflag:s5] =	ssyncset.done $0x0  }
0x156: {  	s15 =	rddreg [dreg:$0xe];
	[sflag:s5] =	ssyncadd.s32 $0xFFFFF9C8  }
0x157: {  	[tilespmem:s1], [sflag:$0x5] =	stream.linear.gather [spmem:s15], $0x638, $0x38;
	[tilespmem:$0x1FE40] =	vst v63  }
0x158: {  	_ =	swait.ge [sflag:s5], $0x638  }
0x159: {  	[sflag:s5] =	ssyncset.done $0x0  }
0x15a: {  	s23 =	rddreg [dreg:$0xd];
	[sflag:s5] =	ssyncadd.s32 $0xFFFFF9C8  }
0x15b: {  	[hbm4b:s23+s4] =	stream.linear.scatter [tilespmem:s1], [sflag:$0x5], $0x638, $0x38;
	[tilespmem:$0x1FE40] =	vst v63  }
0x15c: {  	_ =	swait.ge [sflag:s5], $0x638  }
0x15d: {  	[sflag:s5] =	ssyncset.done $0x0  }
0x15e: {  	s23 =	rddreg [dreg:$0x10];
	[sflag:s5] =	ssyncadd.s32 $0xFFFFF9C8  }
0x15f: {  	[tilespmem:s17], [sflag:$0x5] =	stream.linear.gather [spmem:s23], $0x638, $0x38;
	[tilespmem:$0x1FE40] =	vst v63  }
0x160: {  	_ =	swait.ge [sflag:s5], $0x638  }
0x161: {  	[sflag:s5] =	ssyncset.done $0x0  }
0x162: {  	s9 =	rddreg [dreg:$0x16];
	[sflag:s5] =	ssyncadd.s32 $0xFFFFF9C8  }
0x163: {  	[hbm4b:s9+s4] =	stream.linear.scatter [tilespmem:s17], [sflag:$0x5], $0x638, $0x38;
	[tilespmem:$0x1FE40] =	vst v63  }
0x164: {  	_ =	swait.ge [sflag:s5], $0x638  }
0x165: {  	s20 =	sadd.s32 $0x1, s20;
	s9 =	rddreg [dreg:$0x12]  }
0x166: {  	p0 =	sne.s32 s20, s9  }
.Ltmp3:
0x167: {  	_ = 	snop;
	(pc) =	sbr.rel @p0 .LBB2_1-.Ltmp3, $3  }
0x168: {  	[sflag:s5] =	ssyncset.done $0x0  }
0x169: {  	[sflag:s5] =	ssyncadd.s32 $0xFFFFF9C8  }
0x16a: {  	[bflag:$0x0] =	sbarrier.arrive $0xFFFF;
	_ =	sdelay $0x1  }
0x16b: {  	_ =	sfence.sel $0x180000  }
0x16c: {  	[bflag:$0x0] =	sbarrier.arrive $0xFFFF  }
0x16d: {  	_ =	strace $0x9000004D  }
0x16e: {  	s0 =	stileid.u32;
	[bflag:$0x2] =	sbarrier.arrive $0xFFFF  }
0x16f: {  	p0 =	sne.s32 s0, $0x0;
	s0 =	rddreg [dreg:$0x4]  }
0x170: {  	s0 =	sadd.s32 @!p0 $0x100000, s0  }
0x171: {  	[sflag:s0] =	ssyncadd.tile.s32 @!p0 $0x1;
	_ =	shalt  }
.Lfunc_end2:
_tile_overlayer_lowered:
.L_overlay_start_2:
0x172: {  	(tag) =	ssettag $0x2  }
0x173: {  	s0 =	rddreg [dreg:$0x0];
	s2 =	stileid.u32  }
0x174: {  	s1 =	rddreg [dreg:$0x1];
	p0 =	sne.s32 s2, $0x0  }
0x175: {  	s3 =	rddreg [dreg:$0x2];
	[bflag:$0x3] =	sbarrier.arrive $0xFFFF;
	s2 =	simm.s32 @!p0 $0x1C05  }
0x176: {  	[timem:s3], [sflag:s2] =	dma.local @!p0 [hbm:s0], s1  }
0x177: {  	s0 =	simm.s32 @!p0 $0x5  }
0x178: {  	_ =	swait.ge @!p0 [sflag:s0], s1  }
0x179: {  	s1 =	ssub.s32 @!p0 $0x0, s1;
	[sflag:s0] =	ssyncset.done @!p0 $0x0  }
0x17a: {  	[sflag:s0] =	ssyncadd.s32 @!p0 s1  }
0x17b: {  	[bflag:$0x3] =	sbarrier.arrive $0xFFFF  }
0x17c: {  	_ =	shalt  }

// kernel: kernel.7.cloned.1.call-start
scs
__scs_entry_jumppad:
0x0: {  	(pc) =	sbr.rel $0x88, $3  }
0x1: {  	(tag) =	ssettag $0x0;
	lr =	simm.s32 $0x1  }
0x2: {  	[smem:$0x3F9B] =	sst lr;
	_ =	strace $0xD0000000  }
0x3: {  	_ = 	snop  }
0x4: {  	_ = 	snop  }
0x5: {  	_ = 	snop  }
0x6: {  	_ = 	snop  }
0x7: {  	_ = 	snop  }
__scs_overlays_trampoline_lowered:
0x8: {  	[smem:$0x3FAA] =	sst s0  }
0x9: {  	[smem:$0x3FAB] =	sst s1  }
0xa: {  	[smem:$0x3FAC] =	sst s2  }
0xb: {  	[smem:$0x3FAD] =	sst s3  }
0xc: {  	[smem:$0x3FAE] =	sst s4  }
0xd: {  	[smem:$0x3FAF] =	sst s5  }
0xe: {  	[smem:$0x3FB0] =	sst s6  }
0xf: {  	[smem:$0x3FB1] =	sst s7  }
0x10: {  	[smem:$0x3FB2] =	sst s8  }
0x11: {  	[smem:$0x3FB3] =	sst s9;
	s0 =	simm.s32 @!p0 $0x0  }
0x12: {  	s1 =	sld [smem:$0x3F99];
	s0 =	simm.s32 @p0 $0x1  }
0x13: {  	[smem:$0x3FB4] =	sst s0;
	s0 =	simm.s32 @!p1 $0x0  }
0x14: {  	s2 =	sld [smem:$0x3F98];
	s0 =	simm.s32 @p1 $0x1  }
0x15: {  	[smem:$0x3FB5] =	sst s0;
	s0 =	simm.s32 @!p2 $0x0  }
0x16: {  	s3 =	sld [smem:$0x3FDB];
	s0 =	simm.s32 @p2 $0x1  }
0x17: {  	s4 =	simm.s32 $0x1BF5;
	[smem:$0x3FB7] =	sst s0  }
0x18: {  	s0 =	sld [smem:$0x3F9A];
	_ =	swait.ge [sflag:s4], $0x0  }
0x19: {  	s7 =	sld [smem:$0x3F9B]  }
0x1a: {  	s8 =	sadd.s32 $0xFFFFE003, lr  }
0x1b: {  	s9 =	sadd.s32 $0xFFFFFEF7, lr;
	s5 =	simm.s32 $0xFFFFFFFF;
	p2 =	slt.u32 s8, $0xFFFFF086  }
0x1c: {  	p1 =	slt.u32 s9, $0xF7A;
	s5 =	simm.s32 @!p2 $0x0  }
0x1d: {  	s5 =	simm.s32 @p1 $0x1;
	p0 =	seq.s32 s7, s2  }
0x1e: {  	s7 =	smul.u32 @!p0 $0xF7A, s2;
	p2 =	seq.s32 @!p0 s5, $0x0  }
0x1f: {  	s9 =	smul.u32 $0xF7A, s1;
	s8 =	simm.s32 @!p0 $0x1BF5;
	p2 =	por !p2, p0  }
0x20: {  	[sflag:s8] =	ssyncset.s32 @!p0 $0xFFFFF086;
	s6 =	sadd.s32 @!p0 s3, s7;
	s7 =	simm.s32 @!p0 $0x108  }
0x21: {  	s3 =	sadd.s32 s3, s9;
	s6 =	sadd.s32 @!p0 $0x88, s6;
	s7 =	simm.s32 @p2 $0x1082  }
0x22: {  	[simem:s7], [sflag:s8] =	dma.local @!p0 [hbm:s6], $0xF7A  }
0x23: {  	s9 =	sor.u32 $0xD0000000, s2;
	s6 =	simm.s32 $0x108;
	_ =	swait.ge @!p0 [sflag:s8], $0x0  }
0x24: {  	s3 =	sadd.s32 $0x88, s3;
	s6 =	simm.s32 @!p1 $0x1082;
	[sflag:s4] =	ssyncset.s32 $0xFFFFF086  }
0x25: {  	[simem:s6], [sflag:s4] =	dma.local [hbm:s3], $0xF7A  }
0x26: {  	[smem:$0x3F9B] =	sst s1;
	(tag) =	ssettag s2;
	_ =	strace s9  }
0x27: {  	s1 =	sld [smem:$0x3FAB]  }
0x28: {  	s2 =	sld [smem:$0x3FAC]  }
0x29: {  	s4 =	sld [smem:$0x3FAE]  }
0x2a: {  	p0 =	seq.s32 s5, $0x0;
	s5 =	sld [smem:$0x3FAF]  }
0x2b: {  	s6 =	sld [smem:$0x3FB0]  }
0x2c: {  	s7 =	sld [smem:$0x3FB1]  }
0x2d: {  	s3 =	simm.s32 $0x108;
	s8 =	sld [smem:$0x3FB2]  }
0x2e: {  	s3 =	simm.s32 @!p0 $0x1082;
	s9 =	sld [smem:$0x3FB3]  }
0x2f: {  	lr =	sadd.s32 s0, s3;
	s0 =	sld [smem:$0x3FAA]  }
0x30: {  	s3 =	sld [smem:$0x3FAD]  }
0x31: {  	[smem:$0x3FB6] =	sst s10  }
0x32: {  	s10 =	sld [smem:$0x3FB4];
	_ =	sdelay $0x3  }
0x33: {  	p0 =	seq.s32 s10, $0x1;
	s10 =	sld [smem:$0x3FB6];
	_ =	sdelay $0x3  }
0x34: {  	[smem:$0x3FB6] =	sst s10  }
0x35: {  	s10 =	sld [smem:$0x3FB5];
	_ =	sdelay $0x3  }
0x36: {  	p1 =	seq.s32 s10, $0x1;
	s10 =	sld [smem:$0x3FB6];
	_ =	sdelay $0x3  }
0x37: {  	[smem:$0x3FB6] =	sst s10  }
0x38: {  	s10 =	sld [smem:$0x3FB7]  }
0x39: {  	_ = 	snop;
	(pc) =	sbr.ind lr, $3  }
0x3a: {  	_ = 	snop  }
0x3b: {  	_ = 	snop  }
0x3c: {  	p2 =	seq.s32 s10, $0x1;
	s10 =	sld [smem:$0x3FB6]  }
0x3d: {  	_ =	shalt  }
0x3e: {  	_ =	shalt  }
0x3f: {  	_ =	shalt  }
0x40: {  	_ =	shalt  }
0x41: {  	_ =	shalt  }
0x42: {  	_ =	shalt  }
0x43: {  	_ =	shalt  }
0x44: {  	_ =	shalt  }
0x45: {  	_ =	shalt  }
0x46: {  	_ =	shalt  }
0x47: {  	_ =	shalt  }
0x48: {  	_ =	shalt  }
0x49: {  	_ =	shalt  }
0x4a: {  	_ =	shalt  }
0x4b: {  	_ =	shalt  }
0x4c: {  	_ =	shalt  }
0x4d: {  	_ =	shalt  }
0x4e: {  	_ =	shalt  }
0x4f: {  	_ =	shalt  }
0x50: {  	_ =	shalt  }
0x51: {  	_ =	shalt  }
0x52: {  	_ =	shalt  }
0x53: {  	_ =	shalt  }
0x54: {  	_ =	shalt  }
0x55: {  	_ =	shalt  }
0x56: {  	_ =	shalt  }
0x57: {  	_ =	shalt  }
0x58: {  	_ =	shalt  }
0x59: {  	_ =	shalt  }
0x5a: {  	_ =	shalt  }
0x5b: {  	_ =	shalt  }
0x5c: {  	_ =	shalt  }
0x5d: {  	_ =	shalt  }
0x5e: {  	_ =	shalt  }
0x5f: {  	_ =	shalt  }
0x60: {  	_ =	shalt  }
0x61: {  	_ =	shalt  }
0x62: {  	_ =	shalt  }
0x63: {  	_ =	shalt  }
0x64: {  	_ =	shalt  }
0x65: {  	_ =	shalt  }
0x66: {  	_ =	shalt  }
0x67: {  	_ =	shalt  }
0x68: {  	_ =	shalt  }
0x69: {  	_ =	shalt  }
0x6a: {  	_ =	shalt  }
0x6b: {  	_ =	shalt  }
0x6c: {  	_ =	shalt  }
0x6d: {  	_ =	shalt  }
0x6e: {  	_ =	shalt  }
0x6f: {  	_ =	shalt  }
0x70: {  	_ =	shalt  }
0x71: {  	_ =	shalt  }
0x72: {  	_ =	shalt  }
0x73: {  	_ =	shalt  }
0x74: {  	_ =	shalt  }
0x75: {  	_ =	shalt  }
0x76: {  	_ =	shalt  }
0x77: {  	_ =	shalt  }
0x78: {  	_ =	shalt  }
0x79: {  	_ =	shalt  }
0x7a: {  	_ =	shalt  }
0x7b: {  	_ =	shalt  }
0x7c: {  	_ =	shalt  }
0x7d: {  	_ =	shalt  }
0x7e: {  	_ =	shalt  }
0x7f: {  	_ =	shalt  }
0x80: {  	_ =	shalt  }
0x81: {  	_ =	shalt  }
0x82: {  	_ =	shalt  }
0x83: {  	_ =	shalt  }
0x84: {  	_ =	shalt  }
0x85: {  	_ =	shalt  }
0x86: {  	_ =	shalt  }
0x87: {  	_ =	shalt  }
.Lfunc_end0:
.L_simem_size_0:
called_computation_lowered:
.L_overlay_start_0:
0x88: {  	s2 =	sld [smem:$0x3FD9]  }
0x89: {  	s3 =	sld [smem:$0x3FFE];
	_ =	sdelay $0x1  }
0x8a: {  	s1 =	srdreg.scid  }
0x8b: {  	s0 =	sand.u32 $0x1, s1  }
0x8c: {  	s17 =	sshll.u32 s0, $0xA;
	s2 =	sadd.s32 s3, s2  }
0x8d: {  	s2 =	sadd.s32 s2, s17  }
0x8e: {  	[smem:$0x3FC2] =	sst s2  }
0x8f: {  	_ = 	snop  }
0x90: {  	s2 =	sld [smem:$0x3FD0];
	(tm) =	ssettm $0x1  }
0x91: {  	s18 =	sld [smem:$0x3FFB];
	_ =	sdelay $0x3  }
0x92: {  	_ =	strace s18  }
0x93: {  	s3 =	sld [smem:$0x3FFC];
	_ =	sdelay $0x3  }
0x94: {  	_ =	strace s3  }
0x95: {  	s3 =	sld [smem:$0x3FFD];
	_ =	sdelay $0x3  }
0x96: {  	_ =	strace s3  }
0x97: {  	_ =	strace $0x8FFFFFFF  }
0x98: {  	s19 =	sld [smem:$0x3FDB];
	_ =	sdelay $0x1  }
0x99: {  	s4 =	simm.s32 $_scs_section_size  }
0x9a: {  	s5 =	simm.s32 $_size__tile_overlayer_lowered;
	s6 =	simm.s32 $_tile_overlayer_lowered  }
0x9b: {  	s22 =	simm.s32 $0x1BFF;
	s21 =	sshll.u32 s6, $0x1;
	s3 =	sadd.s32 s4, s19  }
0x9c: {  	s7 =	simm.s32 $0x0;
	s20 =	sshll.u32 s5, $0x1;
	s5 =	sadd.s32 s21, s3  }
0x9d: {  	[timem:s7], [sflag:s22] =	dma.local [hbm:s5], s20  }
0x9e: {  	_ =	swait.ge [sflag:s22], s20  }
0x9f: {  	s4 =	ssub.s32 $0x0, s20;
	[sflag:s22] =	ssyncset.done $0x0  }
0xa0: {  	[sflag:s22] =	ssyncadd.s32 s4;
	_ =	sdelay $0x1  }
0xa1: {  	s23 =	simm.s32 $0x1B8B  }
0xa2: {  	_ =	swait.ge [sflag:s23], $0x1  }
0xa3: {  	[sflag:s23] =	ssyncset.done $0x0  }
0xa4: {  	s25 =	simm.s32 $0x1B8E;
	s24 =	sld [smem:$0x3FFE];
	[sflag:s23] =	ssyncadd.s32 $0xFFFFFFFF  }
0xa5: {  	s26 =	simm.s32 $execute0_lowered;
	[smem:$0x3FD2] =	sst s25  }
0xa6: {  	s5 =	sshll.u32 s26, $0x1;
	_ =	strace $0x80000046;
	[dreg:$0x1] =	wrdreg $0xFFFFFFFF  }
0xa7: {  	s28 =	simm.s32 $_size_execute0_lowered;
	s3 =	sadd.s32 s3, s5;
	[dreg:$0x0] =	wrdreg $0x0  }
0xa8: {  	s5 =	sshll.u32 s28, $0x1;
	[dreg:$0x2] =	wrdreg s3  }
0xa9: {  	[dreg:$0x3] =	wrdreg s5  }
0xaa: {  	[dreg:$0x4] =	wrdreg $0xC0  }
0xab: {  	_ =	task [dreg:s7], $0x5FFFF  }
0xac: {  	[dreg:$0x1] =	wrdreg $0xFFFFFFFF  }
0xad: {  	[dreg:$0x0] =	wrdreg $0x60  }
0xae: {  	[dreg:$0x2] =	wrdreg s24  }
0xaf: {  	[dreg:$0x3] =	wrdreg s2  }
0xb0: {  	[dreg:$0x4] =	wrdreg $0x76A00  }
0xb1: {  	[dreg:$0x5] =	wrdreg $0x9  }
0xb2: {  	_ =	task.clear_ibuf [dreg:s7], $0x6FFFF;
	_ =	strace $0x90000046  }
0xb3: {  	s29 =	simm.s32 $0x9;
	_ =	strace $0x80000048  }
0xb4: {  	_ =	swait.ge [sflag:s29], $0x1  }
0xb5: {  	[sflag:s29] =	ssyncadd.s32 $0xFFFFFFFF  }
0xb6: {  	_ =	strace $0x90000048  }
0xb7: {  	_ =	sfence  }
0xb8: {  	s30 =	sld [smem:$0x0];
	_ =	sdelay $0x2  }
0xb9: {  	s31 =	sshll.u32 s1, $0xD;
	s1 =	sshrl.u32 s1, $0x2  }
0xba: {  	s3 =	sand.u32 $0x4000, s31;
	s1 =	sadd.s32 s1, s30  }
0xbb: {  	s0 =	sor.u32 s3, s0;
	s1 =	sshll.u32 s1, $0x11  }
0xbc: {  	s0 =	sor.u32 s1, s0  }
0xbd: {  	s0 =	sadd.s32 $0x8F2B, s0  }
0xbe: {  	[sflag:s0] =	ssyncadd.remote.s32 $0x1  }
0xbf: {  	_ =	sfence.sel $0xFFFF  }
0xc0: {  	[dreg:$0x0] =	wrdreg $0xFFFFFFFF;
	(pc) =	sbr.abs _section_cstart, $3  }
0xc1: {  	[dreg:$0x1] =	wrdreg $0xFFFFFFFF  }
0xc2: {  	_ =	task.clear_ibuf [dreg:s7], $0x2FFFF;
	_ =	strace $0x9FFFFFFF  }
0xc3: {  	(tm) =	ssettm $0x7FFFFFFF  }
tec
execute0_lowered:
.L_overlay_start_1:
0x0: {  	(tag) =	ssettag $0x1  }
0x1: {  	s6 =	rddreg [dreg:$0x0]  }
0x2: {  	s7 =	rddreg [dreg:$0x1]  }
0x3: {  	s2 =	rddreg [dreg:$0x2]  }
0x4: {  	s0 =	rddreg [dreg:$0x3];
	s4 =	srdreg.scid  }
0x5: {  	s1 =	stileid.u32;
	s3 =	simm.s32 $0x0;
	s15 =	simm.s32 $0x1  }
0x6: {  	s16 =	simm.s32 $0x1F40;
	s17 =	simm.s32 $0x2;
	s18 =	simm.s32 $0x0  }
0x7: {  	s8 =	sand.u32 $0x1, s4;
	s9 =	smul.u32 $0x18E0, s1;
	[smem:$0x7FF] =	sst s3  }
0x8: {  	s4 =	sadd.s32 $0xC4C00, s6;
	s5 =	sadd.s32 $0x188200, s6;
	s14 =	smul.u32 $0x30D40, s1  }
0x9: {  	s10 =	smul.u32 $0x18E00, s8;
	_ =	strace $0x80000047;
	s11 =	sshll.u32 s8, $0x4  }
0xa: {  	s12 =	ssub.s32 $0x2, s8;
	s13 =	smul.u32 $0x30D400, s8;
	s11 =	sor.u32 s1, s11  }
0xb: {  	s28 =	sshrl.u32 s12, $0x1;
	s29 =	sshrl.u32 s9, $0x3;
	s10 =	sadd.s32 s9, s10  }
0xc: {  	s11 =	smul.u32 $0x30D40, s11;
	s12 =	ssub.s32 s12, s28;
	s31 =	sadd.s32 s14, s13  }
0xd: {  	s13 =	simm.s32 $0x3;
	s14 =	simm.s32 $0x5DC0;
	s10 =	sshrl.u32 s10, $0x3  }
0xe: {  	s10 =	sadd.s32 s10, s6;
	s6 =	sadd.s32 s7, s29;
	s30 =	sshrl.u32 s11, $0x3  }
0xf: {  	s7 =	sadd.s32 s9, s2;
	s11 =	sadd.s32 $0x1F40, s31;
	s8 =	sadd.s32 s4, s30  }
0x10: {  	s9 =	sadd.s32 $0x188600, s10;
	s10 =	smax.u32 s12, $0x1;
	s12 =	simm.s32 $0x3E80  }
.LBB2_1:
0x11: {  	[tilespmem:s12], [sflag:$0x3] =	stream.linear.gather [hbm4b:s5+s3], $0x1F40, $0x38;
	[tilespmem:$0x8F80] =	vst v63  }
0x12: {  	_ =	swait.ge [sflag:s13], $0x1F40  }
0x13: {  	[sflag:s13] =	ssyncset.done $0x0  }
0x14: {  	[sflag:s13] =	ssyncadd.s32 $0xFFFFE0C0  }
0x15: {  	[tilespmem:s14], [sflag:$0x3] =	stream.linear.gather [hbm4b:s6+s3], $0x18E0, $0x38;
	[tilespmem:$0x8F80] =	vst v63  }
0x16: {  	_ =	swait.ge [sflag:s13], $0x18E0  }
0x17: {  	[sflag:s13] =	ssyncset.done $0x0  }
0x18: {  	[sflag:s13] =	ssyncadd.s32 $0xFFFFE720  }
0x19: {  	[spmem:s7] =	stream.linear.scatter [tilespmem:s14], [sflag:$0x3], $0x18E0, $0x38;
	[tilespmem:$0x8F80] =	vst v63  }
0x1a: {  	_ =	swait.ge [sflag:s13], $0x18E0  }
0x1b: {  	[sflag:s13] =	ssyncset.done $0x0  }
0x1c: {  	[sflag:s13] =	ssyncadd.s32 $0xFFFFE720  }
0x1d: {  	[bflag:$0x0] =	sbarrier.arrive $0xFFFF  }
0x1e: {  	[tilespmem:s3], [sflag:$0x1] =	stream.linear.gather [hbm4b:s8+s3], $0x1F40, $0x38;
	[tilespmem:$0x8F80] =	vst v63  }
0x1f: {  	s19 =	sand.u32 $0x1, s3;
	s30 =	sshrl.u32 s11, $0x3;
	_ =	swait.ge [sflag:s15], $0x1F40  }
0x20: {  	p0 =	seq.s32 s19, $0x1;
	s19 =	simm.s32 $0x1F40;
	[sflag:s15] =	ssyncset.done $0x0  }
0x21: {  	s20 =	simm.s32 $0x0;
	s19 =	simm.s32 @!p0 $0x0;
	[sflag:s15] =	ssyncadd.s32 $0xFFFFE0C0  }
0x22: {  	[spmem:s2] =	stream.indirect.scatter.add.f32 [tilespmem:s12], [sflag:$0x2], $0x1, s19, s16, $0xb8;
	[tilespmem:$0x8F80] =	vst v63  }
0x23: {  	s20 =	simm.s32 @!p0 $0x1F40;
	s19 =	sadd.s32 s4, s30  }
0x24: {  	[tilespmem:s20], [sflag:$0x1] =	stream.linear.gather [hbm4b:s19+s3], $0x1F40, $0x38;
	[tilespmem:$0x8F80] =	vst v63  }
0x25: {  	_ =	swait.ge [sflag:s17], $0x1F40  }
0x26: {  	[sflag:s17] =	ssyncset.done $0x0  }
0x27: {  	s31 =	simm.s32 $0x1;
	[sflag:s17] =	ssyncadd.s32 $0xFFFFE0C0  }
0x28: {  	s20 =	simm.s32 $0x2;
	s19 =	sand.u32 $0x1, s31;
	_ =	swait.ge [sflag:s15], $0x1F40  }
0x29: {  	p0 =	seq.s32 s19, $0x1;
	s19 =	sadd.s32 $0x1F40, s11;
	[sflag:s15] =	ssyncset.done $0x0  }
.LBB2_2:
0x2a: {  	s21 =	simm.s32 $0x1F40  }
0x2b: {  	s22 =	sshrl.u32 s19, $0x3;
	[sflag:s15] =	ssyncadd.s32 $0xFFFFE0C0;
	s23 =	smov.u32 s20  }
0x2c: {  	s24 =	simm.s32 $0x0;
	p1 =	sne.s32 s20, $0x17;
	s21 =	simm.s32 @!p0 $0x0  }
0x2d: {  	[spmem:s2] =	stream.indirect.scatter.add.f32 [tilespmem:s12], [sflag:$0x2], $0x1, s21, s16, $0xb8;
	[tilespmem:$0x8F80] =	vst v63  }
0x2e: {  	s24 =	simm.s32 @!p0 $0x1F40;
	s22 =	sadd.s32 s4, s22;
	s21 =	sadd.s32 $0x1, s20  }
0x2f: {  	[tilespmem:s24], [sflag:$0x1] =	stream.linear.gather [hbm4b:s22+s3], $0x1F40, $0x38;
	[tilespmem:$0x8F80] =	vst v63  }
.Ltmp0:
0x30: {  	_ =	swait.ge [sflag:s17], $0x1F40;
	(pc) =	sbr.rel @p1 .LBB2_2-.Ltmp0, $4  }
0x31: {  	[sflag:s17] =	ssyncset.done $0x0  }
0x32: {  	[sflag:s17] =	ssyncadd.s32 $0xFFFFE0C0  }
0x33: {  	s19 =	sadd.s32 $0x1F40, s19;
	s20 =	sand.u32 $0x1, s23;
	_ =	swait.ge [sflag:s15], $0x1F40  }
0x34: {  	p0 =	seq.s32 s20, $0x1;
	s20 =	smov.u32 s21;
	[sflag:s15] =	ssyncset.done $0x0  }
0x35: {  	s20 =	simm.s32 $0x1F40  }
0x36: {  	[sflag:s15] =	ssyncadd.s32 $0xFFFFE0C0;
	s20 =	simm.s32 @!p0 $0x0  }
0x37: {  	[spmem:s2] =	stream.indirect.scatter.add.f32 [tilespmem:s12], [sflag:$0x2], $0x1, s20, s16, $0xb8;
	[tilespmem:$0x8F80] =	vst v63  }
0x38: {  	s19 =	sshrl.u32 s19, $0x3;
	s20 =	simm.s32 $0x0  }
0x39: {  	s19 =	sadd.s32 s4, s19;
	s20 =	simm.s32 @!p0 $0x1F40  }
0x3a: {  	[tilespmem:s20], [sflag:$0x1] =	stream.linear.gather [hbm4b:s19+s3], $0x1F40, $0x38;
	[tilespmem:$0x8F80] =	vst v63  }
0x3b: {  	_ =	swait.ge [sflag:s17], $0x1F40  }
0x3c: {  	[sflag:s17] =	ssyncset.done $0x0  }
0x3d: {  	[sflag:s17] =	ssyncadd.s32 $0xFFFFE0C0  }
0x3e: {  	_ =	swait.ge [sflag:s15], $0x1F40  }
0x3f: {  	[sflag:s15] =	ssyncset.done $0x0  }
0x40: {  	[sflag:s15] =	ssyncadd.s32 $0xFFFFE0C0  }
0x41: {  	[spmem:s2] =	stream.indirect.scatter.add.f32 [tilespmem:s12], [sflag:$0x2], $0x1, s3, s16, $0xb8;
	[tilespmem:$0x8F80] =	vst v63  }
0x42: {  	_ =	swait.ge [sflag:s17], $0x1F40  }
0x43: {  	[sflag:s17] =	ssyncset.done $0x0  }
0x44: {  	[sflag:s17] =	ssyncadd.s32 $0xFFFFE0C0  }
0x45: {  	[bflag:$0x0] =	sbarrier.arrive $0xFFFF  }
0x46: {  	[tilespmem:s14], [sflag:$0x3] =	stream.linear.gather [spmem:s7], $0x18E0, $0x38;
	[tilespmem:$0x8F80] =	vst v63  }
0x47: {  	s18 =	sadd.s32 $0x1, s18;
	_ =	swait.ge [sflag:s13], $0x18E0  }
0x48: {  	p0 =	sne.s32 s18, s10;
	[sflag:s13] =	ssyncset.done $0x0  }
.Ltmp1:
0x49: {  	[sflag:s13] =	ssyncadd.s32 $0xFFFFE720;
	(pc) =	sbr.rel @p0 .LBB2_1-.Ltmp1, $4  }
0x4a: {  	[hbm4b:s9+s3] =	stream.linear.scatter [tilespmem:s14], [sflag:$0x3], $0x18E0, $0x38;
	[tilespmem:$0x8F80] =	vst v63  }
0x4b: {  	_ =	swait.ge [sflag:s13], $0x18E0  }
0x4c: {  	[sflag:s13] =	ssyncset.done $0x0  }
0x4d: {  	[sflag:s13] =	ssyncadd.s32 $0xFFFFE720  }
0x4e: {  	_ =	sfence.sel $0x180000  }
0x4f: {  	[bflag:$0x0] =	sbarrier.arrive $0xFFFF  }
0x50: {  	p0 =	sne.s32 s1, $0x0;
	_ =	strace $0x90000047  }
0x51: {  	s0 =	sadd.s32 @!p0 $0x100000, s0;
	[bflag:$0x2] =	sbarrier.arrive $0xFFFF  }
0x52: {  	[sflag:s0] =	ssyncadd.tile.s32 @!p0 $0x1;
	_ =	shalt  }
.Lfunc_end2:
_tile_overlayer_lowered:
.L_overlay_start_2:
0x53: {  	(tag) =	ssettag $0x2  }
0x54: {  	s0 =	rddreg [dreg:$0x0];
	s2 =	stileid.u32  }
0x55: {  	s1 =	rddreg [dreg:$0x1];
	p0 =	sne.s32 s2, $0x0  }
0x56: {  	s3 =	rddreg [dreg:$0x2];
	[bflag:$0x3] =	sbarrier.arrive $0xFFFF;
	s2 =	simm.s32 @!p0 $0x1C03  }
0x57: {  	[timem:s3], [sflag:s2] =	dma.local @!p0 [hbm:s0], s1  }
0x58: {  	s0 =	simm.s32 @!p0 $0x3  }
0x59: {  	_ =	swait.ge @!p0 [sflag:s0], s1  }
0x5a: {  	s1 =	ssub.s32 @!p0 $0x0, s1;
	[sflag:s0] =	ssyncset.done @!p0 $0x0  }
0x5b: {  	[sflag:s0] =	ssyncadd.s32 @!p0 s1  }
0x5c: {  	[bflag:$0x3] =	sbarrier.arrive $0xFFFF  }
0x5d: {  	_ =	shalt  }

</sc_bundles>
